<compile_context>
chip_gen: v7x
topology: tpu7x:2x2x1
jax: 0.10.2.dev20260603
libtpu: 0.0.44.dev20260713+nightly
codegen_flags: <defaults>
</compile_context>

<pallas_src>
import functools

import jax
import jax.numpy as jnp
import numpy as np
from jax import lax
from jax.experimental import pallas as pl
from jax.experimental.pallas import tpu as pltpu
from jax.experimental.pallas import tpu_sc as plsc

N = 10000
E = 320000
HS = 128
HV = 16
DIM = 8
NC = 2
NS = 16
NW = NC * NS

_SUBSP = np.array([1, 3, 3, 1])
_HIGH = jax.lax.Precision.DEFAULT


def _build_cayley():
    blades = [(), (1,), (2,), (3,), (1, 2), (1, 3), (2, 3), (1, 2, 3)]
    index = {b: i for i, b in enumerate(blades)}
    C = np.zeros((8, 8, 8), dtype=np.float32)
    for ia, a in enumerate(blades):
        for ib, b in enumerate(blades):
            arr = list(a) + list(b)
            sign = 1.0
            m = len(arr)
            for _ in range(m):
                for q in range(m - 1):
                    if arr[q] > arr[q + 1]:
                        arr[q], arr[q + 1] = arr[q + 1], arr[q]
                        sign = -sign
            res = []
            t = 0
            while t < len(arr):
                if t + 1 < len(arr) and arr[t] == arr[t + 1]:
                    t += 2
                else:
                    res.append(arr[t])
                    t += 1
            C[ia, ib, index[tuple(res)]] = sign
    return C


_CAYLEY = _build_cayley()
_I8 = np.eye(8, dtype=np.float32)

_G_NP = np.kron(np.eye(HV, dtype=np.float32), np.ones((8, 1), np.float32))
_GT_NP = _G_NP.T.copy()

_B2S = np.repeat(np.arange(4), _SUBSP)
_RB = np.zeros((4, 8), np.float32)
_RB[_B2S, np.arange(8)] = 1.0
_R_NP = np.kron(np.eye(HV, dtype=np.float32), _RB)

_PP_NP = np.zeros((128, 8 * 128), np.float32)
_CC_NP = np.zeros((128, 8 * 128), np.float32)
for _i in range(8):
    _Ei = np.zeros((8, 8), np.float32)
    _Ei[_i, :] = 1.0
    _PP_NP[:, _i * 128:(_i + 1) * 128] = np.kron(np.eye(HV, dtype=np.float32), _Ei)
    _CC_NP[:, _i * 128:(_i + 1) * 128] = np.kron(np.eye(HV, dtype=np.float32), _CAYLEY[_i])
_SS_NP = np.tile(np.eye(128, dtype=np.float32), (8, 1))


def _dense_nosub(w):
    return jnp.kron(w.T, jnp.asarray(_I8))


def _dense_sub(w):
    w8 = jnp.repeat(w, jnp.asarray(_SUBSP), axis=-1, total_repeat_length=DIM)
    d = jnp.einsum("nmi,ij->minj", w8, jnp.asarray(_I8))
    return d.reshape(w.shape[1] * DIM, w.shape[0] * DIM)


def _bias_row(b):
    return jnp.pad(b, ((0, 0), (0, 0), (0, DIM - 1))).reshape(HV * DIM)


def _a_row(a):
    return jnp.repeat(a.reshape(HV), DIM)


def _mm(x, w):
    return jax.lax.dot_general(x, w, (((1,), (0,)), ((), ())),
                               precision=_HIGH,
                               preferred_element_type=jnp.float32)



def _edge_body(si_ref, sj_ref, dp_ref, vi_ref, vj_ref,
               dvi_ref, dvj_ref, bv_ref, dqk0_ref, bqk0_ref,
               dqk1_ref, bqk1_ref, d2_ref, b2_ref,
               w1a_ref, w1b_ref, w1inv_ref, w1pos_ref, eb1_ref,
               w2s_ref, eb2_ref, pw1_ref, pb1_ref, pw2_ref, pb2_ref,
               g_ref, gt_ref, r_ref, mnsg_ref, mnsb_ref, av_ref,
               os_ref, ov_ref):
    G = g_ref[...]
    GT = gt_ref[...]
    v_i = vi_ref[...]
    v_j = vj_ref[...]

    v_ij = _mm(v_i, dvi_ref[...]) + _mm(v_j, dvj_ref[...]) + bv_ref[...][None, :]
    v_inv = _mm(v_ij * v_ij, G)

    h = v_ij
    for dqk_ref, bqk_ref in ((dqk0_ref, bqk0_ref), (dqk1_ref, bqk1_ref)):
        qk_cat = _mm(h, dqk_ref[...]) + bqk_ref[...][None, :]
        q = qk_cat[:, :128]
        k = qk_cat[:, 128:]
        qk = _mm(q * k, G)
        ksq = _mm(k * k, G)
        t = jnp.where(qk > 0.0, 0.0, qk / ksq)
        h = q - _mm(t, GT) * k
    v_pre = _mm(h, d2_ref[...]) + b2_ref[...][None, :]

    dp = dp_ref[...][:, None]
    s1 = (_mm(si_ref[...], w1a_ref[...]) + _mm(sj_ref[...], w1b_ref[...])
          + _mm(v_inv, w1inv_ref[...]) + dp * w1pos_ref[...][None, :]
          + eb1_ref[...][None, :])
    s1 = jnp.maximum(s1, 0.0)
    s_mes = _mm(s1, w2s_ref[...]) + eb2_ref[...][None, :]

    p1 = jnp.maximum(_mm(s_mes, pw1_ref[...]) + pb1_ref[...][None, :], 0.0)
    pm = _mm(p1, pw2_ref[...]) + pb2_ref[...][None, :]
    v_mes = v_pre * _mm(pm, r_ref[...])

    mu = jnp.mean(s_mes, axis=-1, keepdims=True)
    xc = s_mes - mu
    var = jnp.mean(xc * xc, axis=-1, keepdims=True)
    os_ref[...] = (xc * jax.lax.rsqrt(var + 1e-5) * mnsg_ref[...][None, :]
                   + mnsb_ref[...][None, :])

    nrm = jnp.sqrt(_mm(v_mes * v_mes, G))
    nm = jnp.mean(nrm, axis=-1, keepdims=True) + 1e-6
    ov_ref[...] = av_ref[...][None, :] * v_mes / nm


def _edge_call(si, sj, dp, vi, vj, weights, interpret=False):
    BE = 1024
    grid = (pl.cdiv(E, BE),)

    def row_spec():
        return pl.BlockSpec((BE, 128), lambda e: (e, 0))

    def full_spec(w):
        if w.ndim == 1:
            return pl.BlockSpec(w.shape, lambda e: (0,))
        return pl.BlockSpec(w.shape, lambda e: (0, 0))

    in_specs = [row_spec(), row_spec(), pl.BlockSpec((BE,), lambda e: (e,)),
                row_spec(), row_spec()] + [full_spec(w) for w in weights]
    out_specs = [row_spec(), row_spec()]
    out_shape = [jax.ShapeDtypeStruct((E, 128), jnp.float32),
                 jax.ShapeDtypeStruct((E, 128), jnp.float32)]
    return pl.pallas_call(
        _edge_body, grid=grid, in_specs=in_specs, out_specs=out_specs,
        out_shape=out_shape,
        compiler_params=pltpu.CompilerParams(
            dimension_semantics=("arbitrary",)),
        interpret=interpret,
    )(si, sj, dp, vi, vj, *weights)



def _node_body(s_ref, v_ref, ssum_ref, vsum_ref, cnt_ref,
               dl_ref, bl_ref, dr_ref, br_ref, pp_ref, cc_ref, ssm_ref,
               wot_ref, wob_ref, bo_ref, avn_ref,
               uw1_ref, ub1_ref, uw2_ref, ub2_ref, ung_ref, unb_ref, g_ref,
               os_ref, ov_ref):
    inv = jax.lax.rsqrt(cnt_ref[...][:, 0:1])
    s_pool = ssum_ref[...] * inv
    v_pool = vsum_ref[...] * inv

    vl = _mm(v_pool, dl_ref[...]) + bl_ref[...][None, :]
    vr = _mm(v_pool, dr_ref[...]) + br_ref[...][None, :]
    big = _mm(vl, pp_ref[...]) * _mm(vr, cc_ref[...])
    vo = _mm(big, ssm_ref[...])
    vo = (_mm(vo, wot_ref[...]) + _mm(v_pool, wob_ref[...])
          + bo_ref[...][None, :])

    nrm = jnp.sqrt(_mm(vo * vo, g_ref[...]))
    nm = jnp.mean(nrm, axis=-1, keepdims=True) + 1e-6
    ov_ref[...] = avn_ref[...][None, :] * vo / nm + v_ref[...]

    s1 = jnp.maximum(_mm(s_pool, uw1_ref[...]) + ub1_ref[...][None, :], 0.0)
    s2 = _mm(s1, uw2_ref[...]) + ub2_ref[...][None, :]
    mu = jnp.mean(s2, axis=-1, keepdims=True)
    xc = s2 - mu
    var = jnp.mean(xc * xc, axis=-1, keepdims=True)
    os_ref[...] = (xc * jax.lax.rsqrt(var + 1e-5) * ung_ref[...][None, :]
                   + unb_ref[...][None, :] + s_ref[...])


def _node_call(s, v2, ssum, vsum, cnt, weights, interpret=False):
    BN = 400
    grid = (N // BN,)

    def row_spec():
        return pl.BlockSpec((BN, 128), lambda e: (e, 0))

    def full_spec(w):
        if w.ndim == 1:
            return pl.BlockSpec(w.shape, lambda e: (0,))
        return pl.BlockSpec(w.shape, lambda e: (0, 0))

    in_specs = [row_spec(), row_spec(), row_spec(), row_spec(),
                row_spec()]
    in_specs += [full_spec(w) for w in weights]
    out_specs = [row_spec(), row_spec()]
    out_shape = [jax.ShapeDtypeStruct((N, 128), jnp.float32),
                 jax.ShapeDtypeStruct((N, 128), jnp.float32)]
    return pl.pallas_call(
        _node_body, grid=grid, in_specs=in_specs, out_specs=out_specs,
        out_shape=out_shape,
        compiler_params=pltpu.CompilerParams(
            dimension_semantics=("arbitrary",)),
        interpret=interpret,
    )(s, v2, ssum, vsum, cnt, *weights)



_CH = 80
_NCHUNK = E // _CH
_G_ITERS = _NCHUNK // NW


def _gather_kernel(s_hbm, v_hbm, pos_hbm, ei_hbm, ej_hbm,
                   si_hbm, sj_hbm, vi_hbm, vj_hbm, dp_hbm,
                   ii_a, jj_a, bsi_a, bsj_a, bvi_a, bvj_a, bpi_a, bpj_a, dp_a,
                   ii_b, jj_b, bsi_b, bsj_b, bvi_b, bvj_b, bpi_b, bpj_b, dp_b,
                   s1a, s2a, s3a, s4a, s5a, s6a,
                   s1b, s2b, s3b, s4b, s5b, s6b):
    w = lax.axis_index("c") * NS + lax.axis_index("s")
    c0 = w * _G_ITERS
    A = (ii_a, jj_a, bsi_a, bsj_a, bvi_a, bvj_a, bpi_a, bpj_a, dp_a,
         (s1a, s2a, s3a, s4a, s5a, s6a))
    B = (ii_b, jj_b, bsi_b, bsj_b, bvi_b, bvj_b, bpi_b, bpj_b, dp_b,
         (s1b, s2b, s3b, s4b, s5b, s6b))

    def issue(chunk, bufs):
        ii, jj, bsi, bsj, bvi, bvj, bpi, bpj, _dp, sems = bufs
        base = chunk * _CH
        pltpu.sync_copy(ei_hbm.at[pl.ds(base, _CH)], ii)
        pltpu.sync_copy(ej_hbm.at[pl.ds(base, _CH)], jj)
        pltpu.async_copy(s_hbm.at[ii], bsi, sems[0])
        pltpu.async_copy(s_hbm.at[jj], bsj, sems[1])
        pltpu.async_copy(v_hbm.at[ii], bvi, sems[2])
        pltpu.async_copy(v_hbm.at[jj], bvj, sems[3])
        pltpu.async_copy(pos_hbm.at[ii], bpi, sems[4])
        pltpu.async_copy(pos_hbm.at[jj], bpj, sems[5])

    def drain(bufs):
        ii, jj, bsi, bsj, bvi, bvj, bpi, bpj, _dp, sems = bufs
        for dst, sem in ((bsi, sems[0]), (bsj, sems[1]), (bvi, sems[2]),
                         (bvj, sems[3])):
            pltpu.make_async_copy(s_hbm.at[pl.ds(0, _CH)], dst, sem).wait()
        for dst, sem in ((bpi, sems[4]), (bpj, sems[5])):
            pltpu.make_async_copy(pos_hbm.at[pl.ds(0, _CH)], dst, sem).wait()

    def retire(chunk, bufs):
        ii, jj, bsi, bsj, bvi, bvj, bpi, bpj, dp_v, sems = bufs
        drain(bufs)
        base = chunk * _CH
        for kk in range(_CH // 16):
            sl = pl.ds(kk * 16, 16)
            dp_v[sl] = bpi[sl] - bpj[sl]
        pltpu.sync_copy(bsi, si_hbm.at[pl.ds(base, _CH)])
        pltpu.sync_copy(bsj, sj_hbm.at[pl.ds(base, _CH)])
        pltpu.sync_copy(bvi, vi_hbm.at[pl.ds(base, _CH)])
        pltpu.sync_copy(bvj, vj_hbm.at[pl.ds(base, _CH)])
        pltpu.sync_copy(dp_v, dp_hbm.at[pl.ds(base, _CH)])

    issue(c0, A)
    issue(c0 + 1, B)

    @pl.loop(0, _G_ITERS - 1, step=2)
    def _(it):
        chunk = c0 + it
        retire(chunk, A)
        issue(jnp.minimum(chunk + 2, c0 + _G_ITERS - 1), A)
        retire(chunk + 1, B)
        issue(jnp.minimum(chunk + 3, c0 + _G_ITERS - 1), B)

    retire(c0 + _G_ITERS - 1, A)
    drain(B)


def _gather_call(s, v2, pos, ei, ej, interpret=False):
    mesh = plsc.VectorSubcoreMesh(core_axis_name="c", subcore_axis_name="s",
                                  num_cores=NC, num_subcores=NS)
    f = pl.kernel(
        _gather_kernel,
        out_type=[jax.ShapeDtypeStruct((E, 128), jnp.float32),
                  jax.ShapeDtypeStruct((E, 128), jnp.float32),
                  jax.ShapeDtypeStruct((E, 128), jnp.float32),
                  jax.ShapeDtypeStruct((E, 128), jnp.float32),
                  jax.ShapeDtypeStruct((E,), jnp.float32)],
        mesh=mesh,
        scratch_types=(
            [pltpu.VMEM((_CH,), jnp.int32)] * 2
            + [pltpu.VMEM((_CH, 128), jnp.float32)] * 4
            + [pltpu.VMEM((_CH,), jnp.float32)] * 3
            + [pltpu.VMEM((_CH,), jnp.int32)] * 2
            + [pltpu.VMEM((_CH, 128), jnp.float32)] * 4
            + [pltpu.VMEM((_CH,), jnp.float32)] * 3
            + [pltpu.SemaphoreType.DMA] * 12
        ),
        interpret=interpret,
    )
    return f(s, v2, pos, ei, ej)



_NACC = 10240
_WIN = 2560
_ACCR = _WIN + 128
_ZPT = _ACCR // NS
_WPT = _WIN // NS
_S_ITERS = _NCHUNK // NS


def _scatter_kernel(sm_hbm, vm_hbm, idxw_hbm, zs_hbm, zc_hbm, ones_hbm,
                    ssum_hbm, vsum_hbm, cnt_hbm,
                    idx_v, dat_v, ones_v, big_v, cstg_v,
                    accs_sh, accv_sh, cnt_sh):
    c = lax.axis_index("c")
    t = lax.axis_index("s")
    pltpu.sync_copy(ones_hbm, ones_v)
    t0 = t * _S_ITERS

    for p in range(2):
        win = 2 * p + c
        node_base = win * _WIN
        wbase = win * E
        pltpu.sync_copy(zs_hbm, big_v)
        pltpu.sync_copy(zc_hbm, cstg_v)
        z0 = t * _ZPT
        for r0, rn in ((0, 128), (128, _ZPT - 128)):
            pltpu.sync_copy(big_v.at[pl.ds(0, rn)],
                            accs_sh.at[pl.ds(z0 + r0, rn)])
            pltpu.sync_copy(big_v.at[pl.ds(0, rn)],
                            accv_sh.at[pl.ds(z0 + r0, rn)])
            pltpu.sync_copy(cstg_v.at[pl.ds(0, rn)],
                            cnt_sh.at[pl.ds(z0 + r0, rn)])
        plsc.subcore_barrier()

        @pl.loop(0, _S_ITERS)
        def _(it):
            chunk = t0 + it
            base = chunk * _CH
            pltpu.sync_copy(idxw_hbm.at[pl.ds(wbase + base, _CH)], idx_v)
            pltpu.sync_copy(sm_hbm.at[pl.ds(base, _CH)], dat_v)
            pltpu.sync_copy(dat_v, accs_sh.at[idx_v], add=True)
            pltpu.sync_copy(vm_hbm.at[pl.ds(base, _CH)], dat_v)
            pltpu.sync_copy(dat_v, accv_sh.at[idx_v], add=True)
            pltpu.sync_copy(ones_v, cnt_sh.at[idx_v], add=True)

        plsc.subcore_barrier()
        w0 = t * _WPT
        for r0, rn in ((0, 128), (128, _WPT - 128)):
            rows_sh = pl.ds(w0 + r0, rn)
            rows_out = pl.ds(node_base + w0 + r0, rn)
            pltpu.sync_copy(accs_sh.at[rows_sh], big_v.at[pl.ds(0, rn)])
            pltpu.sync_copy(big_v.at[pl.ds(0, rn)], ssum_hbm.at[rows_out])
            pltpu.sync_copy(accv_sh.at[rows_sh], big_v.at[pl.ds(0, rn)])
            pltpu.sync_copy(big_v.at[pl.ds(0, rn)], vsum_hbm.at[rows_out])
            pltpu.sync_copy(cnt_sh.at[rows_sh], cstg_v.at[pl.ds(0, rn)])
            pltpu.sync_copy(cstg_v.at[pl.ds(0, rn)], cnt_hbm.at[rows_out])
        plsc.subcore_barrier()


def _scatter_call(sm, vm, ej, interpret=False):
    mesh = plsc.VectorSubcoreMesh(core_axis_name="c", subcore_axis_name="s",
                                  num_cores=NC, num_subcores=NS)
    idxw = jnp.concatenate([
        jnp.where((ej >= w * _WIN) & (ej < (w + 1) * _WIN), ej - w * _WIN,
                  _WIN).astype(jnp.int32)
        for w in range(4)])
    zs = jnp.zeros((128, 128), jnp.float32)
    zc = jnp.zeros((128, 128), jnp.float32)
    ones = jnp.zeros((_CH, 128), jnp.float32).at[:, 0].set(1.0)
    f = pl.kernel(
        _scatter_kernel,
        out_type=[jax.ShapeDtypeStruct((_NACC, 128), jnp.float32),
                  jax.ShapeDtypeStruct((_NACC, 128), jnp.float32),
                  jax.ShapeDtypeStruct((_NACC, 128), jnp.float32)],
        mesh=mesh,
        scratch_types=[
            pltpu.VMEM((_CH,), jnp.int32),
            pltpu.VMEM((_CH, 128), jnp.float32),
            pltpu.VMEM((_CH, 128), jnp.float32),
            pltpu.VMEM((128, 128), jnp.float32),
            pltpu.VMEM((128, 128), jnp.float32),
            pltpu.VMEM_SHARED((_ACCR, 128), jnp.float32),
            pltpu.VMEM_SHARED((_ACCR, 128), jnp.float32),
            pltpu.VMEM_SHARED((_ACCR, 128), jnp.float32),
        ],
        interpret=interpret,
    )
    return f(sm, vm, idxw, zs, zc, ones)



def _edge_weights(vlin_w, vlin_b, emv0_w, emv0_b, emv_a0q_w, emv_a0k_w,
                  emv1_w, emv1_b, emv_a1q_w, emv_a1k_w, emv2_w, emv2_b,
                  ems_w1, ems_b1, ems_w2, ems_b2, pn_w1, pn_b1, pn_w2, pn_b2,
                  mn_s_g, mn_s_b, mn_v_a):
    dv = _dense_sub(vlin_w)
    dqk0 = jnp.concatenate([_dense_nosub(emv_a0q_w), _dense_nosub(emv_a0k_w)],
                           axis=1)
    dqk1 = jnp.concatenate([_dense_nosub(emv_a1q_w), _dense_nosub(emv_a1k_w)],
                           axis=1)
    d0 = _dense_nosub(emv0_w)
    b0 = _bias_row(emv0_b)
    d1 = _dense_nosub(emv1_w)
    b1 = _bias_row(emv1_b)
    dqk0f = d0 @ dqk0
    bqk0 = b0 @ dqk0
    dqk1f = d1 @ dqk1
    bqk1 = b1 @ dqk1
    return [
        dv[:128], dv[128:], _bias_row(vlin_b),
        dqk0f, bqk0, dqk1f, bqk1,
        _dense_sub(emv2_w), _bias_row(emv2_b),
        ems_w1[:128], ems_w1[128:256], ems_w1[257:273], ems_w1[256], ems_b1,
        ems_w2, ems_b2, pn_w1, pn_b1, pn_w2, pn_b2,
        jnp.asarray(_G_NP), jnp.asarray(_GT_NP), jnp.asarray(_R_NP),
        mn_s_g, mn_s_b, _a_row(mn_v_a),
    ]


def _node_weights(umv_l_w, umv_l_b, umv_r_w, umv_r_b, umv_o_w, umv_o_b,
                  umv_n_a, ums_w1, ums_b1, ums_w2, ums_b2, un_g, un_b):
    return [
        _dense_nosub(umv_l_w), _bias_row(umv_l_b),
        _dense_nosub(umv_r_w), _bias_row(umv_r_b),
        jnp.asarray(_PP_NP), jnp.asarray(_CC_NP), jnp.asarray(_SS_NP),
        _dense_nosub(umv_o_w[:, :HV]), _dense_nosub(umv_o_w[:, HV:]),
        _bias_row(umv_o_b), _a_row(umv_n_a),
        ums_w1, ums_b1, ums_w2, ums_b2, un_g, un_b, jnp.asarray(_G_NP),
    ]


def kernel(s, v, pos, edge_index, vlin_w, vlin_b, emv0_w, emv0_b,
           emv_a0q_w, emv_a0k_w, emv1_w, emv1_b, emv_a1q_w, emv_a1k_w,
           emv2_w, emv2_b, ems_w1, ems_b1, ems_w2, ems_b2,
           pn_w1, pn_b1, pn_w2, pn_b2, mn_s_g, mn_s_b, mn_v_a,
           umv_l_w, umv_l_b, umv_r_w, umv_r_b, umv_o_w, umv_o_b,
           umv_n_a, ums_w1, ums_b1, ums_w2, ums_b2, un_g, un_b):
    v2 = v.reshape(N, HV * DIM)
    ei = edge_index[0]
    ej = edge_index[1]

    si, sj, vi, vj, dp = _gather_call(s, v2, pos, ei, ej)

    ew = _edge_weights(vlin_w, vlin_b, emv0_w, emv0_b, emv_a0q_w, emv_a0k_w,
                       emv1_w, emv1_b, emv_a1q_w, emv_a1k_w, emv2_w, emv2_b,
                       ems_w1, ems_b1, ems_w2, ems_b2, pn_w1, pn_b1,
                       pn_w2, pn_b2, mn_s_g, mn_s_b, mn_v_a)
    sm, vmes = _edge_call(si, sj, dp, vi, vj, ew)

    ssum, vsum, cnt = _scatter_call(sm, vmes, ej)

    nw = _node_weights(umv_l_w, umv_l_b, umv_r_w, umv_r_b, umv_o_w, umv_o_b,
                       umv_n_a, ums_w1, ums_b1, ums_w2, ums_b2, un_g, un_b)
    s_out, v_out = _node_call(s, v2, ssum, vsum, cnt, nw)
    return s_out, v_out.reshape(N, HV, DIM)

# --- scband reference (transcript-rebuilt; emitter-appended) ---
"""Pipeline reference for scband-mvnmpnn-40656160424013 (READ-ONLY COPY).

The authoritative reference and input builder live on the scoring server;
editing this copy changes nothing except your own understanding.
"""

import jax, jax.numpy as jnp
import numpy as np

N = 10000
E = 320000
HS = 128
HV = 16
DIM = 8
SUBSP = np.array([1, 3, 3, 1])

def _build_cayley():
    blades = [(), (1,), (2,), (3,), (1, 2), (1, 3), (2, 3), (1, 2, 3)]
    index = {b: i for i, b in enumerate(blades)}
    C = np.zeros((8, 8, 8), dtype=np.float32)
    for ia, a in enumerate(blades):
        for ib, b in enumerate(blades):
            arr = list(a) + list(b)
            sign = 1.0
            m = len(arr)
            for _ in range(m):
                for q in range(m - 1):
                    if arr[q] > arr[q + 1]:
                        arr[q], arr[q + 1] = arr[q + 1], arr[q]
                        sign = -sign
            res = []
            t = 0
            while t < len(arr):
                if t + 1 < len(arr) and arr[t] == arr[t + 1]:
                    t += 2
                else:
                    res.append(arr[t]); t += 1
            C[ia, ib, index[tuple(res)]] = sign
    return C

CAYLEY = jnp.asarray(_build_cayley())

def gp(x, y):
    return jnp.einsum("...i,ijk,...j->...k", x, CAYLEY, y)

def embed_bias(out, b):
    return out + jnp.pad(b, ((0, 0), (0, 0), (0, DIM - 1)))

def mvlin_nosub(x, w, b=None):
    out = jnp.einsum("bmi,nm->bni", x, w)
    if b is not None:
        out = embed_bias(out, b)
    return out

def mvlin_sub(x, w, b=None):
    w8 = jnp.repeat(w, SUBSP, axis=-1, total_repeat_length=DIM)
    out = jnp.einsum("bmi,nmi->bni", x, w8)
    if b is not None:
        out = embed_bias(out, b)
    return out

def mv_layernorm(x, a, eps=1e-6):
    n = jnp.sqrt(jnp.sum(x * x, axis=-1, keepdims=True))
    n = jnp.mean(n, axis=1, keepdims=True) + eps
    return a[..., None] * x / n

def layernorm(x, g, b, eps=1e-5):
    mu = jnp.mean(x, axis=-1, keepdims=True)
    var = jnp.var(x, axis=-1, keepdims=True)
    return (x - mu) / jnp.sqrt(var + eps) * g + b

def mvact(x, wq, wk):
    q = jnp.einsum("bmi,nm->bni", x, wq)
    k = jnp.einsum("bmi,nm->bni", x, wk)
    qk = jnp.sum(q * k, axis=-1)
    ksq = jnp.sum(k * k, axis=-1)
    inv = qk / ksq
    c1 = q
    c2 = q - inv[..., None] * k
    gate = jnp.maximum(jnp.sign(qk), 0.0)[..., None]
    return gate * c1 + (1.0 - gate) * c2

def setup_inputs(seed=0):
    key = jax.random.key(seed)
    ks = jax.random.split(key, 40)
    def r(idx, shape, sc=0.1):
        return jax.random.normal(ks[idx], shape, dtype=jnp.float32) * sc
    inp = {}
    inp["s"] = jax.random.normal(ks[0], (N, HS), dtype=jnp.float32)
    inp["v"] = jax.random.normal(ks[1], (N, HV, DIM), dtype=jnp.float32)
    inp["pos"] = jax.random.normal(ks[2], (N,), dtype=jnp.float32)
    inp["edge_index"] = jax.random.randint(ks[3], (2, E), 0, N, dtype=jnp.int32)
    inp["vlin_w"] = r(4, (HV, 2 * HV, 4)); inp["vlin_b"] = r(5, (1, HV, 1))
    inp["emv0_w"] = r(6, (HV, HV)); inp["emv0_b"] = r(7, (1, HV, 1))
    inp["emv_a0q_w"] = r(8, (HV, HV)); inp["emv_a0k_w"] = r(9, (HV, HV))
    inp["emv1_w"] = r(10, (HV, HV)); inp["emv1_b"] = r(11, (1, HV, 1))
    inp["emv_a1q_w"] = r(12, (HV, HV)); inp["emv_a1k_w"] = r(13, (HV, HV))
    inp["emv2_w"] = r(14, (HV, HV, 4)); inp["emv2_b"] = r(15, (1, HV, 1))
    inp["ems_w1"] = r(16, (2 * HS + HV + 1, HS)); inp["ems_b1"] = r(17, (HS,), 0.01)
    inp["ems_w2"] = r(18, (HS, HS)); inp["ems_b2"] = r(19, (HS,), 0.01)
    inp["pn_w1"] = r(20, (HS, HS)); inp["pn_b1"] = r(21, (HS,), 0.01)
    inp["pn_w2"] = r(22, (HS, HV * 4)); inp["pn_b2"] = r(23, (HV * 4,), 0.01)
    inp["mn_s_g"] = jnp.ones((HS,), dtype=jnp.float32)
    inp["mn_s_b"] = jnp.zeros((HS,), dtype=jnp.float32)
    inp["mn_v_a"] = jnp.ones((1, HV), dtype=jnp.float32)
    inp["umv_l_w"] = r(24, (HV, HV)); inp["umv_l_b"] = r(25, (1, HV, 1))
    inp["umv_r_w"] = r(26, (HV, HV)); inp["umv_r_b"] = r(27, (1, HV, 1))
    inp["umv_o_w"] = r(28, (HV, 2 * HV)); inp["umv_o_b"] = r(29, (1, HV, 1))
    inp["umv_n_a"] = jnp.ones((1, HV), dtype=jnp.float32)
    inp["ums_w1"] = r(30, (HS, HS)); inp["ums_b1"] = r(31, (HS,), 0.01)
    inp["ums_w2"] = r(32, (HS, HS)); inp["ums_b2"] = r(33, (HS,), 0.01)
    inp["un_g"] = jnp.ones((HS,), dtype=jnp.float32)
    inp["un_b"] = jnp.zeros((HS,), dtype=jnp.float32)
    return inp

def _forward(P, edge_index):
    i = edge_index[0]; j = edge_index[1]
    s = P["s"]; v = P["v"]; pos = P["pos"]
    s_i = s[i]; s_j = s[j]
    v_i = v[i]; v_j = v[j]
    pos_i = pos[i]; pos_j = pos[j]
    # message
    v_ij = mvlin_sub(jnp.concatenate([v_i, v_j], axis=1), P["vlin_w"], P["vlin_b"])
    v_ij_inv = jnp.sum(v_ij * v_ij, axis=-1)
    s_ij = jnp.concatenate([s_i, s_j, (pos_i - pos_j)[:, None], v_ij_inv], axis=-1)
    h = mvlin_nosub(v_ij, P["emv0_w"], P["emv0_b"])
    h = mvact(h, P["emv_a0q_w"], P["emv_a0k_w"])
    h = mvlin_nosub(h, P["emv1_w"], P["emv1_b"])
    h = mvact(h, P["emv_a1q_w"], P["emv_a1k_w"])
    v_mes = mvlin_sub(h, P["emv2_w"], P["emv2_b"])
    s_mes = jnp.maximum(s_ij @ P["ems_w1"] + P["ems_b1"], 0.0) @ P["ems_w2"] + P["ems_b2"]
    pm = jnp.maximum(s_mes @ P["pn_w1"] + P["pn_b1"], 0.0) @ P["pn_w2"] + P["pn_b2"]
    pm = pm.reshape(pm.shape[0], -1, 4)
    v_mes = v_mes * jnp.repeat(pm, SUBSP, axis=-1, total_repeat_length=DIM)
    # mes_norm (CVPLayerNorm)
    s_mes = layernorm(s_mes, P["mn_s_g"], P["mn_s_b"])
    v_mes = mv_layernorm(v_mes, P["mn_v_a"])
    # aggregate
    num_m = jnp.bincount(j, length=N).astype(jnp.float32)[:, None]
    s_pool = jax.ops.segment_sum(s_mes, j, num_segments=N) / jnp.sqrt(num_m)
    v_pool = (jax.ops.segment_sum(v_mes.reshape(v_mes.shape[0], -1), j, num_segments=N) / jnp.sqrt(num_m)).reshape(N, HV, DIM)
    # update_model_v (LinearFullyConnectedGPLayer)
    vr = mvlin_nosub(v_pool, P["umv_r_w"], P["umv_r_b"])
    vl = mvlin_nosub(v_pool, P["umv_l_w"], P["umv_l_b"])
    vo = gp(vl, vr)
    vo = jnp.concatenate([vo, v_pool], axis=1)
    vo = mvlin_nosub(vo, P["umv_o_w"], P["umv_o_b"])
    v_out = mv_layernorm(vo, P["umv_n_a"])
    # update_model_s
    s_out = jnp.maximum(s_pool @ P["ums_w1"] + P["ums_b1"], 0.0) @ P["ums_w2"] + P["ums_b2"]
    s_out = layernorm(s_out, P["un_g"], P["un_b"]) + s
    v_out = v_out + v
    return (s_out, v_out)

def reference(s, v, pos, edge_index, vlin_w, vlin_b, emv0_w, emv0_b,
              emv_a0q_w, emv_a0k_w, emv1_w, emv1_b, emv_a1q_w, emv_a1k_w,
              emv2_w, emv2_b, ems_w1, ems_b1, ems_w2, ems_b2,
              pn_w1, pn_b1, pn_w2, pn_b2, mn_s_g, mn_s_b, mn_v_a,
              umv_l_w, umv_l_b, umv_r_w, umv_r_b, umv_o_w, umv_o_b,
              umv_n_a, ums_w1, ums_b1, ums_w2, ums_b2, un_g, un_b):
    kw = {
        "s": s, "v": v, "pos": pos, "edge_index": edge_index,
        "vlin_w": vlin_w, "vlin_b": vlin_b,
        "emv0_w": emv0_w, "emv0_b": emv0_b,
        "emv_a0q_w": emv_a0q_w, "emv_a0k_w": emv_a0k_w,
        "emv1_w": emv1_w, "emv1_b": emv1_b,
        "emv_a1q_w": emv_a1q_w, "emv_a1k_w": emv_a1k_w,
        "emv2_w": emv2_w, "emv2_b": emv2_b,
        "ems_w1": ems_w1, "ems_b1": ems_b1,
        "ems_w2": ems_w2, "ems_b2": ems_b2,
        "pn_w1": pn_w1, "pn_b1": pn_b1,
        "pn_w2": pn_w2, "pn_b2": pn_b2,
        "mn_s_g": mn_s_g, "mn_s_b": mn_s_b, "mn_v_a": mn_v_a,
        "umv_l_w": umv_l_w, "umv_l_b": umv_l_b,
        "umv_r_w": umv_r_w, "umv_r_b": umv_r_b,
        "umv_o_w": umv_o_w, "umv_o_b": umv_o_b,
        "umv_n_a": umv_n_a,
        "ums_w1": ums_w1, "ums_b1": ums_b1,
        "ums_w2": ums_w2, "ums_b2": ums_b2,
        "un_g": un_g, "un_b": un_b,
    }
    return _forward(kw, kw["edge_index"])

if __name__ == "__main__":
    import jax
    _d = setup_inputs()
    print(jax.jit(kernel)(*tuple(_d.values())))

</pallas_src>

<mosaic_0001>
#map = affine_map<(d0, d1) -> (0, 0)>
#map1 = affine_map<(d0, d1) -> (0)>
module attributes {stable_mosaic.version = 14 : i64} {
  func.func @_scatter_kernel(%arg0: i32, %arg1: i32, %arg2: memref<320000x128xf32, #tpu.memory_space<hbm>>, %arg3: memref<320000x128xf32, #tpu.memory_space<hbm>>, %arg4: memref<1280000xi32, #tpu.memory_space<hbm>>, %arg5: memref<128x128xf32, #tpu.memory_space<hbm>>, %arg6: memref<128x128xf32, #tpu.memory_space<hbm>>, %arg7: memref<80x128xf32, #tpu.memory_space<hbm>>, %arg8: memref<10240x128xf32, #tpu.memory_space<hbm>>, %arg9: memref<10240x128xf32, #tpu.memory_space<hbm>>, %arg10: memref<10240x128xf32, #tpu.memory_space<hbm>>, %arg11: memref<80xi32, #tpu.memory_space<vmem>>, %arg12: memref<80x128xf32, #tpu.memory_space<vmem>>, %arg13: memref<80x128xf32, #tpu.memory_space<vmem>>, %arg14: memref<128x128xf32, #tpu.memory_space<vmem>>, %arg15: memref<128x128xf32, #tpu.memory_space<vmem>>, %arg16: memref<2688x128xf32, #tpu.memory_space<vmem_shared>>, %arg17: memref<2688x128xf32, #tpu.memory_space<vmem_shared>>, %arg18: memref<2688x128xf32, #tpu.memory_space<vmem_shared>>) attributes {dimension_semantics = [#tpu.dimension_semantics<core_parallel>, #tpu.dimension_semantics<subcore_parallel>], iteration_bounds = array<i64: 2, 16>, scalar_prefetch = 0 : i64, scratch_operands = 8 : i64, tpu.core_type = #tpu.core_type<sc_vector_subcore>, window_params = [{transform_indices = #map}, {transform_indices = #map}, {transform_indices = #map1}, {transform_indices = #map}, {transform_indices = #map}, {transform_indices = #map}, {transform_indices = #map}, {transform_indices = #map}, {transform_indices = #map}]} {
    "tpu.region"() ({
      %run_scoped3A = tpu.sem_alloc : memref<!tpu.dma_semaphore, #tpu.memory_space<semaphore_mem>>
      tpu.enqueue_dma source(%arg7 : memref<80x128xf32, #tpu.memory_space<hbm>>) target(%arg13 : memref<80x128xf32, #tpu.memory_space<vmem>>) target_semaphore(%run_scoped3A : memref<!tpu.dma_semaphore, #tpu.memory_space<semaphore_mem>>)
      tpu.wait_dma2 semaphore(%run_scoped3A : memref<!tpu.dma_semaphore, #tpu.memory_space<semaphore_mem>>) src(%arg7 : memref<80x128xf32, #tpu.memory_space<hbm>>) dst(%arg13 : memref<80x128xf32, #tpu.memory_space<vmem>>)
      tpu.yield
    }) : () -> ()
    %mul3A = arith.constant 250 : i32
    %mul3A_0 = arith.muli %arg1, %mul3A : i32
    %add3A = arith.constant 0 : i32
    %add3A_1 = arith.addi %add3A, %arg0 : i32
    %mul3A_2 = arith.constant 2560 : i32
    %mul3A_3 = arith.muli %add3A_1, %mul3A_2 : i32
    %mul3A_4 = arith.constant 320000 : i32
    %mul3A_5 = arith.muli %add3A_1, %mul3A_4 : i32
    "tpu.region"() ({
      %run_scoped3A = tpu.sem_alloc : memref<!tpu.dma_semaphore, #tpu.memory_space<semaphore_mem>>
      tpu.enqueue_dma source(%arg5 : memref<128x128xf32, #tpu.memory_space<hbm>>) target(%arg14 : memref<128x128xf32, #tpu.memory_space<vmem>>) target_semaphore(%run_scoped3A : memref<!tpu.dma_semaphore, #tpu.memory_space<semaphore_mem>>)
      tpu.wait_dma2 semaphore(%run_scoped3A : memref<!tpu.dma_semaphore, #tpu.memory_space<semaphore_mem>>) src(%arg5 : memref<128x128xf32, #tpu.memory_space<hbm>>) dst(%arg14 : memref<128x128xf32, #tpu.memory_space<vmem>>)
      tpu.yield
    }) : () -> ()
    "tpu.region"() ({
      %run_scoped3A = tpu.sem_alloc : memref<!tpu.dma_semaphore, #tpu.memory_space<semaphore_mem>>
      tpu.enqueue_dma source(%arg6 : memref<128x128xf32, #tpu.memory_space<hbm>>) target(%arg15 : memref<128x128xf32, #tpu.memory_space<vmem>>) target_semaphore(%run_scoped3A : memref<!tpu.dma_semaphore, #tpu.memory_space<semaphore_mem>>)
      tpu.wait_dma2 semaphore(%run_scoped3A : memref<!tpu.dma_semaphore, #tpu.memory_space<semaphore_mem>>) src(%arg6 : memref<128x128xf32, #tpu.memory_space<hbm>>) dst(%arg15 : memref<128x128xf32, #tpu.memory_space<vmem>>)
      tpu.yield
    }) : () -> ()
    %mul3A_6 = arith.constant 168 : i32
    %mul3A_7 = arith.muli %arg1, %mul3A_6 : i32
    %add3A_8 = arith.constant 0 : i32
    %add3A_9 = arith.addi %mul3A_7, %add3A_8 : i32
    "tpu.region"() ({
      %run_scoped3A = tpu.sem_alloc : memref<!tpu.dma_semaphore, #tpu.memory_space<semaphore_mem>>
      %dma_start3A = arith.constant 0 : i32
      %dma_start3A_78 = arith.constant 0 : i32
      %dma_start3A_79 = tpu.memref_slice %arg14[%dma_start3A, %dma_start3A_78] : memref<128x128xf32, #tpu.memory_space<vmem>> -> memref<128x128xf32, #tpu.memory_space<vmem>>
      %dma_start3A_80 = arith.constant 0 : i32
      %dma_start3A_81 = tpu.memref_slice %arg16[%add3A_9, %dma_start3A_80] : memref<2688x128xf32, #tpu.memory_space<vmem_shared>> -> memref<128x128xf32, #tpu.memory_space<vmem_shared>>
      %dma_start3A_82 = arith.constant 0 : i32
      %dma_start3A_83 = tpu.memref_slice %arg16[%add3A_9, %dma_start3A_82] : memref<2688x128xf32, #tpu.memory_space<vmem_shared>> -> memref<128x128xf32, #tpu.memory_space<vmem_shared>>
      %dma_start3A_84 = arith.constant 0 : i32
      %dma_start3A_85 = arith.constant 0 : i32
      %dma_start3A_86 = tpu.memref_slice %arg14[%dma_start3A_84, %dma_start3A_85] : memref<128x128xf32, #tpu.memory_space<vmem>> -> memref<128x128xf32, #tpu.memory_space<vmem>>
      tpu.enqueue_dma source(%dma_start3A_86 : memref<128x128xf32, #tpu.memory_space<vmem>>) target(%dma_start3A_83 : memref<128x128xf32, #tpu.memory_space<vmem_shared>>) target_semaphore(%run_scoped3A : memref<!tpu.dma_semaphore, #tpu.memory_space<semaphore_mem>>)
      %dma_wait3A = arith.constant 0 : i32
      %dma_wait3A_87 = arith.constant 0 : i32
      %dma_wait3A_88 = tpu.memref_slice %arg14[%dma_wait3A, %dma_wait3A_87] : memref<128x128xf32, #tpu.memory_space<vmem>> -> memref<128x128xf32, #tpu.memory_space<vmem>>
      %dma_wait3A_89 = arith.constant 0 : i32
      %dma_wait3A_90 = tpu.memref_slice %arg16[%add3A_9, %dma_wait3A_89] : memref<2688x128xf32, #tpu.memory_space<vmem_shared>> -> memref<128x128xf32, #tpu.memory_space<vmem_shared>>
      %dma_wait3A_91 = arith.constant 0 : i32
      %dma_wait3A_92 = tpu.memref_slice %arg16[%add3A_9, %dma_wait3A_91] : memref<2688x128xf32, #tpu.memory_space<vmem_shared>> -> memref<128x128xf32, #tpu.memory_space<vmem_shared>>
      %dma_wait3A_93 = arith.constant 0 : i32
      %dma_wait3A_94 = arith.constant 0 : i32
      %dma_wait3A_95 = tpu.memref_slice %arg14[%dma_wait3A_93, %dma_wait3A_94] : memref<128x128xf32, #tpu.memory_space<vmem>> -> memref<128x128xf32, #tpu.memory_space<vmem>>
      tpu.wait_dma2 semaphore(%run_scoped3A : memref<!tpu.dma_semaphore, #tpu.memory_space<semaphore_mem>>) src(%dma_wait3A_95 : memref<128x128xf32, #tpu.memory_space<vmem>>) dst(%dma_wait3A_92 : memref<128x128xf32, #tpu.memory_space<vmem_shared>>)
      tpu.yield
    }) : () -> ()
    %add3A_10 = arith.constant 0 : i32
    %add3A_11 = arith.addi %mul3A_7, %add3A_10 : i32
    "tpu.region"() ({
      %run_scoped3A = tpu.sem_alloc : memref<!tpu.dma_semaphore, #tpu.memory_space<semaphore_mem>>
      %dma_start3A = arith.constant 0 : i32
      %dma_start3A_78 = arith.constant 0 : i32
      %dma_start3A_79 = tpu.memref_slice %arg14[%dma_start3A, %dma_start3A_78] : memref<128x128xf32, #tpu.memory_space<vmem>> -> memref<128x128xf32, #tpu.memory_space<vmem>>
      %dma_start3A_80 = arith.constant 0 : i32
      %dma_start3A_81 = tpu.memref_slice %arg17[%add3A_11, %dma_start3A_80] : memref<2688x128xf32, #tpu.memory_space<vmem_shared>> -> memref<128x128xf32, #tpu.memory_space<vmem_shared>>
      %dma_start3A_82 = arith.constant 0 : i32
      %dma_start3A_83 = tpu.memref_slice %arg17[%add3A_11, %dma_start3A_82] : memref<2688x128xf32, #tpu.memory_space<vmem_shared>> -> memref<128x128xf32, #tpu.memory_space<vmem_shared>>
      %dma_start3A_84 = arith.constant 0 : i32
      %dma_start3A_85 = arith.constant 0 : i32
      %dma_start3A_86 = tpu.memref_slice %arg14[%dma_start3A_84, %dma_start3A_85] : memref<128x128xf32, #tpu.memory_space<vmem>> -> memref<128x128xf32, #tpu.memory_space<vmem>>
      tpu.enqueue_dma source(%dma_start3A_86 : memref<128x128xf32, #tpu.memory_space<vmem>>) target(%dma_start3A_83 : memref<128x128xf32, #tpu.memory_space<vmem_shared>>) target_semaphore(%run_scoped3A : memref<!tpu.dma_semaphore, #tpu.memory_space<semaphore_mem>>)
      %dma_wait3A = arith.constant 0 : i32
      %dma_wait3A_87 = arith.constant 0 : i32
      %dma_wait3A_88 = tpu.memref_slice %arg14[%dma_wait3A, %dma_wait3A_87] : memref<128x128xf32, #tpu.memory_space<vmem>> -> memref<128x128xf32, #tpu.memory_space<vmem>>
      %dma_wait3A_89 = arith.constant 0 : i32
      %dma_wait3A_90 = tpu.memref_slice %arg17[%add3A_11, %dma_wait3A_89] : memref<2688x128xf32, #tpu.memory_space<vmem_shared>> -> memref<128x128xf32, #tpu.memory_space<vmem_shared>>
      %dma_wait3A_91 = arith.constant 0 : i32
      %dma_wait3A_92 = tpu.memref_slice %arg17[%add3A_11, %dma_wait3A_91] : memref<2688x128xf32, #tpu.memory_space<vmem_shared>> -> memref<128x128xf32, #tpu.memory_space<vmem_shared>>
      %dma_wait3A_93 = arith.constant 0 : i32
      %dma_wait3A_94 = arith.constant 0 : i32
      %dma_wait3A_95 = tpu.memref_slice %arg14[%dma_wait3A_93, %dma_wait3A_94] : memref<128x128xf32, #tpu.memory_space<vmem>> -> memref<128x128xf32, #tpu.memory_space<vmem>>
      tpu.wait_dma2 semaphore(%run_scoped3A : memref<!tpu.dma_semaphore, #tpu.memory_space<semaphore_mem>>) src(%dma_wait3A_95 : memref<128x128xf32, #tpu.memory_space<vmem>>) dst(%dma_wait3A_92 : memref<128x128xf32, #tpu.memory_space<vmem_shared>>)
      tpu.yield
    }) : () -> ()
    %add3A_12 = arith.constant 0 : i32
    %add3A_13 = arith.addi %mul3A_7, %add3A_12 : i32
    "tpu.region"() ({
      %run_scoped3A = tpu.sem_alloc : memref<!tpu.dma_semaphore, #tpu.memory_space<semaphore_mem>>
      %dma_start3A = arith.constant 0 : i32
      %dma_start3A_78 = arith.constant 0 : i32
      %dma_start3A_79 = tpu.memref_slice %arg15[%dma_start3A, %dma_start3A_78] : memref<128x128xf32, #tpu.memory_space<vmem>> -> memref<128x128xf32, #tpu.memory_space<vmem>>
      %dma_start3A_80 = arith.constant 0 : i32
      %dma_start3A_81 = tpu.memref_slice %arg18[%add3A_13, %dma_start3A_80] : memref<2688x128xf32, #tpu.memory_space<vmem_shared>> -> memref<128x128xf32, #tpu.memory_space<vmem_shared>>
      %dma_start3A_82 = arith.constant 0 : i32
      %dma_start3A_83 = tpu.memref_slice %arg18[%add3A_13, %dma_start3A_82] : memref<2688x128xf32, #tpu.memory_space<vmem_shared>> -> memref<128x128xf32, #tpu.memory_space<vmem_shared>>
      %dma_start3A_84 = arith.constant 0 : i32
      %dma_start3A_85 = arith.constant 0 : i32
      %dma_start3A_86 = tpu.memref_slice %arg15[%dma_start3A_84, %dma_start3A_85] : memref<128x128xf32, #tpu.memory_space<vmem>> -> memref<128x128xf32, #tpu.memory_space<vmem>>
      tpu.enqueue_dma source(%dma_start3A_86 : memref<128x128xf32, #tpu.memory_space<vmem>>) target(%dma_start3A_83 : memref<128x128xf32, #tpu.memory_space<vmem_shared>>) target_semaphore(%run_scoped3A : memref<!tpu.dma_semaphore, #tpu.memory_space<semaphore_mem>>)
      %dma_wait3A = arith.constant 0 : i32
      %dma_wait3A_87 = arith.constant 0 : i32
      %dma_wait3A_88 = tpu.memref_slice %arg15[%dma_wait3A, %dma_wait3A_87] : memref<128x128xf32, #tpu.memory_space<vmem>> -> memref<128x128xf32, #tpu.memory_space<vmem>>
      %dma_wait3A_89 = arith.constant 0 : i32
      %dma_wait3A_90 = tpu.memref_slice %arg18[%add3A_13, %dma_wait3A_89] : memref<2688x128xf32, #tpu.memory_space<vmem_shared>> -> memref<128x128xf32, #tpu.memory_space<vmem_shared>>
      %dma_wait3A_91 = arith.constant 0 : i32
      %dma_wait3A_92 = tpu.memref_slice %arg18[%add3A_13, %dma_wait3A_91] : memref<2688x128xf32, #tpu.memory_space<vmem_shared>> -> memref<128x128xf32, #tpu.memory_space<vmem_shared>>
      %dma_wait3A_93 = arith.constant 0 : i32
      %dma_wait3A_94 = arith.constant 0 : i32
      %dma_wait3A_95 = tpu.memref_slice %arg15[%dma_wait3A_93, %dma_wait3A_94] : memref<128x128xf32, #tpu.memory_space<vmem>> -> memref<128x128xf32, #tpu.memory_space<vmem>>
      tpu.wait_dma2 semaphore(%run_scoped3A : memref<!tpu.dma_semaphore, #tpu.memory_space<semaphore_mem>>) src(%dma_wait3A_95 : memref<128x128xf32, #tpu.memory_space<vmem>>) dst(%dma_wait3A_92 : memref<128x128xf32, #tpu.memory_space<vmem_shared>>)
      tpu.yield
    }) : () -> ()
    %add3A_14 = arith.constant 128 : i32
    %add3A_15 = arith.addi %mul3A_7, %add3A_14 : i32
    "tpu.region"() ({
      %run_scoped3A = tpu.sem_alloc : memref<!tpu.dma_semaphore, #tpu.memory_space<semaphore_mem>>
      %dma_start3A = arith.constant 0 : i32
      %dma_start3A_78 = arith.constant 0 : i32
      %dma_start3A_79 = tpu.memref_slice %arg14[%dma_start3A, %dma_start3A_78] : memref<128x128xf32, #tpu.memory_space<vmem>> -> memref<40x128xf32, #tpu.memory_space<vmem>>
      %dma_start3A_80 = arith.constant 0 : i32
      %dma_start3A_81 = tpu.memref_slice %arg16[%add3A_15, %dma_start3A_80] : memref<2688x128xf32, #tpu.memory_space<vmem_shared>> -> memref<40x128xf32, #tpu.memory_space<vmem_shared>>
      %dma_start3A_82 = arith.constant 0 : i32
      %dma_start3A_83 = tpu.memref_slice %arg16[%add3A_15, %dma_start3A_82] : memref<2688x128xf32, #tpu.memory_space<vmem_shared>> -> memref<40x128xf32, #tpu.memory_space<vmem_shared>>
      %dma_start3A_84 = arith.constant 0 : i32
      %dma_start3A_85 = arith.constant 0 : i32
      %dma_start3A_86 = tpu.memref_slice %arg14[%dma_start3A_84, %dma_start3A_85] : memref<128x128xf32, #tpu.memory_space<vmem>> -> memref<40x128xf32, #tpu.memory_space<vmem>>
      tpu.enqueue_dma source(%dma_start3A_86 : memref<40x128xf32, #tpu.memory_space<vmem>>) target(%dma_start3A_83 : memref<40x128xf32, #tpu.memory_space<vmem_shared>>) target_semaphore(%run_scoped3A : memref<!tpu.dma_semaphore, #tpu.memory_space<semaphore_mem>>)
      %dma_wait3A = arith.constant 0 : i32
      %dma_wait3A_87 = arith.constant 0 : i32
      %dma_wait3A_88 = tpu.memref_slice %arg14[%dma_wait3A, %dma_wait3A_87] : memref<128x128xf32, #tpu.memory_space<vmem>> -> memref<40x128xf32, #tpu.memory_space<vmem>>
      %dma_wait3A_89 = arith.constant 0 : i32
      %dma_wait3A_90 = tpu.memref_slice %arg16[%add3A_15, %dma_wait3A_89] : memref<2688x128xf32, #tpu.memory_space<vmem_shared>> -> memref<40x128xf32, #tpu.memory_space<vmem_shared>>
      %dma_wait3A_91 = arith.constant 0 : i32
      %dma_wait3A_92 = tpu.memref_slice %arg16[%add3A_15, %dma_wait3A_91] : memref<2688x128xf32, #tpu.memory_space<vmem_shared>> -> memref<40x128xf32, #tpu.memory_space<vmem_shared>>
      %dma_wait3A_93 = arith.constant 0 : i32
      %dma_wait3A_94 = arith.constant 0 : i32
      %dma_wait3A_95 = tpu.memref_slice %arg14[%dma_wait3A_93, %dma_wait3A_94] : memref<128x128xf32, #tpu.memory_space<vmem>> -> memref<40x128xf32, #tpu.memory_space<vmem>>
      tpu.wait_dma2 semaphore(%run_scoped3A : memref<!tpu.dma_semaphore, #tpu.memory_space<semaphore_mem>>) src(%dma_wait3A_95 : memref<40x128xf32, #tpu.memory_space<vmem>>) dst(%dma_wait3A_92 : memref<40x128xf32, #tpu.memory_space<vmem_shared>>)
      tpu.yield
    }) : () -> ()
    %add3A_16 = arith.constant 128 : i32
    %add3A_17 = arith.addi %mul3A_7, %add3A_16 : i32
    "tpu.region"() ({
      %run_scoped3A = tpu.sem_alloc : memref<!tpu.dma_semaphore, #tpu.memory_space<semaphore_mem>>
      %dma_start3A = arith.constant 0 : i32
      %dma_start3A_78 = arith.constant 0 : i32
      %dma_start3A_79 = tpu.memref_slice %arg14[%dma_start3A, %dma_start3A_78] : memref<128x128xf32, #tpu.memory_space<vmem>> -> memref<40x128xf32, #tpu.memory_space<vmem>>
      %dma_start3A_80 = arith.constant 0 : i32
      %dma_start3A_81 = tpu.memref_slice %arg17[%add3A_17, %dma_start3A_80] : memref<2688x128xf32, #tpu.memory_space<vmem_shared>> -> memref<40x128xf32, #tpu.memory_space<vmem_shared>>
      %dma_start3A_82 = arith.constant 0 : i32
      %dma_start3A_83 = tpu.memref_slice %arg17[%add3A_17, %dma_start3A_82] : memref<2688x128xf32, #tpu.memory_space<vmem_shared>> -> memref<40x128xf32, #tpu.memory_space<vmem_shared>>
      %dma_start3A_84 = arith.constant 0 : i32
      %dma_start3A_85 = arith.constant 0 : i32
      %dma_start3A_86 = tpu.memref_slice %arg14[%dma_start3A_84, %dma_start3A_85] : memref<128x128xf32, #tpu.memory_space<vmem>> -> memref<40x128xf32, #tpu.memory_space<vmem>>
      tpu.enqueue_dma source(%dma_start3A_86 : memref<40x128xf32, #tpu.memory_space<vmem>>) target(%dma_start3A_83 : memref<40x128xf32, #tpu.memory_space<vmem_shared>>) target_semaphore(%run_scoped3A : memref<!tpu.dma_semaphore, #tpu.memory_space<semaphore_mem>>)
      %dma_wait3A = arith.constant 0 : i32
      %dma_wait3A_87 = arith.constant 0 : i32
      %dma_wait3A_88 = tpu.memref_slice %arg14[%dma_wait3A, %dma_wait3A_87] : memref<128x128xf32, #tpu.memory_space<vmem>> -> memref<40x128xf32, #tpu.memory_space<vmem>>
      %dma_wait3A_89 = arith.constant 0 : i32
      %dma_wait3A_90 = tpu.memref_slice %arg17[%add3A_17, %dma_wait3A_89] : memref<2688x128xf32, #tpu.memory_space<vmem_shared>> -> memref<40x128xf32, #tpu.memory_space<vmem_shared>>
      %dma_wait3A_91 = arith.constant 0 : i32
      %dma_wait3A_92 = tpu.memref_slice %arg17[%add3A_17, %dma_wait3A_91] : memref<2688x128xf32, #tpu.memory_space<vmem_shared>> -> memref<40x128xf32, #tpu.memory_space<vmem_shared>>
      %dma_wait3A_93 = arith.constant 0 : i32
      %dma_wait3A_94 = arith.constant 0 : i32
      %dma_wait3A_95 = tpu.memref_slice %arg14[%dma_wait3A_93, %dma_wait3A_94] : memref<128x128xf32, #tpu.memory_space<vmem>> -> memref<40x128xf32, #tpu.memory_space<vmem>>
      tpu.wait_dma2 semaphore(%run_scoped3A : memref<!tpu.dma_semaphore, #tpu.memory_space<semaphore_mem>>) src(%dma_wait3A_95 : memref<40x128xf32, #tpu.memory_space<vmem>>) dst(%dma_wait3A_92 : memref<40x128xf32, #tpu.memory_space<vmem_shared>>)
      tpu.yield
    }) : () -> ()
    %add3A_18 = arith.constant 128 : i32
    %add3A_19 = arith.addi %mul3A_7, %add3A_18 : i32
    "tpu.region"() ({
      %run_scoped3A = tpu.sem_alloc : memref<!tpu.dma_semaphore, #tpu.memory_space<semaphore_mem>>
      %dma_start3A = arith.constant 0 : i32
      %dma_start3A_78 = arith.constant 0 : i32
      %dma_start3A_79 = tpu.memref_slice %arg15[%dma_start3A, %dma_start3A_78] : memref<128x128xf32, #tpu.memory_space<vmem>> -> memref<40x128xf32, #tpu.memory_space<vmem>>
      %dma_start3A_80 = arith.constant 0 : i32
      %dma_start3A_81 = tpu.memref_slice %arg18[%add3A_19, %dma_start3A_80] : memref<2688x128xf32, #tpu.memory_space<vmem_shared>> -> memref<40x128xf32, #tpu.memory_space<vmem_shared>>
      %dma_start3A_82 = arith.constant 0 : i32
      %dma_start3A_83 = tpu.memref_slice %arg18[%add3A_19, %dma_start3A_82] : memref<2688x128xf32, #tpu.memory_space<vmem_shared>> -> memref<40x128xf32, #tpu.memory_space<vmem_shared>>
      %dma_start3A_84 = arith.constant 0 : i32
      %dma_start3A_85 = arith.constant 0 : i32
      %dma_start3A_86 = tpu.memref_slice %arg15[%dma_start3A_84, %dma_start3A_85] : memref<128x128xf32, #tpu.memory_space<vmem>> -> memref<40x128xf32, #tpu.memory_space<vmem>>
      tpu.enqueue_dma source(%dma_start3A_86 : memref<40x128xf32, #tpu.memory_space<vmem>>) target(%dma_start3A_83 : memref<40x128xf32, #tpu.memory_space<vmem_shared>>) target_semaphore(%run_scoped3A : memref<!tpu.dma_semaphore, #tpu.memory_space<semaphore_mem>>)
      %dma_wait3A = arith.constant 0 : i32
      %dma_wait3A_87 = arith.constant 0 : i32
      %dma_wait3A_88 = tpu.memref_slice %arg15[%dma_wait3A, %dma_wait3A_87] : memref<128x128xf32, #tpu.memory_space<vmem>> -> memref<40x128xf32, #tpu.memory_space<vmem>>
      %dma_wait3A_89 = arith.constant 0 : i32
      %dma_wait3A_90 = tpu.memref_slice %arg18[%add3A_19, %dma_wait3A_89] : memref<2688x128xf32, #tpu.memory_space<vmem_shared>> -> memref<40x128xf32, #tpu.memory_space<vmem_shared>>
      %dma_wait3A_91 = arith.constant 0 : i32
      %dma_wait3A_92 = tpu.memref_slice %arg18[%add3A_19, %dma_wait3A_91] : memref<2688x128xf32, #tpu.memory_space<vmem_shared>> -> memref<40x128xf32, #tpu.memory_space<vmem_shared>>
      %dma_wait3A_93 = arith.constant 0 : i32
      %dma_wait3A_94 = arith.constant 0 : i32
      %dma_wait3A_95 = tpu.memref_slice %arg15[%dma_wait3A_93, %dma_wait3A_94] : memref<128x128xf32, #tpu.memory_space<vmem>> -> memref<40x128xf32, #tpu.memory_space<vmem>>
      tpu.wait_dma2 semaphore(%run_scoped3A : memref<!tpu.dma_semaphore, #tpu.memory_space<semaphore_mem>>) src(%dma_wait3A_95 : memref<40x128xf32, #tpu.memory_space<vmem>>) dst(%dma_wait3A_92 : memref<40x128xf32, #tpu.memory_space<vmem_shared>>)
      tpu.yield
    }) : () -> ()
    %barrier3A = arith.constant 0 : index
    tpu.barrier barrier_id(%barrier3A)
    %scan3A = arith.constant 0 : i32
    %scan3A_20 = arith.constant 250 : i32
    %scan3A_21 = arith.addi %scan3A, %scan3A_20 : i32
    %scan3A_22 = arith.constant 1 : i32
    scf.for %scan3A_78 = %scan3A to %scan3A_21 step %scan3A_22  : i32 {
      %mul3A_79 = arith.constant 1 : i32
      %mul3A_80 = arith.muli %scan3A_78, %mul3A_79 : i32
      %add3A_81 = arith.constant 0 : i32
      %add3A_82 = arith.addi %add3A_81, %mul3A_80 : i32
      %add3A_83 = arith.addi %mul3A_0, %add3A_82 : i32
      %mul3A_84 = arith.constant 80 : i32
      %mul3A_85 = arith.muli %add3A_83, %mul3A_84 : i32
      %add3A_86 = arith.addi %mul3A_5, %mul3A_85 : i32
      "tpu.region"() ({
        %run_scoped3A = tpu.sem_alloc : memref<!tpu.dma_semaphore, #tpu.memory_space<semaphore_mem>>
        %dma_start3A = tpu.memref_slice %arg4[%add3A_86] : memref<1280000xi32, #tpu.memory_space<hbm>> -> memref<80xi32, #tpu.memory_space<hbm>>
        %dma_start3A_87 = tpu.memref_slice %arg4[%add3A_86] : memref<1280000xi32, #tpu.memory_space<hbm>> -> memref<80xi32, #tpu.memory_space<hbm>>
        tpu.enqueue_dma source(%dma_start3A_87 : memref<80xi32, #tpu.memory_space<hbm>>) target(%arg11 : memref<80xi32, #tpu.memory_space<vmem>>) target_semaphore(%run_scoped3A : memref<!tpu.dma_semaphore, #tpu.memory_space<semaphore_mem>>)
        %dma_wait3A = tpu.memref_slice %arg4[%add3A_86] : memref<1280000xi32, #tpu.memory_space<hbm>> -> memref<80xi32, #tpu.memory_space<hbm>>
        %dma_wait3A_88 = tpu.memref_slice %arg4[%add3A_86] : memref<1280000xi32, #tpu.memory_space<hbm>> -> memref<80xi32, #tpu.memory_space<hbm>>
        tpu.wait_dma2 semaphore(%run_scoped3A : memref<!tpu.dma_semaphore, #tpu.memory_space<semaphore_mem>>) src(%dma_wait3A_88 : memref<80xi32, #tpu.memory_space<hbm>>) dst(%arg11 : memref<80xi32, #tpu.memory_space<vmem>>)
        tpu.yield
      }) : () -> ()
      "tpu.region"() ({
        %run_scoped3A = tpu.sem_alloc : memref<!tpu.dma_semaphore, #tpu.memory_space<semaphore_mem>>
        %dma_start3A = arith.constant 0 : i32
        %dma_start3A_87 = tpu.memref_slice %arg2[%mul3A_85, %dma_start3A] : memref<320000x128xf32, #tpu.memory_space<hbm>> -> memref<80x128xf32, #tpu.memory_space<hbm>>
        %dma_start3A_88 = arith.constant 0 : i32
        %dma_start3A_89 = tpu.memref_slice %arg2[%mul3A_85, %dma_start3A_88] : memref<320000x128xf32, #tpu.memory_space<hbm>> -> memref<80x128xf32, #tpu.memory_space<hbm>>
        tpu.enqueue_dma source(%dma_start3A_89 : memref<80x128xf32, #tpu.memory_space<hbm>>) target(%arg12 : memref<80x128xf32, #tpu.memory_space<vmem>>) target_semaphore(%run_scoped3A : memref<!tpu.dma_semaphore, #tpu.memory_space<semaphore_mem>>)
        %dma_wait3A = arith.constant 0 : i32
        %dma_wait3A_90 = tpu.memref_slice %arg2[%mul3A_85, %dma_wait3A] : memref<320000x128xf32, #tpu.memory_space<hbm>> -> memref<80x128xf32, #tpu.memory_space<hbm>>
        %dma_wait3A_91 = arith.constant 0 : i32
        %dma_wait3A_92 = tpu.memref_slice %arg2[%mul3A_85, %dma_wait3A_91] : memref<320000x128xf32, #tpu.memory_space<hbm>> -> memref<80x128xf32, #tpu.memory_space<hbm>>
        tpu.wait_dma2 semaphore(%run_scoped3A : memref<!tpu.dma_semaphore, #tpu.memory_space<semaphore_mem>>) src(%dma_wait3A_92 : memref<80x128xf32, #tpu.memory_space<hbm>>) dst(%arg12 : memref<80x128xf32, #tpu.memory_space<vmem>>)
        tpu.yield
      }) : () -> ()
      "tpu.region"() ({
        %run_scoped3A = tpu.sem_alloc : memref<!tpu.dma_semaphore, #tpu.memory_space<semaphore_mem>>
        %dma_start3A = arith.constant 0 : i32
        %dma_start3A_87 = arith.constant 0 : i32
        %dma_start3A_88 = tpu.memref_slice %arg16[%dma_start3A, %dma_start3A_87] : memref<2688x128xf32, #tpu.memory_space<vmem_shared>> -> memref<2688x128xf32, #tpu.memory_space<vmem_shared>>
        tpu.enqueue_indirect_dma source(%arg12 : memref<80x128xf32, #tpu.memory_space<vmem>>) target(%dma_start3A_88 : memref<2688x128xf32, #tpu.memory_space<vmem_shared>>) offsets(%arg11 : memref<80xi32, #tpu.memory_space<vmem>>) semaphore(%run_scoped3A : memref<!tpu.dma_semaphore, #tpu.memory_space<semaphore_mem>>) {add = true}
        %dma_wait3A = arith.constant 0 : i32
        %dma_wait3A_89 = arith.constant 0 : i32
        %dma_wait3A_90 = tpu.memref_slice %arg16[%dma_wait3A, %dma_wait3A_89] : memref<2688x128xf32, #tpu.memory_space<vmem_shared>> -> memref<2688x128xf32, #tpu.memory_space<vmem_shared>>
        tpu.wait_indirect_dma semaphore(%run_scoped3A : memref<!tpu.dma_semaphore, #tpu.memory_space<semaphore_mem>>) src(%arg12 : memref<80x128xf32, #tpu.memory_space<vmem>>) dst(%dma_wait3A_90 : memref<2688x128xf32, #tpu.memory_space<vmem_shared>>)
        tpu.yield
      }) : () -> ()
      "tpu.region"() ({
        %run_scoped3A = tpu.sem_alloc : memref<!tpu.dma_semaphore, #tpu.memory_space<semaphore_mem>>
        %dma_start3A = arith.constant 0 : i32
        %dma_start3A_87 = tpu.memref_slice %arg3[%mul3A_85, %dma_start3A] : memref<320000x128xf32, #tpu.memory_space<hbm>> -> memref<80x128xf32, #tpu.memory_space<hbm>>
        %dma_start3A_88 = arith.constant 0 : i32
        %dma_start3A_89 = tpu.memref_slice %arg3[%mul3A_85, %dma_start3A_88] : memref<320000x128xf32, #tpu.memory_space<hbm>> -> memref<80x128xf32, #tpu.memory_space<hbm>>
        tpu.enqueue_dma source(%dma_start3A_89 : memref<80x128xf32, #tpu.memory_space<hbm>>) target(%arg12 : memref<80x128xf32, #tpu.memory_space<vmem>>) target_semaphore(%run_scoped3A : memref<!tpu.dma_semaphore, #tpu.memory_space<semaphore_mem>>)
        %dma_wait3A = arith.constant 0 : i32
        %dma_wait3A_90 = tpu.memref_slice %arg3[%mul3A_85, %dma_wait3A] : memref<320000x128xf32, #tpu.memory_space<hbm>> -> memref<80x128xf32, #tpu.memory_space<hbm>>
        %dma_wait3A_91 = arith.constant 0 : i32
        %dma_wait3A_92 = tpu.memref_slice %arg3[%mul3A_85, %dma_wait3A_91] : memref<320000x128xf32, #tpu.memory_space<hbm>> -> memref<80x128xf32, #tpu.memory_space<hbm>>
        tpu.wait_dma2 semaphore(%run_scoped3A : memref<!tpu.dma_semaphore, #tpu.memory_space<semaphore_mem>>) src(%dma_wait3A_92 : memref<80x128xf32, #tpu.memory_space<hbm>>) dst(%arg12 : memref<80x128xf32, #tpu.memory_space<vmem>>)
        tpu.yield
      }) : () -> ()
      "tpu.region"() ({
        %run_scoped3A = tpu.sem_alloc : memref<!tpu.dma_semaphore, #tpu.memory_space<semaphore_mem>>
        %dma_start3A = arith.constant 0 : i32
        %dma_start3A_87 = arith.constant 0 : i32
        %dma_start3A_88 = tpu.memref_slice %arg17[%dma_start3A, %dma_start3A_87] : memref<2688x128xf32, #tpu.memory_space<vmem_shared>> -> memref<2688x128xf32, #tpu.memory_space<vmem_shared>>
        tpu.enqueue_indirect_dma source(%arg12 : memref<80x128xf32, #tpu.memory_space<vmem>>) target(%dma_start3A_88 : memref<2688x128xf32, #tpu.memory_space<vmem_shared>>) offsets(%arg11 : memref<80xi32, #tpu.memory_space<vmem>>) semaphore(%run_scoped3A : memref<!tpu.dma_semaphore, #tpu.memory_space<semaphore_mem>>) {add = true}
        %dma_wait3A = arith.constant 0 : i32
        %dma_wait3A_89 = arith.constant 0 : i32
        %dma_wait3A_90 = tpu.memref_slice %arg17[%dma_wait3A, %dma_wait3A_89] : memref<2688x128xf32, #tpu.memory_space<vmem_shared>> -> memref<2688x128xf32, #tpu.memory_space<vmem_shared>>
        tpu.wait_indirect_dma semaphore(%run_scoped3A : memref<!tpu.dma_semaphore, #tpu.memory_space<semaphore_mem>>) src(%arg12 : memref<80x128xf32, #tpu.memory_space<vmem>>) dst(%dma_wait3A_90 : memref<2688x128xf32, #tpu.memory_space<vmem_shared>>)
        tpu.yield
      }) : () -> ()
      "tpu.region"() ({
        %run_scoped3A = tpu.sem_alloc : memref<!tpu.dma_semaphore, #tpu.memory_space<semaphore_mem>>
        %dma_start3A = arith.constant 0 : i32
        %dma_start3A_87 = arith.constant 0 : i32
        %dma_start3A_88 = tpu.memref_slice %arg18[%dma_start3A, %dma_start3A_87] : memref<2688x128xf32, #tpu.memory_space<vmem_shared>> -> memref<2688x128xf32, #tpu.memory_space<vmem_shared>>
        tpu.enqueue_indirect_dma source(%arg13 : memref<80x128xf32, #tpu.memory_space<vmem>>) target(%dma_start3A_88 : memref<2688x128xf32, #tpu.memory_space<vmem_shared>>) offsets(%arg11 : memref<80xi32, #tpu.memory_space<vmem>>) semaphore(%run_scoped3A : memref<!tpu.dma_semaphore, #tpu.memory_space<semaphore_mem>>) {add = true}
        %dma_wait3A = arith.constant 0 : i32
        %dma_wait3A_89 = arith.constant 0 : i32
        %dma_wait3A_90 = tpu.memref_slice %arg18[%dma_wait3A, %dma_wait3A_89] : memref<2688x128xf32, #tpu.memory_space<vmem_shared>> -> memref<2688x128xf32, #tpu.memory_space<vmem_shared>>
        tpu.wait_indirect_dma semaphore(%run_scoped3A : memref<!tpu.dma_semaphore, #tpu.memory_space<semaphore_mem>>) src(%arg13 : memref<80x128xf32, #tpu.memory_space<vmem>>) dst(%dma_wait3A_90 : memref<2688x128xf32, #tpu.memory_space<vmem_shared>>)
        tpu.yield
      }) : () -> ()
    }
    %scan3A_23 = arith.constant 250 : i32
    %barrier3A_24 = arith.constant 0 : index
    tpu.barrier barrier_id(%barrier3A_24)
    %mul3A_25 = arith.constant 160 : i32
    %mul3A_26 = arith.muli %arg1, %mul3A_25 : i32
    %add3A_27 = arith.constant 0 : i32
    %add3A_28 = arith.addi %mul3A_26, %add3A_27 : i32
    %add3A_29 = arith.addi %mul3A_3, %mul3A_26 : i32
    %add3A_30 = arith.constant 0 : i32
    %add3A_31 = arith.addi %add3A_29, %add3A_30 : i32
    "tpu.region"() ({
      %run_scoped3A = tpu.sem_alloc : memref<!tpu.dma_semaphore, #tpu.memory_space<semaphore_mem>>
      %dma_start3A = arith.constant 0 : i32
      %dma_start3A_78 = arith.constant 0 : i32
      %dma_start3A_79 = tpu.memref_slice %arg14[%dma_start3A, %dma_start3A_78] : memref<128x128xf32, #tpu.memory_space<vmem>> -> memref<128x128xf32, #tpu.memory_space<vmem>>
      %dma_start3A_80 = arith.constant 0 : i32
      %dma_start3A_81 = tpu.memref_slice %arg16[%add3A_28, %dma_start3A_80] : memref<2688x128xf32, #tpu.memory_space<vmem_shared>> -> memref<128x128xf32, #tpu.memory_space<vmem_shared>>
      %dma_start3A_82 = arith.constant 0 : i32
      %dma_start3A_83 = arith.constant 0 : i32
      %dma_start3A_84 = tpu.memref_slice %arg14[%dma_start3A_82, %dma_start3A_83] : memref<128x128xf32, #tpu.memory_space<vmem>> -> memref<128x128xf32, #tpu.memory_space<vmem>>
      %dma_start3A_85 = arith.constant 0 : i32
      %dma_start3A_86 = tpu.memref_slice %arg16[%add3A_28, %dma_start3A_85] : memref<2688x128xf32, #tpu.memory_space<vmem_shared>> -> memref<128x128xf32, #tpu.memory_space<vmem_shared>>
      tpu.enqueue_dma source(%dma_start3A_86 : memref<128x128xf32, #tpu.memory_space<vmem_shared>>) target(%dma_start3A_84 : memref<128x128xf32, #tpu.memory_space<vmem>>) target_semaphore(%run_scoped3A : memref<!tpu.dma_semaphore, #tpu.memory_space<semaphore_mem>>)
      %dma_wait3A = arith.constant 0 : i32
      %dma_wait3A_87 = arith.constant 0 : i32
      %dma_wait3A_88 = tpu.memref_slice %arg14[%dma_wait3A, %dma_wait3A_87] : memref<128x128xf32, #tpu.memory_space<vmem>> -> memref<128x128xf32, #tpu.memory_space<vmem>>
      %dma_wait3A_89 = arith.constant 0 : i32
      %dma_wait3A_90 = tpu.memref_slice %arg16[%add3A_28, %dma_wait3A_89] : memref<2688x128xf32, #tpu.memory_space<vmem_shared>> -> memref<128x128xf32, #tpu.memory_space<vmem_shared>>
      %dma_wait3A_91 = arith.constant 0 : i32
      %dma_wait3A_92 = arith.constant 0 : i32
      %dma_wait3A_93 = tpu.memref_slice %arg14[%dma_wait3A_91, %dma_wait3A_92] : memref<128x128xf32, #tpu.memory_space<vmem>> -> memref<128x128xf32, #tpu.memory_space<vmem>>
      %dma_wait3A_94 = arith.constant 0 : i32
      %dma_wait3A_95 = tpu.memref_slice %arg16[%add3A_28, %dma_wait3A_94] : memref<2688x128xf32, #tpu.memory_space<vmem_shared>> -> memref<128x128xf32, #tpu.memory_space<vmem_shared>>
      tpu.wait_dma2 semaphore(%run_scoped3A : memref<!tpu.dma_semaphore, #tpu.memory_space<semaphore_mem>>) src(%dma_wait3A_95 : memref<128x128xf32, #tpu.memory_space<vmem_shared>>) dst(%dma_wait3A_93 : memref<128x128xf32, #tpu.memory_space<vmem>>)
      tpu.yield
    }) : () -> ()
    "tpu.region"() ({
      %run_scoped3A = tpu.sem_alloc : memref<!tpu.dma_semaphore, #tpu.memory_space<semaphore_mem>>
      %dma_start3A = arith.constant 0 : i32
      %dma_start3A_78 = arith.constant 0 : i32
      %dma_start3A_79 = tpu.memref_slice %arg14[%dma_start3A, %dma_start3A_78] : memref<128x128xf32, #tpu.memory_space<vmem>> -> memref<128x128xf32, #tpu.memory_space<vmem>>
      %dma_start3A_80 = arith.constant 0 : i32
      %dma_start3A_81 = tpu.memref_slice %arg8[%add3A_31, %dma_start3A_80] : memref<10240x128xf32, #tpu.memory_space<hbm>> -> memref<128x128xf32, #tpu.memory_space<hbm>>
      %dma_start3A_82 = arith.constant 0 : i32
      %dma_start3A_83 = tpu.memref_slice %arg8[%add3A_31, %dma_start3A_82] : memref<10240x128xf32, #tpu.memory_space<hbm>> -> memref<128x128xf32, #tpu.memory_space<hbm>>
      %dma_start3A_84 = arith.constant 0 : i32
      %dma_start3A_85 = arith.constant 0 : i32
      %dma_start3A_86 = tpu.memref_slice %arg14[%dma_start3A_84, %dma_start3A_85] : memref<128x128xf32, #tpu.memory_space<vmem>> -> memref<128x128xf32, #tpu.memory_space<vmem>>
      tpu.enqueue_dma source(%dma_start3A_86 : memref<128x128xf32, #tpu.memory_space<vmem>>) target(%dma_start3A_83 : memref<128x128xf32, #tpu.memory_space<hbm>>) target_semaphore(%run_scoped3A : memref<!tpu.dma_semaphore, #tpu.memory_space<semaphore_mem>>)
      %dma_wait3A = arith.constant 0 : i32
      %dma_wait3A_87 = arith.constant 0 : i32
      %dma_wait3A_88 = tpu.memref_slice %arg14[%dma_wait3A, %dma_wait3A_87] : memref<128x128xf32, #tpu.memory_space<vmem>> -> memref<128x128xf32, #tpu.memory_space<vmem>>
      %dma_wait3A_89 = arith.constant 0 : i32
      %dma_wait3A_90 = tpu.memref_slice %arg8[%add3A_31, %dma_wait3A_89] : memref<10240x128xf32, #tpu.memory_space<hbm>> -> memref<128x128xf32, #tpu.memory_space<hbm>>
      %dma_wait3A_91 = arith.constant 0 : i32
      %dma_wait3A_92 = tpu.memref_slice %arg8[%add3A_31, %dma_wait3A_91] : memref<10240x128xf32, #tpu.memory_space<hbm>> -> memref<128x128xf32, #tpu.memory_space<hbm>>
      %dma_wait3A_93 = arith.constant 0 : i32
      %dma_wait3A_94 = arith.constant 0 : i32
      %dma_wait3A_95 = tpu.memref_slice %arg14[%dma_wait3A_93, %dma_wait3A_94] : memref<128x128xf32, #tpu.memory_space<vmem>> -> memref<128x128xf32, #tpu.memory_space<vmem>>
      tpu.wait_dma2 semaphore(%run_scoped3A : memref<!tpu.dma_semaphore, #tpu.memory_space<semaphore_mem>>) src(%dma_wait3A_95 : memref<128x128xf32, #tpu.memory_space<vmem>>) dst(%dma_wait3A_92 : memref<128x128xf32, #tpu.memory_space<hbm>>)
      tpu.yield
    }) : () -> ()
    "tpu.region"() ({
      %run_scoped3A = tpu.sem_alloc : memref<!tpu.dma_semaphore, #tpu.memory_space<semaphore_mem>>
      %dma_start3A = arith.constant 0 : i32
      %dma_start3A_78 = arith.constant 0 : i32
      %dma_start3A_79 = tpu.memref_slice %arg14[%dma_start3A, %dma_start3A_78] : memref<128x128xf32, #tpu.memory_space<vmem>> -> memref<128x128xf32, #tpu.memory_space<vmem>>
      %dma_start3A_80 = arith.constant 0 : i32
      %dma_start3A_81 = tpu.memref_slice %arg17[%add3A_28, %dma_start3A_80] : memref<2688x128xf32, #tpu.memory_space<vmem_shared>> -> memref<128x128xf32, #tpu.memory_space<vmem_shared>>
      %dma_start3A_82 = arith.constant 0 : i32
      %dma_start3A_83 = arith.constant 0 : i32
      %dma_start3A_84 = tpu.memref_slice %arg14[%dma_start3A_82, %dma_start3A_83] : memref<128x128xf32, #tpu.memory_space<vmem>> -> memref<128x128xf32, #tpu.memory_space<vmem>>
      %dma_start3A_85 = arith.constant 0 : i32
      %dma_start3A_86 = tpu.memref_slice %arg17[%add3A_28, %dma_start3A_85] : memref<2688x128xf32, #tpu.memory_space<vmem_shared>> -> memref<128x128xf32, #tpu.memory_space<vmem_shared>>
      tpu.enqueue_dma source(%dma_start3A_86 : memref<128x128xf32, #tpu.memory_space<vmem_shared>>) target(%dma_start3A_84 : memref<128x128xf32, #tpu.memory_space<vmem>>) target_semaphore(%run_scoped3A : memref<!tpu.dma_semaphore, #tpu.memory_space<semaphore_mem>>)
      %dma_wait3A = arith.constant 0 : i32
      %dma_wait3A_87 = arith.constant 0 : i32
      %dma_wait3A_88 = tpu.memref_slice %arg14[%dma_wait3A, %dma_wait3A_87] : memref<128x128xf32, #tpu.memory_space<vmem>> -> memref<128x128xf32, #tpu.memory_space<vmem>>
      %dma_wait3A_89 = arith.constant 0 : i32
      %dma_wait3A_90 = tpu.memref_slice %arg17[%add3A_28, %dma_wait3A_89] : memref<2688x128xf32, #tpu.memory_space<vmem_shared>> -> memref<128x128xf32, #tpu.memory_space<vmem_shared>>
      %dma_wait3A_91 = arith.constant 0 : i32
      %dma_wait3A_92 = arith.constant 0 : i32
      %dma_wait3A_93 = tpu.memref_slice %arg14[%dma_wait3A_91, %dma_wait3A_92] : memref<128x128xf32, #tpu.memory_space<vmem>> -> memref<128x128xf32, #tpu.memory_space<vmem>>
      %dma_wait3A_94 = arith.constant 0 : i32
      %dma_wait3A_95 = tpu.memref_slice %arg17[%add3A_28, %dma_wait3A_94] : memref<2688x128xf32, #tpu.memory_space<vmem_shared>> -> memref<128x128xf32, #tpu.memory_space<vmem_shared>>
      tpu.wait_dma2 semaphore(%run_scoped3A : memref<!tpu.dma_semaphore, #tpu.memory_space<semaphore_mem>>) src(%dma_wait3A_95 : memref<128x128xf32, #tpu.memory_space<vmem_shared>>) dst(%dma_wait3A_93 : memref<128x128xf32, #tpu.memory_space<vmem>>)
      tpu.yield
    }) : () -> ()
    "tpu.region"() ({
      %run_scoped3A = tpu.sem_alloc : memref<!tpu.dma_semaphore, #tpu.memory_space<semaphore_mem>>
      %dma_start3A = arith.constant 0 : i32
      %dma_start3A_78 = arith.constant 0 : i32
      %dma_start3A_79 = tpu.memref_slice %arg14[%dma_start3A, %dma_start3A_78] : memref<128x128xf32, #tpu.memory_space<vmem>> -> memref<128x128xf32, #tpu.memory_space<vmem>>
      %dma_start3A_80 = arith.constant 0 : i32
      %dma_start3A_81 = tpu.memref_slice %arg9[%add3A_31, %dma_start3A_80] : memref<10240x128xf32, #tpu.memory_space<hbm>> -> memref<128x128xf32, #tpu.memory_space<hbm>>
      %dma_start3A_82 = arith.constant 0 : i32
      %dma_start3A_83 = tpu.memref_slice %arg9[%add3A_31, %dma_start3A_82] : memref<10240x128xf32, #tpu.memory_space<hbm>> -> memref<128x128xf32, #tpu.memory_space<hbm>>
      %dma_start3A_84 = arith.constant 0 : i32
      %dma_start3A_85 = arith.constant 0 : i32
      %dma_start3A_86 = tpu.memref_slice %arg14[%dma_start3A_84, %dma_start3A_85] : memref<128x128xf32, #tpu.memory_space<vmem>> -> memref<128x128xf32, #tpu.memory_space<vmem>>
      tpu.enqueue_dma source(%dma_start3A_86 : memref<128x128xf32, #tpu.memory_space<vmem>>) target(%dma_start3A_83 : memref<128x128xf32, #tpu.memory_space<hbm>>) target_semaphore(%run_scoped3A : memref<!tpu.dma_semaphore, #tpu.memory_space<semaphore_mem>>)
      %dma_wait3A = arith.constant 0 : i32
      %dma_wait3A_87 = arith.constant 0 : i32
      %dma_wait3A_88 = tpu.memref_slice %arg14[%dma_wait3A, %dma_wait3A_87] : memref<128x128xf32, #tpu.memory_space<vmem>> -> memref<128x128xf32, #tpu.memory_space<vmem>>
      %dma_wait3A_89 = arith.constant 0 : i32
      %dma_wait3A_90 = tpu.memref_slice %arg9[%add3A_31, %dma_wait3A_89] : memref<10240x128xf32, #tpu.memory_space<hbm>> -> memref<128x128xf32, #tpu.memory_space<hbm>>
      %dma_wait3A_91 = arith.constant 0 : i32
      %dma_wait3A_92 = tpu.memref_slice %arg9[%add3A_31, %dma_wait3A_91] : memref<10240x128xf32, #tpu.memory_space<hbm>> -> memref<128x128xf32, #tpu.memory_space<hbm>>
      %dma_wait3A_93 = arith.constant 0 : i32
      %dma_wait3A_94 = arith.constant 0 : i32
      %dma_wait3A_95 = tpu.memref_slice %arg14[%dma_wait3A_93, %dma_wait3A_94] : memref<128x128xf32, #tpu.memory_space<vmem>> -> memref<128x128xf32, #tpu.memory_space<vmem>>
      tpu.wait_dma2 semaphore(%run_scoped3A : memref<!tpu.dma_semaphore, #tpu.memory_space<semaphore_mem>>) src(%dma_wait3A_95 : memref<128x128xf32, #tpu.memory_space<vmem>>) dst(%dma_wait3A_92 : memref<128x128xf32, #tpu.memory_space<hbm>>)
      tpu.yield
    }) : () -> ()
    "tpu.region"() ({
      %run_scoped3A = tpu.sem_alloc : memref<!tpu.dma_semaphore, #tpu.memory_space<semaphore_mem>>
      %dma_start3A = arith.constant 0 : i32
      %dma_start3A_78 = arith.constant 0 : i32
      %dma_start3A_79 = tpu.memref_slice %arg15[%dma_start3A, %dma_start3A_78] : memref<128x128xf32, #tpu.memory_space<vmem>> -> memref<128x128xf32, #tpu.memory_space<vmem>>
      %dma_start3A_80 = arith.constant 0 : i32
      %dma_start3A_81 = tpu.memref_slice %arg18[%add3A_28, %dma_start3A_80] : memref<2688x128xf32, #tpu.memory_space<vmem_shared>> -> memref<128x128xf32, #tpu.memory_space<vmem_shared>>
      %dma_start3A_82 = arith.constant 0 : i32
      %dma_start3A_83 = arith.constant 0 : i32
      %dma_start3A_84 = tpu.memref_slice %arg15[%dma_start3A_82, %dma_start3A_83] : memref<128x128xf32, #tpu.memory_space<vmem>> -> memref<128x128xf32, #tpu.memory_space<vmem>>
      %dma_start3A_85 = arith.constant 0 : i32
      %dma_start3A_86 = tpu.memref_slice %arg18[%add3A_28, %dma_start3A_85] : memref<2688x128xf32, #tpu.memory_space<vmem_shared>> -> memref<128x128xf32, #tpu.memory_space<vmem_shared>>
      tpu.enqueue_dma source(%dma_start3A_86 : memref<128x128xf32, #tpu.memory_space<vmem_shared>>) target(%dma_start3A_84 : memref<128x128xf32, #tpu.memory_space<vmem>>) target_semaphore(%run_scoped3A : memref<!tpu.dma_semaphore, #tpu.memory_space<semaphore_mem>>)
      %dma_wait3A = arith.constant 0 : i32
      %dma_wait3A_87 = arith.constant 0 : i32
      %dma_wait3A_88 = tpu.memref_slice %arg15[%dma_wait3A, %dma_wait3A_87] : memref<128x128xf32, #tpu.memory_space<vmem>> -> memref<128x128xf32, #tpu.memory_space<vmem>>
      %dma_wait3A_89 = arith.constant 0 : i32
      %dma_wait3A_90 = tpu.memref_slice %arg18[%add3A_28, %dma_wait3A_89] : memref<2688x128xf32, #tpu.memory_space<vmem_shared>> -> memref<128x128xf32, #tpu.memory_space<vmem_shared>>
      %dma_wait3A_91 = arith.constant 0 : i32
      %dma_wait3A_92 = arith.constant 0 : i32
      %dma_wait3A_93 = tpu.memref_slice %arg15[%dma_wait3A_91, %dma_wait3A_92] : memref<128x128xf32, #tpu.memory_space<vmem>> -> memref<128x128xf32, #tpu.memory_space<vmem>>
      %dma_wait3A_94 = arith.constant 0 : i32
      %dma_wait3A_95 = tpu.memref_slice %arg18[%add3A_28, %dma_wait3A_94] : memref<2688x128xf32, #tpu.memory_space<vmem_shared>> -> memref<128x128xf32, #tpu.memory_space<vmem_shared>>
      tpu.wait_dma2 semaphore(%run_scoped3A : memref<!tpu.dma_semaphore, #tpu.memory_space<semaphore_mem>>) src(%dma_wait3A_95 : memref<128x128xf32, #tpu.memory_space<vmem_shared>>) dst(%dma_wait3A_93 : memref<128x128xf32, #tpu.memory_space<vmem>>)
      tpu.yield
    }) : () -> ()
    "tpu.region"() ({
      %run_scoped3A = tpu.sem_alloc : memref<!tpu.dma_semaphore, #tpu.memory_space<semaphore_mem>>
      %dma_start3A = arith.constant 0 : i32
      %dma_start3A_78 = arith.constant 0 : i32
      %dma_start3A_79 = tpu.memref_slice %arg15[%dma_start3A, %dma_start3A_78] : memref<128x128xf32, #tpu.memory_space<vmem>> -> memref<128x128xf32, #tpu.memory_space<vmem>>
      %dma_start3A_80 = arith.constant 0 : i32
      %dma_start3A_81 = tpu.memref_slice %arg10[%add3A_31, %dma_start3A_80] : memref<10240x128xf32, #tpu.memory_space<hbm>> -> memref<128x128xf32, #tpu.memory_space<hbm>>
      %dma_start3A_82 = arith.constant 0 : i32
      %dma_start3A_83 = tpu.memref_slice %arg10[%add3A_31, %dma_start3A_82] : memref<10240x128xf32, #tpu.memory_space<hbm>> -> memref<128x128xf32, #tpu.memory_space<hbm>>
      %dma_start3A_84 = arith.constant 0 : i32
      %dma_start3A_85 = arith.constant 0 : i32
      %dma_start3A_86 = tpu.memref_slice %arg15[%dma_start3A_84, %dma_start3A_85] : memref<128x128xf32, #tpu.memory_space<vmem>> -> memref<128x128xf32, #tpu.memory_space<vmem>>
      tpu.enqueue_dma source(%dma_start3A_86 : memref<128x128xf32, #tpu.memory_space<vmem>>) target(%dma_start3A_83 : memref<128x128xf32, #tpu.memory_space<hbm>>) target_semaphore(%run_scoped3A : memref<!tpu.dma_semaphore, #tpu.memory_space<semaphore_mem>>)
      %dma_wait3A = arith.constant 0 : i32
      %dma_wait3A_87 = arith.constant 0 : i32
      %dma_wait3A_88 = tpu.memref_slice %arg15[%dma_wait3A, %dma_wait3A_87] : memref<128x128xf32, #tpu.memory_space<vmem>> -> memref<128x128xf32, #tpu.memory_space<vmem>>
      %dma_wait3A_89 = arith.constant 0 : i32
      %dma_wait3A_90 = tpu.memref_slice %arg10[%add3A_31, %dma_wait3A_89] : memref<10240x128xf32, #tpu.memory_space<hbm>> -> memref<128x128xf32, #tpu.memory_space<hbm>>
      %dma_wait3A_91 = arith.constant 0 : i32
      %dma_wait3A_92 = tpu.memref_slice %arg10[%add3A_31, %dma_wait3A_91] : memref<10240x128xf32, #tpu.memory_space<hbm>> -> memref<128x128xf32, #tpu.memory_space<hbm>>
      %dma_wait3A_93 = arith.constant 0 : i32
      %dma_wait3A_94 = arith.constant 0 : i32
      %dma_wait3A_95 = tpu.memref_slice %arg15[%dma_wait3A_93, %dma_wait3A_94] : memref<128x128xf32, #tpu.memory_space<vmem>> -> memref<128x128xf32, #tpu.memory_space<vmem>>
      tpu.wait_dma2 semaphore(%run_scoped3A : memref<!tpu.dma_semaphore, #tpu.memory_space<semaphore_mem>>) src(%dma_wait3A_95 : memref<128x128xf32, #tpu.memory_space<vmem>>) dst(%dma_wait3A_92 : memref<128x128xf32, #tpu.memory_space<hbm>>)
      tpu.yield
    }) : () -> ()
    %add3A_32 = arith.constant 128 : i32
    %add3A_33 = arith.addi %mul3A_26, %add3A_32 : i32
    %add3A_34 = arith.addi %mul3A_3, %mul3A_26 : i32
    %add3A_35 = arith.constant 128 : i32
    %add3A_36 = arith.addi %add3A_34, %add3A_35 : i32
    "tpu.region"() ({
      %run_scoped3A = tpu.sem_alloc : memref<!tpu.dma_semaphore, #tpu.memory_space<semaphore_mem>>
      %dma_start3A = arith.constant 0 : i32
      %dma_start3A_78 = arith.constant 0 : i32
      %dma_start3A_79 = tpu.memref_slice %arg14[%dma_start3A, %dma_start3A_78] : memref<128x128xf32, #tpu.memory_space<vmem>> -> memref<32x128xf32, #tpu.memory_space<vmem>>
      %dma_start3A_80 = arith.constant 0 : i32
      %dma_start3A_81 = tpu.memref_slice %arg16[%add3A_33, %dma_start3A_80] : memref<2688x128xf32, #tpu.memory_space<vmem_shared>> -> memref<32x128xf32, #tpu.memory_space<vmem_shared>>
      %dma_start3A_82 = arith.constant 0 : i32
      %dma_start3A_83 = arith.constant 0 : i32
      %dma_start3A_84 = tpu.memref_slice %arg14[%dma_start3A_82, %dma_start3A_83] : memref<128x128xf32, #tpu.memory_space<vmem>> -> memref<32x128xf32, #tpu.memory_space<vmem>>
      %dma_start3A_85 = arith.constant 0 : i32
      %dma_start3A_86 = tpu.memref_slice %arg16[%add3A_33, %dma_start3A_85] : memref<2688x128xf32, #tpu.memory_space<vmem_shared>> -> memref<32x128xf32, #tpu.memory_space<vmem_shared>>
      tpu.enqueue_dma source(%dma_start3A_86 : memref<32x128xf32, #tpu.memory_space<vmem_shared>>) target(%dma_start3A_84 : memref<32x128xf32, #tpu.memory_space<vmem>>) target_semaphore(%run_scoped3A : memref<!tpu.dma_semaphore, #tpu.memory_space<semaphore_mem>>)
      %dma_wait3A = arith.constant 0 : i32
      %dma_wait3A_87 = arith.constant 0 : i32
      %dma_wait3A_88 = tpu.memref_slice %arg14[%dma_wait3A, %dma_wait3A_87] : memref<128x128xf32, #tpu.memory_space<vmem>> -> memref<32x128xf32, #tpu.memory_space<vmem>>
      %dma_wait3A_89 = arith.constant 0 : i32
      %dma_wait3A_90 = tpu.memref_slice %arg16[%add3A_33, %dma_wait3A_89] : memref<2688x128xf32, #tpu.memory_space<vmem_shared>> -> memref<32x128xf32, #tpu.memory_space<vmem_shared>>
      %dma_wait3A_91 = arith.constant 0 : i32
      %dma_wait3A_92 = arith.constant 0 : i32
      %dma_wait3A_93 = tpu.memref_slice %arg14[%dma_wait3A_91, %dma_wait3A_92] : memref<128x128xf32, #tpu.memory_space<vmem>> -> memref<32x128xf32, #tpu.memory_space<vmem>>
      %dma_wait3A_94 = arith.constant 0 : i32
      %dma_wait3A_95 = tpu.memref_slice %arg16[%add3A_33, %dma_wait3A_94] : memref<2688x128xf32, #tpu.memory_space<vmem_shared>> -> memref<32x128xf32, #tpu.memory_space<vmem_shared>>
      tpu.wait_dma2 semaphore(%run_scoped3A : memref<!tpu.dma_semaphore, #tpu.memory_space<semaphore_mem>>) src(%dma_wait3A_95 : memref<32x128xf32, #tpu.memory_space<vmem_shared>>) dst(%dma_wait3A_93 : memref<32x128xf32, #tpu.memory_space<vmem>>)
      tpu.yield
    }) : () -> ()
    "tpu.region"() ({
      %run_scoped3A = tpu.sem_alloc : memref<!tpu.dma_semaphore, #tpu.memory_space<semaphore_mem>>
      %dma_start3A = arith.constant 0 : i32
      %dma_start3A_78 = arith.constant 0 : i32
      %dma_start3A_79 = tpu.memref_slice %arg14[%dma_start3A, %dma_start3A_78] : memref<128x128xf32, #tpu.memory_space<vmem>> -> memref<32x128xf32, #tpu.memory_space<vmem>>
      %dma_start3A_80 = arith.constant 0 : i32
      %dma_start3A_81 = tpu.memref_slice %arg8[%add3A_36, %dma_start3A_80] : memref<10240x128xf32, #tpu.memory_space<hbm>> -> memref<32x128xf32, #tpu.memory_space<hbm>>
      %dma_start3A_82 = arith.constant 0 : i32
      %dma_start3A_83 = tpu.memref_slice %arg8[%add3A_36, %dma_start3A_82] : memref<10240x128xf32, #tpu.memory_space<hbm>> -> memref<32x128xf32, #tpu.memory_space<hbm>>
      %dma_start3A_84 = arith.constant 0 : i32
      %dma_start3A_85 = arith.constant 0 : i32
      %dma_start3A_86 = tpu.memref_slice %arg14[%dma_start3A_84, %dma_start3A_85] : memref<128x128xf32, #tpu.memory_space<vmem>> -> memref<32x128xf32, #tpu.memory_space<vmem>>
      tpu.enqueue_dma source(%dma_start3A_86 : memref<32x128xf32, #tpu.memory_space<vmem>>) target(%dma_start3A_83 : memref<32x128xf32, #tpu.memory_space<hbm>>) target_semaphore(%run_scoped3A : memref<!tpu.dma_semaphore, #tpu.memory_space<semaphore_mem>>)
      %dma_wait3A = arith.constant 0 : i32
      %dma_wait3A_87 = arith.constant 0 : i32
      %dma_wait3A_88 = tpu.memref_slice %arg14[%dma_wait3A, %dma_wait3A_87] : memref<128x128xf32, #tpu.memory_space<vmem>> -> memref<32x128xf32, #tpu.memory_space<vmem>>
      %dma_wait3A_89 = arith.constant 0 : i32
      %dma_wait3A_90 = tpu.memref_slice %arg8[%add3A_36, %dma_wait3A_89] : memref<10240x128xf32, #tpu.memory_space<hbm>> -> memref<32x128xf32, #tpu.memory_space<hbm>>
      %dma_wait3A_91 = arith.constant 0 : i32
      %dma_wait3A_92 = tpu.memref_slice %arg8[%add3A_36, %dma_wait3A_91] : memref<10240x128xf32, #tpu.memory_space<hbm>> -> memref<32x128xf32, #tpu.memory_space<hbm>>
      %dma_wait3A_93 = arith.constant 0 : i32
      %dma_wait3A_94 = arith.constant 0 : i32
      %dma_wait3A_95 = tpu.memref_slice %arg14[%dma_wait3A_93, %dma_wait3A_94] : memref<128x128xf32, #tpu.memory_space<vmem>> -> memref<32x128xf32, #tpu.memory_space<vmem>>
      tpu.wait_dma2 semaphore(%run_scoped3A : memref<!tpu.dma_semaphore, #tpu.memory_space<semaphore_mem>>) src(%dma_wait3A_95 : memref<32x128xf32, #tpu.memory_space<vmem>>) dst(%dma_wait3A_92 : memref<32x128xf32, #tpu.memory_space<hbm>>)
      tpu.yield
    }) : () -> ()
    "tpu.region"() ({
      %run_scoped3A = tpu.sem_alloc : memref<!tpu.dma_semaphore, #tpu.memory_space<semaphore_mem>>
      %dma_start3A = arith.constant 0 : i32
      %dma_start3A_78 = arith.constant 0 : i32
      %dma_start3A_79 = tpu.memref_slice %arg14[%dma_start3A, %dma_start3A_78] : memref<128x128xf32, #tpu.memory_space<vmem>> -> memref<32x128xf32, #tpu.memory_space<vmem>>
      %dma_start3A_80 = arith.constant 0 : i32
      %dma_start3A_81 = tpu.memref_slice %arg17[%add3A_33, %dma_start3A_80] : memref<2688x128xf32, #tpu.memory_space<vmem_shared>> -> memref<32x128xf32, #tpu.memory_space<vmem_shared>>
      %dma_start3A_82 = arith.constant 0 : i32
      %dma_start3A_83 = arith.constant 0 : i32
      %dma_start3A_84 = tpu.memref_slice %arg14[%dma_start3A_82, %dma_start3A_83] : memref<128x128xf32, #tpu.memory_space<vmem>> -> memref<32x128xf32, #tpu.memory_space<vmem>>
      %dma_start3A_85 = arith.constant 0 : i32
      %dma_start3A_86 = tpu.memref_slice %arg17[%add3A_33, %dma_start3A_85] : memref<2688x128xf32, #tpu.memory_space<vmem_shared>> -> memref<32x128xf32, #tpu.memory_space<vmem_shared>>
      tpu.enqueue_dma source(%dma_start3A_86 : memref<32x128xf32, #tpu.memory_space<vmem_shared>>) target(%dma_start3A_84 : memref<32x128xf32, #tpu.memory_space<vmem>>) target_semaphore(%run_scoped3A : memref<!tpu.dma_semaphore, #tpu.memory_space<semaphore_mem>>)
      %dma_wait3A = arith.constant 0 : i32
      %dma_wait3A_87 = arith.constant 0 : i32
      %dma_wait3A_88 = tpu.memref_slice %arg14[%dma_wait3A, %dma_wait3A_87] : memref<128x128xf32, #tpu.memory_space<vmem>> -> memref<32x128xf32, #tpu.memory_space<vmem>>
      %dma_wait3A_89 = arith.constant 0 : i32
      %dma_wait3A_90 = tpu.memref_slice %arg17[%add3A_33, %dma_wait3A_89] : memref<2688x128xf32, #tpu.memory_space<vmem_shared>> -> memref<32x128xf32, #tpu.memory_space<vmem_shared>>
      %dma_wait3A_91 = arith.constant 0 : i32
      %dma_wait3A_92 = arith.constant 0 : i32
      %dma_wait3A_93 = tpu.memref_slice %arg14[%dma_wait3A_91, %dma_wait3A_92] : memref<128x128xf32, #tpu.memory_space<vmem>> -> memref<32x128xf32, #tpu.memory_space<vmem>>
      %dma_wait3A_94 = arith.constant 0 : i32
      %dma_wait3A_95 = tpu.memref_slice %arg17[%add3A_33, %dma_wait3A_94] : memref<2688x128xf32, #tpu.memory_space<vmem_shared>> -> memref<32x128xf32, #tpu.memory_space<vmem_shared>>
      tpu.wait_dma2 semaphore(%run_scoped3A : memref<!tpu.dma_semaphore, #tpu.memory_space<semaphore_mem>>) src(%dma_wait3A_95 : memref<32x128xf32, #tpu.memory_space<vmem_shared>>) dst(%dma_wait3A_93 : memref<32x128xf32, #tpu.memory_space<vmem>>)
      tpu.yield
    }) : () -> ()
    "tpu.region"() ({
      %run_scoped3A = tpu.sem_alloc : memref<!tpu.dma_semaphore, #tpu.memory_space<semaphore_mem>>
      %dma_start3A = arith.constant 0 : i32
      %dma_start3A_78 = arith.constant 0 : i32
      %dma_start3A_79 = tpu.memref_slice %arg14[%dma_start3A, %dma_start3A_78] : memref<128x128xf32, #tpu.memory_space<vmem>> -> memref<32x128xf32, #tpu.memory_space<vmem>>
      %dma_start3A_80 = arith.constant 0 : i32
      %dma_start3A_81 = tpu.memref_slice %arg9[%add3A_36, %dma_start3A_80] : memref<10240x128xf32, #tpu.memory_space<hbm>> -> memref<32x128xf32, #tpu.memory_space<hbm>>
      %dma_start3A_82 = arith.constant 0 : i32
      %dma_start3A_83 = tpu.memref_slice %arg9[%add3A_36, %dma_start3A_82] : memref<10240x128xf32, #tpu.memory_space<hbm>> -> memref<32x128xf32, #tpu.memory_space<hbm>>
      %dma_start3A_84 = arith.constant 0 : i32
      %dma_start3A_85 = arith.constant 0 : i32
      %dma_start3A_86 = tpu.memref_slice %arg14[%dma_start3A_84, %dma_start3A_85] : memref<128x128xf32, #tpu.memory_space<vmem>> -> memref<32x128xf32, #tpu.memory_space<vmem>>
      tpu.enqueue_dma source(%dma_start3A_86 : memref<32x128xf32, #tpu.memory_space<vmem>>) target(%dma_start3A_83 : memref<32x128xf32, #tpu.memory_space<hbm>>) target_semaphore(%run_scoped3A : memref<!tpu.dma_semaphore, #tpu.memory_space<semaphore_mem>>)
      %dma_wait3A = arith.constant 0 : i32
      %dma_wait3A_87 = arith.constant 0 : i32
      %dma_wait3A_88 = tpu.memref_slice %arg14[%dma_wait3A, %dma_wait3A_87] : memref<128x128xf32, #tpu.memory_space<vmem>> -> memref<32x128xf32, #tpu.memory_space<vmem>>
      %dma_wait3A_89 = arith.constant 0 : i32
      %dma_wait3A_90 = tpu.memref_slice %arg9[%add3A_36, %dma_wait3A_89] : memref<10240x128xf32, #tpu.memory_space<hbm>> -> memref<32x128xf32, #tpu.memory_space<hbm>>
      %dma_wait3A_91 = arith.constant 0 : i32
      %dma_wait3A_92 = tpu.memref_slice %arg9[%add3A_36, %dma_wait3A_91] : memref<10240x128xf32, #tpu.memory_space<hbm>> -> memref<32x128xf32, #tpu.memory_space<hbm>>
      %dma_wait3A_93 = arith.constant 0 : i32
      %dma_wait3A_94 = arith.constant 0 : i32
      %dma_wait3A_95 = tpu.memref_slice %arg14[%dma_wait3A_93, %dma_wait3A_94] : memref<128x128xf32, #tpu.memory_space<vmem>> -> memref<32x128xf32, #tpu.memory_space<vmem>>
      tpu.wait_dma2 semaphore(%run_scoped3A : memref<!tpu.dma_semaphore, #tpu.memory_space<semaphore_mem>>) src(%dma_wait3A_95 : memref<32x128xf32, #tpu.memory_space<vmem>>) dst(%dma_wait3A_92 : memref<32x128xf32, #tpu.memory_space<hbm>>)
      tpu.yield
    }) : () -> ()
    "tpu.region"() ({
      %run_scoped3A = tpu.sem_alloc : memref<!tpu.dma_semaphore, #tpu.memory_space<semaphore_mem>>
      %dma_start3A = arith.constant 0 : i32
      %dma_start3A_78 = arith.constant 0 : i32
      %dma_start3A_79 = tpu.memref_slice %arg15[%dma_start3A, %dma_start3A_78] : memref<128x128xf32, #tpu.memory_space<vmem>> -> memref<32x128xf32, #tpu.memory_space<vmem>>
      %dma_start3A_80 = arith.constant 0 : i32
      %dma_start3A_81 = tpu.memref_slice %arg18[%add3A_33, %dma_start3A_80] : memref<2688x128xf32, #tpu.memory_space<vmem_shared>> -> memref<32x128xf32, #tpu.memory_space<vmem_shared>>
      %dma_start3A_82 = arith.constant 0 : i32
      %dma_start3A_83 = arith.constant 0 : i32
      %dma_start3A_84 = tpu.memref_slice %arg15[%dma_start3A_82, %dma_start3A_83] : memref<128x128xf32, #tpu.memory_space<vmem>> -> memref<32x128xf32, #tpu.memory_space<vmem>>
      %dma_start3A_85 = arith.constant 0 : i32
      %dma_start3A_86 = tpu.memref_slice %arg18[%add3A_33, %dma_start3A_85] : memref<2688x128xf32, #tpu.memory_space<vmem_shared>> -> memref<32x128xf32, #tpu.memory_space<vmem_shared>>
      tpu.enqueue_dma source(%dma_start3A_86 : memref<32x128xf32, #tpu.memory_space<vmem_shared>>) target(%dma_start3A_84 : memref<32x128xf32, #tpu.memory_space<vmem>>) target_semaphore(%run_scoped3A : memref<!tpu.dma_semaphore, #tpu.memory_space<semaphore_mem>>)
      %dma_wait3A = arith.constant 0 : i32
      %dma_wait3A_87 = arith.constant 0 : i32
      %dma_wait3A_88 = tpu.memref_slice %arg15[%dma_wait3A, %dma_wait3A_87] : memref<128x128xf32, #tpu.memory_space<vmem>> -> memref<32x128xf32, #tpu.memory_space<vmem>>
      %dma_wait3A_89 = arith.constant 0 : i32
      %dma_wait3A_90 = tpu.memref_slice %arg18[%add3A_33, %dma_wait3A_89] : memref<2688x128xf32, #tpu.memory_space<vmem_shared>> -> memref<32x128xf32, #tpu.memory_space<vmem_shared>>
      %dma_wait3A_91 = arith.constant 0 : i32
      %dma_wait3A_92 = arith.constant 0 : i32
      %dma_wait3A_93 = tpu.memref_slice %arg15[%dma_wait3A_91, %dma_wait3A_92] : memref<128x128xf32, #tpu.memory_space<vmem>> -> memref<32x128xf32, #tpu.memory_space<vmem>>
      %dma_wait3A_94 = arith.constant 0 : i32
      %dma_wait3A_95 = tpu.memref_slice %arg18[%add3A_33, %dma_wait3A_94] : memref<2688x128xf32, #tpu.memory_space<vmem_shared>> -> memref<32x128xf32, #tpu.memory_space<vmem_shared>>
      tpu.wait_dma2 semaphore(%run_scoped3A : memref<!tpu.dma_semaphore, #tpu.memory_space<semaphore_mem>>) src(%dma_wait3A_95 : memref<32x128xf32, #tpu.memory_space<vmem_shared>>) dst(%dma_wait3A_93 : memref<32x128xf32, #tpu.memory_space<vmem>>)
      tpu.yield
    }) : () -> ()
    "tpu.region"() ({
      %run_scoped3A = tpu.sem_alloc : memref<!tpu.dma_semaphore, #tpu.memory_space<semaphore_mem>>
      %dma_start3A = arith.constant 0 : i32
      %dma_start3A_78 = arith.constant 0 : i32
      %dma_start3A_79 = tpu.memref_slice %arg15[%dma_start3A, %dma_start3A_78] : memref<128x128xf32, #tpu.memory_space<vmem>> -> memref<32x128xf32, #tpu.memory_space<vmem>>
      %dma_start3A_80 = arith.constant 0 : i32
      %dma_start3A_81 = tpu.memref_slice %arg10[%add3A_36, %dma_start3A_80] : memref<10240x128xf32, #tpu.memory_space<hbm>> -> memref<32x128xf32, #tpu.memory_space<hbm>>
      %dma_start3A_82 = arith.constant 0 : i32
      %dma_start3A_83 = tpu.memref_slice %arg10[%add3A_36, %dma_start3A_82] : memref<10240x128xf32, #tpu.memory_space<hbm>> -> memref<32x128xf32, #tpu.memory_space<hbm>>
      %dma_start3A_84 = arith.constant 0 : i32
      %dma_start3A_85 = arith.constant 0 : i32
      %dma_start3A_86 = tpu.memref_slice %arg15[%dma_start3A_84, %dma_start3A_85] : memref<128x128xf32, #tpu.memory_space<vmem>> -> memref<32x128xf32, #tpu.memory_space<vmem>>
      tpu.enqueue_dma source(%dma_start3A_86 : memref<32x128xf32, #tpu.memory_space<vmem>>) target(%dma_start3A_83 : memref<32x128xf32, #tpu.memory_space<hbm>>) target_semaphore(%run_scoped3A : memref<!tpu.dma_semaphore, #tpu.memory_space<semaphore_mem>>)
      %dma_wait3A = arith.constant 0 : i32
      %dma_wait3A_87 = arith.constant 0 : i32
      %dma_wait3A_88 = tpu.memref_slice %arg15[%dma_wait3A, %dma_wait3A_87] : memref<128x128xf32, #tpu.memory_space<vmem>> -> memref<32x128xf32, #tpu.memory_space<vmem>>
      %dma_wait3A_89 = arith.constant 0 : i32
      %dma_wait3A_90 = tpu.memref_slice %arg10[%add3A_36, %dma_wait3A_89] : memref<10240x128xf32, #tpu.memory_space<hbm>> -> memref<32x128xf32, #tpu.memory_space<hbm>>
      %dma_wait3A_91 = arith.constant 0 : i32
      %dma_wait3A_92 = tpu.memref_slice %arg10[%add3A_36, %dma_wait3A_91] : memref<10240x128xf32, #tpu.memory_space<hbm>> -> memref<32x128xf32, #tpu.memory_space<hbm>>
      %dma_wait3A_93 = arith.constant 0 : i32
      %dma_wait3A_94 = arith.constant 0 : i32
      %dma_wait3A_95 = tpu.memref_slice %arg15[%dma_wait3A_93, %dma_wait3A_94] : memref<128x128xf32, #tpu.memory_space<vmem>> -> memref<32x128xf32, #tpu.memory_space<vmem>>
      tpu.wait_dma2 semaphore(%run_scoped3A : memref<!tpu.dma_semaphore, #tpu.memory_space<semaphore_mem>>) src(%dma_wait3A_95 : memref<32x128xf32, #tpu.memory_space<vmem>>) dst(%dma_wait3A_92 : memref<32x128xf32, #tpu.memory_space<hbm>>)
      tpu.yield
    }) : () -> ()
    %barrier3A_37 = arith.constant 0 : index
    tpu.barrier barrier_id(%barrier3A_37)
    %add3A_38 = arith.constant 2 : i32
    %add3A_39 = arith.addi %add3A_38, %arg0 : i32
    %mul3A_40 = arith.constant 2560 : i32
    %mul3A_41 = arith.muli %add3A_39, %mul3A_40 : i32
    %mul3A_42 = arith.constant 320000 : i32
    %mul3A_43 = arith.muli %add3A_39, %mul3A_42 : i32
    "tpu.region"() ({
      %run_scoped3A = tpu.sem_alloc : memref<!tpu.dma_semaphore, #tpu.memory_space<semaphore_mem>>
      tpu.enqueue_dma source(%arg5 : memref<128x128xf32, #tpu.memory_space<hbm>>) target(%arg14 : memref<128x128xf32, #tpu.memory_space<vmem>>) target_semaphore(%run_scoped3A : memref<!tpu.dma_semaphore, #tpu.memory_space<semaphore_mem>>)
      tpu.wait_dma2 semaphore(%run_scoped3A : memref<!tpu.dma_semaphore, #tpu.memory_space<semaphore_mem>>) src(%arg5 : memref<128x128xf32, #tpu.memory_space<hbm>>) dst(%arg14 : memref<128x128xf32, #tpu.memory_space<vmem>>)
      tpu.yield
    }) : () -> ()
    "tpu.region"() ({
      %run_scoped3A = tpu.sem_alloc : memref<!tpu.dma_semaphore, #tpu.memory_space<semaphore_mem>>
      tpu.enqueue_dma source(%arg6 : memref<128x128xf32, #tpu.memory_space<hbm>>) target(%arg15 : memref<128x128xf32, #tpu.memory_space<vmem>>) target_semaphore(%run_scoped3A : memref<!tpu.dma_semaphore, #tpu.memory_space<semaphore_mem>>)
      tpu.wait_dma2 semaphore(%run_scoped3A : memref<!tpu.dma_semaphore, #tpu.memory_space<semaphore_mem>>) src(%arg6 : memref<128x128xf32, #tpu.memory_space<hbm>>) dst(%arg15 : memref<128x128xf32, #tpu.memory_space<vmem>>)
      tpu.yield
    }) : () -> ()
    %mul3A_44 = arith.constant 168 : i32
    %mul3A_45 = arith.muli %arg1, %mul3A_44 : i32
    %add3A_46 = arith.constant 0 : i32
    %add3A_47 = arith.addi %mul3A_45, %add3A_46 : i32
    "tpu.region"() ({
      %run_scoped3A = tpu.sem_alloc : memref<!tpu.dma_semaphore, #tpu.memory_space<semaphore_mem>>
      %dma_start3A = arith.constant 0 : i32
      %dma_start3A_78 = arith.constant 0 : i32
      %dma_start3A_79 = tpu.memref_slice %arg14[%dma_start3A, %dma_start3A_78] : memref<128x128xf32, #tpu.memory_space<vmem>> -> memref<128x128xf32, #tpu.memory_space<vmem>>
      %dma_start3A_80 = arith.constant 0 : i32
      %dma_start3A_81 = tpu.memref_slice %arg16[%add3A_47, %dma_start3A_80] : memref<2688x128xf32, #tpu.memory_space<vmem_shared>> -> memref<128x128xf32, #tpu.memory_space<vmem_shared>>
      %dma_start3A_82 = arith.constant 0 : i32
      %dma_start3A_83 = tpu.memref_slice %arg16[%add3A_47, %dma_start3A_82] : memref<2688x128xf32, #tpu.memory_space<vmem_shared>> -> memref<128x128xf32, #tpu.memory_space<vmem_shared>>
      %dma_start3A_84 = arith.constant 0 : i32
      %dma_start3A_85 = arith.constant 0 : i32
      %dma_start3A_86 = tpu.memref_slice %arg14[%dma_start3A_84, %dma_start3A_85] : memref<128x128xf32, #tpu.memory_space<vmem>> -> memref<128x128xf32, #tpu.memory_space<vmem>>
      tpu.enqueue_dma source(%dma_start3A_86 : memref<128x128xf32, #tpu.memory_space<vmem>>) target(%dma_start3A_83 : memref<128x128xf32, #tpu.memory_space<vmem_shared>>) target_semaphore(%run_scoped3A : memref<!tpu.dma_semaphore, #tpu.memory_space<semaphore_mem>>)
      %dma_wait3A = arith.constant 0 : i32
      %dma_wait3A_87 = arith.constant 0 : i32
      %dma_wait3A_88 = tpu.memref_slice %arg14[%dma_wait3A, %dma_wait3A_87] : memref<128x128xf32, #tpu.memory_space<vmem>> -> memref<128x128xf32, #tpu.memory_space<vmem>>
      %dma_wait3A_89 = arith.constant 0 : i32
      %dma_wait3A_90 = tpu.memref_slice %arg16[%add3A_47, %dma_wait3A_89] : memref<2688x128xf32, #tpu.memory_space<vmem_shared>> -> memref<128x128xf32, #tpu.memory_space<vmem_shared>>
      %dma_wait3A_91 = arith.constant 0 : i32
      %dma_wait3A_92 = tpu.memref_slice %arg16[%add3A_47, %dma_wait3A_91] : memref<2688x128xf32, #tpu.memory_space<vmem_shared>> -> memref<128x128xf32, #tpu.memory_space<vmem_shared>>
      %dma_wait3A_93 = arith.constant 0 : i32
      %dma_wait3A_94 = arith.constant 0 : i32
      %dma_wait3A_95 = tpu.memref_slice %arg14[%dma_wait3A_93, %dma_wait3A_94] : memref<128x128xf32, #tpu.memory_space<vmem>> -> memref<128x128xf32, #tpu.memory_space<vmem>>
      tpu.wait_dma2 semaphore(%run_scoped3A : memref<!tpu.dma_semaphore, #tpu.memory_space<semaphore_mem>>) src(%dma_wait3A_95 : memref<128x128xf32, #tpu.memory_space<vmem>>) dst(%dma_wait3A_92 : memref<128x128xf32, #tpu.memory_space<vmem_shared>>)
      tpu.yield
    }) : () -> ()
    %add3A_48 = arith.constant 0 : i32
    %add3A_49 = arith.addi %mul3A_45, %add3A_48 : i32
    "tpu.region"() ({
      %run_scoped3A = tpu.sem_alloc : memref<!tpu.dma_semaphore, #tpu.memory_space<semaphore_mem>>
      %dma_start3A = arith.constant 0 : i32
      %dma_start3A_78 = arith.constant 0 : i32
      %dma_start3A_79 = tpu.memref_slice %arg14[%dma_start3A, %dma_start3A_78] : memref<128x128xf32, #tpu.memory_space<vmem>> -> memref<128x128xf32, #tpu.memory_space<vmem>>
      %dma_start3A_80 = arith.constant 0 : i32
      %dma_start3A_81 = tpu.memref_slice %arg17[%add3A_49, %dma_start3A_80] : memref<2688x128xf32, #tpu.memory_space<vmem_shared>> -> memref<128x128xf32, #tpu.memory_space<vmem_shared>>
      %dma_start3A_82 = arith.constant 0 : i32
      %dma_start3A_83 = tpu.memref_slice %arg17[%add3A_49, %dma_start3A_82] : memref<2688x128xf32, #tpu.memory_space<vmem_shared>> -> memref<128x128xf32, #tpu.memory_space<vmem_shared>>
      %dma_start3A_84 = arith.constant 0 : i32
      %dma_start3A_85 = arith.constant 0 : i32
      %dma_start3A_86 = tpu.memref_slice %arg14[%dma_start3A_84, %dma_start3A_85] : memref<128x128xf32, #tpu.memory_space<vmem>> -> memref<128x128xf32, #tpu.memory_space<vmem>>
      tpu.enqueue_dma source(%dma_start3A_86 : memref<128x128xf32, #tpu.memory_space<vmem>>) target(%dma_start3A_83 : memref<128x128xf32, #tpu.memory_space<vmem_shared>>) target_semaphore(%run_scoped3A : memref<!tpu.dma_semaphore, #tpu.memory_space<semaphore_mem>>)
      %dma_wait3A = arith.constant 0 : i32
      %dma_wait3A_87 = arith.constant 0 : i32
      %dma_wait3A_88 = tpu.memref_slice %arg14[%dma_wait3A, %dma_wait3A_87] : memref<128x128xf32, #tpu.memory_space<vmem>> -> memref<128x128xf32, #tpu.memory_space<vmem>>
      %dma_wait3A_89 = arith.constant 0 : i32
      %dma_wait3A_90 = tpu.memref_slice %arg17[%add3A_49, %dma_wait3A_89] : memref<2688x128xf32, #tpu.memory_space<vmem_shared>> -> memref<128x128xf32, #tpu.memory_space<vmem_shared>>
      %dma_wait3A_91 = arith.constant 0 : i32
      %dma_wait3A_92 = tpu.memref_slice %arg17[%add3A_49, %dma_wait3A_91] : memref<2688x128xf32, #tpu.memory_space<vmem_shared>> -> memref<128x128xf32, #tpu.memory_space<vmem_shared>>
      %dma_wait3A_93 = arith.constant 0 : i32
      %dma_wait3A_94 = arith.constant 0 : i32
      %dma_wait3A_95 = tpu.memref_slice %arg14[%dma_wait3A_93, %dma_wait3A_94] : memref<128x128xf32, #tpu.memory_space<vmem>> -> memref<128x128xf32, #tpu.memory_space<vmem>>
      tpu.wait_dma2 semaphore(%run_scoped3A : memref<!tpu.dma_semaphore, #tpu.memory_space<semaphore_mem>>) src(%dma_wait3A_95 : memref<128x128xf32, #tpu.memory_space<vmem>>) dst(%dma_wait3A_92 : memref<128x128xf32, #tpu.memory_space<vmem_shared>>)
      tpu.yield
    }) : () -> ()
    %add3A_50 = arith.constant 0 : i32
    %add3A_51 = arith.addi %mul3A_45, %add3A_50 : i32
    "tpu.region"() ({
      %run_scoped3A = tpu.sem_alloc : memref<!tpu.dma_semaphore, #tpu.memory_space<semaphore_mem>>
      %dma_start3A = arith.constant 0 : i32
      %dma_start3A_78 = arith.constant 0 : i32
      %dma_start3A_79 = tpu.memref_slice %arg15[%dma_start3A, %dma_start3A_78] : memref<128x128xf32, #tpu.memory_space<vmem>> -> memref<128x128xf32, #tpu.memory_space<vmem>>
      %dma_start3A_80 = arith.constant 0 : i32
      %dma_start3A_81 = tpu.memref_slice %arg18[%add3A_51, %dma_start3A_80] : memref<2688x128xf32, #tpu.memory_space<vmem_shared>> -> memref<128x128xf32, #tpu.memory_space<vmem_shared>>
      %dma_start3A_82 = arith.constant 0 : i32
      %dma_start3A_83 = tpu.memref_slice %arg18[%add3A_51, %dma_start3A_82] : memref<2688x128xf32, #tpu.memory_space<vmem_shared>> -> memref<128x128xf32, #tpu.memory_space<vmem_shared>>
      %dma_start3A_84 = arith.constant 0 : i32
      %dma_start3A_85 = arith.constant 0 : i32
      %dma_start3A_86 = tpu.memref_slice %arg15[%dma_start3A_84, %dma_start3A_85] : memref<128x128xf32, #tpu.memory_space<vmem>> -> memref<128x128xf32, #tpu.memory_space<vmem>>
      tpu.enqueue_dma source(%dma_start3A_86 : memref<128x128xf32, #tpu.memory_space<vmem>>) target(%dma_start3A_83 : memref<128x128xf32, #tpu.memory_space<vmem_shared>>) target_semaphore(%run_scoped3A : memref<!tpu.dma_semaphore, #tpu.memory_space<semaphore_mem>>)
      %dma_wait3A = arith.constant 0 : i32
      %dma_wait3A_87 = arith.constant 0 : i32
      %dma_wait3A_88 = tpu.memref_slice %arg15[%dma_wait3A, %dma_wait3A_87] : memref<128x128xf32, #tpu.memory_space<vmem>> -> memref<128x128xf32, #tpu.memory_space<vmem>>
      %dma_wait3A_89 = arith.constant 0 : i32
      %dma_wait3A_90 = tpu.memref_slice %arg18[%add3A_51, %dma_wait3A_89] : memref<2688x128xf32, #tpu.memory_space<vmem_shared>> -> memref<128x128xf32, #tpu.memory_space<vmem_shared>>
      %dma_wait3A_91 = arith.constant 0 : i32
      %dma_wait3A_92 = tpu.memref_slice %arg18[%add3A_51, %dma_wait3A_91] : memref<2688x128xf32, #tpu.memory_space<vmem_shared>> -> memref<128x128xf32, #tpu.memory_space<vmem_shared>>
      %dma_wait3A_93 = arith.constant 0 : i32
      %dma_wait3A_94 = arith.constant 0 : i32
      %dma_wait3A_95 = tpu.memref_slice %arg15[%dma_wait3A_93, %dma_wait3A_94] : memref<128x128xf32, #tpu.memory_space<vmem>> -> memref<128x128xf32, #tpu.memory_space<vmem>>
      tpu.wait_dma2 semaphore(%run_scoped3A : memref<!tpu.dma_semaphore, #tpu.memory_space<semaphore_mem>>) src(%dma_wait3A_95 : memref<128x128xf32, #tpu.memory_space<vmem>>) dst(%dma_wait3A_92 : memref<128x128xf32, #tpu.memory_space<vmem_shared>>)
      tpu.yield
    }) : () -> ()
    %add3A_52 = arith.constant 128 : i32
    %add3A_53 = arith.addi %mul3A_45, %add3A_52 : i32
    "tpu.region"() ({
      %run_scoped3A = tpu.sem_alloc : memref<!tpu.dma_semaphore, #tpu.memory_space<semaphore_mem>>
      %dma_start3A = arith.constant 0 : i32
      %dma_start3A_78 = arith.constant 0 : i32
      %dma_start3A_79 = tpu.memref_slice %arg14[%dma_start3A, %dma_start3A_78] : memref<128x128xf32, #tpu.memory_space<vmem>> -> memref<40x128xf32, #tpu.memory_space<vmem>>
      %dma_start3A_80 = arith.constant 0 : i32
      %dma_start3A_81 = tpu.memref_slice %arg16[%add3A_53, %dma_start3A_80] : memref<2688x128xf32, #tpu.memory_space<vmem_shared>> -> memref<40x128xf32, #tpu.memory_space<vmem_shared>>
      %dma_start3A_82 = arith.constant 0 : i32
      %dma_start3A_83 = tpu.memref_slice %arg16[%add3A_53, %dma_start3A_82] : memref<2688x128xf32, #tpu.memory_space<vmem_shared>> -> memref<40x128xf32, #tpu.memory_space<vmem_shared>>
      %dma_start3A_84 = arith.constant 0 : i32
      %dma_start3A_85 = arith.constant 0 : i32
      %dma_start3A_86 = tpu.memref_slice %arg14[%dma_start3A_84, %dma_start3A_85] : memref<128x128xf32, #tpu.memory_space<vmem>> -> memref<40x128xf32, #tpu.memory_space<vmem>>
      tpu.enqueue_dma source(%dma_start3A_86 : memref<40x128xf32, #tpu.memory_space<vmem>>) target(%dma_start3A_83 : memref<40x128xf32, #tpu.memory_space<vmem_shared>>) target_semaphore(%run_scoped3A : memref<!tpu.dma_semaphore, #tpu.memory_space<semaphore_mem>>)
      %dma_wait3A = arith.constant 0 : i32
      %dma_wait3A_87 = arith.constant 0 : i32
      %dma_wait3A_88 = tpu.memref_slice %arg14[%dma_wait3A, %dma_wait3A_87] : memref<128x128xf32, #tpu.memory_space<vmem>> -> memref<40x128xf32, #tpu.memory_space<vmem>>
      %dma_wait3A_89 = arith.constant 0 : i32
      %dma_wait3A_90 = tpu.memref_slice %arg16[%add3A_53, %dma_wait3A_89] : memref<2688x128xf32, #tpu.memory_space<vmem_shared>> -> memref<40x128xf32, #tpu.memory_space<vmem_shared>>
      %dma_wait3A_91 = arith.constant 0 : i32
      %dma_wait3A_92 = tpu.memref_slice %arg16[%add3A_53, %dma_wait3A_91] : memref<2688x128xf32, #tpu.memory_space<vmem_shared>> -> memref<40x128xf32, #tpu.memory_space<vmem_shared>>
      %dma_wait3A_93 = arith.constant 0 : i32
      %dma_wait3A_94 = arith.constant 0 : i32
      %dma_wait3A_95 = tpu.memref_slice %arg14[%dma_wait3A_93, %dma_wait3A_94] : memref<128x128xf32, #tpu.memory_space<vmem>> -> memref<40x128xf32, #tpu.memory_space<vmem>>
      tpu.wait_dma2 semaphore(%run_scoped3A : memref<!tpu.dma_semaphore, #tpu.memory_space<semaphore_mem>>) src(%dma_wait3A_95 : memref<40x128xf32, #tpu.memory_space<vmem>>) dst(%dma_wait3A_92 : memref<40x128xf32, #tpu.memory_space<vmem_shared>>)
      tpu.yield
    }) : () -> ()
    %add3A_54 = arith.constant 128 : i32
    %add3A_55 = arith.addi %mul3A_45, %add3A_54 : i32
    "tpu.region"() ({
      %run_scoped3A = tpu.sem_alloc : memref<!tpu.dma_semaphore, #tpu.memory_space<semaphore_mem>>
      %dma_start3A = arith.constant 0 : i32
      %dma_start3A_78 = arith.constant 0 : i32
      %dma_start3A_79 = tpu.memref_slice %arg14[%dma_start3A, %dma_start3A_78] : memref<128x128xf32, #tpu.memory_space<vmem>> -> memref<40x128xf32, #tpu.memory_space<vmem>>
      %dma_start3A_80 = arith.constant 0 : i32
      %dma_start3A_81 = tpu.memref_slice %arg17[%add3A_55, %dma_start3A_80] : memref<2688x128xf32, #tpu.memory_space<vmem_shared>> -> memref<40x128xf32, #tpu.memory_space<vmem_shared>>
      %dma_start3A_82 = arith.constant 0 : i32
      %dma_start3A_83 = tpu.memref_slice %arg17[%add3A_55, %dma_start3A_82] : memref<2688x128xf32, #tpu.memory_space<vmem_shared>> -> memref<40x128xf32, #tpu.memory_space<vmem_shared>>
      %dma_start3A_84 = arith.constant 0 : i32
      %dma_start3A_85 = arith.constant 0 : i32
      %dma_start3A_86 = tpu.memref_slice %arg14[%dma_start3A_84, %dma_start3A_85] : memref<128x128xf32, #tpu.memory_space<vmem>> -> memref<40x128xf32, #tpu.memory_space<vmem>>
      tpu.enqueue_dma source(%dma_start3A_86 : memref<40x128xf32, #tpu.memory_space<vmem>>) target(%dma_start3A_83 : memref<40x128xf32, #tpu.memory_space<vmem_shared>>) target_semaphore(%run_scoped3A : memref<!tpu.dma_semaphore, #tpu.memory_space<semaphore_mem>>)
      %dma_wait3A = arith.constant 0 : i32
      %dma_wait3A_87 = arith.constant 0 : i32
      %dma_wait3A_88 = tpu.memref_slice %arg14[%dma_wait3A, %dma_wait3A_87] : memref<128x128xf32, #tpu.memory_space<vmem>> -> memref<40x128xf32, #tpu.memory_space<vmem>>
      %dma_wait3A_89 = arith.constant 0 : i32
      %dma_wait3A_90 = tpu.memref_slice %arg17[%add3A_55, %dma_wait3A_89] : memref<2688x128xf32, #tpu.memory_space<vmem_shared>> -> memref<40x128xf32, #tpu.memory_space<vmem_shared>>
      %dma_wait3A_91 = arith.constant 0 : i32
      %dma_wait3A_92 = tpu.memref_slice %arg17[%add3A_55, %dma_wait3A_91] : memref<2688x128xf32, #tpu.memory_space<vmem_shared>> -> memref<40x128xf32, #tpu.memory_space<vmem_shared>>
      %dma_wait3A_93 = arith.constant 0 : i32
      %dma_wait3A_94 = arith.constant 0 : i32
      %dma_wait3A_95 = tpu.memref_slice %arg14[%dma_wait3A_93, %dma_wait3A_94] : memref<128x128xf32, #tpu.memory_space<vmem>> -> memref<40x128xf32, #tpu.memory_space<vmem>>
      tpu.wait_dma2 semaphore(%run_scoped3A : memref<!tpu.dma_semaphore, #tpu.memory_space<semaphore_mem>>) src(%dma_wait3A_95 : memref<40x128xf32, #tpu.memory_space<vmem>>) dst(%dma_wait3A_92 : memref<40x128xf32, #tpu.memory_space<vmem_shared>>)
      tpu.yield
    }) : () -> ()
    %add3A_56 = arith.constant 128 : i32
    %add3A_57 = arith.addi %mul3A_45, %add3A_56 : i32
    "tpu.region"() ({
      %run_scoped3A = tpu.sem_alloc : memref<!tpu.dma_semaphore, #tpu.memory_space<semaphore_mem>>
      %dma_start3A = arith.constant 0 : i32
      %dma_start3A_78 = arith.constant 0 : i32
      %dma_start3A_79 = tpu.memref_slice %arg15[%dma_start3A, %dma_start3A_78] : memref<128x128xf32, #tpu.memory_space<vmem>> -> memref<40x128xf32, #tpu.memory_space<vmem>>
      %dma_start3A_80 = arith.constant 0 : i32
      %dma_start3A_81 = tpu.memref_slice %arg18[%add3A_57, %dma_start3A_80] : memref<2688x128xf32, #tpu.memory_space<vmem_shared>> -> memref<40x128xf32, #tpu.memory_space<vmem_shared>>
      %dma_start3A_82 = arith.constant 0 : i32
      %dma_start3A_83 = tpu.memref_slice %arg18[%add3A_57, %dma_start3A_82] : memref<2688x128xf32, #tpu.memory_space<vmem_shared>> -> memref<40x128xf32, #tpu.memory_space<vmem_shared>>
      %dma_start3A_84 = arith.constant 0 : i32
      %dma_start3A_85 = arith.constant 0 : i32
      %dma_start3A_86 = tpu.memref_slice %arg15[%dma_start3A_84, %dma_start3A_85] : memref<128x128xf32, #tpu.memory_space<vmem>> -> memref<40x128xf32, #tpu.memory_space<vmem>>
      tpu.enqueue_dma source(%dma_start3A_86 : memref<40x128xf32, #tpu.memory_space<vmem>>) target(%dma_start3A_83 : memref<40x128xf32, #tpu.memory_space<vmem_shared>>) target_semaphore(%run_scoped3A : memref<!tpu.dma_semaphore, #tpu.memory_space<semaphore_mem>>)
      %dma_wait3A = arith.constant 0 : i32
      %dma_wait3A_87 = arith.constant 0 : i32
      %dma_wait3A_88 = tpu.memref_slice %arg15[%dma_wait3A, %dma_wait3A_87] : memref<128x128xf32, #tpu.memory_space<vmem>> -> memref<40x128xf32, #tpu.memory_space<vmem>>
      %dma_wait3A_89 = arith.constant 0 : i32
      %dma_wait3A_90 = tpu.memref_slice %arg18[%add3A_57, %dma_wait3A_89] : memref<2688x128xf32, #tpu.memory_space<vmem_shared>> -> memref<40x128xf32, #tpu.memory_space<vmem_shared>>
      %dma_wait3A_91 = arith.constant 0 : i32
      %dma_wait3A_92 = tpu.memref_slice %arg18[%add3A_57, %dma_wait3A_91] : memref<2688x128xf32, #tpu.memory_space<vmem_shared>> -> memref<40x128xf32, #tpu.memory_space<vmem_shared>>
      %dma_wait3A_93 = arith.constant 0 : i32
      %dma_wait3A_94 = arith.constant 0 : i32
      %dma_wait3A_95 = tpu.memref_slice %arg15[%dma_wait3A_93, %dma_wait3A_94] : memref<128x128xf32, #tpu.memory_space<vmem>> -> memref<40x128xf32, #tpu.memory_space<vmem>>
      tpu.wait_dma2 semaphore(%run_scoped3A : memref<!tpu.dma_semaphore, #tpu.memory_space<semaphore_mem>>) src(%dma_wait3A_95 : memref<40x128xf32, #tpu.memory_space<vmem>>) dst(%dma_wait3A_92 : memref<40x128xf32, #tpu.memory_space<vmem_shared>>)
      tpu.yield
    }) : () -> ()
    %barrier3A_58 = arith.constant 0 : index
    tpu.barrier barrier_id(%barrier3A_58)
    %scan3A_59 = arith.constant 0 : i32
    %scan3A_60 = arith.constant 250 : i32
    %scan3A_61 = arith.addi %scan3A_59, %scan3A_60 : i32
    %scan3A_62 = arith.constant 1 : i32
    scf.for %scan3A_78 = %scan3A_59 to %scan3A_61 step %scan3A_62  : i32 {
      %mul3A_79 = arith.constant 1 : i32
      %mul3A_80 = arith.muli %scan3A_78, %mul3A_79 : i32
      %add3A_81 = arith.constant 0 : i32
      %add3A_82 = arith.addi %add3A_81, %mul3A_80 : i32
      %add3A_83 = arith.addi %mul3A_0, %add3A_82 : i32
      %mul3A_84 = arith.constant 80 : i32
      %mul3A_85 = arith.muli %add3A_83, %mul3A_84 : i32
      %add3A_86 = arith.addi %mul3A_43, %mul3A_85 : i32
      "tpu.region"() ({
        %run_scoped3A = tpu.sem_alloc : memref<!tpu.dma_semaphore, #tpu.memory_space<semaphore_mem>>
        %dma_start3A = tpu.memref_slice %arg4[%add3A_86] : memref<1280000xi32, #tpu.memory_space<hbm>> -> memref<80xi32, #tpu.memory_space<hbm>>
        %dma_start3A_87 = tpu.memref_slice %arg4[%add3A_86] : memref<1280000xi32, #tpu.memory_space<hbm>> -> memref<80xi32, #tpu.memory_space<hbm>>
        tpu.enqueue_dma source(%dma_start3A_87 : memref<80xi32, #tpu.memory_space<hbm>>) target(%arg11 : memref<80xi32, #tpu.memory_space<vmem>>) target_semaphore(%run_scoped3A : memref<!tpu.dma_semaphore, #tpu.memory_space<semaphore_mem>>)
        %dma_wait3A = tpu.memref_slice %arg4[%add3A_86] : memref<1280000xi32, #tpu.memory_space<hbm>> -> memref<80xi32, #tpu.memory_space<hbm>>
        %dma_wait3A_88 = tpu.memref_slice %arg4[%add3A_86] : memref<1280000xi32, #tpu.memory_space<hbm>> -> memref<80xi32, #tpu.memory_space<hbm>>
        tpu.wait_dma2 semaphore(%run_scoped3A : memref<!tpu.dma_semaphore, #tpu.memory_space<semaphore_mem>>) src(%dma_wait3A_88 : memref<80xi32, #tpu.memory_space<hbm>>) dst(%arg11 : memref<80xi32, #tpu.memory_space<vmem>>)
        tpu.yield
      }) : () -> ()
      "tpu.region"() ({
        %run_scoped3A = tpu.sem_alloc : memref<!tpu.dma_semaphore, #tpu.memory_space<semaphore_mem>>
        %dma_start3A = arith.constant 0 : i32
        %dma_start3A_87 = tpu.memref_slice %arg2[%mul3A_85, %dma_start3A] : memref<320000x128xf32, #tpu.memory_space<hbm>> -> memref<80x128xf32, #tpu.memory_space<hbm>>
        %dma_start3A_88 = arith.constant 0 : i32
        %dma_start3A_89 = tpu.memref_slice %arg2[%mul3A_85, %dma_start3A_88] : memref<320000x128xf32, #tpu.memory_space<hbm>> -> memref<80x128xf32, #tpu.memory_space<hbm>>
        tpu.enqueue_dma source(%dma_start3A_89 : memref<80x128xf32, #tpu.memory_space<hbm>>) target(%arg12 : memref<80x128xf32, #tpu.memory_space<vmem>>) target_semaphore(%run_scoped3A : memref<!tpu.dma_semaphore, #tpu.memory_space<semaphore_mem>>)
        %dma_wait3A = arith.constant 0 : i32
        %dma_wait3A_90 = tpu.memref_slice %arg2[%mul3A_85, %dma_wait3A] : memref<320000x128xf32, #tpu.memory_space<hbm>> -> memref<80x128xf32, #tpu.memory_space<hbm>>
        %dma_wait3A_91 = arith.constant 0 : i32
        %dma_wait3A_92 = tpu.memref_slice %arg2[%mul3A_85, %dma_wait3A_91] : memref<320000x128xf32, #tpu.memory_space<hbm>> -> memref<80x128xf32, #tpu.memory_space<hbm>>
        tpu.wait_dma2 semaphore(%run_scoped3A : memref<!tpu.dma_semaphore, #tpu.memory_space<semaphore_mem>>) src(%dma_wait3A_92 : memref<80x128xf32, #tpu.memory_space<hbm>>) dst(%arg12 : memref<80x128xf32, #tpu.memory_space<vmem>>)
        tpu.yield
      }) : () -> ()
      "tpu.region"() ({
        %run_scoped3A = tpu.sem_alloc : memref<!tpu.dma_semaphore, #tpu.memory_space<semaphore_mem>>
        %dma_start3A = arith.constant 0 : i32
        %dma_start3A_87 = arith.constant 0 : i32
        %dma_start3A_88 = tpu.memref_slice %arg16[%dma_start3A, %dma_start3A_87] : memref<2688x128xf32, #tpu.memory_space<vmem_shared>> -> memref<2688x128xf32, #tpu.memory_space<vmem_shared>>
        tpu.enqueue_indirect_dma source(%arg12 : memref<80x128xf32, #tpu.memory_space<vmem>>) target(%dma_start3A_88 : memref<2688x128xf32, #tpu.memory_space<vmem_shared>>) offsets(%arg11 : memref<80xi32, #tpu.memory_space<vmem>>) semaphore(%run_scoped3A : memref<!tpu.dma_semaphore, #tpu.memory_space<semaphore_mem>>) {add = true}
        %dma_wait3A = arith.constant 0 : i32
        %dma_wait3A_89 = arith.constant 0 : i32
        %dma_wait3A_90 = tpu.memref_slice %arg16[%dma_wait3A, %dma_wait3A_89] : memref<2688x128xf32, #tpu.memory_space<vmem_shared>> -> memref<2688x128xf32, #tpu.memory_space<vmem_shared>>
        tpu.wait_indirect_dma semaphore(%run_scoped3A : memref<!tpu.dma_semaphore, #tpu.memory_space<semaphore_mem>>) src(%arg12 : memref<80x128xf32, #tpu.memory_space<vmem>>) dst(%dma_wait3A_90 : memref<2688x128xf32, #tpu.memory_space<vmem_shared>>)
        tpu.yield
      }) : () -> ()
      "tpu.region"() ({
        %run_scoped3A = tpu.sem_alloc : memref<!tpu.dma_semaphore, #tpu.memory_space<semaphore_mem>>
        %dma_start3A = arith.constant 0 : i32
        %dma_start3A_87 = tpu.memref_slice %arg3[%mul3A_85, %dma_start3A] : memref<320000x128xf32, #tpu.memory_space<hbm>> -> memref<80x128xf32, #tpu.memory_space<hbm>>
        %dma_start3A_88 = arith.constant 0 : i32
        %dma_start3A_89 = tpu.memref_slice %arg3[%mul3A_85, %dma_start3A_88] : memref<320000x128xf32, #tpu.memory_space<hbm>> -> memref<80x128xf32, #tpu.memory_space<hbm>>
        tpu.enqueue_dma source(%dma_start3A_89 : memref<80x128xf32, #tpu.memory_space<hbm>>) target(%arg12 : memref<80x128xf32, #tpu.memory_space<vmem>>) target_semaphore(%run_scoped3A : memref<!tpu.dma_semaphore, #tpu.memory_space<semaphore_mem>>)
        %dma_wait3A = arith.constant 0 : i32
        %dma_wait3A_90 = tpu.memref_slice %arg3[%mul3A_85, %dma_wait3A] : memref<320000x128xf32, #tpu.memory_space<hbm>> -> memref<80x128xf32, #tpu.memory_space<hbm>>
        %dma_wait3A_91 = arith.constant 0 : i32
        %dma_wait3A_92 = tpu.memref_slice %arg3[%mul3A_85, %dma_wait3A_91] : memref<320000x128xf32, #tpu.memory_space<hbm>> -> memref<80x128xf32, #tpu.memory_space<hbm>>
        tpu.wait_dma2 semaphore(%run_scoped3A : memref<!tpu.dma_semaphore, #tpu.memory_space<semaphore_mem>>) src(%dma_wait3A_92 : memref<80x128xf32, #tpu.memory_space<hbm>>) dst(%arg12 : memref<80x128xf32, #tpu.memory_space<vmem>>)
        tpu.yield
      }) : () -> ()
      "tpu.region"() ({
        %run_scoped3A = tpu.sem_alloc : memref<!tpu.dma_semaphore, #tpu.memory_space<semaphore_mem>>
        %dma_start3A = arith.constant 0 : i32
        %dma_start3A_87 = arith.constant 0 : i32
        %dma_start3A_88 = tpu.memref_slice %arg17[%dma_start3A, %dma_start3A_87] : memref<2688x128xf32, #tpu.memory_space<vmem_shared>> -> memref<2688x128xf32, #tpu.memory_space<vmem_shared>>
        tpu.enqueue_indirect_dma source(%arg12 : memref<80x128xf32, #tpu.memory_space<vmem>>) target(%dma_start3A_88 : memref<2688x128xf32, #tpu.memory_space<vmem_shared>>) offsets(%arg11 : memref<80xi32, #tpu.memory_space<vmem>>) semaphore(%run_scoped3A : memref<!tpu.dma_semaphore, #tpu.memory_space<semaphore_mem>>) {add = true}
        %dma_wait3A = arith.constant 0 : i32
        %dma_wait3A_89 = arith.constant 0 : i32
        %dma_wait3A_90 = tpu.memref_slice %arg17[%dma_wait3A, %dma_wait3A_89] : memref<2688x128xf32, #tpu.memory_space<vmem_shared>> -> memref<2688x128xf32, #tpu.memory_space<vmem_shared>>
        tpu.wait_indirect_dma semaphore(%run_scoped3A : memref<!tpu.dma_semaphore, #tpu.memory_space<semaphore_mem>>) src(%arg12 : memref<80x128xf32, #tpu.memory_space<vmem>>) dst(%dma_wait3A_90 : memref<2688x128xf32, #tpu.memory_space<vmem_shared>>)
        tpu.yield
      }) : () -> ()
      "tpu.region"() ({
        %run_scoped3A = tpu.sem_alloc : memref<!tpu.dma_semaphore, #tpu.memory_space<semaphore_mem>>
        %dma_start3A = arith.constant 0 : i32
        %dma_start3A_87 = arith.constant 0 : i32
        %dma_start3A_88 = tpu.memref_slice %arg18[%dma_start3A, %dma_start3A_87] : memref<2688x128xf32, #tpu.memory_space<vmem_shared>> -> memref<2688x128xf32, #tpu.memory_space<vmem_shared>>
        tpu.enqueue_indirect_dma source(%arg13 : memref<80x128xf32, #tpu.memory_space<vmem>>) target(%dma_start3A_88 : memref<2688x128xf32, #tpu.memory_space<vmem_shared>>) offsets(%arg11 : memref<80xi32, #tpu.memory_space<vmem>>) semaphore(%run_scoped3A : memref<!tpu.dma_semaphore, #tpu.memory_space<semaphore_mem>>) {add = true}
        %dma_wait3A = arith.constant 0 : i32
        %dma_wait3A_89 = arith.constant 0 : i32
        %dma_wait3A_90 = tpu.memref_slice %arg18[%dma_wait3A, %dma_wait3A_89] : memref<2688x128xf32, #tpu.memory_space<vmem_shared>> -> memref<2688x128xf32, #tpu.memory_space<vmem_shared>>
        tpu.wait_indirect_dma semaphore(%run_scoped3A : memref<!tpu.dma_semaphore, #tpu.memory_space<semaphore_mem>>) src(%arg13 : memref<80x128xf32, #tpu.memory_space<vmem>>) dst(%dma_wait3A_90 : memref<2688x128xf32, #tpu.memory_space<vmem_shared>>)
        tpu.yield
      }) : () -> ()
    }
    %scan3A_63 = arith.constant 250 : i32
    %barrier3A_64 = arith.constant 0 : index
    tpu.barrier barrier_id(%barrier3A_64)
    %mul3A_65 = arith.constant 160 : i32
    %mul3A_66 = arith.muli %arg1, %mul3A_65 : i32
    %add3A_67 = arith.constant 0 : i32
    %add3A_68 = arith.addi %mul3A_66, %add3A_67 : i32
    %add3A_69 = arith.addi %mul3A_41, %mul3A_66 : i32
    %add3A_70 = arith.constant 0 : i32
    %add3A_71 = arith.addi %add3A_69, %add3A_70 : i32
    "tpu.region"() ({
      %run_scoped3A = tpu.sem_alloc : memref<!tpu.dma_semaphore, #tpu.memory_space<semaphore_mem>>
      %dma_start3A = arith.constant 0 : i32
      %dma_start3A_78 = arith.constant 0 : i32
      %dma_start3A_79 = tpu.memref_slice %arg14[%dma_start3A, %dma_start3A_78] : memref<128x128xf32, #tpu.memory_space<vmem>> -> memref<128x128xf32, #tpu.memory_space<vmem>>
      %dma_start3A_80 = arith.constant 0 : i32
      %dma_start3A_81 = tpu.memref_slice %arg16[%add3A_68, %dma_start3A_80] : memref<2688x128xf32, #tpu.memory_space<vmem_shared>> -> memref<128x128xf32, #tpu.memory_space<vmem_shared>>
      %dma_start3A_82 = arith.constant 0 : i32
      %dma_start3A_83 = arith.constant 0 : i32
      %dma_start3A_84 = tpu.memref_slice %arg14[%dma_start3A_82, %dma_start3A_83] : memref<128x128xf32, #tpu.memory_space<vmem>> -> memref<128x128xf32, #tpu.memory_space<vmem>>
      %dma_start3A_85 = arith.constant 0 : i32
      %dma_start3A_86 = tpu.memref_slice %arg16[%add3A_68, %dma_start3A_85] : memref<2688x128xf32, #tpu.memory_space<vmem_shared>> -> memref<128x128xf32, #tpu.memory_space<vmem_shared>>
      tpu.enqueue_dma source(%dma_start3A_86 : memref<128x128xf32, #tpu.memory_space<vmem_shared>>) target(%dma_start3A_84 : memref<128x128xf32, #tpu.memory_space<vmem>>) target_semaphore(%run_scoped3A : memref<!tpu.dma_semaphore, #tpu.memory_space<semaphore_mem>>)
      %dma_wait3A = arith.constant 0 : i32
      %dma_wait3A_87 = arith.constant 0 : i32
      %dma_wait3A_88 = tpu.memref_slice %arg14[%dma_wait3A, %dma_wait3A_87] : memref<128x128xf32, #tpu.memory_space<vmem>> -> memref<128x128xf32, #tpu.memory_space<vmem>>
      %dma_wait3A_89 = arith.constant 0 : i32
      %dma_wait3A_90 = tpu.memref_slice %arg16[%add3A_68, %dma_wait3A_89] : memref<2688x128xf32, #tpu.memory_space<vmem_shared>> -> memref<128x128xf32, #tpu.memory_space<vmem_shared>>
      %dma_wait3A_91 = arith.constant 0 : i32
      %dma_wait3A_92 = arith.constant 0 : i32
      %dma_wait3A_93 = tpu.memref_slice %arg14[%dma_wait3A_91, %dma_wait3A_92] : memref<128x128xf32, #tpu.memory_space<vmem>> -> memref<128x128xf32, #tpu.memory_space<vmem>>
      %dma_wait3A_94 = arith.constant 0 : i32
      %dma_wait3A_95 = tpu.memref_slice %arg16[%add3A_68, %dma_wait3A_94] : memref<2688x128xf32, #tpu.memory_space<vmem_shared>> -> memref<128x128xf32, #tpu.memory_space<vmem_shared>>
      tpu.wait_dma2 semaphore(%run_scoped3A : memref<!tpu.dma_semaphore, #tpu.memory_space<semaphore_mem>>) src(%dma_wait3A_95 : memref<128x128xf32, #tpu.memory_space<vmem_shared>>) dst(%dma_wait3A_93 : memref<128x128xf32, #tpu.memory_space<vmem>>)
      tpu.yield
    }) : () -> ()
    "tpu.region"() ({
      %run_scoped3A = tpu.sem_alloc : memref<!tpu.dma_semaphore, #tpu.memory_space<semaphore_mem>>
      %dma_start3A = arith.constant 0 : i32
      %dma_start3A_78 = arith.constant 0 : i32
      %dma_start3A_79 = tpu.memref_slice %arg14[%dma_start3A, %dma_start3A_78] : memref<128x128xf32, #tpu.memory_space<vmem>> -> memref<128x128xf32, #tpu.memory_space<vmem>>
      %dma_start3A_80 = arith.constant 0 : i32
      %dma_start3A_81 = tpu.memref_slice %arg8[%add3A_71, %dma_start3A_80] : memref<10240x128xf32, #tpu.memory_space<hbm>> -> memref<128x128xf32, #tpu.memory_space<hbm>>
      %dma_start3A_82 = arith.constant 0 : i32
      %dma_start3A_83 = tpu.memref_slice %arg8[%add3A_71, %dma_start3A_82] : memref<10240x128xf32, #tpu.memory_space<hbm>> -> memref<128x128xf32, #tpu.memory_space<hbm>>
      %dma_start3A_84 = arith.constant 0 : i32
      %dma_start3A_85 = arith.constant 0 : i32
      %dma_start3A_86 = tpu.memref_slice %arg14[%dma_start3A_84, %dma_start3A_85] : memref<128x128xf32, #tpu.memory_space<vmem>> -> memref<128x128xf32, #tpu.memory_space<vmem>>
      tpu.enqueue_dma source(%dma_start3A_86 : memref<128x128xf32, #tpu.memory_space<vmem>>) target(%dma_start3A_83 : memref<128x128xf32, #tpu.memory_space<hbm>>) target_semaphore(%run_scoped3A : memref<!tpu.dma_semaphore, #tpu.memory_space<semaphore_mem>>)
      %dma_wait3A = arith.constant 0 : i32
      %dma_wait3A_87 = arith.constant 0 : i32
      %dma_wait3A_88 = tpu.memref_slice %arg14[%dma_wait3A, %dma_wait3A_87] : memref<128x128xf32, #tpu.memory_space<vmem>> -> memref<128x128xf32, #tpu.memory_space<vmem>>
      %dma_wait3A_89 = arith.constant 0 : i32
      %dma_wait3A_90 = tpu.memref_slice %arg8[%add3A_71, %dma_wait3A_89] : memref<10240x128xf32, #tpu.memory_space<hbm>> -> memref<128x128xf32, #tpu.memory_space<hbm>>
      %dma_wait3A_91 = arith.constant 0 : i32
      %dma_wait3A_92 = tpu.memref_slice %arg8[%add3A_71, %dma_wait3A_91] : memref<10240x128xf32, #tpu.memory_space<hbm>> -> memref<128x128xf32, #tpu.memory_space<hbm>>
      %dma_wait3A_93 = arith.constant 0 : i32
      %dma_wait3A_94 = arith.constant 0 : i32
      %dma_wait3A_95 = tpu.memref_slice %arg14[%dma_wait3A_93, %dma_wait3A_94] : memref<128x128xf32, #tpu.memory_space<vmem>> -> memref<128x128xf32, #tpu.memory_space<vmem>>
      tpu.wait_dma2 semaphore(%run_scoped3A : memref<!tpu.dma_semaphore, #tpu.memory_space<semaphore_mem>>) src(%dma_wait3A_95 : memref<128x128xf32, #tpu.memory_space<vmem>>) dst(%dma_wait3A_92 : memref<128x128xf32, #tpu.memory_space<hbm>>)
      tpu.yield
    }) : () -> ()
    "tpu.region"() ({
      %run_scoped3A = tpu.sem_alloc : memref<!tpu.dma_semaphore, #tpu.memory_space<semaphore_mem>>
      %dma_start3A = arith.constant 0 : i32
      %dma_start3A_78 = arith.constant 0 : i32
      %dma_start3A_79 = tpu.memref_slice %arg14[%dma_start3A, %dma_start3A_78] : memref<128x128xf32, #tpu.memory_space<vmem>> -> memref<128x128xf32, #tpu.memory_space<vmem>>
      %dma_start3A_80 = arith.constant 0 : i32
      %dma_start3A_81 = tpu.memref_slice %arg17[%add3A_68, %dma_start3A_80] : memref<2688x128xf32, #tpu.memory_space<vmem_shared>> -> memref<128x128xf32, #tpu.memory_space<vmem_shared>>
      %dma_start3A_82 = arith.constant 0 : i32
      %dma_start3A_83 = arith.constant 0 : i32
      %dma_start3A_84 = tpu.memref_slice %arg14[%dma_start3A_82, %dma_start3A_83] : memref<128x128xf32, #tpu.memory_space<vmem>> -> memref<128x128xf32, #tpu.memory_space<vmem>>
      %dma_start3A_85 = arith.constant 0 : i32
      %dma_start3A_86 = tpu.memref_slice %arg17[%add3A_68, %dma_start3A_85] : memref<2688x128xf32, #tpu.memory_space<vmem_shared>> -> memref<128x128xf32, #tpu.memory_space<vmem_shared>>
      tpu.enqueue_dma source(%dma_start3A_86 : memref<128x128xf32, #tpu.memory_space<vmem_shared>>) target(%dma_start3A_84 : memref<128x128xf32, #tpu.memory_space<vmem>>) target_semaphore(%run_scoped3A : memref<!tpu.dma_semaphore, #tpu.memory_space<semaphore_mem>>)
      %dma_wait3A = arith.constant 0 : i32
      %dma_wait3A_87 = arith.constant 0 : i32
      %dma_wait3A_88 = tpu.memref_slice %arg14[%dma_wait3A, %dma_wait3A_87] : memref<128x128xf32, #tpu.memory_space<vmem>> -> memref<128x128xf32, #tpu.memory_space<vmem>>
      %dma_wait3A_89 = arith.constant 0 : i32
      %dma_wait3A_90 = tpu.memref_slice %arg17[%add3A_68, %dma_wait3A_89] : memref<2688x128xf32, #tpu.memory_space<vmem_shared>> -> memref<128x128xf32, #tpu.memory_space<vmem_shared>>
      %dma_wait3A_91 = arith.constant 0 : i32
      %dma_wait3A_92 = arith.constant 0 : i32
      %dma_wait3A_93 = tpu.memref_slice %arg14[%dma_wait3A_91, %dma_wait3A_92] : memref<128x128xf32, #tpu.memory_space<vmem>> -> memref<128x128xf32, #tpu.memory_space<vmem>>
      %dma_wait3A_94 = arith.constant 0 : i32
      %dma_wait3A_95 = tpu.memref_slice %arg17[%add3A_68, %dma_wait3A_94] : memref<2688x128xf32, #tpu.memory_space<vmem_shared>> -> memref<128x128xf32, #tpu.memory_space<vmem_shared>>
      tpu.wait_dma2 semaphore(%run_scoped3A : memref<!tpu.dma_semaphore, #tpu.memory_space<semaphore_mem>>) src(%dma_wait3A_95 : memref<128x128xf32, #tpu.memory_space<vmem_shared>>) dst(%dma_wait3A_93 : memref<128x128xf32, #tpu.memory_space<vmem>>)
      tpu.yield
    }) : () -> ()
    "tpu.region"() ({
      %run_scoped3A = tpu.sem_alloc : memref<!tpu.dma_semaphore, #tpu.memory_space<semaphore_mem>>
      %dma_start3A = arith.constant 0 : i32
      %dma_start3A_78 = arith.constant 0 : i32
      %dma_start3A_79 = tpu.memref_slice %arg14[%dma_start3A, %dma_start3A_78] : memref<128x128xf32, #tpu.memory_space<vmem>> -> memref<128x128xf32, #tpu.memory_space<vmem>>
      %dma_start3A_80 = arith.constant 0 : i32
      %dma_start3A_81 = tpu.memref_slice %arg9[%add3A_71, %dma_start3A_80] : memref<10240x128xf32, #tpu.memory_space<hbm>> -> memref<128x128xf32, #tpu.memory_space<hbm>>
      %dma_start3A_82 = arith.constant 0 : i32
      %dma_start3A_83 = tpu.memref_slice %arg9[%add3A_71, %dma_start3A_82] : memref<10240x128xf32, #tpu.memory_space<hbm>> -> memref<128x128xf32, #tpu.memory_space<hbm>>
      %dma_start3A_84 = arith.constant 0 : i32
      %dma_start3A_85 = arith.constant 0 : i32
      %dma_start3A_86 = tpu.memref_slice %arg14[%dma_start3A_84, %dma_start3A_85] : memref<128x128xf32, #tpu.memory_space<vmem>> -> memref<128x128xf32, #tpu.memory_space<vmem>>
      tpu.enqueue_dma source(%dma_start3A_86 : memref<128x128xf32, #tpu.memory_space<vmem>>) target(%dma_start3A_83 : memref<128x128xf32, #tpu.memory_space<hbm>>) target_semaphore(%run_scoped3A : memref<!tpu.dma_semaphore, #tpu.memory_space<semaphore_mem>>)
      %dma_wait3A = arith.constant 0 : i32
      %dma_wait3A_87 = arith.constant 0 : i32
      %dma_wait3A_88 = tpu.memref_slice %arg14[%dma_wait3A, %dma_wait3A_87] : memref<128x128xf32, #tpu.memory_space<vmem>> -> memref<128x128xf32, #tpu.memory_space<vmem>>
      %dma_wait3A_89 = arith.constant 0 : i32
      %dma_wait3A_90 = tpu.memref_slice %arg9[%add3A_71, %dma_wait3A_89] : memref<10240x128xf32, #tpu.memory_space<hbm>> -> memref<128x128xf32, #tpu.memory_space<hbm>>
      %dma_wait3A_91 = arith.constant 0 : i32
      %dma_wait3A_92 = tpu.memref_slice %arg9[%add3A_71, %dma_wait3A_91] : memref<10240x128xf32, #tpu.memory_space<hbm>> -> memref<128x128xf32, #tpu.memory_space<hbm>>
      %dma_wait3A_93 = arith.constant 0 : i32
      %dma_wait3A_94 = arith.constant 0 : i32
      %dma_wait3A_95 = tpu.memref_slice %arg14[%dma_wait3A_93, %dma_wait3A_94] : memref<128x128xf32, #tpu.memory_space<vmem>> -> memref<128x128xf32, #tpu.memory_space<vmem>>
      tpu.wait_dma2 semaphore(%run_scoped3A : memref<!tpu.dma_semaphore, #tpu.memory_space<semaphore_mem>>) src(%dma_wait3A_95 : memref<128x128xf32, #tpu.memory_space<vmem>>) dst(%dma_wait3A_92 : memref<128x128xf32, #tpu.memory_space<hbm>>)
      tpu.yield
    }) : () -> ()
    "tpu.region"() ({
      %run_scoped3A = tpu.sem_alloc : memref<!tpu.dma_semaphore, #tpu.memory_space<semaphore_mem>>
      %dma_start3A = arith.constant 0 : i32
      %dma_start3A_78 = arith.constant 0 : i32
      %dma_start3A_79 = tpu.memref_slice %arg15[%dma_start3A, %dma_start3A_78] : memref<128x128xf32, #tpu.memory_space<vmem>> -> memref<128x128xf32, #tpu.memory_space<vmem>>
      %dma_start3A_80 = arith.constant 0 : i32
      %dma_start3A_81 = tpu.memref_slice %arg18[%add3A_68, %dma_start3A_80] : memref<2688x128xf32, #tpu.memory_space<vmem_shared>> -> memref<128x128xf32, #tpu.memory_space<vmem_shared>>
      %dma_start3A_82 = arith.constant 0 : i32
      %dma_start3A_83 = arith.constant 0 : i32
      %dma_start3A_84 = tpu.memref_slice %arg15[%dma_start3A_82, %dma_start3A_83] : memref<128x128xf32, #tpu.memory_space<vmem>> -> memref<128x128xf32, #tpu.memory_space<vmem>>
      %dma_start3A_85 = arith.constant 0 : i32
      %dma_start3A_86 = tpu.memref_slice %arg18[%add3A_68, %dma_start3A_85] : memref<2688x128xf32, #tpu.memory_space<vmem_shared>> -> memref<128x128xf32, #tpu.memory_space<vmem_shared>>
      tpu.enqueue_dma source(%dma_start3A_86 : memref<128x128xf32, #tpu.memory_space<vmem_shared>>) target(%dma_start3A_84 : memref<128x128xf32, #tpu.memory_space<vmem>>) target_semaphore(%run_scoped3A : memref<!tpu.dma_semaphore, #tpu.memory_space<semaphore_mem>>)
      %dma_wait3A = arith.constant 0 : i32
      %dma_wait3A_87 = arith.constant 0 : i32
      %dma_wait3A_88 = tpu.memref_slice %arg15[%dma_wait3A, %dma_wait3A_87] : memref<128x128xf32, #tpu.memory_space<vmem>> -> memref<128x128xf32, #tpu.memory_space<vmem>>
      %dma_wait3A_89 = arith.constant 0 : i32
      %dma_wait3A_90 = tpu.memref_slice %arg18[%add3A_68, %dma_wait3A_89] : memref<2688x128xf32, #tpu.memory_space<vmem_shared>> -> memref<128x128xf32, #tpu.memory_space<vmem_shared>>
      %dma_wait3A_91 = arith.constant 0 : i32
      %dma_wait3A_92 = arith.constant 0 : i32
      %dma_wait3A_93 = tpu.memref_slice %arg15[%dma_wait3A_91, %dma_wait3A_92] : memref<128x128xf32, #tpu.memory_space<vmem>> -> memref<128x128xf32, #tpu.memory_space<vmem>>
      %dma_wait3A_94 = arith.constant 0 : i32
      %dma_wait3A_95 = tpu.memref_slice %arg18[%add3A_68, %dma_wait3A_94] : memref<2688x128xf32, #tpu.memory_space<vmem_shared>> -> memref<128x128xf32, #tpu.memory_space<vmem_shared>>
      tpu.wait_dma2 semaphore(%run_scoped3A : memref<!tpu.dma_semaphore, #tpu.memory_space<semaphore_mem>>) src(%dma_wait3A_95 : memref<128x128xf32, #tpu.memory_space<vmem_shared>>) dst(%dma_wait3A_93 : memref<128x128xf32, #tpu.memory_space<vmem>>)
      tpu.yield
    }) : () -> ()
    "tpu.region"() ({
      %run_scoped3A = tpu.sem_alloc : memref<!tpu.dma_semaphore, #tpu.memory_space<semaphore_mem>>
      %dma_start3A = arith.constant 0 : i32
      %dma_start3A_78 = arith.constant 0 : i32
      %dma_start3A_79 = tpu.memref_slice %arg15[%dma_start3A, %dma_start3A_78] : memref<128x128xf32, #tpu.memory_space<vmem>> -> memref<128x128xf32, #tpu.memory_space<vmem>>
      %dma_start3A_80 = arith.constant 0 : i32
      %dma_start3A_81 = tpu.memref_slice %arg10[%add3A_71, %dma_start3A_80] : memref<10240x128xf32, #tpu.memory_space<hbm>> -> memref<128x128xf32, #tpu.memory_space<hbm>>
      %dma_start3A_82 = arith.constant 0 : i32
      %dma_start3A_83 = tpu.memref_slice %arg10[%add3A_71, %dma_start3A_82] : memref<10240x128xf32, #tpu.memory_space<hbm>> -> memref<128x128xf32, #tpu.memory_space<hbm>>
      %dma_start3A_84 = arith.constant 0 : i32
      %dma_start3A_85 = arith.constant 0 : i32
      %dma_start3A_86 = tpu.memref_slice %arg15[%dma_start3A_84, %dma_start3A_85] : memref<128x128xf32, #tpu.memory_space<vmem>> -> memref<128x128xf32, #tpu.memory_space<vmem>>
      tpu.enqueue_dma source(%dma_start3A_86 : memref<128x128xf32, #tpu.memory_space<vmem>>) target(%dma_start3A_83 : memref<128x128xf32, #tpu.memory_space<hbm>>) target_semaphore(%run_scoped3A : memref<!tpu.dma_semaphore, #tpu.memory_space<semaphore_mem>>)
      %dma_wait3A = arith.constant 0 : i32
      %dma_wait3A_87 = arith.constant 0 : i32
      %dma_wait3A_88 = tpu.memref_slice %arg15[%dma_wait3A, %dma_wait3A_87] : memref<128x128xf32, #tpu.memory_space<vmem>> -> memref<128x128xf32, #tpu.memory_space<vmem>>
      %dma_wait3A_89 = arith.constant 0 : i32
      %dma_wait3A_90 = tpu.memref_slice %arg10[%add3A_71, %dma_wait3A_89] : memref<10240x128xf32, #tpu.memory_space<hbm>> -> memref<128x128xf32, #tpu.memory_space<hbm>>
      %dma_wait3A_91 = arith.constant 0 : i32
      %dma_wait3A_92 = tpu.memref_slice %arg10[%add3A_71, %dma_wait3A_91] : memref<10240x128xf32, #tpu.memory_space<hbm>> -> memref<128x128xf32, #tpu.memory_space<hbm>>
      %dma_wait3A_93 = arith.constant 0 : i32
      %dma_wait3A_94 = arith.constant 0 : i32
      %dma_wait3A_95 = tpu.memref_slice %arg15[%dma_wait3A_93, %dma_wait3A_94] : memref<128x128xf32, #tpu.memory_space<vmem>> -> memref<128x128xf32, #tpu.memory_space<vmem>>
      tpu.wait_dma2 semaphore(%run_scoped3A : memref<!tpu.dma_semaphore, #tpu.memory_space<semaphore_mem>>) src(%dma_wait3A_95 : memref<128x128xf32, #tpu.memory_space<vmem>>) dst(%dma_wait3A_92 : memref<128x128xf32, #tpu.memory_space<hbm>>)
      tpu.yield
    }) : () -> ()
    %add3A_72 = arith.constant 128 : i32
    %add3A_73 = arith.addi %mul3A_66, %add3A_72 : i32
    %add3A_74 = arith.addi %mul3A_41, %mul3A_66 : i32
    %add3A_75 = arith.constant 128 : i32
    %add3A_76 = arith.addi %add3A_74, %add3A_75 : i32
    "tpu.region"() ({
      %run_scoped3A = tpu.sem_alloc : memref<!tpu.dma_semaphore, #tpu.memory_space<semaphore_mem>>
      %dma_start3A = arith.constant 0 : i32
      %dma_start3A_78 = arith.constant 0 : i32
      %dma_start3A_79 = tpu.memref_slice %arg14[%dma_start3A, %dma_start3A_78] : memref<128x128xf32, #tpu.memory_space<vmem>> -> memref<32x128xf32, #tpu.memory_space<vmem>>
      %dma_start3A_80 = arith.constant 0 : i32
      %dma_start3A_81 = tpu.memref_slice %arg16[%add3A_73, %dma_start3A_80] : memref<2688x128xf32, #tpu.memory_space<vmem_shared>> -> memref<32x128xf32, #tpu.memory_space<vmem_shared>>
      %dma_start3A_82 = arith.constant 0 : i32
      %dma_start3A_83 = arith.constant 0 : i32
      %dma_start3A_84 = tpu.memref_slice %arg14[%dma_start3A_82, %dma_start3A_83] : memref<128x128xf32, #tpu.memory_space<vmem>> -> memref<32x128xf32, #tpu.memory_space<vmem>>
      %dma_start3A_85 = arith.constant 0 : i32
      %dma_start3A_86 = tpu.memref_slice %arg16[%add3A_73, %dma_start3A_85] : memref<2688x128xf32, #tpu.memory_space<vmem_shared>> -> memref<32x128xf32, #tpu.memory_space<vmem_shared>>
      tpu.enqueue_dma source(%dma_start3A_86 : memref<32x128xf32, #tpu.memory_space<vmem_shared>>) target(%dma_start3A_84 : memref<32x128xf32, #tpu.memory_space<vmem>>) target_semaphore(%run_scoped3A : memref<!tpu.dma_semaphore, #tpu.memory_space<semaphore_mem>>)
      %dma_wait3A = arith.constant 0 : i32
      %dma_wait3A_87 = arith.constant 0 : i32
      %dma_wait3A_88 = tpu.memref_slice %arg14[%dma_wait3A, %dma_wait3A_87] : memref<128x128xf32, #tpu.memory_space<vmem>> -> memref<32x128xf32, #tpu.memory_space<vmem>>
      %dma_wait3A_89 = arith.constant 0 : i32
      %dma_wait3A_90 = tpu.memref_slice %arg16[%add3A_73, %dma_wait3A_89] : memref<2688x128xf32, #tpu.memory_space<vmem_shared>> -> memref<32x128xf32, #tpu.memory_space<vmem_shared>>
      %dma_wait3A_91 = arith.constant 0 : i32
      %dma_wait3A_92 = arith.constant 0 : i32
      %dma_wait3A_93 = tpu.memref_slice %arg14[%dma_wait3A_91, %dma_wait3A_92] : memref<128x128xf32, #tpu.memory_space<vmem>> -> memref<32x128xf32, #tpu.memory_space<vmem>>
      %dma_wait3A_94 = arith.constant 0 : i32
      %dma_wait3A_95 = tpu.memref_slice %arg16[%add3A_73, %dma_wait3A_94] : memref<2688x128xf32, #tpu.memory_space<vmem_shared>> -> memref<32x128xf32, #tpu.memory_space<vmem_shared>>
      tpu.wait_dma2 semaphore(%run_scoped3A : memref<!tpu.dma_semaphore, #tpu.memory_space<semaphore_mem>>) src(%dma_wait3A_95 : memref<32x128xf32, #tpu.memory_space<vmem_shared>>) dst(%dma_wait3A_93 : memref<32x128xf32, #tpu.memory_space<vmem>>)
      tpu.yield
    }) : () -> ()
    "tpu.region"() ({
      %run_scoped3A = tpu.sem_alloc : memref<!tpu.dma_semaphore, #tpu.memory_space<semaphore_mem>>
      %dma_start3A = arith.constant 0 : i32
      %dma_start3A_78 = arith.constant 0 : i32
      %dma_start3A_79 = tpu.memref_slice %arg14[%dma_start3A, %dma_start3A_78] : memref<128x128xf32, #tpu.memory_space<vmem>> -> memref<32x128xf32, #tpu.memory_space<vmem>>
      %dma_start3A_80 = arith.constant 0 : i32
      %dma_start3A_81 = tpu.memref_slice %arg8[%add3A_76, %dma_start3A_80] : memref<10240x128xf32, #tpu.memory_space<hbm>> -> memref<32x128xf32, #tpu.memory_space<hbm>>
      %dma_start3A_82 = arith.constant 0 : i32
      %dma_start3A_83 = tpu.memref_slice %arg8[%add3A_76, %dma_start3A_82] : memref<10240x128xf32, #tpu.memory_space<hbm>> -> memref<32x128xf32, #tpu.memory_space<hbm>>
      %dma_start3A_84 = arith.constant 0 : i32
      %dma_start3A_85 = arith.constant 0 : i32
      %dma_start3A_86 = tpu.memref_slice %arg14[%dma_start3A_84, %dma_start3A_85] : memref<128x128xf32, #tpu.memory_space<vmem>> -> memref<32x128xf32, #tpu.memory_space<vmem>>
      tpu.enqueue_dma source(%dma_start3A_86 : memref<32x128xf32, #tpu.memory_space<vmem>>) target(%dma_start3A_83 : memref<32x128xf32, #tpu.memory_space<hbm>>) target_semaphore(%run_scoped3A : memref<!tpu.dma_semaphore, #tpu.memory_space<semaphore_mem>>)
      %dma_wait3A = arith.constant 0 : i32
      %dma_wait3A_87 = arith.constant 0 : i32
      %dma_wait3A_88 = tpu.memref_slice %arg14[%dma_wait3A, %dma_wait3A_87] : memref<128x128xf32, #tpu.memory_space<vmem>> -> memref<32x128xf32, #tpu.memory_space<vmem>>
      %dma_wait3A_89 = arith.constant 0 : i32
      %dma_wait3A_90 = tpu.memref_slice %arg8[%add3A_76, %dma_wait3A_89] : memref<10240x128xf32, #tpu.memory_space<hbm>> -> memref<32x128xf32, #tpu.memory_space<hbm>>
      %dma_wait3A_91 = arith.constant 0 : i32
      %dma_wait3A_92 = tpu.memref_slice %arg8[%add3A_76, %dma_wait3A_91] : memref<10240x128xf32, #tpu.memory_space<hbm>> -> memref<32x128xf32, #tpu.memory_space<hbm>>
      %dma_wait3A_93 = arith.constant 0 : i32
      %dma_wait3A_94 = arith.constant 0 : i32
      %dma_wait3A_95 = tpu.memref_slice %arg14[%dma_wait3A_93, %dma_wait3A_94] : memref<128x128xf32, #tpu.memory_space<vmem>> -> memref<32x128xf32, #tpu.memory_space<vmem>>
      tpu.wait_dma2 semaphore(%run_scoped3A : memref<!tpu.dma_semaphore, #tpu.memory_space<semaphore_mem>>) src(%dma_wait3A_95 : memref<32x128xf32, #tpu.memory_space<vmem>>) dst(%dma_wait3A_92 : memref<32x128xf32, #tpu.memory_space<hbm>>)
      tpu.yield
    }) : () -> ()
    "tpu.region"() ({
      %run_scoped3A = tpu.sem_alloc : memref<!tpu.dma_semaphore, #tpu.memory_space<semaphore_mem>>
      %dma_start3A = arith.constant 0 : i32
      %dma_start3A_78 = arith.constant 0 : i32
      %dma_start3A_79 = tpu.memref_slice %arg14[%dma_start3A, %dma_start3A_78] : memref<128x128xf32, #tpu.memory_space<vmem>> -> memref<32x128xf32, #tpu.memory_space<vmem>>
      %dma_start3A_80 = arith.constant 0 : i32
      %dma_start3A_81 = tpu.memref_slice %arg17[%add3A_73, %dma_start3A_80] : memref<2688x128xf32, #tpu.memory_space<vmem_shared>> -> memref<32x128xf32, #tpu.memory_space<vmem_shared>>
      %dma_start3A_82 = arith.constant 0 : i32
      %dma_start3A_83 = arith.constant 0 : i32
      %dma_start3A_84 = tpu.memref_slice %arg14[%dma_start3A_82, %dma_start3A_83] : memref<128x128xf32, #tpu.memory_space<vmem>> -> memref<32x128xf32, #tpu.memory_space<vmem>>
      %dma_start3A_85 = arith.constant 0 : i32
      %dma_start3A_86 = tpu.memref_slice %arg17[%add3A_73, %dma_start3A_85] : memref<2688x128xf32, #tpu.memory_space<vmem_shared>> -> memref<32x128xf32, #tpu.memory_space<vmem_shared>>
      tpu.enqueue_dma source(%dma_start3A_86 : memref<32x128xf32, #tpu.memory_space<vmem_shared>>) target(%dma_start3A_84 : memref<32x128xf32, #tpu.memory_space<vmem>>) target_semaphore(%run_scoped3A : memref<!tpu.dma_semaphore, #tpu.memory_space<semaphore_mem>>)
      %dma_wait3A = arith.constant 0 : i32
      %dma_wait3A_87 = arith.constant 0 : i32
      %dma_wait3A_88 = tpu.memref_slice %arg14[%dma_wait3A, %dma_wait3A_87] : memref<128x128xf32, #tpu.memory_space<vmem>> -> memref<32x128xf32, #tpu.memory_space<vmem>>
      %dma_wait3A_89 = arith.constant 0 : i32
      %dma_wait3A_90 = tpu.memref_slice %arg17[%add3A_73, %dma_wait3A_89] : memref<2688x128xf32, #tpu.memory_space<vmem_shared>> -> memref<32x128xf32, #tpu.memory_space<vmem_shared>>
      %dma_wait3A_91 = arith.constant 0 : i32
      %dma_wait3A_92 = arith.constant 0 : i32
      %dma_wait3A_93 = tpu.memref_slice %arg14[%dma_wait3A_91, %dma_wait3A_92] : memref<128x128xf32, #tpu.memory_space<vmem>> -> memref<32x128xf32, #tpu.memory_space<vmem>>
      %dma_wait3A_94 = arith.constant 0 : i32
      %dma_wait3A_95 = tpu.memref_slice %arg17[%add3A_73, %dma_wait3A_94] : memref<2688x128xf32, #tpu.memory_space<vmem_shared>> -> memref<32x128xf32, #tpu.memory_space<vmem_shared>>
      tpu.wait_dma2 semaphore(%run_scoped3A : memref<!tpu.dma_semaphore, #tpu.memory_space<semaphore_mem>>) src(%dma_wait3A_95 : memref<32x128xf32, #tpu.memory_space<vmem_shared>>) dst(%dma_wait3A_93 : memref<32x128xf32, #tpu.memory_space<vmem>>)
      tpu.yield
    }) : () -> ()
    "tpu.region"() ({
      %run_scoped3A = tpu.sem_alloc : memref<!tpu.dma_semaphore, #tpu.memory_space<semaphore_mem>>
      %dma_start3A = arith.constant 0 : i32
      %dma_start3A_78 = arith.constant 0 : i32
      %dma_start3A_79 = tpu.memref_slice %arg14[%dma_start3A, %dma_start3A_78] : memref<128x128xf32, #tpu.memory_space<vmem>> -> memref<32x128xf32, #tpu.memory_space<vmem>>
      %dma_start3A_80 = arith.constant 0 : i32
      %dma_start3A_81 = tpu.memref_slice %arg9[%add3A_76, %dma_start3A_80] : memref<10240x128xf32, #tpu.memory_space<hbm>> -> memref<32x128xf32, #tpu.memory_space<hbm>>
      %dma_start3A_82 = arith.constant 0 : i32
      %dma_start3A_83 = tpu.memref_slice %arg9[%add3A_76, %dma_start3A_82] : memref<10240x128xf32, #tpu.memory_space<hbm>> -> memref<32x128xf32, #tpu.memory_space<hbm>>
      %dma_start3A_84 = arith.constant 0 : i32
      %dma_start3A_85 = arith.constant 0 : i32
      %dma_start3A_86 = tpu.memref_slice %arg14[%dma_start3A_84, %dma_start3A_85] : memref<128x128xf32, #tpu.memory_space<vmem>> -> memref<32x128xf32, #tpu.memory_space<vmem>>
      tpu.enqueue_dma source(%dma_start3A_86 : memref<32x128xf32, #tpu.memory_space<vmem>>) target(%dma_start3A_83 : memref<32x128xf32, #tpu.memory_space<hbm>>) target_semaphore(%run_scoped3A : memref<!tpu.dma_semaphore, #tpu.memory_space<semaphore_mem>>)
      %dma_wait3A = arith.constant 0 : i32
      %dma_wait3A_87 = arith.constant 0 : i32
      %dma_wait3A_88 = tpu.memref_slice %arg14[%dma_wait3A, %dma_wait3A_87] : memref<128x128xf32, #tpu.memory_space<vmem>> -> memref<32x128xf32, #tpu.memory_space<vmem>>
      %dma_wait3A_89 = arith.constant 0 : i32
      %dma_wait3A_90 = tpu.memref_slice %arg9[%add3A_76, %dma_wait3A_89] : memref<10240x128xf32, #tpu.memory_space<hbm>> -> memref<32x128xf32, #tpu.memory_space<hbm>>
      %dma_wait3A_91 = arith.constant 0 : i32
      %dma_wait3A_92 = tpu.memref_slice %arg9[%add3A_76, %dma_wait3A_91] : memref<10240x128xf32, #tpu.memory_space<hbm>> -> memref<32x128xf32, #tpu.memory_space<hbm>>
      %dma_wait3A_93 = arith.constant 0 : i32
      %dma_wait3A_94 = arith.constant 0 : i32
      %dma_wait3A_95 = tpu.memref_slice %arg14[%dma_wait3A_93, %dma_wait3A_94] : memref<128x128xf32, #tpu.memory_space<vmem>> -> memref<32x128xf32, #tpu.memory_space<vmem>>
      tpu.wait_dma2 semaphore(%run_scoped3A : memref<!tpu.dma_semaphore, #tpu.memory_space<semaphore_mem>>) src(%dma_wait3A_95 : memref<32x128xf32, #tpu.memory_space<vmem>>) dst(%dma_wait3A_92 : memref<32x128xf32, #tpu.memory_space<hbm>>)
      tpu.yield
    }) : () -> ()
    "tpu.region"() ({
      %run_scoped3A = tpu.sem_alloc : memref<!tpu.dma_semaphore, #tpu.memory_space<semaphore_mem>>
      %dma_start3A = arith.constant 0 : i32
      %dma_start3A_78 = arith.constant 0 : i32
      %dma_start3A_79 = tpu.memref_slice %arg15[%dma_start3A, %dma_start3A_78] : memref<128x128xf32, #tpu.memory_space<vmem>> -> memref<32x128xf32, #tpu.memory_space<vmem>>
      %dma_start3A_80 = arith.constant 0 : i32
      %dma_start3A_81 = tpu.memref_slice %arg18[%add3A_73, %dma_start3A_80] : memref<2688x128xf32, #tpu.memory_space<vmem_shared>> -> memref<32x128xf32, #tpu.memory_space<vmem_shared>>
      %dma_start3A_82 = arith.constant 0 : i32
      %dma_start3A_83 = arith.constant 0 : i32
      %dma_start3A_84 = tpu.memref_slice %arg15[%dma_start3A_82, %dma_start3A_83] : memref<128x128xf32, #tpu.memory_space<vmem>> -> memref<32x128xf32, #tpu.memory_space<vmem>>
      %dma_start3A_85 = arith.constant 0 : i32
      %dma_start3A_86 = tpu.memref_slice %arg18[%add3A_73, %dma_start3A_85] : memref<2688x128xf32, #tpu.memory_space<vmem_shared>> -> memref<32x128xf32, #tpu.memory_space<vmem_shared>>
      tpu.enqueue_dma source(%dma_start3A_86 : memref<32x128xf32, #tpu.memory_space<vmem_shared>>) target(%dma_start3A_84 : memref<32x128xf32, #tpu.memory_space<vmem>>) target_semaphore(%run_scoped3A : memref<!tpu.dma_semaphore, #tpu.memory_space<semaphore_mem>>)
      %dma_wait3A = arith.constant 0 : i32
      %dma_wait3A_87 = arith.constant 0 : i32
      %dma_wait3A_88 = tpu.memref_slice %arg15[%dma_wait3A, %dma_wait3A_87] : memref<128x128xf32, #tpu.memory_space<vmem>> -> memref<32x128xf32, #tpu.memory_space<vmem>>
      %dma_wait3A_89 = arith.constant 0 : i32
      %dma_wait3A_90 = tpu.memref_slice %arg18[%add3A_73, %dma_wait3A_89] : memref<2688x128xf32, #tpu.memory_space<vmem_shared>> -> memref<32x128xf32, #tpu.memory_space<vmem_shared>>
      %dma_wait3A_91 = arith.constant 0 : i32
      %dma_wait3A_92 = arith.constant 0 : i32
      %dma_wait3A_93 = tpu.memref_slice %arg15[%dma_wait3A_91, %dma_wait3A_92] : memref<128x128xf32, #tpu.memory_space<vmem>> -> memref<32x128xf32, #tpu.memory_space<vmem>>
      %dma_wait3A_94 = arith.constant 0 : i32
      %dma_wait3A_95 = tpu.memref_slice %arg18[%add3A_73, %dma_wait3A_94] : memref<2688x128xf32, #tpu.memory_space<vmem_shared>> -> memref<32x128xf32, #tpu.memory_space<vmem_shared>>
      tpu.wait_dma2 semaphore(%run_scoped3A : memref<!tpu.dma_semaphore, #tpu.memory_space<semaphore_mem>>) src(%dma_wait3A_95 : memref<32x128xf32, #tpu.memory_space<vmem_shared>>) dst(%dma_wait3A_93 : memref<32x128xf32, #tpu.memory_space<vmem>>)
      tpu.yield
    }) : () -> ()
    "tpu.region"() ({
      %run_scoped3A = tpu.sem_alloc : memref<!tpu.dma_semaphore, #tpu.memory_space<semaphore_mem>>
      %dma_start3A = arith.constant 0 : i32
      %dma_start3A_78 = arith.constant 0 : i32
      %dma_start3A_79 = tpu.memref_slice %arg15[%dma_start3A, %dma_start3A_78] : memref<128x128xf32, #tpu.memory_space<vmem>> -> memref<32x128xf32, #tpu.memory_space<vmem>>
      %dma_start3A_80 = arith.constant 0 : i32
      %dma_start3A_81 = tpu.memref_slice %arg10[%add3A_76, %dma_start3A_80] : memref<10240x128xf32, #tpu.memory_space<hbm>> -> memref<32x128xf32, #tpu.memory_space<hbm>>
      %dma_start3A_82 = arith.constant 0 : i32
      %dma_start3A_83 = tpu.memref_slice %arg10[%add3A_76, %dma_start3A_82] : memref<10240x128xf32, #tpu.memory_space<hbm>> -> memref<32x128xf32, #tpu.memory_space<hbm>>
      %dma_start3A_84 = arith.constant 0 : i32
      %dma_start3A_85 = arith.constant 0 : i32
      %dma_start3A_86 = tpu.memref_slice %arg15[%dma_start3A_84, %dma_start3A_85] : memref<128x128xf32, #tpu.memory_space<vmem>> -> memref<32x128xf32, #tpu.memory_space<vmem>>
      tpu.enqueue_dma source(%dma_start3A_86 : memref<32x128xf32, #tpu.memory_space<vmem>>) target(%dma_start3A_83 : memref<32x128xf32, #tpu.memory_space<hbm>>) target_semaphore(%run_scoped3A : memref<!tpu.dma_semaphore, #tpu.memory_space<semaphore_mem>>)
      %dma_wait3A = arith.constant 0 : i32
      %dma_wait3A_87 = arith.constant 0 : i32
      %dma_wait3A_88 = tpu.memref_slice %arg15[%dma_wait3A, %dma_wait3A_87] : memref<128x128xf32, #tpu.memory_space<vmem>> -> memref<32x128xf32, #tpu.memory_space<vmem>>
      %dma_wait3A_89 = arith.constant 0 : i32
      %dma_wait3A_90 = tpu.memref_slice %arg10[%add3A_76, %dma_wait3A_89] : memref<10240x128xf32, #tpu.memory_space<hbm>> -> memref<32x128xf32, #tpu.memory_space<hbm>>
      %dma_wait3A_91 = arith.constant 0 : i32
      %dma_wait3A_92 = tpu.memref_slice %arg10[%add3A_76, %dma_wait3A_91] : memref<10240x128xf32, #tpu.memory_space<hbm>> -> memref<32x128xf32, #tpu.memory_space<hbm>>
      %dma_wait3A_93 = arith.constant 0 : i32
      %dma_wait3A_94 = arith.constant 0 : i32
      %dma_wait3A_95 = tpu.memref_slice %arg15[%dma_wait3A_93, %dma_wait3A_94] : memref<128x128xf32, #tpu.memory_space<vmem>> -> memref<32x128xf32, #tpu.memory_space<vmem>>
      tpu.wait_dma2 semaphore(%run_scoped3A : memref<!tpu.dma_semaphore, #tpu.memory_space<semaphore_mem>>) src(%dma_wait3A_95 : memref<32x128xf32, #tpu.memory_space<vmem>>) dst(%dma_wait3A_92 : memref<32x128xf32, #tpu.memory_space<hbm>>)
      tpu.yield
    }) : () -> ()
    %barrier3A_77 = arith.constant 0 : index
    tpu.barrier barrier_id(%barrier3A_77)
    return
  }
}

#map = affine_map<(d0, d1) -> (0, 0)>
#map1 = affine_map<(d0, d1) -> (0)>
module attributes {stable_mosaic.version = 14 : i64} {
  func.func @_gather_kernel(%arg0: i32, %arg1: i32, %arg2: memref<10000x128xf32, #tpu.memory_space<hbm>>, %arg3: memref<10000x128xf32, #tpu.memory_space<hbm>>, %arg4: memref<10000xf32, #tpu.memory_space<hbm>>, %arg5: memref<320000xi32, #tpu.memory_space<hbm>>, %arg6: memref<320000xi32, #tpu.memory_space<hbm>>, %arg7: memref<320000x128xf32, #tpu.memory_space<hbm>>, %arg8: memref<320000x128xf32, #tpu.memory_space<hbm>>, %arg9: memref<320000x128xf32, #tpu.memory_space<hbm>>, %arg10: memref<320000x128xf32, #tpu.memory_space<hbm>>, %arg11: memref<320000xf32, #tpu.memory_space<hbm>>, %arg12: memref<80xi32, #tpu.memory_space<vmem>>, %arg13: memref<80xi32, #tpu.memory_space<vmem>>, %arg14: memref<80x128xf32, #tpu.memory_space<vmem>>, %arg15: memref<80x128xf32, #tpu.memory_space<vmem>>, %arg16: memref<80x128xf32, #tpu.memory_space<vmem>>, %arg17: memref<80x128xf32, #tpu.memory_space<vmem>>, %arg18: memref<80xf32, #tpu.memory_space<vmem>>, %arg19: memref<80xf32, #tpu.memory_space<vmem>>, %arg20: memref<80xf32, #tpu.memory_space<vmem>>, %arg21: memref<80xi32, #tpu.memory_space<vmem>>, %arg22: memref<80xi32, #tpu.memory_space<vmem>>, %arg23: memref<80x128xf32, #tpu.memory_space<vmem>>, %arg24: memref<80x128xf32, #tpu.memory_space<vmem>>, %arg25: memref<80x128xf32, #tpu.memory_space<vmem>>, %arg26: memref<80x128xf32, #tpu.memory_space<vmem>>, %arg27: memref<80xf32, #tpu.memory_space<vmem>>, %arg28: memref<80xf32, #tpu.memory_space<vmem>>, %arg29: memref<80xf32, #tpu.memory_space<vmem>>, %arg30: memref<!tpu.dma_semaphore, #tpu.memory_space<semaphore_mem>>, %arg31: memref<!tpu.dma_semaphore, #tpu.memory_space<semaphore_mem>>, %arg32: memref<!tpu.dma_semaphore, #tpu.memory_space<semaphore_mem>>, %arg33: memref<!tpu.dma_semaphore, #tpu.memory_space<semaphore_mem>>, %arg34: memref<!tpu.dma_semaphore, #tpu.memory_space<semaphore_mem>>, %arg35: memref<!tpu.dma_semaphore, #tpu.memory_space<semaphore_mem>>, %arg36: memref<!tpu.dma_semaphore, #tpu.memory_space<semaphore_mem>>, %arg37: memref<!tpu.dma_semaphore, #tpu.memory_space<semaphore_mem>>, %arg38: memref<!tpu.dma_semaphore, #tpu.memory_space<semaphore_mem>>, %arg39: memref<!tpu.dma_semaphore, #tpu.memory_space<semaphore_mem>>, %arg40: memref<!tpu.dma_semaphore, #tpu.memory_space<semaphore_mem>>, %arg41: memref<!tpu.dma_semaphore, #tpu.memory_space<semaphore_mem>>) attributes {dimension_semantics = [#tpu.dimension_semantics<core_parallel>, #tpu.dimension_semantics<subcore_parallel>], iteration_bounds = array<i64: 2, 16>, scalar_prefetch = 0 : i64, scratch_operands = 30 : i64, tpu.core_type = #tpu.core_type<sc_vector_subcore>, window_params = [{transform_indices = #map}, {transform_indices = #map}, {transform_indices = #map1}, {transform_indices = #map1}, {transform_indices = #map1}, {transform_indices = #map}, {transform_indices = #map}, {transform_indices = #map}, {transform_indices = #map}, {transform_indices = #map1}]} {
    %mul3A = arith.constant 16 : i32
    %mul3A_0 = arith.muli %arg0, %mul3A : i32
    %add3A = arith.addi %mul3A_0, %arg1 : i32
    %mul3A_1 = arith.constant 125 : i32
    %mul3A_2 = arith.muli %add3A, %mul3A_1 : i32
    %mul3A_3 = arith.constant 80 : i32
    %mul3A_4 = arith.muli %mul3A_2, %mul3A_3 : i32
    "tpu.region"() ({
      %run_scoped3A = tpu.sem_alloc : memref<!tpu.dma_semaphore, #tpu.memory_space<semaphore_mem>>
      %dma_start3A_165 = tpu.memref_slice %arg5[%mul3A_4] : memref<320000xi32, #tpu.memory_space<hbm>> -> memref<80xi32, #tpu.memory_space<hbm>>
      %dma_start3A_166 = tpu.memref_slice %arg5[%mul3A_4] : memref<320000xi32, #tpu.memory_space<hbm>> -> memref<80xi32, #tpu.memory_space<hbm>>
      tpu.enqueue_dma source(%dma_start3A_166 : memref<80xi32, #tpu.memory_space<hbm>>) target(%arg12 : memref<80xi32, #tpu.memory_space<vmem>>) target_semaphore(%run_scoped3A : memref<!tpu.dma_semaphore, #tpu.memory_space<semaphore_mem>>)
      %dma_wait3A_167 = tpu.memref_slice %arg5[%mul3A_4] : memref<320000xi32, #tpu.memory_space<hbm>> -> memref<80xi32, #tpu.memory_space<hbm>>
      %dma_wait3A_168 = tpu.memref_slice %arg5[%mul3A_4] : memref<320000xi32, #tpu.memory_space<hbm>> -> memref<80xi32, #tpu.memory_space<hbm>>
      tpu.wait_dma2 semaphore(%run_scoped3A : memref<!tpu.dma_semaphore, #tpu.memory_space<semaphore_mem>>) src(%dma_wait3A_168 : memref<80xi32, #tpu.memory_space<hbm>>) dst(%arg12 : memref<80xi32, #tpu.memory_space<vmem>>)
      tpu.yield
    }) : () -> ()
    "tpu.region"() ({
      %run_scoped3A = tpu.sem_alloc : memref<!tpu.dma_semaphore, #tpu.memory_space<semaphore_mem>>
      %dma_start3A_165 = tpu.memref_slice %arg6[%mul3A_4] : memref<320000xi32, #tpu.memory_space<hbm>> -> memref<80xi32, #tpu.memory_space<hbm>>
      %dma_start3A_166 = tpu.memref_slice %arg6[%mul3A_4] : memref<320000xi32, #tpu.memory_space<hbm>> -> memref<80xi32, #tpu.memory_space<hbm>>
      tpu.enqueue_dma source(%dma_start3A_166 : memref<80xi32, #tpu.memory_space<hbm>>) target(%arg13 : memref<80xi32, #tpu.memory_space<vmem>>) target_semaphore(%run_scoped3A : memref<!tpu.dma_semaphore, #tpu.memory_space<semaphore_mem>>)
      %dma_wait3A_167 = tpu.memref_slice %arg6[%mul3A_4] : memref<320000xi32, #tpu.memory_space<hbm>> -> memref<80xi32, #tpu.memory_space<hbm>>
      %dma_wait3A_168 = tpu.memref_slice %arg6[%mul3A_4] : memref<320000xi32, #tpu.memory_space<hbm>> -> memref<80xi32, #tpu.memory_space<hbm>>
      tpu.wait_dma2 semaphore(%run_scoped3A : memref<!tpu.dma_semaphore, #tpu.memory_space<semaphore_mem>>) src(%dma_wait3A_168 : memref<80xi32, #tpu.memory_space<hbm>>) dst(%arg13 : memref<80xi32, #tpu.memory_space<vmem>>)
      tpu.yield
    }) : () -> ()
    %dma_start3A = arith.constant 0 : i32
    %dma_start3A_5 = arith.constant 0 : i32
    %dma_start3A_6 = tpu.memref_slice %arg2[%dma_start3A, %dma_start3A_5] : memref<10000x128xf32, #tpu.memory_space<hbm>> -> memref<10000x128xf32, #tpu.memory_space<hbm>>
    tpu.enqueue_indirect_dma source(%dma_start3A_6 : memref<10000x128xf32, #tpu.memory_space<hbm>>) target(%arg14 : memref<80x128xf32, #tpu.memory_space<vmem>>) offsets(%arg12 : memref<80xi32, #tpu.memory_space<vmem>>) semaphore(%arg30 : memref<!tpu.dma_semaphore, #tpu.memory_space<semaphore_mem>>)
    %dma_start3A_7 = arith.constant 0 : i32
    %dma_start3A_8 = arith.constant 0 : i32
    %dma_start3A_9 = tpu.memref_slice %arg2[%dma_start3A_7, %dma_start3A_8] : memref<10000x128xf32, #tpu.memory_space<hbm>> -> memref<10000x128xf32, #tpu.memory_space<hbm>>
    tpu.enqueue_indirect_dma source(%dma_start3A_9 : memref<10000x128xf32, #tpu.memory_space<hbm>>) target(%arg15 : memref<80x128xf32, #tpu.memory_space<vmem>>) offsets(%arg13 : memref<80xi32, #tpu.memory_space<vmem>>) semaphore(%arg31 : memref<!tpu.dma_semaphore, #tpu.memory_space<semaphore_mem>>)
    %dma_start3A_10 = arith.constant 0 : i32
    %dma_start3A_11 = arith.constant 0 : i32
    %dma_start3A_12 = tpu.memref_slice %arg3[%dma_start3A_10, %dma_start3A_11] : memref<10000x128xf32, #tpu.memory_space<hbm>> -> memref<10000x128xf32, #tpu.memory_space<hbm>>
    tpu.enqueue_indirect_dma source(%dma_start3A_12 : memref<10000x128xf32, #tpu.memory_space<hbm>>) target(%arg16 : memref<80x128xf32, #tpu.memory_space<vmem>>) offsets(%arg12 : memref<80xi32, #tpu.memory_space<vmem>>) semaphore(%arg32 : memref<!tpu.dma_semaphore, #tpu.memory_space<semaphore_mem>>)
    %dma_start3A_13 = arith.constant 0 : i32
    %dma_start3A_14 = arith.constant 0 : i32
    %dma_start3A_15 = tpu.memref_slice %arg3[%dma_start3A_13, %dma_start3A_14] : memref<10000x128xf32, #tpu.memory_space<hbm>> -> memref<10000x128xf32, #tpu.memory_space<hbm>>
    tpu.enqueue_indirect_dma source(%dma_start3A_15 : memref<10000x128xf32, #tpu.memory_space<hbm>>) target(%arg17 : memref<80x128xf32, #tpu.memory_space<vmem>>) offsets(%arg13 : memref<80xi32, #tpu.memory_space<vmem>>) semaphore(%arg33 : memref<!tpu.dma_semaphore, #tpu.memory_space<semaphore_mem>>)
    %dma_start3A_16 = arith.constant 0 : i32
    %dma_start3A_17 = tpu.memref_slice %arg4[%dma_start3A_16] : memref<10000xf32, #tpu.memory_space<hbm>> -> memref<10000xf32, #tpu.memory_space<hbm>>
    tpu.enqueue_indirect_dma source(%dma_start3A_17 : memref<10000xf32, #tpu.memory_space<hbm>>) target(%arg18 : memref<80xf32, #tpu.memory_space<vmem>>) offsets(%arg12 : memref<80xi32, #tpu.memory_space<vmem>>) semaphore(%arg34 : memref<!tpu.dma_semaphore, #tpu.memory_space<semaphore_mem>>)
    %dma_start3A_18 = arith.constant 0 : i32
    %dma_start3A_19 = tpu.memref_slice %arg4[%dma_start3A_18] : memref<10000xf32, #tpu.memory_space<hbm>> -> memref<10000xf32, #tpu.memory_space<hbm>>
    tpu.enqueue_indirect_dma source(%dma_start3A_19 : memref<10000xf32, #tpu.memory_space<hbm>>) target(%arg19 : memref<80xf32, #tpu.memory_space<vmem>>) offsets(%arg13 : memref<80xi32, #tpu.memory_space<vmem>>) semaphore(%arg35 : memref<!tpu.dma_semaphore, #tpu.memory_space<semaphore_mem>>)
    %add3A_20 = arith.constant 1 : i32
    %add3A_21 = arith.addi %mul3A_2, %add3A_20 : i32
    %mul3A_22 = arith.constant 80 : i32
    %mul3A_23 = arith.muli %add3A_21, %mul3A_22 : i32
    "tpu.region"() ({
      %run_scoped3A = tpu.sem_alloc : memref<!tpu.dma_semaphore, #tpu.memory_space<semaphore_mem>>
      %dma_start3A_165 = tpu.memref_slice %arg5[%mul3A_23] : memref<320000xi32, #tpu.memory_space<hbm>> -> memref<80xi32, #tpu.memory_space<hbm>>
      %dma_start3A_166 = tpu.memref_slice %arg5[%mul3A_23] : memref<320000xi32, #tpu.memory_space<hbm>> -> memref<80xi32, #tpu.memory_space<hbm>>
      tpu.enqueue_dma source(%dma_start3A_166 : memref<80xi32, #tpu.memory_space<hbm>>) target(%arg21 : memref<80xi32, #tpu.memory_space<vmem>>) target_semaphore(%run_scoped3A : memref<!tpu.dma_semaphore, #tpu.memory_space<semaphore_mem>>)
      %dma_wait3A_167 = tpu.memref_slice %arg5[%mul3A_23] : memref<320000xi32, #tpu.memory_space<hbm>> -> memref<80xi32, #tpu.memory_space<hbm>>
      %dma_wait3A_168 = tpu.memref_slice %arg5[%mul3A_23] : memref<320000xi32, #tpu.memory_space<hbm>> -> memref<80xi32, #tpu.memory_space<hbm>>
      tpu.wait_dma2 semaphore(%run_scoped3A : memref<!tpu.dma_semaphore, #tpu.memory_space<semaphore_mem>>) src(%dma_wait3A_168 : memref<80xi32, #tpu.memory_space<hbm>>) dst(%arg21 : memref<80xi32, #tpu.memory_space<vmem>>)
      tpu.yield
    }) : () -> ()
    "tpu.region"() ({
      %run_scoped3A = tpu.sem_alloc : memref<!tpu.dma_semaphore, #tpu.memory_space<semaphore_mem>>
      %dma_start3A_165 = tpu.memref_slice %arg6[%mul3A_23] : memref<320000xi32, #tpu.memory_space<hbm>> -> memref<80xi32, #tpu.memory_space<hbm>>
      %dma_start3A_166 = tpu.memref_slice %arg6[%mul3A_23] : memref<320000xi32, #tpu.memory_space<hbm>> -> memref<80xi32, #tpu.memory_space<hbm>>
      tpu.enqueue_dma source(%dma_start3A_166 : memref<80xi32, #tpu.memory_space<hbm>>) target(%arg22 : memref<80xi32, #tpu.memory_space<vmem>>) target_semaphore(%run_scoped3A : memref<!tpu.dma_semaphore, #tpu.memory_space<semaphore_mem>>)
      %dma_wait3A_167 = tpu.memref_slice %arg6[%mul3A_23] : memref<320000xi32, #tpu.memory_space<hbm>> -> memref<80xi32, #tpu.memory_space<hbm>>
      %dma_wait3A_168 = tpu.memref_slice %arg6[%mul3A_23] : memref<320000xi32, #tpu.memory_space<hbm>> -> memref<80xi32, #tpu.memory_space<hbm>>
      tpu.wait_dma2 semaphore(%run_scoped3A : memref<!tpu.dma_semaphore, #tpu.memory_space<semaphore_mem>>) src(%dma_wait3A_168 : memref<80xi32, #tpu.memory_space<hbm>>) dst(%arg22 : memref<80xi32, #tpu.memory_space<vmem>>)
      tpu.yield
    }) : () -> ()
    %dma_start3A_24 = arith.constant 0 : i32
    %dma_start3A_25 = arith.constant 0 : i32
    %dma_start3A_26 = tpu.memref_slice %arg2[%dma_start3A_24, %dma_start3A_25] : memref<10000x128xf32, #tpu.memory_space<hbm>> -> memref<10000x128xf32, #tpu.memory_space<hbm>>
    tpu.enqueue_indirect_dma source(%dma_start3A_26 : memref<10000x128xf32, #tpu.memory_space<hbm>>) target(%arg23 : memref<80x128xf32, #tpu.memory_space<vmem>>) offsets(%arg21 : memref<80xi32, #tpu.memory_space<vmem>>) semaphore(%arg36 : memref<!tpu.dma_semaphore, #tpu.memory_space<semaphore_mem>>)
    %dma_start3A_27 = arith.constant 0 : i32
    %dma_start3A_28 = arith.constant 0 : i32
    %dma_start3A_29 = tpu.memref_slice %arg2[%dma_start3A_27, %dma_start3A_28] : memref<10000x128xf32, #tpu.memory_space<hbm>> -> memref<10000x128xf32, #tpu.memory_space<hbm>>
    tpu.enqueue_indirect_dma source(%dma_start3A_29 : memref<10000x128xf32, #tpu.memory_space<hbm>>) target(%arg24 : memref<80x128xf32, #tpu.memory_space<vmem>>) offsets(%arg22 : memref<80xi32, #tpu.memory_space<vmem>>) semaphore(%arg37 : memref<!tpu.dma_semaphore, #tpu.memory_space<semaphore_mem>>)
    %dma_start3A_30 = arith.constant 0 : i32
    %dma_start3A_31 = arith.constant 0 : i32
    %dma_start3A_32 = tpu.memref_slice %arg3[%dma_start3A_30, %dma_start3A_31] : memref<10000x128xf32, #tpu.memory_space<hbm>> -> memref<10000x128xf32, #tpu.memory_space<hbm>>
    tpu.enqueue_indirect_dma source(%dma_start3A_32 : memref<10000x128xf32, #tpu.memory_space<hbm>>) target(%arg25 : memref<80x128xf32, #tpu.memory_space<vmem>>) offsets(%arg21 : memref<80xi32, #tpu.memory_space<vmem>>) semaphore(%arg38 : memref<!tpu.dma_semaphore, #tpu.memory_space<semaphore_mem>>)
    %dma_start3A_33 = arith.constant 0 : i32
    %dma_start3A_34 = arith.constant 0 : i32
    %dma_start3A_35 = tpu.memref_slice %arg3[%dma_start3A_33, %dma_start3A_34] : memref<10000x128xf32, #tpu.memory_space<hbm>> -> memref<10000x128xf32, #tpu.memory_space<hbm>>
    tpu.enqueue_indirect_dma source(%dma_start3A_35 : memref<10000x128xf32, #tpu.memory_space<hbm>>) target(%arg26 : memref<80x128xf32, #tpu.memory_space<vmem>>) offsets(%arg22 : memref<80xi32, #tpu.memory_space<vmem>>) semaphore(%arg39 : memref<!tpu.dma_semaphore, #tpu.memory_space<semaphore_mem>>)
    %dma_start3A_36 = arith.constant 0 : i32
    %dma_start3A_37 = tpu.memref_slice %arg4[%dma_start3A_36] : memref<10000xf32, #tpu.memory_space<hbm>> -> memref<10000xf32, #tpu.memory_space<hbm>>
    tpu.enqueue_indirect_dma source(%dma_start3A_37 : memref<10000xf32, #tpu.memory_space<hbm>>) target(%arg27 : memref<80xf32, #tpu.memory_space<vmem>>) offsets(%arg21 : memref<80xi32, #tpu.memory_space<vmem>>) semaphore(%arg40 : memref<!tpu.dma_semaphore, #tpu.memory_space<semaphore_mem>>)
    %dma_start3A_38 = arith.constant 0 : i32
    %dma_start3A_39 = tpu.memref_slice %arg4[%dma_start3A_38] : memref<10000xf32, #tpu.memory_space<hbm>> -> memref<10000xf32, #tpu.memory_space<hbm>>
    tpu.enqueue_indirect_dma source(%dma_start3A_39 : memref<10000xf32, #tpu.memory_space<hbm>>) target(%arg28 : memref<80xf32, #tpu.memory_space<vmem>>) offsets(%arg22 : memref<80xi32, #tpu.memory_space<vmem>>) semaphore(%arg41 : memref<!tpu.dma_semaphore, #tpu.memory_space<semaphore_mem>>)
    %scan3A = arith.constant 0 : i32
    %scan3A_40 = arith.constant 62 : i32
    %scan3A_41 = arith.addi %scan3A, %scan3A_40 : i32
    %scan3A_42 = arith.constant 1 : i32
    scf.for %scan3A_165 = %scan3A to %scan3A_41 step %scan3A_42  : i32 {
      %mul3A_166 = arith.constant 2 : i32
      %mul3A_167 = arith.muli %scan3A_165, %mul3A_166 : i32
      %add3A_168 = arith.constant 0 : i32
      %add3A_169 = arith.addi %add3A_168, %mul3A_167 : i32
      %add3A_170 = arith.addi %mul3A_2, %add3A_169 : i32
      %dma_wait3A_171 = arith.constant 0 : i32
      %dma_wait3A_172 = arith.constant 0 : i32
      %dma_wait3A_173 = tpu.memref_slice %arg2[%dma_wait3A_171, %dma_wait3A_172] : memref<10000x128xf32, #tpu.memory_space<hbm>> -> memref<80x128xf32, #tpu.memory_space<hbm>>
      %dma_wait3A_174 = arith.constant 0 : i32
      %dma_wait3A_175 = arith.constant 0 : i32
      %dma_wait3A_176 = tpu.memref_slice %arg2[%dma_wait3A_174, %dma_wait3A_175] : memref<10000x128xf32, #tpu.memory_space<hbm>> -> memref<80x128xf32, #tpu.memory_space<hbm>>
      tpu.wait_dma2 semaphore(%arg30 : memref<!tpu.dma_semaphore, #tpu.memory_space<semaphore_mem>>) src(%dma_wait3A_176 : memref<80x128xf32, #tpu.memory_space<hbm>>) dst(%arg14 : memref<80x128xf32, #tpu.memory_space<vmem>>)
      %dma_wait3A_177 = arith.constant 0 : i32
      %dma_wait3A_178 = arith.constant 0 : i32
      %dma_wait3A_179 = tpu.memref_slice %arg2[%dma_wait3A_177, %dma_wait3A_178] : memref<10000x128xf32, #tpu.memory_space<hbm>> -> memref<80x128xf32, #tpu.memory_space<hbm>>
      %dma_wait3A_180 = arith.constant 0 : i32
      %dma_wait3A_181 = arith.constant 0 : i32
      %dma_wait3A_182 = tpu.memref_slice %arg2[%dma_wait3A_180, %dma_wait3A_181] : memref<10000x128xf32, #tpu.memory_space<hbm>> -> memref<80x128xf32, #tpu.memory_space<hbm>>
      tpu.wait_dma2 semaphore(%arg31 : memref<!tpu.dma_semaphore, #tpu.memory_space<semaphore_mem>>) src(%dma_wait3A_182 : memref<80x128xf32, #tpu.memory_space<hbm>>) dst(%arg15 : memref<80x128xf32, #tpu.memory_space<vmem>>)
      %dma_wait3A_183 = arith.constant 0 : i32
      %dma_wait3A_184 = arith.constant 0 : i32
      %dma_wait3A_185 = tpu.memref_slice %arg2[%dma_wait3A_183, %dma_wait3A_184] : memref<10000x128xf32, #tpu.memory_space<hbm>> -> memref<80x128xf32, #tpu.memory_space<hbm>>
      %dma_wait3A_186 = arith.constant 0 : i32
      %dma_wait3A_187 = arith.constant 0 : i32
      %dma_wait3A_188 = tpu.memref_slice %arg2[%dma_wait3A_186, %dma_wait3A_187] : memref<10000x128xf32, #tpu.memory_space<hbm>> -> memref<80x128xf32, #tpu.memory_space<hbm>>
      tpu.wait_dma2 semaphore(%arg32 : memref<!tpu.dma_semaphore, #tpu.memory_space<semaphore_mem>>) src(%dma_wait3A_188 : memref<80x128xf32, #tpu.memory_space<hbm>>) dst(%arg16 : memref<80x128xf32, #tpu.memory_space<vmem>>)
      %dma_wait3A_189 = arith.constant 0 : i32
      %dma_wait3A_190 = arith.constant 0 : i32
      %dma_wait3A_191 = tpu.memref_slice %arg2[%dma_wait3A_189, %dma_wait3A_190] : memref<10000x128xf32, #tpu.memory_space<hbm>> -> memref<80x128xf32, #tpu.memory_space<hbm>>
      %dma_wait3A_192 = arith.constant 0 : i32
      %dma_wait3A_193 = arith.constant 0 : i32
      %dma_wait3A_194 = tpu.memref_slice %arg2[%dma_wait3A_192, %dma_wait3A_193] : memref<10000x128xf32, #tpu.memory_space<hbm>> -> memref<80x128xf32, #tpu.memory_space<hbm>>
      tpu.wait_dma2 semaphore(%arg33 : memref<!tpu.dma_semaphore, #tpu.memory_space<semaphore_mem>>) src(%dma_wait3A_194 : memref<80x128xf32, #tpu.memory_space<hbm>>) dst(%arg17 : memref<80x128xf32, #tpu.memory_space<vmem>>)
      %dma_wait3A_195 = arith.constant 0 : i32
      %dma_wait3A_196 = tpu.memref_slice %arg4[%dma_wait3A_195] : memref<10000xf32, #tpu.memory_space<hbm>> -> memref<80xf32, #tpu.memory_space<hbm>>
      %dma_wait3A_197 = arith.constant 0 : i32
      %dma_wait3A_198 = tpu.memref_slice %arg4[%dma_wait3A_197] : memref<10000xf32, #tpu.memory_space<hbm>> -> memref<80xf32, #tpu.memory_space<hbm>>
      tpu.wait_dma2 semaphore(%arg34 : memref<!tpu.dma_semaphore, #tpu.memory_space<semaphore_mem>>) src(%dma_wait3A_198 : memref<80xf32, #tpu.memory_space<hbm>>) dst(%arg18 : memref<80xf32, #tpu.memory_space<vmem>>)
      %dma_wait3A_199 = arith.constant 0 : i32
      %dma_wait3A_200 = tpu.memref_slice %arg4[%dma_wait3A_199] : memref<10000xf32, #tpu.memory_space<hbm>> -> memref<80xf32, #tpu.memory_space<hbm>>
      %dma_wait3A_201 = arith.constant 0 : i32
      %dma_wait3A_202 = tpu.memref_slice %arg4[%dma_wait3A_201] : memref<10000xf32, #tpu.memory_space<hbm>> -> memref<80xf32, #tpu.memory_space<hbm>>
      tpu.wait_dma2 semaphore(%arg35 : memref<!tpu.dma_semaphore, #tpu.memory_space<semaphore_mem>>) src(%dma_wait3A_202 : memref<80xf32, #tpu.memory_space<hbm>>) dst(%arg19 : memref<80xf32, #tpu.memory_space<vmem>>)
      %mul3A_203 = arith.constant 80 : i32
      %mul3A_204 = arith.muli %add3A_170, %mul3A_203 : i32
      %get3A_205 = arith.constant 0 : index
      %get3A_206 = tpu.vector_load %arg18[%get3A_205] {strides = array<i32>} : memref<80xf32, #tpu.memory_space<vmem>>, vector<16xf32>,
      %get3A_207 = vector.shape_cast %get3A_206 : vector<16xf32> to vector<16xf32>
      %get3A_208 = arith.constant 0 : index
      %get3A_209 = tpu.vector_load %arg19[%get3A_208] {strides = array<i32>} : memref<80xf32, #tpu.memory_space<vmem>>, vector<16xf32>,
      %get3A_210 = vector.shape_cast %get3A_209 : vector<16xf32> to vector<16xf32>
      %sub3A_211 = arith.subf %get3A_207, %get3A_210 : vector<16xf32>
      %swap3A_212 = arith.constant 0 : index
      %swap3A_213 = tpu.vector_load %arg20[%swap3A_212] {strides = array<i32>} : memref<80xf32, #tpu.memory_space<vmem>>, vector<16xf32>,
      %swap3A_214 = vector.shape_cast %swap3A_213 : vector<16xf32> to vector<16xf32>
      %swap3A_215 = vector.shape_cast %sub3A_211 : vector<16xf32> to vector<16xf32>
      tpu.vector_store %arg20[%swap3A_212], %swap3A_215 {strides = array<i32>} : memref<80xf32, #tpu.memory_space<vmem>>, vector<16xf32>,
      %get3A_216 = arith.constant 16 : index
      %get3A_217 = tpu.vector_load %arg18[%get3A_216] {strides = array<i32>} : memref<80xf32, #tpu.memory_space<vmem>>, vector<16xf32>,
      %get3A_218 = vector.shape_cast %get3A_217 : vector<16xf32> to vector<16xf32>
      %get3A_219 = arith.constant 16 : index
      %get3A_220 = tpu.vector_load %arg19[%get3A_219] {strides = array<i32>} : memref<80xf32, #tpu.memory_space<vmem>>, vector<16xf32>,
      %get3A_221 = vector.shape_cast %get3A_220 : vector<16xf32> to vector<16xf32>
      %sub3A_222 = arith.subf %get3A_218, %get3A_221 : vector<16xf32>
      %swap3A_223 = arith.constant 16 : index
      %swap3A_224 = tpu.vector_load %arg20[%swap3A_223] {strides = array<i32>} : memref<80xf32, #tpu.memory_space<vmem>>, vector<16xf32>,
      %swap3A_225 = vector.shape_cast %swap3A_224 : vector<16xf32> to vector<16xf32>
      %swap3A_226 = vector.shape_cast %sub3A_222 : vector<16xf32> to vector<16xf32>
      tpu.vector_store %arg20[%swap3A_223], %swap3A_226 {strides = array<i32>} : memref<80xf32, #tpu.memory_space<vmem>>, vector<16xf32>,
      %get3A_227 = arith.constant 32 : index
      %get3A_228 = tpu.vector_load %arg18[%get3A_227] {strides = array<i32>} : memref<80xf32, #tpu.memory_space<vmem>>, vector<16xf32>,
      %get3A_229 = vector.shape_cast %get3A_228 : vector<16xf32> to vector<16xf32>
      %get3A_230 = arith.constant 32 : index
      %get3A_231 = tpu.vector_load %arg19[%get3A_230] {strides = array<i32>} : memref<80xf32, #tpu.memory_space<vmem>>, vector<16xf32>,
      %get3A_232 = vector.shape_cast %get3A_231 : vector<16xf32> to vector<16xf32>
      %sub3A_233 = arith.subf %get3A_229, %get3A_232 : vector<16xf32>
      %swap3A_234 = arith.constant 32 : index
      %swap3A_235 = tpu.vector_load %arg20[%swap3A_234] {strides = array<i32>} : memref<80xf32, #tpu.memory_space<vmem>>, vector<16xf32>,
      %swap3A_236 = vector.shape_cast %swap3A_235 : vector<16xf32> to vector<16xf32>
      %swap3A_237 = vector.shape_cast %sub3A_233 : vector<16xf32> to vector<16xf32>
      tpu.vector_store %arg20[%swap3A_234], %swap3A_237 {strides = array<i32>} : memref<80xf32, #tpu.memory_space<vmem>>, vector<16xf32>,
      %get3A_238 = arith.constant 48 : index
      %get3A_239 = tpu.vector_load %arg18[%get3A_238] {strides = array<i32>} : memref<80xf32, #tpu.memory_space<vmem>>, vector<16xf32>,
      %get3A_240 = vector.shape_cast %get3A_239 : vector<16xf32> to vector<16xf32>
      %get3A_241 = arith.constant 48 : index
      %get3A_242 = tpu.vector_load %arg19[%get3A_241] {strides = array<i32>} : memref<80xf32, #tpu.memory_space<vmem>>, vector<16xf32>,
      %get3A_243 = vector.shape_cast %get3A_242 : vector<16xf32> to vector<16xf32>
      %sub3A_244 = arith.subf %get3A_240, %get3A_243 : vector<16xf32>
      %swap3A_245 = arith.constant 48 : index
      %swap3A_246 = tpu.vector_load %arg20[%swap3A_245] {strides = array<i32>} : memref<80xf32, #tpu.memory_space<vmem>>, vector<16xf32>,
      %swap3A_247 = vector.shape_cast %swap3A_246 : vector<16xf32> to vector<16xf32>
      %swap3A_248 = vector.shape_cast %sub3A_244 : vector<16xf32> to vector<16xf32>
      tpu.vector_store %arg20[%swap3A_245], %swap3A_248 {strides = array<i32>} : memref<80xf32, #tpu.memory_space<vmem>>, vector<16xf32>,
      %get3A_249 = arith.constant 64 : index
      %get3A_250 = tpu.vector_load %arg18[%get3A_249] {strides = array<i32>} : memref<80xf32, #tpu.memory_space<vmem>>, vector<16xf32>,
      %get3A_251 = vector.shape_cast %get3A_250 : vector<16xf32> to vector<16xf32>
      %get3A_252 = arith.constant 64 : index
      %get3A_253 = tpu.vector_load %arg19[%get3A_252] {strides = array<i32>} : memref<80xf32, #tpu.memory_space<vmem>>, vector<16xf32>,
      %get3A_254 = vector.shape_cast %get3A_253 : vector<16xf32> to vector<16xf32>
      %sub3A_255 = arith.subf %get3A_251, %get3A_254 : vector<16xf32>
      %swap3A_256 = arith.constant 64 : index
      %swap3A_257 = tpu.vector_load %arg20[%swap3A_256] {strides = array<i32>} : memref<80xf32, #tpu.memory_space<vmem>>, vector<16xf32>,
      %swap3A_258 = vector.shape_cast %swap3A_257 : vector<16xf32> to vector<16xf32>
      %swap3A_259 = vector.shape_cast %sub3A_255 : vector<16xf32> to vector<16xf32>
      tpu.vector_store %arg20[%swap3A_256], %swap3A_259 {strides = array<i32>} : memref<80xf32, #tpu.memory_space<vmem>>, vector<16xf32>,
      "tpu.region"() ({
        %run_scoped3A = tpu.sem_alloc : memref<!tpu.dma_semaphore, #tpu.memory_space<semaphore_mem>>
        %dma_start3A_400 = arith.constant 0 : i32
        %dma_start3A_401 = tpu.memref_slice %arg7[%mul3A_204, %dma_start3A_400] : memref<320000x128xf32, #tpu.memory_space<hbm>> -> memref<80x128xf32, #tpu.memory_space<hbm>>
        %dma_start3A_402 = arith.constant 0 : i32
        %dma_start3A_403 = tpu.memref_slice %arg7[%mul3A_204, %dma_start3A_402] : memref<320000x128xf32, #tpu.memory_space<hbm>> -> memref<80x128xf32, #tpu.memory_space<hbm>>
        tpu.enqueue_dma source(%arg14 : memref<80x128xf32, #tpu.memory_space<vmem>>) target(%dma_start3A_403 : memref<80x128xf32, #tpu.memory_space<hbm>>) target_semaphore(%run_scoped3A : memref<!tpu.dma_semaphore, #tpu.memory_space<semaphore_mem>>)
        %dma_wait3A_404 = arith.constant 0 : i32
        %dma_wait3A_405 = tpu.memref_slice %arg7[%mul3A_204, %dma_wait3A_404] : memref<320000x128xf32, #tpu.memory_space<hbm>> -> memref<80x128xf32, #tpu.memory_space<hbm>>
        %dma_wait3A_406 = arith.constant 0 : i32
        %dma_wait3A_407 = tpu.memref_slice %arg7[%mul3A_204, %dma_wait3A_406] : memref<320000x128xf32, #tpu.memory_space<hbm>> -> memref<80x128xf32, #tpu.memory_space<hbm>>
        tpu.wait_dma2 semaphore(%run_scoped3A : memref<!tpu.dma_semaphore, #tpu.memory_space<semaphore_mem>>) src(%arg14 : memref<80x128xf32, #tpu.memory_space<vmem>>) dst(%dma_wait3A_407 : memref<80x128xf32, #tpu.memory_space<hbm>>)
        tpu.yield
      }) : () -> ()
      "tpu.region"() ({
        %run_scoped3A = tpu.sem_alloc : memref<!tpu.dma_semaphore, #tpu.memory_space<semaphore_mem>>
        %dma_start3A_400 = arith.constant 0 : i32
        %dma_start3A_401 = tpu.memref_slice %arg8[%mul3A_204, %dma_start3A_400] : memref<320000x128xf32, #tpu.memory_space<hbm>> -> memref<80x128xf32, #tpu.memory_space<hbm>>
        %dma_start3A_402 = arith.constant 0 : i32
        %dma_start3A_403 = tpu.memref_slice %arg8[%mul3A_204, %dma_start3A_402] : memref<320000x128xf32, #tpu.memory_space<hbm>> -> memref<80x128xf32, #tpu.memory_space<hbm>>
        tpu.enqueue_dma source(%arg15 : memref<80x128xf32, #tpu.memory_space<vmem>>) target(%dma_start3A_403 : memref<80x128xf32, #tpu.memory_space<hbm>>) target_semaphore(%run_scoped3A : memref<!tpu.dma_semaphore, #tpu.memory_space<semaphore_mem>>)
        %dma_wait3A_404 = arith.constant 0 : i32
        %dma_wait3A_405 = tpu.memref_slice %arg8[%mul3A_204, %dma_wait3A_404] : memref<320000x128xf32, #tpu.memory_space<hbm>> -> memref<80x128xf32, #tpu.memory_space<hbm>>
        %dma_wait3A_406 = arith.constant 0 : i32
        %dma_wait3A_407 = tpu.memref_slice %arg8[%mul3A_204, %dma_wait3A_406] : memref<320000x128xf32, #tpu.memory_space<hbm>> -> memref<80x128xf32, #tpu.memory_space<hbm>>
        tpu.wait_dma2 semaphore(%run_scoped3A : memref<!tpu.dma_semaphore, #tpu.memory_space<semaphore_mem>>) src(%arg15 : memref<80x128xf32, #tpu.memory_space<vmem>>) dst(%dma_wait3A_407 : memref<80x128xf32, #tpu.memory_space<hbm>>)
        tpu.yield
      }) : () -> ()
      "tpu.region"() ({
        %run_scoped3A = tpu.sem_alloc : memref<!tpu.dma_semaphore, #tpu.memory_space<semaphore_mem>>
        %dma_start3A_400 = arith.constant 0 : i32
        %dma_start3A_401 = tpu.memref_slice %arg9[%mul3A_204, %dma_start3A_400] : memref<320000x128xf32, #tpu.memory_space<hbm>> -> memref<80x128xf32, #tpu.memory_space<hbm>>
        %dma_start3A_402 = arith.constant 0 : i32
        %dma_start3A_403 = tpu.memref_slice %arg9[%mul3A_204, %dma_start3A_402] : memref<320000x128xf32, #tpu.memory_space<hbm>> -> memref<80x128xf32, #tpu.memory_space<hbm>>
        tpu.enqueue_dma source(%arg16 : memref<80x128xf32, #tpu.memory_space<vmem>>) target(%dma_start3A_403 : memref<80x128xf32, #tpu.memory_space<hbm>>) target_semaphore(%run_scoped3A : memref<!tpu.dma_semaphore, #tpu.memory_space<semaphore_mem>>)
        %dma_wait3A_404 = arith.constant 0 : i32
        %dma_wait3A_405 = tpu.memref_slice %arg9[%mul3A_204, %dma_wait3A_404] : memref<320000x128xf32, #tpu.memory_space<hbm>> -> memref<80x128xf32, #tpu.memory_space<hbm>>
        %dma_wait3A_406 = arith.constant 0 : i32
        %dma_wait3A_407 = tpu.memref_slice %arg9[%mul3A_204, %dma_wait3A_406] : memref<320000x128xf32, #tpu.memory_space<hbm>> -> memref<80x128xf32, #tpu.memory_space<hbm>>
        tpu.wait_dma2 semaphore(%run_scoped3A : memref<!tpu.dma_semaphore, #tpu.memory_space<semaphore_mem>>) src(%arg16 : memref<80x128xf32, #tpu.memory_space<vmem>>) dst(%dma_wait3A_407 : memref<80x128xf32, #tpu.memory_space<hbm>>)
        tpu.yield
      }) : () -> ()
      "tpu.region"() ({
        %run_scoped3A = tpu.sem_alloc : memref<!tpu.dma_semaphore, #tpu.memory_space<semaphore_mem>>
        %dma_start3A_400 = arith.constant 0 : i32
        %dma_start3A_401 = tpu.memref_slice %arg10[%mul3A_204, %dma_start3A_400] : memref<320000x128xf32, #tpu.memory_space<hbm>> -> memref<80x128xf32, #tpu.memory_space<hbm>>
        %dma_start3A_402 = arith.constant 0 : i32
        %dma_start3A_403 = tpu.memref_slice %arg10[%mul3A_204, %dma_start3A_402] : memref<320000x128xf32, #tpu.memory_space<hbm>> -> memref<80x128xf32, #tpu.memory_space<hbm>>
        tpu.enqueue_dma source(%arg17 : memref<80x128xf32, #tpu.memory_space<vmem>>) target(%dma_start3A_403 : memref<80x128xf32, #tpu.memory_space<hbm>>) target_semaphore(%run_scoped3A : memref<!tpu.dma_semaphore, #tpu.memory_space<semaphore_mem>>)
        %dma_wait3A_404 = arith.constant 0 : i32
        %dma_wait3A_405 = tpu.memref_slice %arg10[%mul3A_204, %dma_wait3A_404] : memref<320000x128xf32, #tpu.memory_space<hbm>> -> memref<80x128xf32, #tpu.memory_space<hbm>>
        %dma_wait3A_406 = arith.constant 0 : i32
        %dma_wait3A_407 = tpu.memref_slice %arg10[%mul3A_204, %dma_wait3A_406] : memref<320000x128xf32, #tpu.memory_space<hbm>> -> memref<80x128xf32, #tpu.memory_space<hbm>>
        tpu.wait_dma2 semaphore(%run_scoped3A : memref<!tpu.dma_semaphore, #tpu.memory_space<semaphore_mem>>) src(%arg17 : memref<80x128xf32, #tpu.memory_space<vmem>>) dst(%dma_wait3A_407 : memref<80x128xf32, #tpu.memory_space<hbm>>)
        tpu.yield
      }) : () -> ()
      "tpu.region"() ({
        %run_scoped3A = tpu.sem_alloc : memref<!tpu.dma_semaphore, #tpu.memory_space<semaphore_mem>>
        %dma_start3A_400 = tpu.memref_slice %arg11[%mul3A_204] : memref<320000xf32, #tpu.memory_space<hbm>> -> memref<80xf32, #tpu.memory_space<hbm>>
        %dma_start3A_401 = tpu.memref_slice %arg11[%mul3A_204] : memref<320000xf32, #tpu.memory_space<hbm>> -> memref<80xf32, #tpu.memory_space<hbm>>
        tpu.enqueue_dma source(%arg20 : memref<80xf32, #tpu.memory_space<vmem>>) target(%dma_start3A_401 : memref<80xf32, #tpu.memory_space<hbm>>) target_semaphore(%run_scoped3A : memref<!tpu.dma_semaphore, #tpu.memory_space<semaphore_mem>>)
        %dma_wait3A_402 = tpu.memref_slice %arg11[%mul3A_204] : memref<320000xf32, #tpu.memory_space<hbm>> -> memref<80xf32, #tpu.memory_space<hbm>>
        %dma_wait3A_403 = tpu.memref_slice %arg11[%mul3A_204] : memref<320000xf32, #tpu.memory_space<hbm>> -> memref<80xf32, #tpu.memory_space<hbm>>
        tpu.wait_dma2 semaphore(%run_scoped3A : memref<!tpu.dma_semaphore, #tpu.memory_space<semaphore_mem>>) src(%arg20 : memref<80xf32, #tpu.memory_space<vmem>>) dst(%dma_wait3A_403 : memref<80xf32, #tpu.memory_space<hbm>>)
        tpu.yield
      }) : () -> ()
      %add3A_260 = arith.constant 2 : i32
      %add3A_261 = arith.addi %add3A_170, %add3A_260 : i32
      %add3A_262 = arith.constant 125 : i32
      %add3A_263 = arith.addi %mul3A_2, %add3A_262 : i32
      %sub3A_264 = arith.constant 1 : i32
      %sub3A_265 = arith.subi %add3A_263, %sub3A_264 : i32
      %min3A = arith.minsi %add3A_261, %sub3A_265 : i32
      %mul3A_266 = arith.constant 80 : i32
      %mul3A_267 = arith.muli %min3A, %mul3A_266 : i32
      "tpu.region"() ({
        %run_scoped3A = tpu.sem_alloc : memref<!tpu.dma_semaphore, #tpu.memory_space<semaphore_mem>>
        %dma_start3A_400 = tpu.memref_slice %arg5[%mul3A_267] : memref<320000xi32, #tpu.memory_space<hbm>> -> memref<80xi32, #tpu.memory_space<hbm>>
        %dma_start3A_401 = tpu.memref_slice %arg5[%mul3A_267] : memref<320000xi32, #tpu.memory_space<hbm>> -> memref<80xi32, #tpu.memory_space<hbm>>
        tpu.enqueue_dma source(%dma_start3A_401 : memref<80xi32, #tpu.memory_space<hbm>>) target(%arg12 : memref<80xi32, #tpu.memory_space<vmem>>) target_semaphore(%run_scoped3A : memref<!tpu.dma_semaphore, #tpu.memory_space<semaphore_mem>>)
        %dma_wait3A_402 = tpu.memref_slice %arg5[%mul3A_267] : memref<320000xi32, #tpu.memory_space<hbm>> -> memref<80xi32, #tpu.memory_space<hbm>>
        %dma_wait3A_403 = tpu.memref_slice %arg5[%mul3A_267] : memref<320000xi32, #tpu.memory_space<hbm>> -> memref<80xi32, #tpu.memory_space<hbm>>
        tpu.wait_dma2 semaphore(%run_scoped3A : memref<!tpu.dma_semaphore, #tpu.memory_space<semaphore_mem>>) src(%dma_wait3A_403 : memref<80xi32, #tpu.memory_space<hbm>>) dst(%arg12 : memref<80xi32, #tpu.memory_space<vmem>>)
        tpu.yield
      }) : () -> ()
      "tpu.region"() ({
        %run_scoped3A = tpu.sem_alloc : memref<!tpu.dma_semaphore, #tpu.memory_space<semaphore_mem>>
        %dma_start3A_400 = tpu.memref_slice %arg6[%mul3A_267] : memref<320000xi32, #tpu.memory_space<hbm>> -> memref<80xi32, #tpu.memory_space<hbm>>
        %dma_start3A_401 = tpu.memref_slice %arg6[%mul3A_267] : memref<320000xi32, #tpu.memory_space<hbm>> -> memref<80xi32, #tpu.memory_space<hbm>>
        tpu.enqueue_dma source(%dma_start3A_401 : memref<80xi32, #tpu.memory_space<hbm>>) target(%arg13 : memref<80xi32, #tpu.memory_space<vmem>>) target_semaphore(%run_scoped3A : memref<!tpu.dma_semaphore, #tpu.memory_space<semaphore_mem>>)
        %dma_wait3A_402 = tpu.memref_slice %arg6[%mul3A_267] : memref<320000xi32, #tpu.memory_space<hbm>> -> memref<80xi32, #tpu.memory_space<hbm>>
        %dma_wait3A_403 = tpu.memref_slice %arg6[%mul3A_267] : memref<320000xi32, #tpu.memory_space<hbm>> -> memref<80xi32, #tpu.memory_space<hbm>>
        tpu.wait_dma2 semaphore(%run_scoped3A : memref<!tpu.dma_semaphore, #tpu.memory_space<semaphore_mem>>) src(%dma_wait3A_403 : memref<80xi32, #tpu.memory_space<hbm>>) dst(%arg13 : memref<80xi32, #tpu.memory_space<vmem>>)
        tpu.yield
      }) : () -> ()
      %dma_start3A_268 = arith.constant 0 : i32
      %dma_start3A_269 = arith.constant 0 : i32
      %dma_start3A_270 = tpu.memref_slice %arg2[%dma_start3A_268, %dma_start3A_269] : memref<10000x128xf32, #tpu.memory_space<hbm>> -> memref<10000x128xf32, #tpu.memory_space<hbm>>
      tpu.enqueue_indirect_dma source(%dma_start3A_270 : memref<10000x128xf32, #tpu.memory_space<hbm>>) target(%arg14 : memref<80x128xf32, #tpu.memory_space<vmem>>) offsets(%arg12 : memref<80xi32, #tpu.memory_space<vmem>>) semaphore(%arg30 : memref<!tpu.dma_semaphore, #tpu.memory_space<semaphore_mem>>)
      %dma_start3A_271 = arith.constant 0 : i32
      %dma_start3A_272 = arith.constant 0 : i32
      %dma_start3A_273 = tpu.memref_slice %arg2[%dma_start3A_271, %dma_start3A_272] : memref<10000x128xf32, #tpu.memory_space<hbm>> -> memref<10000x128xf32, #tpu.memory_space<hbm>>
      tpu.enqueue_indirect_dma source(%dma_start3A_273 : memref<10000x128xf32, #tpu.memory_space<hbm>>) target(%arg15 : memref<80x128xf32, #tpu.memory_space<vmem>>) offsets(%arg13 : memref<80xi32, #tpu.memory_space<vmem>>) semaphore(%arg31 : memref<!tpu.dma_semaphore, #tpu.memory_space<semaphore_mem>>)
      %dma_start3A_274 = arith.constant 0 : i32
      %dma_start3A_275 = arith.constant 0 : i32
      %dma_start3A_276 = tpu.memref_slice %arg3[%dma_start3A_274, %dma_start3A_275] : memref<10000x128xf32, #tpu.memory_space<hbm>> -> memref<10000x128xf32, #tpu.memory_space<hbm>>
      tpu.enqueue_indirect_dma source(%dma_start3A_276 : memref<10000x128xf32, #tpu.memory_space<hbm>>) target(%arg16 : memref<80x128xf32, #tpu.memory_space<vmem>>) offsets(%arg12 : memref<80xi32, #tpu.memory_space<vmem>>) semaphore(%arg32 : memref<!tpu.dma_semaphore, #tpu.memory_space<semaphore_mem>>)
      %dma_start3A_277 = arith.constant 0 : i32
      %dma_start3A_278 = arith.constant 0 : i32
      %dma_start3A_279 = tpu.memref_slice %arg3[%dma_start3A_277, %dma_start3A_278] : memref<10000x128xf32, #tpu.memory_space<hbm>> -> memref<10000x128xf32, #tpu.memory_space<hbm>>
      tpu.enqueue_indirect_dma source(%dma_start3A_279 : memref<10000x128xf32, #tpu.memory_space<hbm>>) target(%arg17 : memref<80x128xf32, #tpu.memory_space<vmem>>) offsets(%arg13 : memref<80xi32, #tpu.memory_space<vmem>>) semaphore(%arg33 : memref<!tpu.dma_semaphore, #tpu.memory_space<semaphore_mem>>)
      %dma_start3A_280 = arith.constant 0 : i32
      %dma_start3A_281 = tpu.memref_slice %arg4[%dma_start3A_280] : memref<10000xf32, #tpu.memory_space<hbm>> -> memref<10000xf32, #tpu.memory_space<hbm>>
      tpu.enqueue_indirect_dma source(%dma_start3A_281 : memref<10000xf32, #tpu.memory_space<hbm>>) target(%arg18 : memref<80xf32, #tpu.memory_space<vmem>>) offsets(%arg12 : memref<80xi32, #tpu.memory_space<vmem>>) semaphore(%arg34 : memref<!tpu.dma_semaphore, #tpu.memory_space<semaphore_mem>>)
      %dma_start3A_282 = arith.constant 0 : i32
      %dma_start3A_283 = tpu.memref_slice %arg4[%dma_start3A_282] : memref<10000xf32, #tpu.memory_space<hbm>> -> memref<10000xf32, #tpu.memory_space<hbm>>
      tpu.enqueue_indirect_dma source(%dma_start3A_283 : memref<10000xf32, #tpu.memory_space<hbm>>) target(%arg19 : memref<80xf32, #tpu.memory_space<vmem>>) offsets(%arg13 : memref<80xi32, #tpu.memory_space<vmem>>) semaphore(%arg35 : memref<!tpu.dma_semaphore, #tpu.memory_space<semaphore_mem>>)
      %add3A_284 = arith.constant 1 : i32
      %add3A_285 = arith.addi %add3A_170, %add3A_284 : i32
      %dma_wait3A_286 = arith.constant 0 : i32
      %dma_wait3A_287 = arith.constant 0 : i32
      %dma_wait3A_288 = tpu.memref_slice %arg2[%dma_wait3A_286, %dma_wait3A_287] : memref<10000x128xf32, #tpu.memory_space<hbm>> -> memref<80x128xf32, #tpu.memory_space<hbm>>
      %dma_wait3A_289 = arith.constant 0 : i32
      %dma_wait3A_290 = arith.constant 0 : i32
      %dma_wait3A_291 = tpu.memref_slice %arg2[%dma_wait3A_289, %dma_wait3A_290] : memref<10000x128xf32, #tpu.memory_space<hbm>> -> memref<80x128xf32, #tpu.memory_space<hbm>>
      tpu.wait_dma2 semaphore(%arg36 : memref<!tpu.dma_semaphore, #tpu.memory_space<semaphore_mem>>) src(%dma_wait3A_291 : memref<80x128xf32, #tpu.memory_space<hbm>>) dst(%arg23 : memref<80x128xf32, #tpu.memory_space<vmem>>)
      %dma_wait3A_292 = arith.constant 0 : i32
      %dma_wait3A_293 = arith.constant 0 : i32
      %dma_wait3A_294 = tpu.memref_slice %arg2[%dma_wait3A_292, %dma_wait3A_293] : memref<10000x128xf32, #tpu.memory_space<hbm>> -> memref<80x128xf32, #tpu.memory_space<hbm>>
      %dma_wait3A_295 = arith.constant 0 : i32
      %dma_wait3A_296 = arith.constant 0 : i32
      %dma_wait3A_297 = tpu.memref_slice %arg2[%dma_wait3A_295, %dma_wait3A_296] : memref<10000x128xf32, #tpu.memory_space<hbm>> -> memref<80x128xf32, #tpu.memory_space<hbm>>
      tpu.wait_dma2 semaphore(%arg37 : memref<!tpu.dma_semaphore, #tpu.memory_space<semaphore_mem>>) src(%dma_wait3A_297 : memref<80x128xf32, #tpu.memory_space<hbm>>) dst(%arg24 : memref<80x128xf32, #tpu.memory_space<vmem>>)
      %dma_wait3A_298 = arith.constant 0 : i32
      %dma_wait3A_299 = arith.constant 0 : i32
      %dma_wait3A_300 = tpu.memref_slice %arg2[%dma_wait3A_298, %dma_wait3A_299] : memref<10000x128xf32, #tpu.memory_space<hbm>> -> memref<80x128xf32, #tpu.memory_space<hbm>>
      %dma_wait3A_301 = arith.constant 0 : i32
      %dma_wait3A_302 = arith.constant 0 : i32
      %dma_wait3A_303 = tpu.memref_slice %arg2[%dma_wait3A_301, %dma_wait3A_302] : memref<10000x128xf32, #tpu.memory_space<hbm>> -> memref<80x128xf32, #tpu.memory_space<hbm>>
      tpu.wait_dma2 semaphore(%arg38 : memref<!tpu.dma_semaphore, #tpu.memory_space<semaphore_mem>>) src(%dma_wait3A_303 : memref<80x128xf32, #tpu.memory_space<hbm>>) dst(%arg25 : memref<80x128xf32, #tpu.memory_space<vmem>>)
      %dma_wait3A_304 = arith.constant 0 : i32
      %dma_wait3A_305 = arith.constant 0 : i32
      %dma_wait3A_306 = tpu.memref_slice %arg2[%dma_wait3A_304, %dma_wait3A_305] : memref<10000x128xf32, #tpu.memory_space<hbm>> -> memref<80x128xf32, #tpu.memory_space<hbm>>
      %dma_wait3A_307 = arith.constant 0 : i32
      %dma_wait3A_308 = arith.constant 0 : i32
      %dma_wait3A_309 = tpu.memref_slice %arg2[%dma_wait3A_307, %dma_wait3A_308] : memref<10000x128xf32, #tpu.memory_space<hbm>> -> memref<80x128xf32, #tpu.memory_space<hbm>>
      tpu.wait_dma2 semaphore(%arg39 : memref<!tpu.dma_semaphore, #tpu.memory_space<semaphore_mem>>) src(%dma_wait3A_309 : memref<80x128xf32, #tpu.memory_space<hbm>>) dst(%arg26 : memref<80x128xf32, #tpu.memory_space<vmem>>)
      %dma_wait3A_310 = arith.constant 0 : i32
      %dma_wait3A_311 = tpu.memref_slice %arg4[%dma_wait3A_310] : memref<10000xf32, #tpu.memory_space<hbm>> -> memref<80xf32, #tpu.memory_space<hbm>>
      %dma_wait3A_312 = arith.constant 0 : i32
      %dma_wait3A_313 = tpu.memref_slice %arg4[%dma_wait3A_312] : memref<10000xf32, #tpu.memory_space<hbm>> -> memref<80xf32, #tpu.memory_space<hbm>>
      tpu.wait_dma2 semaphore(%arg40 : memref<!tpu.dma_semaphore, #tpu.memory_space<semaphore_mem>>) src(%dma_wait3A_313 : memref<80xf32, #tpu.memory_space<hbm>>) dst(%arg27 : memref<80xf32, #tpu.memory_space<vmem>>)
      %dma_wait3A_314 = arith.constant 0 : i32
      %dma_wait3A_315 = tpu.memref_slice %arg4[%dma_wait3A_314] : memref<10000xf32, #tpu.memory_space<hbm>> -> memref<80xf32, #tpu.memory_space<hbm>>
      %dma_wait3A_316 = arith.constant 0 : i32
      %dma_wait3A_317 = tpu.memref_slice %arg4[%dma_wait3A_316] : memref<10000xf32, #tpu.memory_space<hbm>> -> memref<80xf32, #tpu.memory_space<hbm>>
      tpu.wait_dma2 semaphore(%arg41 : memref<!tpu.dma_semaphore, #tpu.memory_space<semaphore_mem>>) src(%dma_wait3A_317 : memref<80xf32, #tpu.memory_space<hbm>>) dst(%arg28 : memref<80xf32, #tpu.memory_space<vmem>>)
      %mul3A_318 = arith.constant 80 : i32
      %mul3A_319 = arith.muli %add3A_285, %mul3A_318 : i32
      %get3A_320 = arith.constant 0 : index
      %get3A_321 = tpu.vector_load %arg27[%get3A_320] {strides = array<i32>} : memref<80xf32, #tpu.memory_space<vmem>>, vector<16xf32>,
      %get3A_322 = vector.shape_cast %get3A_321 : vector<16xf32> to vector<16xf32>
      %get3A_323 = arith.constant 0 : index
      %get3A_324 = tpu.vector_load %arg28[%get3A_323] {strides = array<i32>} : memref<80xf32, #tpu.memory_space<vmem>>, vector<16xf32>,
      %get3A_325 = vector.shape_cast %get3A_324 : vector<16xf32> to vector<16xf32>
      %sub3A_326 = arith.subf %get3A_322, %get3A_325 : vector<16xf32>
      %swap3A_327 = arith.constant 0 : index
      %swap3A_328 = tpu.vector_load %arg29[%swap3A_327] {strides = array<i32>} : memref<80xf32, #tpu.memory_space<vmem>>, vector<16xf32>,
      %swap3A_329 = vector.shape_cast %swap3A_328 : vector<16xf32> to vector<16xf32>
      %swap3A_330 = vector.shape_cast %sub3A_326 : vector<16xf32> to vector<16xf32>
      tpu.vector_store %arg29[%swap3A_327], %swap3A_330 {strides = array<i32>} : memref<80xf32, #tpu.memory_space<vmem>>, vector<16xf32>,
      %get3A_331 = arith.constant 16 : index
      %get3A_332 = tpu.vector_load %arg27[%get3A_331] {strides = array<i32>} : memref<80xf32, #tpu.memory_space<vmem>>, vector<16xf32>,
      %get3A_333 = vector.shape_cast %get3A_332 : vector<16xf32> to vector<16xf32>
      %get3A_334 = arith.constant 16 : index
      %get3A_335 = tpu.vector_load %arg28[%get3A_334] {strides = array<i32>} : memref<80xf32, #tpu.memory_space<vmem>>, vector<16xf32>,
      %get3A_336 = vector.shape_cast %get3A_335 : vector<16xf32> to vector<16xf32>
      %sub3A_337 = arith.subf %get3A_333, %get3A_336 : vector<16xf32>
      %swap3A_338 = arith.constant 16 : index
      %swap3A_339 = tpu.vector_load %arg29[%swap3A_338] {strides = array<i32>} : memref<80xf32, #tpu.memory_space<vmem>>, vector<16xf32>,
      %swap3A_340 = vector.shape_cast %swap3A_339 : vector<16xf32> to vector<16xf32>
      %swap3A_341 = vector.shape_cast %sub3A_337 : vector<16xf32> to vector<16xf32>
      tpu.vector_store %arg29[%swap3A_338], %swap3A_341 {strides = array<i32>} : memref<80xf32, #tpu.memory_space<vmem>>, vector<16xf32>,
      %get3A_342 = arith.constant 32 : index
      %get3A_343 = tpu.vector_load %arg27[%get3A_342] {strides = array<i32>} : memref<80xf32, #tpu.memory_space<vmem>>, vector<16xf32>,
      %get3A_344 = vector.shape_cast %get3A_343 : vector<16xf32> to vector<16xf32>
      %get3A_345 = arith.constant 32 : index
      %get3A_346 = tpu.vector_load %arg28[%get3A_345] {strides = array<i32>} : memref<80xf32, #tpu.memory_space<vmem>>, vector<16xf32>,
      %get3A_347 = vector.shape_cast %get3A_346 : vector<16xf32> to vector<16xf32>
      %sub3A_348 = arith.subf %get3A_344, %get3A_347 : vector<16xf32>
      %swap3A_349 = arith.constant 32 : index
      %swap3A_350 = tpu.vector_load %arg29[%swap3A_349] {strides = array<i32>} : memref<80xf32, #tpu.memory_space<vmem>>, vector<16xf32>,
      %swap3A_351 = vector.shape_cast %swap3A_350 : vector<16xf32> to vector<16xf32>
      %swap3A_352 = vector.shape_cast %sub3A_348 : vector<16xf32> to vector<16xf32>
      tpu.vector_store %arg29[%swap3A_349], %swap3A_352 {strides = array<i32>} : memref<80xf32, #tpu.memory_space<vmem>>, vector<16xf32>,
      %get3A_353 = arith.constant 48 : index
      %get3A_354 = tpu.vector_load %arg27[%get3A_353] {strides = array<i32>} : memref<80xf32, #tpu.memory_space<vmem>>, vector<16xf32>,
      %get3A_355 = vector.shape_cast %get3A_354 : vector<16xf32> to vector<16xf32>
      %get3A_356 = arith.constant 48 : index
      %get3A_357 = tpu.vector_load %arg28[%get3A_356] {strides = array<i32>} : memref<80xf32, #tpu.memory_space<vmem>>, vector<16xf32>,
      %get3A_358 = vector.shape_cast %get3A_357 : vector<16xf32> to vector<16xf32>
      %sub3A_359 = arith.subf %get3A_355, %get3A_358 : vector<16xf32>
      %swap3A_360 = arith.constant 48 : index
      %swap3A_361 = tpu.vector_load %arg29[%swap3A_360] {strides = array<i32>} : memref<80xf32, #tpu.memory_space<vmem>>, vector<16xf32>,
      %swap3A_362 = vector.shape_cast %swap3A_361 : vector<16xf32> to vector<16xf32>
      %swap3A_363 = vector.shape_cast %sub3A_359 : vector<16xf32> to vector<16xf32>
      tpu.vector_store %arg29[%swap3A_360], %swap3A_363 {strides = array<i32>} : memref<80xf32, #tpu.memory_space<vmem>>, vector<16xf32>,
      %get3A_364 = arith.constant 64 : index
      %get3A_365 = tpu.vector_load %arg27[%get3A_364] {strides = array<i32>} : memref<80xf32, #tpu.memory_space<vmem>>, vector<16xf32>,
      %get3A_366 = vector.shape_cast %get3A_365 : vector<16xf32> to vector<16xf32>
      %get3A_367 = arith.constant 64 : index
      %get3A_368 = tpu.vector_load %arg28[%get3A_367] {strides = array<i32>} : memref<80xf32, #tpu.memory_space<vmem>>, vector<16xf32>,
      %get3A_369 = vector.shape_cast %get3A_368 : vector<16xf32> to vector<16xf32>
      %sub3A_370 = arith.subf %get3A_366, %get3A_369 : vector<16xf32>
      %swap3A_371 = arith.constant 64 : index
      %swap3A_372 = tpu.vector_load %arg29[%swap3A_371] {strides = array<i32>} : memref<80xf32, #tpu.memory_space<vmem>>, vector<16xf32>,
      %swap3A_373 = vector.shape_cast %swap3A_372 : vector<16xf32> to vector<16xf32>
      %swap3A_374 = vector.shape_cast %sub3A_370 : vector<16xf32> to vector<16xf32>
      tpu.vector_store %arg29[%swap3A_371], %swap3A_374 {strides = array<i32>} : memref<80xf32, #tpu.memory_space<vmem>>, vector<16xf32>,
      "tpu.region"() ({
        %run_scoped3A = tpu.sem_alloc : memref<!tpu.dma_semaphore, #tpu.memory_space<semaphore_mem>>
        %dma_start3A_400 = arith.constant 0 : i32
        %dma_start3A_401 = tpu.memref_slice %arg7[%mul3A_319, %dma_start3A_400] : memref<320000x128xf32, #tpu.memory_space<hbm>> -> memref<80x128xf32, #tpu.memory_space<hbm>>
        %dma_start3A_402 = arith.constant 0 : i32
        %dma_start3A_403 = tpu.memref_slice %arg7[%mul3A_319, %dma_start3A_402] : memref<320000x128xf32, #tpu.memory_space<hbm>> -> memref<80x128xf32, #tpu.memory_space<hbm>>
        tpu.enqueue_dma source(%arg23 : memref<80x128xf32, #tpu.memory_space<vmem>>) target(%dma_start3A_403 : memref<80x128xf32, #tpu.memory_space<hbm>>) target_semaphore(%run_scoped3A : memref<!tpu.dma_semaphore, #tpu.memory_space<semaphore_mem>>)
        %dma_wait3A_404 = arith.constant 0 : i32
        %dma_wait3A_405 = tpu.memref_slice %arg7[%mul3A_319, %dma_wait3A_404] : memref<320000x128xf32, #tpu.memory_space<hbm>> -> memref<80x128xf32, #tpu.memory_space<hbm>>
        %dma_wait3A_406 = arith.constant 0 : i32
        %dma_wait3A_407 = tpu.memref_slice %arg7[%mul3A_319, %dma_wait3A_406] : memref<320000x128xf32, #tpu.memory_space<hbm>> -> memref<80x128xf32, #tpu.memory_space<hbm>>
        tpu.wait_dma2 semaphore(%run_scoped3A : memref<!tpu.dma_semaphore, #tpu.memory_space<semaphore_mem>>) src(%arg23 : memref<80x128xf32, #tpu.memory_space<vmem>>) dst(%dma_wait3A_407 : memref<80x128xf32, #tpu.memory_space<hbm>>)
        tpu.yield
      }) : () -> ()
      "tpu.region"() ({
        %run_scoped3A = tpu.sem_alloc : memref<!tpu.dma_semaphore, #tpu.memory_space<semaphore_mem>>
        %dma_start3A_400 = arith.constant 0 : i32
        %dma_start3A_401 = tpu.memref_slice %arg8[%mul3A_319, %dma_start3A_400] : memref<320000x128xf32, #tpu.memory_space<hbm>> -> memref<80x128xf32, #tpu.memory_space<hbm>>
        %dma_start3A_402 = arith.constant 0 : i32
        %dma_start3A_403 = tpu.memref_slice %arg8[%mul3A_319, %dma_start3A_402] : memref<320000x128xf32, #tpu.memory_space<hbm>> -> memref<80x128xf32, #tpu.memory_space<hbm>>
        tpu.enqueue_dma source(%arg24 : memref<80x128xf32, #tpu.memory_space<vmem>>) target(%dma_start3A_403 : memref<80x128xf32, #tpu.memory_space<hbm>>) target_semaphore(%run_scoped3A : memref<!tpu.dma_semaphore, #tpu.memory_space<semaphore_mem>>)
        %dma_wait3A_404 = arith.constant 0 : i32
        %dma_wait3A_405 = tpu.memref_slice %arg8[%mul3A_319, %dma_wait3A_404] : memref<320000x128xf32, #tpu.memory_space<hbm>> -> memref<80x128xf32, #tpu.memory_space<hbm>>
        %dma_wait3A_406 = arith.constant 0 : i32
        %dma_wait3A_407 = tpu.memref_slice %arg8[%mul3A_319, %dma_wait3A_406] : memref<320000x128xf32, #tpu.memory_space<hbm>> -> memref<80x128xf32, #tpu.memory_space<hbm>>
        tpu.wait_dma2 semaphore(%run_scoped3A : memref<!tpu.dma_semaphore, #tpu.memory_space<semaphore_mem>>) src(%arg24 : memref<80x128xf32, #tpu.memory_space<vmem>>) dst(%dma_wait3A_407 : memref<80x128xf32, #tpu.memory_space<hbm>>)
        tpu.yield
      }) : () -> ()
      "tpu.region"() ({
        %run_scoped3A = tpu.sem_alloc : memref<!tpu.dma_semaphore, #tpu.memory_space<semaphore_mem>>
        %dma_start3A_400 = arith.constant 0 : i32
        %dma_start3A_401 = tpu.memref_slice %arg9[%mul3A_319, %dma_start3A_400] : memref<320000x128xf32, #tpu.memory_space<hbm>> -> memref<80x128xf32, #tpu.memory_space<hbm>>
        %dma_start3A_402 = arith.constant 0 : i32
        %dma_start3A_403 = tpu.memref_slice %arg9[%mul3A_319, %dma_start3A_402] : memref<320000x128xf32, #tpu.memory_space<hbm>> -> memref<80x128xf32, #tpu.memory_space<hbm>>
        tpu.enqueue_dma source(%arg25 : memref<80x128xf32, #tpu.memory_space<vmem>>) target(%dma_start3A_403 : memref<80x128xf32, #tpu.memory_space<hbm>>) target_semaphore(%run_scoped3A : memref<!tpu.dma_semaphore, #tpu.memory_space<semaphore_mem>>)
        %dma_wait3A_404 = arith.constant 0 : i32
        %dma_wait3A_405 = tpu.memref_slice %arg9[%mul3A_319, %dma_wait3A_404] : memref<320000x128xf32, #tpu.memory_space<hbm>> -> memref<80x128xf32, #tpu.memory_space<hbm>>
        %dma_wait3A_406 = arith.constant 0 : i32
        %dma_wait3A_407 = tpu.memref_slice %arg9[%mul3A_319, %dma_wait3A_406] : memref<320000x128xf32, #tpu.memory_space<hbm>> -> memref<80x128xf32, #tpu.memory_space<hbm>>
        tpu.wait_dma2 semaphore(%run_scoped3A : memref<!tpu.dma_semaphore, #tpu.memory_space<semaphore_mem>>) src(%arg25 : memref<80x128xf32, #tpu.memory_space<vmem>>) dst(%dma_wait3A_407 : memref<80x128xf32, #tpu.memory_space<hbm>>)
        tpu.yield
      }) : () -> ()
      "tpu.region"() ({
        %run_scoped3A = tpu.sem_alloc : memref<!tpu.dma_semaphore, #tpu.memory_space<semaphore_mem>>
        %dma_start3A_400 = arith.constant 0 : i32
        %dma_start3A_401 = tpu.memref_slice %arg10[%mul3A_319, %dma_start3A_400] : memref<320000x128xf32, #tpu.memory_space<hbm>> -> memref<80x128xf32, #tpu.memory_space<hbm>>
        %dma_start3A_402 = arith.constant 0 : i32
        %dma_start3A_403 = tpu.memref_slice %arg10[%mul3A_319, %dma_start3A_402] : memref<320000x128xf32, #tpu.memory_space<hbm>> -> memref<80x128xf32, #tpu.memory_space<hbm>>
        tpu.enqueue_dma source(%arg26 : memref<80x128xf32, #tpu.memory_space<vmem>>) target(%dma_start3A_403 : memref<80x128xf32, #tpu.memory_space<hbm>>) target_semaphore(%run_scoped3A : memref<!tpu.dma_semaphore, #tpu.memory_space<semaphore_mem>>)
        %dma_wait3A_404 = arith.constant 0 : i32
        %dma_wait3A_405 = tpu.memref_slice %arg10[%mul3A_319, %dma_wait3A_404] : memref<320000x128xf32, #tpu.memory_space<hbm>> -> memref<80x128xf32, #tpu.memory_space<hbm>>
        %dma_wait3A_406 = arith.constant 0 : i32
        %dma_wait3A_407 = tpu.memref_slice %arg10[%mul3A_319, %dma_wait3A_406] : memref<320000x128xf32, #tpu.memory_space<hbm>> -> memref<80x128xf32, #tpu.memory_space<hbm>>
        tpu.wait_dma2 semaphore(%run_scoped3A : memref<!tpu.dma_semaphore, #tpu.memory_space<semaphore_mem>>) src(%arg26 : memref<80x128xf32, #tpu.memory_space<vmem>>) dst(%dma_wait3A_407 : memref<80x128xf32, #tpu.memory_space<hbm>>)
        tpu.yield
      }) : () -> ()
      "tpu.region"() ({
        %run_scoped3A = tpu.sem_alloc : memref<!tpu.dma_semaphore, #tpu.memory_space<semaphore_mem>>
        %dma_start3A_400 = tpu.memref_slice %arg11[%mul3A_319] : memref<320000xf32, #tpu.memory_space<hbm>> -> memref<80xf32, #tpu.memory_space<hbm>>
        %dma_start3A_401 = tpu.memref_slice %arg11[%mul3A_319] : memref<320000xf32, #tpu.memory_space<hbm>> -> memref<80xf32, #tpu.memory_space<hbm>>
        tpu.enqueue_dma source(%arg29 : memref<80xf32, #tpu.memory_space<vmem>>) target(%dma_start3A_401 : memref<80xf32, #tpu.memory_space<hbm>>) target_semaphore(%run_scoped3A : memref<!tpu.dma_semaphore, #tpu.memory_space<semaphore_mem>>)
        %dma_wait3A_402 = tpu.memref_slice %arg11[%mul3A_319] : memref<320000xf32, #tpu.memory_space<hbm>> -> memref<80xf32, #tpu.memory_space<hbm>>
        %dma_wait3A_403 = tpu.memref_slice %arg11[%mul3A_319] : memref<320000xf32, #tpu.memory_space<hbm>> -> memref<80xf32, #tpu.memory_space<hbm>>
        tpu.wait_dma2 semaphore(%run_scoped3A : memref<!tpu.dma_semaphore, #tpu.memory_space<semaphore_mem>>) src(%arg29 : memref<80xf32, #tpu.memory_space<vmem>>) dst(%dma_wait3A_403 : memref<80xf32, #tpu.memory_space<hbm>>)
        tpu.yield
      }) : () -> ()
      %add3A_375 = arith.constant 3 : i32
      %add3A_376 = arith.addi %add3A_170, %add3A_375 : i32
      %add3A_377 = arith.constant 125 : i32
      %add3A_378 = arith.addi %mul3A_2, %add3A_377 : i32
      %sub3A_379 = arith.constant 1 : i32
      %sub3A_380 = arith.subi %add3A_378, %sub3A_379 : i32
      %min3A_381 = arith.minsi %add3A_376, %sub3A_380 : i32
      %mul3A_382 = arith.constant 80 : i32
      %mul3A_383 = arith.muli %min3A_381, %mul3A_382 : i32
      "tpu.region"() ({
        %run_scoped3A = tpu.sem_alloc : memref<!tpu.dma_semaphore, #tpu.memory_space<semaphore_mem>>
        %dma_start3A_400 = tpu.memref_slice %arg5[%mul3A_383] : memref<320000xi32, #tpu.memory_space<hbm>> -> memref<80xi32, #tpu.memory_space<hbm>>
        %dma_start3A_401 = tpu.memref_slice %arg5[%mul3A_383] : memref<320000xi32, #tpu.memory_space<hbm>> -> memref<80xi32, #tpu.memory_space<hbm>>
        tpu.enqueue_dma source(%dma_start3A_401 : memref<80xi32, #tpu.memory_space<hbm>>) target(%arg21 : memref<80xi32, #tpu.memory_space<vmem>>) target_semaphore(%run_scoped3A : memref<!tpu.dma_semaphore, #tpu.memory_space<semaphore_mem>>)
        %dma_wait3A_402 = tpu.memref_slice %arg5[%mul3A_383] : memref<320000xi32, #tpu.memory_space<hbm>> -> memref<80xi32, #tpu.memory_space<hbm>>
        %dma_wait3A_403 = tpu.memref_slice %arg5[%mul3A_383] : memref<320000xi32, #tpu.memory_space<hbm>> -> memref<80xi32, #tpu.memory_space<hbm>>
        tpu.wait_dma2 semaphore(%run_scoped3A : memref<!tpu.dma_semaphore, #tpu.memory_space<semaphore_mem>>) src(%dma_wait3A_403 : memref<80xi32, #tpu.memory_space<hbm>>) dst(%arg21 : memref<80xi32, #tpu.memory_space<vmem>>)
        tpu.yield
      }) : () -> ()
      "tpu.region"() ({
        %run_scoped3A = tpu.sem_alloc : memref<!tpu.dma_semaphore, #tpu.memory_space<semaphore_mem>>
        %dma_start3A_400 = tpu.memref_slice %arg6[%mul3A_383] : memref<320000xi32, #tpu.memory_space<hbm>> -> memref<80xi32, #tpu.memory_space<hbm>>
        %dma_start3A_401 = tpu.memref_slice %arg6[%mul3A_383] : memref<320000xi32, #tpu.memory_space<hbm>> -> memref<80xi32, #tpu.memory_space<hbm>>
        tpu.enqueue_dma source(%dma_start3A_401 : memref<80xi32, #tpu.memory_space<hbm>>) target(%arg22 : memref<80xi32, #tpu.memory_space<vmem>>) target_semaphore(%run_scoped3A : memref<!tpu.dma_semaphore, #tpu.memory_space<semaphore_mem>>)
        %dma_wait3A_402 = tpu.memref_slice %arg6[%mul3A_383] : memref<320000xi32, #tpu.memory_space<hbm>> -> memref<80xi32, #tpu.memory_space<hbm>>
        %dma_wait3A_403 = tpu.memref_slice %arg6[%mul3A_383] : memref<320000xi32, #tpu.memory_space<hbm>> -> memref<80xi32, #tpu.memory_space<hbm>>
        tpu.wait_dma2 semaphore(%run_scoped3A : memref<!tpu.dma_semaphore, #tpu.memory_space<semaphore_mem>>) src(%dma_wait3A_403 : memref<80xi32, #tpu.memory_space<hbm>>) dst(%arg22 : memref<80xi32, #tpu.memory_space<vmem>>)
        tpu.yield
      }) : () -> ()
      %dma_start3A_384 = arith.constant 0 : i32
      %dma_start3A_385 = arith.constant 0 : i32
      %dma_start3A_386 = tpu.memref_slice %arg2[%dma_start3A_384, %dma_start3A_385] : memref<10000x128xf32, #tpu.memory_space<hbm>> -> memref<10000x128xf32, #tpu.memory_space<hbm>>
      tpu.enqueue_indirect_dma source(%dma_start3A_386 : memref<10000x128xf32, #tpu.memory_space<hbm>>) target(%arg23 : memref<80x128xf32, #tpu.memory_space<vmem>>) offsets(%arg21 : memref<80xi32, #tpu.memory_space<vmem>>) semaphore(%arg36 : memref<!tpu.dma_semaphore, #tpu.memory_space<semaphore_mem>>)
      %dma_start3A_387 = arith.constant 0 : i32
      %dma_start3A_388 = arith.constant 0 : i32
      %dma_start3A_389 = tpu.memref_slice %arg2[%dma_start3A_387, %dma_start3A_388] : memref<10000x128xf32, #tpu.memory_space<hbm>> -> memref<10000x128xf32, #tpu.memory_space<hbm>>
      tpu.enqueue_indirect_dma source(%dma_start3A_389 : memref<10000x128xf32, #tpu.memory_space<hbm>>) target(%arg24 : memref<80x128xf32, #tpu.memory_space<vmem>>) offsets(%arg22 : memref<80xi32, #tpu.memory_space<vmem>>) semaphore(%arg37 : memref<!tpu.dma_semaphore, #tpu.memory_space<semaphore_mem>>)
      %dma_start3A_390 = arith.constant 0 : i32
      %dma_start3A_391 = arith.constant 0 : i32
      %dma_start3A_392 = tpu.memref_slice %arg3[%dma_start3A_390, %dma_start3A_391] : memref<10000x128xf32, #tpu.memory_space<hbm>> -> memref<10000x128xf32, #tpu.memory_space<hbm>>
      tpu.enqueue_indirect_dma source(%dma_start3A_392 : memref<10000x128xf32, #tpu.memory_space<hbm>>) target(%arg25 : memref<80x128xf32, #tpu.memory_space<vmem>>) offsets(%arg21 : memref<80xi32, #tpu.memory_space<vmem>>) semaphore(%arg38 : memref<!tpu.dma_semaphore, #tpu.memory_space<semaphore_mem>>)
      %dma_start3A_393 = arith.constant 0 : i32
      %dma_start3A_394 = arith.constant 0 : i32
      %dma_start3A_395 = tpu.memref_slice %arg3[%dma_start3A_393, %dma_start3A_394] : memref<10000x128xf32, #tpu.memory_space<hbm>> -> memref<10000x128xf32, #tpu.memory_space<hbm>>
      tpu.enqueue_indirect_dma source(%dma_start3A_395 : memref<10000x128xf32, #tpu.memory_space<hbm>>) target(%arg26 : memref<80x128xf32, #tpu.memory_space<vmem>>) offsets(%arg22 : memref<80xi32, #tpu.memory_space<vmem>>) semaphore(%arg39 : memref<!tpu.dma_semaphore, #tpu.memory_space<semaphore_mem>>)
      %dma_start3A_396 = arith.constant 0 : i32
      %dma_start3A_397 = tpu.memref_slice %arg4[%dma_start3A_396] : memref<10000xf32, #tpu.memory_space<hbm>> -> memref<10000xf32, #tpu.memory_space<hbm>>
      tpu.enqueue_indirect_dma source(%dma_start3A_397 : memref<10000xf32, #tpu.memory_space<hbm>>) target(%arg27 : memref<80xf32, #tpu.memory_space<vmem>>) offsets(%arg21 : memref<80xi32, #tpu.memory_space<vmem>>) semaphore(%arg40 : memref<!tpu.dma_semaphore, #tpu.memory_space<semaphore_mem>>)
      %dma_start3A_398 = arith.constant 0 : i32
      %dma_start3A_399 = tpu.memref_slice %arg4[%dma_start3A_398] : memref<10000xf32, #tpu.memory_space<hbm>> -> memref<10000xf32, #tpu.memory_space<hbm>>
      tpu.enqueue_indirect_dma source(%dma_start3A_399 : memref<10000xf32, #tpu.memory_space<hbm>>) target(%arg28 : memref<80xf32, #tpu.memory_space<vmem>>) offsets(%arg22 : memref<80xi32, #tpu.memory_space<vmem>>) semaphore(%arg41 : memref<!tpu.dma_semaphore, #tpu.memory_space<semaphore_mem>>)
    }
    %scan3A_43 = arith.constant 62 : i32
    %add3A_44 = arith.constant 125 : i32
    %add3A_45 = arith.addi %mul3A_2, %add3A_44 : i32
    %sub3A = arith.constant 1 : i32
    %sub3A_46 = arith.subi %add3A_45, %sub3A : i32
    %dma_wait3A = arith.constant 0 : i32
    %dma_wait3A_47 = arith.constant 0 : i32
    %dma_wait3A_48 = tpu.memref_slice %arg2[%dma_wait3A, %dma_wait3A_47] : memref<10000x128xf32, #tpu.memory_space<hbm>> -> memref<80x128xf32, #tpu.memory_space<hbm>>
    %dma_wait3A_49 = arith.constant 0 : i32
    %dma_wait3A_50 = arith.constant 0 : i32
    %dma_wait3A_51 = tpu.memref_slice %arg2[%dma_wait3A_49, %dma_wait3A_50] : memref<10000x128xf32, #tpu.memory_space<hbm>> -> memref<80x128xf32, #tpu.memory_space<hbm>>
    tpu.wait_dma2 semaphore(%arg30 : memref<!tpu.dma_semaphore, #tpu.memory_space<semaphore_mem>>) src(%dma_wait3A_51 : memref<80x128xf32, #tpu.memory_space<hbm>>) dst(%arg14 : memref<80x128xf32, #tpu.memory_space<vmem>>)
    %dma_wait3A_52 = arith.constant 0 : i32
    %dma_wait3A_53 = arith.constant 0 : i32
    %dma_wait3A_54 = tpu.memref_slice %arg2[%dma_wait3A_52, %dma_wait3A_53] : memref<10000x128xf32, #tpu.memory_space<hbm>> -> memref<80x128xf32, #tpu.memory_space<hbm>>
    %dma_wait3A_55 = arith.constant 0 : i32
    %dma_wait3A_56 = arith.constant 0 : i32
    %dma_wait3A_57 = tpu.memref_slice %arg2[%dma_wait3A_55, %dma_wait3A_56] : memref<10000x128xf32, #tpu.memory_space<hbm>> -> memref<80x128xf32, #tpu.memory_space<hbm>>
    tpu.wait_dma2 semaphore(%arg31 : memref<!tpu.dma_semaphore, #tpu.memory_space<semaphore_mem>>) src(%dma_wait3A_57 : memref<80x128xf32, #tpu.memory_space<hbm>>) dst(%arg15 : memref<80x128xf32, #tpu.memory_space<vmem>>)
    %dma_wait3A_58 = arith.constant 0 : i32
    %dma_wait3A_59 = arith.constant 0 : i32
    %dma_wait3A_60 = tpu.memref_slice %arg2[%dma_wait3A_58, %dma_wait3A_59] : memref<10000x128xf32, #tpu.memory_space<hbm>> -> memref<80x128xf32, #tpu.memory_space<hbm>>
    %dma_wait3A_61 = arith.constant 0 : i32
    %dma_wait3A_62 = arith.constant 0 : i32
    %dma_wait3A_63 = tpu.memref_slice %arg2[%dma_wait3A_61, %dma_wait3A_62] : memref<10000x128xf32, #tpu.memory_space<hbm>> -> memref<80x128xf32, #tpu.memory_space<hbm>>
    tpu.wait_dma2 semaphore(%arg32 : memref<!tpu.dma_semaphore, #tpu.memory_space<semaphore_mem>>) src(%dma_wait3A_63 : memref<80x128xf32, #tpu.memory_space<hbm>>) dst(%arg16 : memref<80x128xf32, #tpu.memory_space<vmem>>)
    %dma_wait3A_64 = arith.constant 0 : i32
    %dma_wait3A_65 = arith.constant 0 : i32
    %dma_wait3A_66 = tpu.memref_slice %arg2[%dma_wait3A_64, %dma_wait3A_65] : memref<10000x128xf32, #tpu.memory_space<hbm>> -> memref<80x128xf32, #tpu.memory_space<hbm>>
    %dma_wait3A_67 = arith.constant 0 : i32
    %dma_wait3A_68 = arith.constant 0 : i32
    %dma_wait3A_69 = tpu.memref_slice %arg2[%dma_wait3A_67, %dma_wait3A_68] : memref<10000x128xf32, #tpu.memory_space<hbm>> -> memref<80x128xf32, #tpu.memory_space<hbm>>
    tpu.wait_dma2 semaphore(%arg33 : memref<!tpu.dma_semaphore, #tpu.memory_space<semaphore_mem>>) src(%dma_wait3A_69 : memref<80x128xf32, #tpu.memory_space<hbm>>) dst(%arg17 : memref<80x128xf32, #tpu.memory_space<vmem>>)
    %dma_wait3A_70 = arith.constant 0 : i32
    %dma_wait3A_71 = tpu.memref_slice %arg4[%dma_wait3A_70] : memref<10000xf32, #tpu.memory_space<hbm>> -> memref<80xf32, #tpu.memory_space<hbm>>
    %dma_wait3A_72 = arith.constant 0 : i32
    %dma_wait3A_73 = tpu.memref_slice %arg4[%dma_wait3A_72] : memref<10000xf32, #tpu.memory_space<hbm>> -> memref<80xf32, #tpu.memory_space<hbm>>
    tpu.wait_dma2 semaphore(%arg34 : memref<!tpu.dma_semaphore, #tpu.memory_space<semaphore_mem>>) src(%dma_wait3A_73 : memref<80xf32, #tpu.memory_space<hbm>>) dst(%arg18 : memref<80xf32, #tpu.memory_space<vmem>>)
    %dma_wait3A_74 = arith.constant 0 : i32
    %dma_wait3A_75 = tpu.memref_slice %arg4[%dma_wait3A_74] : memref<10000xf32, #tpu.memory_space<hbm>> -> memref<80xf32, #tpu.memory_space<hbm>>
    %dma_wait3A_76 = arith.constant 0 : i32
    %dma_wait3A_77 = tpu.memref_slice %arg4[%dma_wait3A_76] : memref<10000xf32, #tpu.memory_space<hbm>> -> memref<80xf32, #tpu.memory_space<hbm>>
    tpu.wait_dma2 semaphore(%arg35 : memref<!tpu.dma_semaphore, #tpu.memory_space<semaphore_mem>>) src(%dma_wait3A_77 : memref<80xf32, #tpu.memory_space<hbm>>) dst(%arg19 : memref<80xf32, #tpu.memory_space<vmem>>)
    %mul3A_78 = arith.constant 80 : i32
    %mul3A_79 = arith.muli %sub3A_46, %mul3A_78 : i32
    %get3A = arith.constant 0 : index
    %get3A_80 = tpu.vector_load %arg18[%get3A] {strides = array<i32>} : memref<80xf32, #tpu.memory_space<vmem>>, vector<16xf32>,
    %get3A_81 = vector.shape_cast %get3A_80 : vector<16xf32> to vector<16xf32>
    %get3A_82 = arith.constant 0 : index
    %get3A_83 = tpu.vector_load %arg19[%get3A_82] {strides = array<i32>} : memref<80xf32, #tpu.memory_space<vmem>>, vector<16xf32>,
    %get3A_84 = vector.shape_cast %get3A_83 : vector<16xf32> to vector<16xf32>
    %sub3A_85 = arith.subf %get3A_81, %get3A_84 : vector<16xf32>
    %swap3A = arith.constant 0 : index
    %swap3A_86 = tpu.vector_load %arg20[%swap3A] {strides = array<i32>} : memref<80xf32, #tpu.memory_space<vmem>>, vector<16xf32>,
    %swap3A_87 = vector.shape_cast %swap3A_86 : vector<16xf32> to vector<16xf32>
    %swap3A_88 = vector.shape_cast %sub3A_85 : vector<16xf32> to vector<16xf32>
    tpu.vector_store %arg20[%swap3A], %swap3A_88 {strides = array<i32>} : memref<80xf32, #tpu.memory_space<vmem>>, vector<16xf32>,
    %get3A_89 = arith.constant 16 : index
    %get3A_90 = tpu.vector_load %arg18[%get3A_89] {strides = array<i32>} : memref<80xf32, #tpu.memory_space<vmem>>, vector<16xf32>,
    %get3A_91 = vector.shape_cast %get3A_90 : vector<16xf32> to vector<16xf32>
    %get3A_92 = arith.constant 16 : index
    %get3A_93 = tpu.vector_load %arg19[%get3A_92] {strides = array<i32>} : memref<80xf32, #tpu.memory_space<vmem>>, vector<16xf32>,
    %get3A_94 = vector.shape_cast %get3A_93 : vector<16xf32> to vector<16xf32>
    %sub3A_95 = arith.subf %get3A_91, %get3A_94 : vector<16xf32>
    %swap3A_96 = arith.constant 16 : index
    %swap3A_97 = tpu.vector_load %arg20[%swap3A_96] {strides = array<i32>} : memref<80xf32, #tpu.memory_space<vmem>>, vector<16xf32>,
    %swap3A_98 = vector.shape_cast %swap3A_97 : vector<16xf32> to vector<16xf32>
    %swap3A_99 = vector.shape_cast %sub3A_95 : vector<16xf32> to vector<16xf32>
    tpu.vector_store %arg20[%swap3A_96], %swap3A_99 {strides = array<i32>} : memref<80xf32, #tpu.memory_space<vmem>>, vector<16xf32>,
    %get3A_100 = arith.constant 32 : index
    %get3A_101 = tpu.vector_load %arg18[%get3A_100] {strides = array<i32>} : memref<80xf32, #tpu.memory_space<vmem>>, vector<16xf32>,
    %get3A_102 = vector.shape_cast %get3A_101 : vector<16xf32> to vector<16xf32>
    %get3A_103 = arith.constant 32 : index
    %get3A_104 = tpu.vector_load %arg19[%get3A_103] {strides = array<i32>} : memref<80xf32, #tpu.memory_space<vmem>>, vector<16xf32>,
    %get3A_105 = vector.shape_cast %get3A_104 : vector<16xf32> to vector<16xf32>
    %sub3A_106 = arith.subf %get3A_102, %get3A_105 : vector<16xf32>
    %swap3A_107 = arith.constant 32 : index
    %swap3A_108 = tpu.vector_load %arg20[%swap3A_107] {strides = array<i32>} : memref<80xf32, #tpu.memory_space<vmem>>, vector<16xf32>,
    %swap3A_109 = vector.shape_cast %swap3A_108 : vector<16xf32> to vector<16xf32>
    %swap3A_110 = vector.shape_cast %sub3A_106 : vector<16xf32> to vector<16xf32>
    tpu.vector_store %arg20[%swap3A_107], %swap3A_110 {strides = array<i32>} : memref<80xf32, #tpu.memory_space<vmem>>, vector<16xf32>,
    %get3A_111 = arith.constant 48 : index
    %get3A_112 = tpu.vector_load %arg18[%get3A_111] {strides = array<i32>} : memref<80xf32, #tpu.memory_space<vmem>>, vector<16xf32>,
    %get3A_113 = vector.shape_cast %get3A_112 : vector<16xf32> to vector<16xf32>
    %get3A_114 = arith.constant 48 : index
    %get3A_115 = tpu.vector_load %arg19[%get3A_114] {strides = array<i32>} : memref<80xf32, #tpu.memory_space<vmem>>, vector<16xf32>,
    %get3A_116 = vector.shape_cast %get3A_115 : vector<16xf32> to vector<16xf32>
    %sub3A_117 = arith.subf %get3A_113, %get3A_116 : vector<16xf32>
    %swap3A_118 = arith.constant 48 : index
    %swap3A_119 = tpu.vector_load %arg20[%swap3A_118] {strides = array<i32>} : memref<80xf32, #tpu.memory_space<vmem>>, vector<16xf32>,
    %swap3A_120 = vector.shape_cast %swap3A_119 : vector<16xf32> to vector<16xf32>
    %swap3A_121 = vector.shape_cast %sub3A_117 : vector<16xf32> to vector<16xf32>
    tpu.vector_store %arg20[%swap3A_118], %swap3A_121 {strides = array<i32>} : memref<80xf32, #tpu.memory_space<vmem>>, vector<16xf32>,
    %get3A_122 = arith.constant 64 : index
    %get3A_123 = tpu.vector_load %arg18[%get3A_122] {strides = array<i32>} : memref<80xf32, #tpu.memory_space<vmem>>, vector<16xf32>,
    %get3A_124 = vector.shape_cast %get3A_123 : vector<16xf32> to vector<16xf32>
    %get3A_125 = arith.constant 64 : index
    %get3A_126 = tpu.vector_load %arg19[%get3A_125] {strides = array<i32>} : memref<80xf32, #tpu.memory_space<vmem>>, vector<16xf32>,
    %get3A_127 = vector.shape_cast %get3A_126 : vector<16xf32> to vector<16xf32>
    %sub3A_128 = arith.subf %get3A_124, %get3A_127 : vector<16xf32>
    %swap3A_129 = arith.constant 64 : index
    %swap3A_130 = tpu.vector_load %arg20[%swap3A_129] {strides = array<i32>} : memref<80xf32, #tpu.memory_space<vmem>>, vector<16xf32>,
    %swap3A_131 = vector.shape_cast %swap3A_130 : vector<16xf32> to vector<16xf32>
    %swap3A_132 = vector.shape_cast %sub3A_128 : vector<16xf32> to vector<16xf32>
    tpu.vector_store %arg20[%swap3A_129], %swap3A_132 {strides = array<i32>} : memref<80xf32, #tpu.memory_space<vmem>>, vector<16xf32>,
    "tpu.region"() ({
      %run_scoped3A = tpu.sem_alloc : memref<!tpu.dma_semaphore, #tpu.memory_space<semaphore_mem>>
      %dma_start3A_165 = arith.constant 0 : i32
      %dma_start3A_166 = tpu.memref_slice %arg7[%mul3A_79, %dma_start3A_165] : memref<320000x128xf32, #tpu.memory_space<hbm>> -> memref<80x128xf32, #tpu.memory_space<hbm>>
      %dma_start3A_167 = arith.constant 0 : i32
      %dma_start3A_168 = tpu.memref_slice %arg7[%mul3A_79, %dma_start3A_167] : memref<320000x128xf32, #tpu.memory_space<hbm>> -> memref<80x128xf32, #tpu.memory_space<hbm>>
      tpu.enqueue_dma source(%arg14 : memref<80x128xf32, #tpu.memory_space<vmem>>) target(%dma_start3A_168 : memref<80x128xf32, #tpu.memory_space<hbm>>) target_semaphore(%run_scoped3A : memref<!tpu.dma_semaphore, #tpu.memory_space<semaphore_mem>>)
      %dma_wait3A_169 = arith.constant 0 : i32
      %dma_wait3A_170 = tpu.memref_slice %arg7[%mul3A_79, %dma_wait3A_169] : memref<320000x128xf32, #tpu.memory_space<hbm>> -> memref<80x128xf32, #tpu.memory_space<hbm>>
      %dma_wait3A_171 = arith.constant 0 : i32
      %dma_wait3A_172 = tpu.memref_slice %arg7[%mul3A_79, %dma_wait3A_171] : memref<320000x128xf32, #tpu.memory_space<hbm>> -> memref<80x128xf32, #tpu.memory_space<hbm>>
      tpu.wait_dma2 semaphore(%run_scoped3A : memref<!tpu.dma_semaphore, #tpu.memory_space<semaphore_mem>>) src(%arg14 : memref<80x128xf32, #tpu.memory_space<vmem>>) dst(%dma_wait3A_172 : memref<80x128xf32, #tpu.memory_space<hbm>>)
      tpu.yield
    }) : () -> ()
    "tpu.region"() ({
      %run_scoped3A = tpu.sem_alloc : memref<!tpu.dma_semaphore, #tpu.memory_space<semaphore_mem>>
      %dma_start3A_165 = arith.constant 0 : i32
      %dma_start3A_166 = tpu.memref_slice %arg8[%mul3A_79, %dma_start3A_165] : memref<320000x128xf32, #tpu.memory_space<hbm>> -> memref<80x128xf32, #tpu.memory_space<hbm>>
      %dma_start3A_167 = arith.constant 0 : i32
      %dma_start3A_168 = tpu.memref_slice %arg8[%mul3A_79, %dma_start3A_167] : memref<320000x128xf32, #tpu.memory_space<hbm>> -> memref<80x128xf32, #tpu.memory_space<hbm>>
      tpu.enqueue_dma source(%arg15 : memref<80x128xf32, #tpu.memory_space<vmem>>) target(%dma_start3A_168 : memref<80x128xf32, #tpu.memory_space<hbm>>) target_semaphore(%run_scoped3A : memref<!tpu.dma_semaphore, #tpu.memory_space<semaphore_mem>>)
      %dma_wait3A_169 = arith.constant 0 : i32
      %dma_wait3A_170 = tpu.memref_slice %arg8[%mul3A_79, %dma_wait3A_169] : memref<320000x128xf32, #tpu.memory_space<hbm>> -> memref<80x128xf32, #tpu.memory_space<hbm>>
      %dma_wait3A_171 = arith.constant 0 : i32
      %dma_wait3A_172 = tpu.memref_slice %arg8[%mul3A_79, %dma_wait3A_171] : memref<320000x128xf32, #tpu.memory_space<hbm>> -> memref<80x128xf32, #tpu.memory_space<hbm>>
      tpu.wait_dma2 semaphore(%run_scoped3A : memref<!tpu.dma_semaphore, #tpu.memory_space<semaphore_mem>>) src(%arg15 : memref<80x128xf32, #tpu.memory_space<vmem>>) dst(%dma_wait3A_172 : memref<80x128xf32, #tpu.memory_space<hbm>>)
      tpu.yield
    }) : () -> ()
    "tpu.region"() ({
      %run_scoped3A = tpu.sem_alloc : memref<!tpu.dma_semaphore, #tpu.memory_space<semaphore_mem>>
      %dma_start3A_165 = arith.constant 0 : i32
      %dma_start3A_166 = tpu.memref_slice %arg9[%mul3A_79, %dma_start3A_165] : memref<320000x128xf32, #tpu.memory_space<hbm>> -> memref<80x128xf32, #tpu.memory_space<hbm>>
      %dma_start3A_167 = arith.constant 0 : i32
      %dma_start3A_168 = tpu.memref_slice %arg9[%mul3A_79, %dma_start3A_167] : memref<320000x128xf32, #tpu.memory_space<hbm>> -> memref<80x128xf32, #tpu.memory_space<hbm>>
      tpu.enqueue_dma source(%arg16 : memref<80x128xf32, #tpu.memory_space<vmem>>) target(%dma_start3A_168 : memref<80x128xf32, #tpu.memory_space<hbm>>) target_semaphore(%run_scoped3A : memref<!tpu.dma_semaphore, #tpu.memory_space<semaphore_mem>>)
      %dma_wait3A_169 = arith.constant 0 : i32
      %dma_wait3A_170 = tpu.memref_slice %arg9[%mul3A_79, %dma_wait3A_169] : memref<320000x128xf32, #tpu.memory_space<hbm>> -> memref<80x128xf32, #tpu.memory_space<hbm>>
      %dma_wait3A_171 = arith.constant 0 : i32
      %dma_wait3A_172 = tpu.memref_slice %arg9[%mul3A_79, %dma_wait3A_171] : memref<320000x128xf32, #tpu.memory_space<hbm>> -> memref<80x128xf32, #tpu.memory_space<hbm>>
      tpu.wait_dma2 semaphore(%run_scoped3A : memref<!tpu.dma_semaphore, #tpu.memory_space<semaphore_mem>>) src(%arg16 : memref<80x128xf32, #tpu.memory_space<vmem>>) dst(%dma_wait3A_172 : memref<80x128xf32, #tpu.memory_space<hbm>>)
      tpu.yield
    }) : () -> ()
    "tpu.region"() ({
      %run_scoped3A = tpu.sem_alloc : memref<!tpu.dma_semaphore, #tpu.memory_space<semaphore_mem>>
      %dma_start3A_165 = arith.constant 0 : i32
      %dma_start3A_166 = tpu.memref_slice %arg10[%mul3A_79, %dma_start3A_165] : memref<320000x128xf32, #tpu.memory_space<hbm>> -> memref<80x128xf32, #tpu.memory_space<hbm>>
      %dma_start3A_167 = arith.constant 0 : i32
      %dma_start3A_168 = tpu.memref_slice %arg10[%mul3A_79, %dma_start3A_167] : memref<320000x128xf32, #tpu.memory_space<hbm>> -> memref<80x128xf32, #tpu.memory_space<hbm>>
      tpu.enqueue_dma source(%arg17 : memref<80x128xf32, #tpu.memory_space<vmem>>) target(%dma_start3A_168 : memref<80x128xf32, #tpu.memory_space<hbm>>) target_semaphore(%run_scoped3A : memref<!tpu.dma_semaphore, #tpu.memory_space<semaphore_mem>>)
      %dma_wait3A_169 = arith.constant 0 : i32
      %dma_wait3A_170 = tpu.memref_slice %arg10[%mul3A_79, %dma_wait3A_169] : memref<320000x128xf32, #tpu.memory_space<hbm>> -> memref<80x128xf32, #tpu.memory_space<hbm>>
      %dma_wait3A_171 = arith.constant 0 : i32
      %dma_wait3A_172 = tpu.memref_slice %arg10[%mul3A_79, %dma_wait3A_171] : memref<320000x128xf32, #tpu.memory_space<hbm>> -> memref<80x128xf32, #tpu.memory_space<hbm>>
      tpu.wait_dma2 semaphore(%run_scoped3A : memref<!tpu.dma_semaphore, #tpu.memory_space<semaphore_mem>>) src(%arg17 : memref<80x128xf32, #tpu.memory_space<vmem>>) dst(%dma_wait3A_172 : memref<80x128xf32, #tpu.memory_space<hbm>>)
      tpu.yield
    }) : () -> ()
    "tpu.region"() ({
      %run_scoped3A = tpu.sem_alloc : memref<!tpu.dma_semaphore, #tpu.memory_space<semaphore_mem>>
      %dma_start3A_165 = tpu.memref_slice %arg11[%mul3A_79] : memref<320000xf32, #tpu.memory_space<hbm>> -> memref<80xf32, #tpu.memory_space<hbm>>
      %dma_start3A_166 = tpu.memref_slice %arg11[%mul3A_79] : memref<320000xf32, #tpu.memory_space<hbm>> -> memref<80xf32, #tpu.memory_space<hbm>>
      tpu.enqueue_dma source(%arg20 : memref<80xf32, #tpu.memory_space<vmem>>) target(%dma_start3A_166 : memref<80xf32, #tpu.memory_space<hbm>>) target_semaphore(%run_scoped3A : memref<!tpu.dma_semaphore, #tpu.memory_space<semaphore_mem>>)
      %dma_wait3A_167 = tpu.memref_slice %arg11[%mul3A_79] : memref<320000xf32, #tpu.memory_space<hbm>> -> memref<80xf32, #tpu.memory_space<hbm>>
      %dma_wait3A_168 = tpu.memref_slice %arg11[%mul3A_79] : memref<320000xf32, #tpu.memory_space<hbm>> -> memref<80xf32, #tpu.memory_space<hbm>>
      tpu.wait_dma2 semaphore(%run_scoped3A : memref<!tpu.dma_semaphore, #tpu.memory_space<semaphore_mem>>) src(%arg20 : memref<80xf32, #tpu.memory_space<vmem>>) dst(%dma_wait3A_168 : memref<80xf32, #tpu.memory_space<hbm>>)
      tpu.yield
    }) : () -> ()
    %dma_wait3A_133 = arith.constant 0 : i32
    %dma_wait3A_134 = arith.constant 0 : i32
    %dma_wait3A_135 = tpu.memref_slice %arg2[%dma_wait3A_133, %dma_wait3A_134] : memref<10000x128xf32, #tpu.memory_space<hbm>> -> memref<80x128xf32, #tpu.memory_space<hbm>>
    %dma_wait3A_136 = arith.constant 0 : i32
    %dma_wait3A_137 = arith.constant 0 : i32
    %dma_wait3A_138 = tpu.memref_slice %arg2[%dma_wait3A_136, %dma_wait3A_137] : memref<10000x128xf32, #tpu.memory_space<hbm>> -> memref<80x128xf32, #tpu.memory_space<hbm>>
    tpu.wait_dma2 semaphore(%arg36 : memref<!tpu.dma_semaphore, #tpu.memory_space<semaphore_mem>>) src(%dma_wait3A_138 : memref<80x128xf32, #tpu.memory_space<hbm>>) dst(%arg23 : memref<80x128xf32, #tpu.memory_space<vmem>>)
    %dma_wait3A_139 = arith.constant 0 : i32
    %dma_wait3A_140 = arith.constant 0 : i32
    %dma_wait3A_141 = tpu.memref_slice %arg2[%dma_wait3A_139, %dma_wait3A_140] : memref<10000x128xf32, #tpu.memory_space<hbm>> -> memref<80x128xf32, #tpu.memory_space<hbm>>
    %dma_wait3A_142 = arith.constant 0 : i32
    %dma_wait3A_143 = arith.constant 0 : i32
    %dma_wait3A_144 = tpu.memref_slice %arg2[%dma_wait3A_142, %dma_wait3A_143] : memref<10000x128xf32, #tpu.memory_space<hbm>> -> memref<80x128xf32, #tpu.memory_space<hbm>>
    tpu.wait_dma2 semaphore(%arg37 : memref<!tpu.dma_semaphore, #tpu.memory_space<semaphore_mem>>) src(%dma_wait3A_144 : memref<80x128xf32, #tpu.memory_space<hbm>>) dst(%arg24 : memref<80x128xf32, #tpu.memory_space<vmem>>)
    %dma_wait3A_145 = arith.constant 0 : i32
    %dma_wait3A_146 = arith.constant 0 : i32
    %dma_wait3A_147 = tpu.memref_slice %arg2[%dma_wait3A_145, %dma_wait3A_146] : memref<10000x128xf32, #tpu.memory_space<hbm>> -> memref<80x128xf32, #tpu.memory_space<hbm>>
    %dma_wait3A_148 = arith.constant 0 : i32
    %dma_wait3A_149 = arith.constant 0 : i32
    %dma_wait3A_150 = tpu.memref_slice %arg2[%dma_wait3A_148, %dma_wait3A_149] : memref<10000x128xf32, #tpu.memory_space<hbm>> -> memref<80x128xf32, #tpu.memory_space<hbm>>
    tpu.wait_dma2 semaphore(%arg38 : memref<!tpu.dma_semaphore, #tpu.memory_space<semaphore_mem>>) src(%dma_wait3A_150 : memref<80x128xf32, #tpu.memory_space<hbm>>) dst(%arg25 : memref<80x128xf32, #tpu.memory_space<vmem>>)
    %dma_wait3A_151 = arith.constant 0 : i32
    %dma_wait3A_152 = arith.constant 0 : i32
    %dma_wait3A_153 = tpu.memref_slice %arg2[%dma_wait3A_151, %dma_wait3A_152] : memref<10000x128xf32, #tpu.memory_space<hbm>> -> memref<80x128xf32, #tpu.memory_space<hbm>>
    %dma_wait3A_154 = arith.constant 0 : i32
    %dma_wait3A_155 = arith.constant 0 : i32
    %dma_wait3A_156 = tpu.memref_slice %arg2[%dma_wait3A_154, %dma_wait3A_155] : memref<10000x128xf32, #tpu.memory_space<hbm>> -> memref<80x128xf32, #tpu.memory_space<hbm>>
    tpu.wait_dma2 semaphore(%arg39 : memref<!tpu.dma_semaphore, #tpu.memory_space<semaphore_mem>>) src(%dma_wait3A_156 : memref<80x128xf32, #tpu.memory_space<hbm>>) dst(%arg26 : memref<80x128xf32, #tpu.memory_space<vmem>>)
    %dma_wait3A_157 = arith.constant 0 : i32
    %dma_wait3A_158 = tpu.memref_slice %arg4[%dma_wait3A_157] : memref<10000xf32, #tpu.memory_space<hbm>> -> memref<80xf32, #tpu.memory_space<hbm>>
    %dma_wait3A_159 = arith.constant 0 : i32
    %dma_wait3A_160 = tpu.memref_slice %arg4[%dma_wait3A_159] : memref<10000xf32, #tpu.memory_space<hbm>> -> memref<80xf32, #tpu.memory_space<hbm>>
    tpu.wait_dma2 semaphore(%arg40 : memref<!tpu.dma_semaphore, #tpu.memory_space<semaphore_mem>>) src(%dma_wait3A_160 : memref<80xf32, #tpu.memory_space<hbm>>) dst(%arg27 : memref<80xf32, #tpu.memory_space<vmem>>)
    %dma_wait3A_161 = arith.constant 0 : i32
    %dma_wait3A_162 = tpu.memref_slice %arg4[%dma_wait3A_161] : memref<10000xf32, #tpu.memory_space<hbm>> -> memref<80xf32, #tpu.memory_space<hbm>>
    %dma_wait3A_163 = arith.constant 0 : i32
    %dma_wait3A_164 = tpu.memref_slice %arg4[%dma_wait3A_163] : memref<10000xf32, #tpu.memory_space<hbm>> -> memref<80xf32, #tpu.memory_space<hbm>>
    tpu.wait_dma2 semaphore(%arg41 : memref<!tpu.dma_semaphore, #tpu.memory_space<semaphore_mem>>) src(%dma_wait3A_164 : memref<80xf32, #tpu.memory_space<hbm>>) dst(%arg28 : memref<80xf32, #tpu.memory_space<vmem>>)
    return
  }
}

module attributes {stable_mosaic.version = 14 : i64} {
  func.func @_edge_body(%arg0: i32, %arg1: memref<1024x128xf32, #tpu.memory_space<vmem>>, %arg2: memref<1024x128xf32, #tpu.memory_space<vmem>>, %arg3: memref<1024xf32, #tpu.memory_space<vmem>>, %arg4: memref<1024x128xf32, #tpu.memory_space<vmem>>, %arg5: memref<1024x128xf32, #tpu.memory_space<vmem>>, %arg6: memref<128x128xf32, #tpu.memory_space<vmem>>, %arg7: memref<128x128xf32, #tpu.memory_space<vmem>>, %arg8: memref<128xf32, #tpu.memory_space<vmem>>, %arg9: memref<128x256xf32, #tpu.memory_space<vmem>>, %arg10: memref<256xf32, #tpu.memory_space<vmem>>, %arg11: memref<128x256xf32, #tpu.memory_space<vmem>>, %arg12: memref<256xf32, #tpu.memory_space<vmem>>, %arg13: memref<128x128xf32, #tpu.memory_space<vmem>>, %arg14: memref<128xf32, #tpu.memory_space<vmem>>, %arg15: memref<128x128xf32, #tpu.memory_space<vmem>>, %arg16: memref<128x128xf32, #tpu.memory_space<vmem>>, %arg17: memref<16x128xf32, #tpu.memory_space<vmem>>, %arg18: memref<128xf32, #tpu.memory_space<vmem>>, %arg19: memref<128xf32, #tpu.memory_space<vmem>>, %arg20: memref<128x128xf32, #tpu.memory_space<vmem>>, %arg21: memref<128xf32, #tpu.memory_space<vmem>>, %arg22: memref<128x128xf32, #tpu.memory_space<vmem>>, %arg23: memref<128xf32, #tpu.memory_space<vmem>>, %arg24: memref<128x64xf32, #tpu.memory_space<vmem>>, %arg25: memref<64xf32, #tpu.memory_space<vmem>>, %arg26: memref<128x16xf32, #tpu.memory_space<vmem>>, %arg27: memref<16x128xf32, #tpu.memory_space<vmem>>, %arg28: memref<64x128xf32, #tpu.memory_space<vmem>>, %arg29: memref<128xf32, #tpu.memory_space<vmem>>, %arg30: memref<128xf32, #tpu.memory_space<vmem>>, %arg31: memref<128xf32, #tpu.memory_space<vmem>>, %arg32: memref<1024x128xf32, #tpu.memory_space<vmem>>, %arg33: memref<1024x128xf32, #tpu.memory_space<vmem>>) attributes {dimension_semantics = [#tpu.dimension_semantics<arbitrary>], iteration_bounds = array<i64: 313>, scalar_prefetch = 0 : i64, scratch_operands = 0 : i64, tpu.core_type = #tpu.core_type<tc>, window_params = [{transform_indices = @transform_0, window_bounds = array<i64: 1024, 128>}, {transform_indices = @transform_1, window_bounds = array<i64: 1024, 128>}, {transform_indices = @transform_2, window_bounds = array<i64: 1024>}, {transform_indices = @transform_3, window_bounds = array<i64: 1024, 128>}, {transform_indices = @transform_4, window_bounds = array<i64: 1024, 128>}, {pipeline_mode = #tpu.pipeline_mode<synchronous>, transform_indices = @transform_5, window_bounds = array<i64: 128, 128>}, {pipeline_mode = #tpu.pipeline_mode<synchronous>, transform_indices = @transform_6, window_bounds = array<i64: 128, 128>}, {pipeline_mode = #tpu.pipeline_mode<synchronous>, transform_indices = @transform_7, window_bounds = array<i64: 128>}, {pipeline_mode = #tpu.pipeline_mode<synchronous>, transform_indices = @transform_8, window_bounds = array<i64: 128, 256>}, {pipeline_mode = #tpu.pipeline_mode<synchronous>, transform_indices = @transform_9, window_bounds = array<i64: 256>}, {pipeline_mode = #tpu.pipeline_mode<synchronous>, transform_indices = @transform_10, window_bounds = array<i64: 128, 256>}, {pipeline_mode = #tpu.pipeline_mode<synchronous>, transform_indices = @transform_11, window_bounds = array<i64: 256>}, {pipeline_mode = #tpu.pipeline_mode<synchronous>, transform_indices = @transform_12, window_bounds = array<i64: 128, 128>}, {pipeline_mode = #tpu.pipeline_mode<synchronous>, transform_indices = @transform_13, window_bounds = array<i64: 128>}, {pipeline_mode = #tpu.pipeline_mode<synchronous>, transform_indices = @transform_14, window_bounds = array<i64: 128, 128>}, {pipeline_mode = #tpu.pipeline_mode<synchronous>, transform_indices = @transform_15, window_bounds = array<i64: 128, 128>}, {pipeline_mode = #tpu.pipeline_mode<synchronous>, transform_indices = @transform_16, window_bounds = array<i64: 16, 128>}, {pipeline_mode = #tpu.pipeline_mode<synchronous>, transform_indices = @transform_17, window_bounds = array<i64: 128>}, {pipeline_mode = #tpu.pipeline_mode<synchronous>, transform_indices = @transform_18, window_bounds = array<i64: 128>}, {pipeline_mode = #tpu.pipeline_mode<synchronous>, transform_indices = @transform_19, window_bounds = array<i64: 128, 128>}, {pipeline_mode = #tpu.pipeline_mode<synchronous>, transform_indices = @transform_20, window_bounds = array<i64: 128>}, {pipeline_mode = #tpu.pipeline_mode<synchronous>, transform_indices = @transform_21, window_bounds = array<i64: 128, 128>}, {pipeline_mode = #tpu.pipeline_mode<synchronous>, transform_indices = @transform_22, window_bounds = array<i64: 128>}, {pipeline_mode = #tpu.pipeline_mode<synchronous>, transform_indices = @transform_23, window_bounds = array<i64: 128, 64>}, {pipeline_mode = #tpu.pipeline_mode<synchronous>, transform_indices = @transform_24, window_bounds = array<i64: 64>}, {pipeline_mode = #tpu.pipeline_mode<synchronous>, transform_indices = @transform_25, window_bounds = array<i64: 128, 16>}, {pipeline_mode = #tpu.pipeline_mode<synchronous>, transform_indices = @transform_26, window_bounds = array<i64: 16, 128>}, {pipeline_mode = #tpu.pipeline_mode<synchronous>, transform_indices = @transform_27, window_bounds = array<i64: 64, 128>}, {pipeline_mode = #tpu.pipeline_mode<synchronous>, transform_indices = @transform_28, window_bounds = array<i64: 128>}, {pipeline_mode = #tpu.pipeline_mode<synchronous>, transform_indices = @transform_29, window_bounds = array<i64: 128>}, {pipeline_mode = #tpu.pipeline_mode<synchronous>, transform_indices = @transform_30, window_bounds = array<i64: 128>}, {transform_indices = @transform_31, window_bounds = array<i64: 1024, 128>}, {transform_indices = @transform_32, window_bounds = array<i64: 1024, 128>}]} {
    %get3A = arith.constant 0 : index
    %get3A_0 = arith.constant 0 : index
    %get3A_1 = vector.load %arg26[%get3A, %get3A_0] : memref<128x16xf32, #tpu.memory_space<vmem>>, vector<128x16xf32>
    %get3A_2 = arith.constant 0 : index
    %get3A_3 = arith.constant 0 : index
    %get3A_4 = vector.load %arg27[%get3A_2, %get3A_3] : memref<16x128xf32, #tpu.memory_space<vmem>>, vector<16x128xf32>
    %get3A_5 = arith.constant 0 : index
    %get3A_6 = arith.constant 0 : index
    %get3A_7 = vector.load %arg4[%get3A_5, %get3A_6] : memref<1024x128xf32, #tpu.memory_space<vmem>>, vector<1024x128xf32>
    %get3A_8 = arith.constant 0 : index
    %get3A_9 = arith.constant 0 : index
    %get3A_10 = vector.load %arg5[%get3A_8, %get3A_9] : memref<1024x128xf32, #tpu.memory_space<vmem>>, vector<1024x128xf32>
    %get3A_11 = arith.constant 0 : index
    %get3A_12 = arith.constant 0 : index
    %get3A_13 = vector.load %arg6[%get3A_11, %get3A_12] : memref<128x128xf32, #tpu.memory_space<vmem>>, vector<128x128xf32>
    %dot_general3A = arith.constant dense<0.000000e+00> : vector<1024x128xf32>
    %dot_general3A_14 = tpu.matmul %get3A_7, %get3A_13, %dot_general3A {dimension_numbers = #tpu.dot_dimension_numbers<[1], [0], [0], [1], [0, 0, 1, 1], [], []>, transpose_lhs_hint = false} : vector<1024x128xf32>, vector<128x128xf32>, vector<1024x128xf32> -> vector<1024x128xf32>
    %get3A_15 = arith.constant 0 : index
    %get3A_16 = arith.constant 0 : index
    %get3A_17 = vector.load %arg7[%get3A_15, %get3A_16] : memref<128x128xf32, #tpu.memory_space<vmem>>, vector<128x128xf32>
    %dot_general3A_18 = arith.constant dense<0.000000e+00> : vector<1024x128xf32>
    %dot_general3A_19 = tpu.matmul %get3A_10, %get3A_17, %dot_general3A_18 {dimension_numbers = #tpu.dot_dimension_numbers<[1], [0], [0], [1], [0, 0, 1, 1], [], []>, transpose_lhs_hint = false} : vector<1024x128xf32>, vector<128x128xf32>, vector<1024x128xf32> -> vector<1024x128xf32>
    %add3A = arith.addf %dot_general3A_14, %dot_general3A_19 : vector<1024x128xf32>
    %get3A_20 = arith.constant 0 : index
    %get3A_21 = vector.load %arg8[%get3A_20] : memref<128xf32, #tpu.memory_space<vmem>>, vector<128xf32>
    %broadcast_in_dim3A = vector.shape_cast %get3A_21 : vector<128xf32> to vector<1x128xf32>
    %add3A_22 = vector.broadcast %broadcast_in_dim3A : vector<1x128xf32> to vector<1024x128xf32>
    %add3A_23 = arith.addf %add3A, %add3A_22 : vector<1024x128xf32>
    %mul3A = arith.mulf %add3A_23, %add3A_23 : vector<1024x128xf32>
    %dot_general3A_24 = arith.constant dense<0.000000e+00> : vector<1024x16xf32>
    %dot_general3A_25 = tpu.matmul %mul3A, %get3A_1, %dot_general3A_24 {dimension_numbers = #tpu.dot_dimension_numbers<[1], [0], [0], [1], [0, 0, 1, 1], [], []>, transpose_lhs_hint = false} : vector<1024x128xf32>, vector<128x16xf32>, vector<1024x16xf32> -> vector<1024x16xf32>
    %get3A_26 = arith.constant 0 : index
    %get3A_27 = arith.constant 0 : index
    %get3A_28 = vector.load %arg9[%get3A_26, %get3A_27] : memref<128x256xf32, #tpu.memory_space<vmem>>, vector<128x256xf32>
    %dot_general3A_29 = arith.constant dense<0.000000e+00> : vector<1024x256xf32>
    %dot_general3A_30 = tpu.matmul %add3A_23, %get3A_28, %dot_general3A_29 {dimension_numbers = #tpu.dot_dimension_numbers<[1], [0], [0], [1], [0, 0, 1, 1], [], []>, transpose_lhs_hint = false} : vector<1024x128xf32>, vector<128x256xf32>, vector<1024x256xf32> -> vector<1024x256xf32>
    %get3A_31 = arith.constant 0 : index
    %get3A_32 = vector.load %arg10[%get3A_31] : memref<256xf32, #tpu.memory_space<vmem>>, vector<256xf32>
    %broadcast_in_dim3A_33 = vector.shape_cast %get3A_32 : vector<256xf32> to vector<1x256xf32>
    %add3A_34 = vector.broadcast %broadcast_in_dim3A_33 : vector<1x256xf32> to vector<1024x256xf32>
    %add3A_35 = arith.addf %dot_general3A_30, %add3A_34 : vector<1024x256xf32>
    %slice3A = vector.extract_strided_slice %add3A_35 {offsets = [0, 0], sizes = [1024, 128], strides = [1, 1]} : vector<1024x256xf32> to vector<1024x128xf32>
    %slice3A_36 = vector.extract_strided_slice %add3A_35 {offsets = [0, 128], sizes = [1024, 128], strides = [1, 1]} : vector<1024x256xf32> to vector<1024x128xf32>
    %mul3A_37 = arith.mulf %slice3A, %slice3A_36 : vector<1024x128xf32>
    %dot_general3A_38 = arith.constant dense<0.000000e+00> : vector<1024x16xf32>
    %dot_general3A_39 = tpu.matmul %mul3A_37, %get3A_1, %dot_general3A_38 {dimension_numbers = #tpu.dot_dimension_numbers<[1], [0], [0], [1], [0, 0, 1, 1], [], []>, transpose_lhs_hint = false} : vector<1024x128xf32>, vector<128x16xf32>, vector<1024x16xf32> -> vector<1024x16xf32>
    %mul3A_40 = arith.mulf %slice3A_36, %slice3A_36 : vector<1024x128xf32>
    %dot_general3A_41 = arith.constant dense<0.000000e+00> : vector<1024x16xf32>
    %dot_general3A_42 = tpu.matmul %mul3A_40, %get3A_1, %dot_general3A_41 {dimension_numbers = #tpu.dot_dimension_numbers<[1], [0], [0], [1], [0, 0, 1, 1], [], []>, transpose_lhs_hint = false} : vector<1024x128xf32>, vector<128x16xf32>, vector<1024x16xf32> -> vector<1024x16xf32>
    %gt3A = arith.constant 0.000000e+00 : f32
    %gt3A_43 = vector.broadcast %gt3A : f32 to vector<1024x16xf32>
    %gt3A_44 = arith.cmpf ogt, %dot_general3A_39, %gt3A_43 : vector<1024x16xf32>
    %div3A = arith.divf %dot_general3A_39, %dot_general3A_42 : vector<1024x16xf32>
    %jit3A = arith.constant 0.000000e+00 : f32
    %broadcast_in_dim3A_45 = vector.broadcast %jit3A : f32 to vector<1024x16xf32>
    %select_n3A = arith.select %gt3A_44, %broadcast_in_dim3A_45, %div3A : vector<1024x16xi1>, vector<1024x16xf32>
    %dot_general3A_46 = arith.constant dense<0.000000e+00> : vector<1024x128xf32>
    %dot_general3A_47 = tpu.matmul %select_n3A, %get3A_4, %dot_general3A_46 {dimension_numbers = #tpu.dot_dimension_numbers<[1], [0], [0], [1], [0, 0, 1, 1], [], []>, transpose_lhs_hint = false} : vector<1024x16xf32>, vector<16x128xf32>, vector<1024x128xf32> -> vector<1024x128xf32>
    %mul3A_48 = arith.mulf %dot_general3A_47, %slice3A_36 : vector<1024x128xf32>
    %sub3A = arith.subf %slice3A, %mul3A_48 : vector<1024x128xf32>
    %get3A_49 = arith.constant 0 : index
    %get3A_50 = arith.constant 0 : index
    %get3A_51 = vector.load %arg11[%get3A_49, %get3A_50] : memref<128x256xf32, #tpu.memory_space<vmem>>, vector<128x256xf32>
    %dot_general3A_52 = arith.constant dense<0.000000e+00> : vector<1024x256xf32>
    %dot_general3A_53 = tpu.matmul %sub3A, %get3A_51, %dot_general3A_52 {dimension_numbers = #tpu.dot_dimension_numbers<[1], [0], [0], [1], [0, 0, 1, 1], [], []>, transpose_lhs_hint = false} : vector<1024x128xf32>, vector<128x256xf32>, vector<1024x256xf32> -> vector<1024x256xf32>
    %get3A_54 = arith.constant 0 : index
    %get3A_55 = vector.load %arg12[%get3A_54] : memref<256xf32, #tpu.memory_space<vmem>>, vector<256xf32>
    %broadcast_in_dim3A_56 = vector.shape_cast %get3A_55 : vector<256xf32> to vector<1x256xf32>
    %add3A_57 = vector.broadcast %broadcast_in_dim3A_56 : vector<1x256xf32> to vector<1024x256xf32>
    %add3A_58 = arith.addf %dot_general3A_53, %add3A_57 : vector<1024x256xf32>
    %slice3A_59 = vector.extract_strided_slice %add3A_58 {offsets = [0, 0], sizes = [1024, 128], strides = [1, 1]} : vector<1024x256xf32> to vector<1024x128xf32>
    %slice3A_60 = vector.extract_strided_slice %add3A_58 {offsets = [0, 128], sizes = [1024, 128], strides = [1, 1]} : vector<1024x256xf32> to vector<1024x128xf32>
    %mul3A_61 = arith.mulf %slice3A_59, %slice3A_60 : vector<1024x128xf32>
    %dot_general3A_62 = arith.constant dense<0.000000e+00> : vector<1024x16xf32>
    %dot_general3A_63 = tpu.matmul %mul3A_61, %get3A_1, %dot_general3A_62 {dimension_numbers = #tpu.dot_dimension_numbers<[1], [0], [0], [1], [0, 0, 1, 1], [], []>, transpose_lhs_hint = false} : vector<1024x128xf32>, vector<128x16xf32>, vector<1024x16xf32> -> vector<1024x16xf32>
    %mul3A_64 = arith.mulf %slice3A_60, %slice3A_60 : vector<1024x128xf32>
    %dot_general3A_65 = arith.constant dense<0.000000e+00> : vector<1024x16xf32>
    %dot_general3A_66 = tpu.matmul %mul3A_64, %get3A_1, %dot_general3A_65 {dimension_numbers = #tpu.dot_dimension_numbers<[1], [0], [0], [1], [0, 0, 1, 1], [], []>, transpose_lhs_hint = false} : vector<1024x128xf32>, vector<128x16xf32>, vector<1024x16xf32> -> vector<1024x16xf32>
    %gt3A_67 = arith.constant 0.000000e+00 : f32
    %gt3A_68 = vector.broadcast %gt3A_67 : f32 to vector<1024x16xf32>
    %gt3A_69 = arith.cmpf ogt, %dot_general3A_63, %gt3A_68 : vector<1024x16xf32>
    %div3A_70 = arith.divf %dot_general3A_63, %dot_general3A_66 : vector<1024x16xf32>
    %jit3A_71 = arith.constant 0.000000e+00 : f32
    %broadcast_in_dim3A_72 = vector.broadcast %jit3A_71 : f32 to vector<1024x16xf32>
    %select_n3A_73 = arith.select %gt3A_69, %broadcast_in_dim3A_72, %div3A_70 : vector<1024x16xi1>, vector<1024x16xf32>
    %dot_general3A_74 = arith.constant dense<0.000000e+00> : vector<1024x128xf32>
    %dot_general3A_75 = tpu.matmul %select_n3A_73, %get3A_4, %dot_general3A_74 {dimension_numbers = #tpu.dot_dimension_numbers<[1], [0], [0], [1], [0, 0, 1, 1], [], []>, transpose_lhs_hint = false} : vector<1024x16xf32>, vector<16x128xf32>, vector<1024x128xf32> -> vector<1024x128xf32>
    %mul3A_76 = arith.mulf %dot_general3A_75, %slice3A_60 : vector<1024x128xf32>
    %sub3A_77 = arith.subf %slice3A_59, %mul3A_76 : vector<1024x128xf32>
    %get3A_78 = arith.constant 0 : index
    %get3A_79 = arith.constant 0 : index
    %get3A_80 = vector.load %arg13[%get3A_78, %get3A_79] : memref<128x128xf32, #tpu.memory_space<vmem>>, vector<128x128xf32>
    %dot_general3A_81 = arith.constant dense<0.000000e+00> : vector<1024x128xf32>
    %dot_general3A_82 = tpu.matmul %sub3A_77, %get3A_80, %dot_general3A_81 {dimension_numbers = #tpu.dot_dimension_numbers<[1], [0], [0], [1], [0, 0, 1, 1], [], []>, transpose_lhs_hint = false} : vector<1024x128xf32>, vector<128x128xf32>, vector<1024x128xf32> -> vector<1024x128xf32>
    %get3A_83 = arith.constant 0 : index
    %get3A_84 = vector.load %arg14[%get3A_83] : memref<128xf32, #tpu.memory_space<vmem>>, vector<128xf32>
    %broadcast_in_dim3A_85 = vector.shape_cast %get3A_84 : vector<128xf32> to vector<1x128xf32>
    %add3A_86 = vector.broadcast %broadcast_in_dim3A_85 : vector<1x128xf32> to vector<1024x128xf32>
    %add3A_87 = arith.addf %dot_general3A_82, %add3A_86 : vector<1024x128xf32>
    %get3A_88 = arith.constant 0 : index
    %get3A_89 = vector.load %arg3[%get3A_88] : memref<1024xf32, #tpu.memory_space<vmem>>, vector<1024xf32>
    %broadcast_in_dim3A_90 = vector.shape_cast %get3A_89 : vector<1024xf32> to vector<1024x1xf32>
    %get3A_91 = arith.constant 0 : index
    %get3A_92 = arith.constant 0 : index
    %get3A_93 = vector.load %arg1[%get3A_91, %get3A_92] : memref<1024x128xf32, #tpu.memory_space<vmem>>, vector<1024x128xf32>
    %get3A_94 = arith.constant 0 : index
    %get3A_95 = arith.constant 0 : index
    %get3A_96 = vector.load %arg15[%get3A_94, %get3A_95] : memref<128x128xf32, #tpu.memory_space<vmem>>, vector<128x128xf32>
    %dot_general3A_97 = arith.constant dense<0.000000e+00> : vector<1024x128xf32>
    %dot_general3A_98 = tpu.matmul %get3A_93, %get3A_96, %dot_general3A_97 {dimension_numbers = #tpu.dot_dimension_numbers<[1], [0], [0], [1], [0, 0, 1, 1], [], []>, transpose_lhs_hint = false} : vector<1024x128xf32>, vector<128x128xf32>, vector<1024x128xf32> -> vector<1024x128xf32>
    %get3A_99 = arith.constant 0 : index
    %get3A_100 = arith.constant 0 : index
    %get3A_101 = vector.load %arg2[%get3A_99, %get3A_100] : memref<1024x128xf32, #tpu.memory_space<vmem>>, vector<1024x128xf32>
    %get3A_102 = arith.constant 0 : index
    %get3A_103 = arith.constant 0 : index
    %get3A_104 = vector.load %arg16[%get3A_102, %get3A_103] : memref<128x128xf32, #tpu.memory_space<vmem>>, vector<128x128xf32>
    %dot_general3A_105 = arith.constant dense<0.000000e+00> : vector<1024x128xf32>
    %dot_general3A_106 = tpu.matmul %get3A_101, %get3A_104, %dot_general3A_105 {dimension_numbers = #tpu.dot_dimension_numbers<[1], [0], [0], [1], [0, 0, 1, 1], [], []>, transpose_lhs_hint = false} : vector<1024x128xf32>, vector<128x128xf32>, vector<1024x128xf32> -> vector<1024x128xf32>
    %add3A_107 = arith.addf %dot_general3A_98, %dot_general3A_106 : vector<1024x128xf32>
    %get3A_108 = arith.constant 0 : index
    %get3A_109 = arith.constant 0 : index
    %get3A_110 = vector.load %arg17[%get3A_108, %get3A_109] : memref<16x128xf32, #tpu.memory_space<vmem>>, vector<16x128xf32>
    %dot_general3A_111 = arith.constant dense<0.000000e+00> : vector<1024x128xf32>
    %dot_general3A_112 = tpu.matmul %dot_general3A_25, %get3A_110, %dot_general3A_111 {dimension_numbers = #tpu.dot_dimension_numbers<[1], [0], [0], [1], [0, 0, 1, 1], [], []>, transpose_lhs_hint = false} : vector<1024x16xf32>, vector<16x128xf32>, vector<1024x128xf32> -> vector<1024x128xf32>
    %add3A_113 = arith.addf %add3A_107, %dot_general3A_112 : vector<1024x128xf32>
    %get3A_114 = arith.constant 0 : index
    %get3A_115 = vector.load %arg18[%get3A_114] : memref<128xf32, #tpu.memory_space<vmem>>, vector<128xf32>
    %broadcast_in_dim3A_116 = vector.shape_cast %get3A_115 : vector<128xf32> to vector<1x128xf32>
    %mul3A_117 = vector.broadcast %broadcast_in_dim3A_90 : vector<1024x1xf32> to vector<1024x128xf32>
    %mul3A_118 = vector.broadcast %broadcast_in_dim3A_116 : vector<1x128xf32> to vector<1024x128xf32>
    %mul3A_119 = arith.mulf %mul3A_117, %mul3A_118 : vector<1024x128xf32>
    %add3A_120 = arith.addf %add3A_113, %mul3A_119 : vector<1024x128xf32>
    %get3A_121 = arith.constant 0 : index
    %get3A_122 = vector.load %arg19[%get3A_121] : memref<128xf32, #tpu.memory_space<vmem>>, vector<128xf32>
    %broadcast_in_dim3A_123 = vector.shape_cast %get3A_122 : vector<128xf32> to vector<1x128xf32>
    %add3A_124 = vector.broadcast %broadcast_in_dim3A_123 : vector<1x128xf32> to vector<1024x128xf32>
    %add3A_125 = arith.addf %add3A_120, %add3A_124 : vector<1024x128xf32>
    %max3A = arith.constant 0.000000e+00 : f32
    %max3A_126 = vector.broadcast %max3A : f32 to vector<1024x128xf32>
    %max3A_127 = arith.maximumf %add3A_125, %max3A_126 : vector<1024x128xf32>
    %get3A_128 = arith.constant 0 : index
    %get3A_129 = arith.constant 0 : index
    %get3A_130 = vector.load %arg20[%get3A_128, %get3A_129] : memref<128x128xf32, #tpu.memory_space<vmem>>, vector<128x128xf32>
    %dot_general3A_131 = arith.constant dense<0.000000e+00> : vector<1024x128xf32>
    %dot_general3A_132 = tpu.matmul %max3A_127, %get3A_130, %dot_general3A_131 {dimension_numbers = #tpu.dot_dimension_numbers<[1], [0], [0], [1], [0, 0, 1, 1], [], []>, transpose_lhs_hint = false} : vector<1024x128xf32>, vector<128x128xf32>, vector<1024x128xf32> -> vector<1024x128xf32>
    %get3A_133 = arith.constant 0 : index
    %get3A_134 = vector.load %arg21[%get3A_133] : memref<128xf32, #tpu.memory_space<vmem>>, vector<128xf32>
    %broadcast_in_dim3A_135 = vector.shape_cast %get3A_134 : vector<128xf32> to vector<1x128xf32>
    %add3A_136 = vector.broadcast %broadcast_in_dim3A_135 : vector<1x128xf32> to vector<1024x128xf32>
    %add3A_137 = arith.addf %dot_general3A_132, %add3A_136 : vector<1024x128xf32>
    %get3A_138 = arith.constant 0 : index
    %get3A_139 = arith.constant 0 : index
    %get3A_140 = vector.load %arg22[%get3A_138, %get3A_139] : memref<128x128xf32, #tpu.memory_space<vmem>>, vector<128x128xf32>
    %dot_general3A_141 = arith.constant dense<0.000000e+00> : vector<1024x128xf32>
    %dot_general3A_142 = tpu.matmul %add3A_137, %get3A_140, %dot_general3A_141 {dimension_numbers = #tpu.dot_dimension_numbers<[1], [0], [0], [1], [0, 0, 1, 1], [], []>, transpose_lhs_hint = false} : vector<1024x128xf32>, vector<128x128xf32>, vector<1024x128xf32> -> vector<1024x128xf32>
    %get3A_143 = arith.constant 0 : index
    %get3A_144 = vector.load %arg23[%get3A_143] : memref<128xf32, #tpu.memory_space<vmem>>, vector<128xf32>
    %broadcast_in_dim3A_145 = vector.shape_cast %get3A_144 : vector<128xf32> to vector<1x128xf32>
    %add3A_146 = vector.broadcast %broadcast_in_dim3A_145 : vector<1x128xf32> to vector<1024x128xf32>
    %add3A_147 = arith.addf %dot_general3A_142, %add3A_146 : vector<1024x128xf32>
    %max3A_148 = arith.constant 0.000000e+00 : f32
    %max3A_149 = vector.broadcast %max3A_148 : f32 to vector<1024x128xf32>
    %max3A_150 = arith.maximumf %add3A_147, %max3A_149 : vector<1024x128xf32>
    %get3A_151 = arith.constant 0 : index
    %get3A_152 = arith.constant 0 : index
    %get3A_153 = vector.load %arg24[%get3A_151, %get3A_152] : memref<128x64xf32, #tpu.memory_space<vmem>>, vector<128x64xf32>
    %dot_general3A_154 = arith.constant dense<0.000000e+00> : vector<1024x64xf32>
    %dot_general3A_155 = tpu.matmul %max3A_150, %get3A_153, %dot_general3A_154 {dimension_numbers = #tpu.dot_dimension_numbers<[1], [0], [0], [1], [0, 0, 1, 1], [], []>, transpose_lhs_hint = false} : vector<1024x128xf32>, vector<128x64xf32>, vector<1024x64xf32> -> vector<1024x64xf32>
    %get3A_156 = arith.constant 0 : index
    %get3A_157 = vector.load %arg25[%get3A_156] : memref<64xf32, #tpu.memory_space<vmem>>, vector<64xf32>
    %broadcast_in_dim3A_158 = vector.shape_cast %get3A_157 : vector<64xf32> to vector<1x64xf32>
    %add3A_159 = vector.broadcast %broadcast_in_dim3A_158 : vector<1x64xf32> to vector<1024x64xf32>
    %add3A_160 = arith.addf %dot_general3A_155, %add3A_159 : vector<1024x64xf32>
    %get3A_161 = arith.constant 0 : index
    %get3A_162 = arith.constant 0 : index
    %get3A_163 = vector.load %arg28[%get3A_161, %get3A_162] : memref<64x128xf32, #tpu.memory_space<vmem>>, vector<64x128xf32>
    %dot_general3A_164 = arith.constant dense<0.000000e+00> : vector<1024x128xf32>
    %dot_general3A_165 = tpu.matmul %add3A_160, %get3A_163, %dot_general3A_164 {dimension_numbers = #tpu.dot_dimension_numbers<[1], [0], [0], [1], [0, 0, 1, 1], [], []>, transpose_lhs_hint = false} : vector<1024x64xf32>, vector<64x128xf32>, vector<1024x128xf32> -> vector<1024x128xf32>
    %mul3A_166 = arith.mulf %add3A_87, %dot_general3A_165 : vector<1024x128xf32>
    %reduce_sum3A = arith.constant dense<0.000000e+00> : vector<1024xf32>
    %reduce_sum3A_167 = vector.multi_reduction <add>, %add3A_137, %reduce_sum3A [1] : vector<1024x128xf32> to vector<1024xf32>
    %broadcast_in_dim3A_168 = vector.shape_cast %reduce_sum3A_167 : vector<1024xf32> to vector<1024x1xf32>
    %div3A_169 = arith.constant 1.280000e+02 : f32
    %div3A_170 = vector.broadcast %div3A_169 : f32 to vector<1024x1xf32>
    %div3A_171 = arith.divf %broadcast_in_dim3A_168, %div3A_170 : vector<1024x1xf32>
    %sub3A_172 = vector.broadcast %div3A_171 : vector<1024x1xf32> to vector<1024x128xf32>
    %sub3A_173 = arith.subf %add3A_137, %sub3A_172 : vector<1024x128xf32>
    %mul3A_174 = arith.mulf %sub3A_173, %sub3A_173 : vector<1024x128xf32>
    %reduce_sum3A_175 = arith.constant dense<0.000000e+00> : vector<1024xf32>
    %reduce_sum3A_176 = vector.multi_reduction <add>, %mul3A_174, %reduce_sum3A_175 [1] : vector<1024x128xf32> to vector<1024xf32>
    %broadcast_in_dim3A_177 = vector.shape_cast %reduce_sum3A_176 : vector<1024xf32> to vector<1024x1xf32>
    %div3A_178 = arith.constant 1.280000e+02 : f32
    %div3A_179 = vector.broadcast %div3A_178 : f32 to vector<1024x1xf32>
    %div3A_180 = arith.divf %broadcast_in_dim3A_177, %div3A_179 : vector<1024x1xf32>
    %add3A_181 = arith.constant 9.99999974E-6 : f32
    %add3A_182 = vector.broadcast %add3A_181 : f32 to vector<1024x1xf32>
    %add3A_183 = arith.addf %div3A_180, %add3A_182 : vector<1024x1xf32>
    %rsqrt3A = math.rsqrt %add3A_183 : vector<1024x1xf32>
    %mul3A_184 = vector.broadcast %rsqrt3A : vector<1024x1xf32> to vector<1024x128xf32>
    %mul3A_185 = arith.mulf %sub3A_173, %mul3A_184 : vector<1024x128xf32>
    %get3A_186 = arith.constant 0 : index
    %get3A_187 = vector.load %arg29[%get3A_186] : memref<128xf32, #tpu.memory_space<vmem>>, vector<128xf32>
    %broadcast_in_dim3A_188 = vector.shape_cast %get3A_187 : vector<128xf32> to vector<1x128xf32>
    %mul3A_189 = vector.broadcast %broadcast_in_dim3A_188 : vector<1x128xf32> to vector<1024x128xf32>
    %mul3A_190 = arith.mulf %mul3A_185, %mul3A_189 : vector<1024x128xf32>
    %get3A_191 = arith.constant 0 : index
    %get3A_192 = vector.load %arg30[%get3A_191] : memref<128xf32, #tpu.memory_space<vmem>>, vector<128xf32>
    %broadcast_in_dim3A_193 = vector.shape_cast %get3A_192 : vector<128xf32> to vector<1x128xf32>
    %add3A_194 = vector.broadcast %broadcast_in_dim3A_193 : vector<1x128xf32> to vector<1024x128xf32>
    %add3A_195 = arith.addf %mul3A_190, %add3A_194 : vector<1024x128xf32>
    %swap3A = arith.constant 0 : index
    %swap3A_196 = arith.constant 0 : index
    %swap3A_197 = vector.load %arg32[%swap3A, %swap3A_196] : memref<1024x128xf32, #tpu.memory_space<vmem>>, vector<1024x128xf32>
    tpu.vector_store %arg32[%swap3A, %swap3A_196], %add3A_195 {strides = array<i32>} : memref<1024x128xf32, #tpu.memory_space<vmem>>, vector<1024x128xf32>,
    %mul3A_198 = arith.mulf %mul3A_166, %mul3A_166 : vector<1024x128xf32>
    %dot_general3A_199 = arith.constant dense<0.000000e+00> : vector<1024x16xf32>
    %dot_general3A_200 = tpu.matmul %mul3A_198, %get3A_1, %dot_general3A_199 {dimension_numbers = #tpu.dot_dimension_numbers<[1], [0], [0], [1], [0, 0, 1, 1], [], []>, transpose_lhs_hint = false} : vector<1024x128xf32>, vector<128x16xf32>, vector<1024x16xf32> -> vector<1024x16xf32>
    %sqrt3A = math.sqrt %dot_general3A_200 : vector<1024x16xf32>
    %reduce_sum3A_201 = arith.constant dense<0.000000e+00> : vector<1024xf32>
    %reduce_sum3A_202 = vector.multi_reduction <add>, %sqrt3A, %reduce_sum3A_201 [1] : vector<1024x16xf32> to vector<1024xf32>
    %broadcast_in_dim3A_203 = vector.shape_cast %reduce_sum3A_202 : vector<1024xf32> to vector<1024x1xf32>
    %div3A_204 = arith.constant 1.600000e+01 : f32
    %div3A_205 = vector.broadcast %div3A_204 : f32 to vector<1024x1xf32>
    %div3A_206 = arith.divf %broadcast_in_dim3A_203, %div3A_205 : vector<1024x1xf32>
    %add3A_207 = arith.constant 9.99999997E-7 : f32
    %add3A_208 = vector.broadcast %add3A_207 : f32 to vector<1024x1xf32>
    %add3A_209 = arith.addf %div3A_206, %add3A_208 : vector<1024x1xf32>
    %get3A_210 = arith.constant 0 : index
    %get3A_211 = vector.load %arg31[%get3A_210] : memref<128xf32, #tpu.memory_space<vmem>>, vector<128xf32>
    %broadcast_in_dim3A_212 = vector.shape_cast %get3A_211 : vector<128xf32> to vector<1x128xf32>
    %mul3A_213 = vector.broadcast %broadcast_in_dim3A_212 : vector<1x128xf32> to vector<1024x128xf32>
    %mul3A_214 = arith.mulf %mul3A_213, %mul3A_166 : vector<1024x128xf32>
    %div3A_215 = vector.broadcast %add3A_209 : vector<1024x1xf32> to vector<1024x128xf32>
    %div3A_216 = arith.divf %mul3A_214, %div3A_215 : vector<1024x128xf32>
    %swap3A_217 = arith.constant 0 : index
    %swap3A_218 = arith.constant 0 : index
    %swap3A_219 = vector.load %arg33[%swap3A_217, %swap3A_218] : memref<1024x128xf32, #tpu.memory_space<vmem>>, vector<1024x128xf32>
    tpu.vector_store %arg33[%swap3A_217, %swap3A_218], %div3A_216 {strides = array<i32>} : memref<1024x128xf32, #tpu.memory_space<vmem>>, vector<1024x128xf32>,
    return
  }
  func.func @transform_0(%arg0: i32) -> (i32, i32) {
    %c0_i32 = arith.constant 0 : i32
    %c0_i32_0 = arith.constant 0 : i32
    return %arg0, %c0_i32 : i32, i32
  }
  func.func @transform_1(%arg0: i32) -> (i32, i32) {
    %c0_i32 = arith.constant 0 : i32
    %c0_i32_0 = arith.constant 0 : i32
    return %arg0, %c0_i32 : i32, i32
  }
  func.func @transform_2(%arg0: i32) -> i32 {
    %c0_i32 = arith.constant 0 : i32
    return %arg0 : i32
  }
  func.func @transform_3(%arg0: i32) -> (i32, i32) {
    %c0_i32 = arith.constant 0 : i32
    %c0_i32_0 = arith.constant 0 : i32
    return %arg0, %c0_i32 : i32, i32
  }
  func.func @transform_4(%arg0: i32) -> (i32, i32) {
    %c0_i32 = arith.constant 0 : i32
    %c0_i32_0 = arith.constant 0 : i32
    return %arg0, %c0_i32 : i32, i32
  }
  func.func @transform_5(%arg0: i32) -> (i32, i32) {
    %c0_i32 = arith.constant 0 : i32
    %c0_i32_0 = arith.constant 0 : i32
    %c0_i32_1 = arith.constant 0 : i32
    return %c0_i32, %c0_i32_0 : i32, i32
  }
  func.func @transform_6(%arg0: i32) -> (i32, i32) {
    %c0_i32 = arith.constant 0 : i32
    %c0_i32_0 = arith.constant 0 : i32
    %c0_i32_1 = arith.constant 0 : i32
    return %c0_i32, %c0_i32_0 : i32, i32
  }
  func.func @transform_7(%arg0: i32) -> i32 {
    %c0_i32 = arith.constant 0 : i32
    %c0_i32_0 = arith.constant 0 : i32
    return %c0_i32 : i32
  }
  func.func @transform_8(%arg0: i32) -> (i32, i32) {
    %c0_i32 = arith.constant 0 : i32
    %c0_i32_0 = arith.constant 0 : i32
    %c0_i32_1 = arith.constant 0 : i32
    return %c0_i32, %c0_i32_0 : i32, i32
  }
  func.func @transform_9(%arg0: i32) -> i32 {
    %c0_i32 = arith.constant 0 : i32
    %c0_i32_0 = arith.constant 0 : i32
    return %c0_i32 : i32
  }
  func.func @transform_10(%arg0: i32) -> (i32, i32) {
    %c0_i32 = arith.constant 0 : i32
    %c0_i32_0 = arith.constant 0 : i32
    %c0_i32_1 = arith.constant 0 : i32
    return %c0_i32, %c0_i32_0 : i32, i32
  }
  func.func @transform_11(%arg0: i32) -> i32 {
    %c0_i32 = arith.constant 0 : i32
    %c0_i32_0 = arith.constant 0 : i32
    return %c0_i32 : i32
  }
  func.func @transform_12(%arg0: i32) -> (i32, i32) {
    %c0_i32 = arith.constant 0 : i32
    %c0_i32_0 = arith.constant 0 : i32
    %c0_i32_1 = arith.constant 0 : i32
    return %c0_i32, %c0_i32_0 : i32, i32
  }
  func.func @transform_13(%arg0: i32) -> i32 {
    %c0_i32 = arith.constant 0 : i32
    %c0_i32_0 = arith.constant 0 : i32
    return %c0_i32 : i32
  }
  func.func @transform_14(%arg0: i32) -> (i32, i32) {
    %c0_i32 = arith.constant 0 : i32
    %c0_i32_0 = arith.constant 0 : i32
    %c0_i32_1 = arith.constant 0 : i32
    return %c0_i32, %c0_i32_0 : i32, i32
  }
  func.func @transform_15(%arg0: i32) -> (i32, i32) {
    %c0_i32 = arith.constant 0 : i32
    %c0_i32_0 = arith.constant 0 : i32
    %c0_i32_1 = arith.constant 0 : i32
    return %c0_i32, %c0_i32_0 : i32, i32
  }
  func.func @transform_16(%arg0: i32) -> (i32, i32) {
    %c0_i32 = arith.constant 0 : i32
    %c0_i32_0 = arith.constant 0 : i32
    %c0_i32_1 = arith.constant 0 : i32
    return %c0_i32, %c0_i32_0 : i32, i32
  }
  func.func @transform_17(%arg0: i32) -> i32 {
    %c0_i32 = arith.constant 0 : i32
    %c0_i32_0 = arith.constant 0 : i32
    return %c0_i32 : i32
  }
  func.func @transform_18(%arg0: i32) -> i32 {
    %c0_i32 = arith.constant 0 : i32
    %c0_i32_0 = arith.constant 0 : i32
    return %c0_i32 : i32
  }
  func.func @transform_19(%arg0: i32) -> (i32, i32) {
    %c0_i32 = arith.constant 0 : i32
    %c0_i32_0 = arith.constant 0 : i32
    %c0_i32_1 = arith.constant 0 : i32
    return %c0_i32, %c0_i32_0 : i32, i32
  }
  func.func @transform_20(%arg0: i32) -> i32 {
    %c0_i32 = arith.constant 0 : i32
    %c0_i32_0 = arith.constant 0 : i32
    return %c0_i32 : i32
  }
  func.func @transform_21(%arg0: i32) -> (i32, i32) {
    %c0_i32 = arith.constant 0 : i32
    %c0_i32_0 = arith.constant 0 : i32
    %c0_i32_1 = arith.constant 0 : i32
    return %c0_i32, %c0_i32_0 : i32, i32
  }
  func.func @transform_22(%arg0: i32) -> i32 {
    %c0_i32 = arith.constant 0 : i32
    %c0_i32_0 = arith.constant 0 : i32
    return %c0_i32 : i32
  }
  func.func @transform_23(%arg0: i32) -> (i32, i32) {
    %c0_i32 = arith.constant 0 : i32
    %c0_i32_0 = arith.constant 0 : i32
    %c0_i32_1 = arith.constant 0 : i32
    return %c0_i32, %c0_i32_0 : i32, i32
  }
  func.func @transform_24(%arg0: i32) -> i32 {
    %c0_i32 = arith.constant 0 : i32
    %c0_i32_0 = arith.constant 0 : i32
    return %c0_i32 : i32
  }
  func.func @transform_25(%arg0: i32) -> (i32, i32) {
    %c0_i32 = arith.constant 0 : i32
    %c0_i32_0 = arith.constant 0 : i32
    %c0_i32_1 = arith.constant 0 : i32
    return %c0_i32, %c0_i32_0 : i32, i32
  }
  func.func @transform_26(%arg0: i32) -> (i32, i32) {
    %c0_i32 = arith.constant 0 : i32
    %c0_i32_0 = arith.constant 0 : i32
    %c0_i32_1 = arith.constant 0 : i32
    return %c0_i32, %c0_i32_0 : i32, i32
  }
  func.func @transform_27(%arg0: i32) -> (i32, i32) {
    %c0_i32 = arith.constant 0 : i32
    %c0_i32_0 = arith.constant 0 : i32
    %c0_i32_1 = arith.constant 0 : i32
    return %c0_i32, %c0_i32_0 : i32, i32
  }
  func.func @transform_28(%arg0: i32) -> i32 {
    %c0_i32 = arith.constant 0 : i32
    %c0_i32_0 = arith.constant 0 : i32
    return %c0_i32 : i32
  }
  func.func @transform_29(%arg0: i32) -> i32 {
    %c0_i32 = arith.constant 0 : i32
    %c0_i32_0 = arith.constant 0 : i32
    return %c0_i32 : i32
  }
  func.func @transform_30(%arg0: i32) -> i32 {
    %c0_i32 = arith.constant 0 : i32
    %c0_i32_0 = arith.constant 0 : i32
    return %c0_i32 : i32
  }
  func.func @transform_31(%arg0: i32) -> (i32, i32) {
    %c0_i32 = arith.constant 0 : i32
    %c0_i32_0 = arith.constant 0 : i32
    return %arg0, %c0_i32 : i32, i32
  }
  func.func @transform_32(%arg0: i32) -> (i32, i32) {
    %c0_i32 = arith.constant 0 : i32
    %c0_i32_0 = arith.constant 0 : i32
    return %arg0, %c0_i32 : i32, i32
  }
}

module attributes {stable_mosaic.version = 14 : i64} {
  func.func @_node_body(%arg0: i32, %arg1: memref<400x128xf32, #tpu.memory_space<vmem>>, %arg2: memref<400x128xf32, #tpu.memory_space<vmem>>, %arg3: memref<400x128xf32, #tpu.memory_space<vmem>>, %arg4: memref<400x128xf32, #tpu.memory_space<vmem>>, %arg5: memref<400x128xf32, #tpu.memory_space<vmem>>, %arg6: memref<128x128xf32, #tpu.memory_space<vmem>>, %arg7: memref<128xf32, #tpu.memory_space<vmem>>, %arg8: memref<128x128xf32, #tpu.memory_space<vmem>>, %arg9: memref<128xf32, #tpu.memory_space<vmem>>, %arg10: memref<128x1024xf32, #tpu.memory_space<vmem>>, %arg11: memref<128x1024xf32, #tpu.memory_space<vmem>>, %arg12: memref<1024x128xf32, #tpu.memory_space<vmem>>, %arg13: memref<128x128xf32, #tpu.memory_space<vmem>>, %arg14: memref<128x128xf32, #tpu.memory_space<vmem>>, %arg15: memref<128xf32, #tpu.memory_space<vmem>>, %arg16: memref<128xf32, #tpu.memory_space<vmem>>, %arg17: memref<128x128xf32, #tpu.memory_space<vmem>>, %arg18: memref<128xf32, #tpu.memory_space<vmem>>, %arg19: memref<128x128xf32, #tpu.memory_space<vmem>>, %arg20: memref<128xf32, #tpu.memory_space<vmem>>, %arg21: memref<128xf32, #tpu.memory_space<vmem>>, %arg22: memref<128xf32, #tpu.memory_space<vmem>>, %arg23: memref<128x16xf32, #tpu.memory_space<vmem>>, %arg24: memref<400x128xf32, #tpu.memory_space<vmem>>, %arg25: memref<400x128xf32, #tpu.memory_space<vmem>>) attributes {dimension_semantics = [#tpu.dimension_semantics<arbitrary>], iteration_bounds = array<i64: 25>, scalar_prefetch = 0 : i64, scratch_operands = 0 : i64, tpu.core_type = #tpu.core_type<tc>, window_params = [{transform_indices = @transform_0, window_bounds = array<i64: 400, 128>}, {transform_indices = @transform_1, window_bounds = array<i64: 400, 128>}, {transform_indices = @transform_2, window_bounds = array<i64: 400, 128>}, {transform_indices = @transform_3, window_bounds = array<i64: 400, 128>}, {transform_indices = @transform_4, window_bounds = array<i64: 400, 128>}, {pipeline_mode = #tpu.pipeline_mode<synchronous>, transform_indices = @transform_5, window_bounds = array<i64: 128, 128>}, {pipeline_mode = #tpu.pipeline_mode<synchronous>, transform_indices = @transform_6, window_bounds = array<i64: 128>}, {pipeline_mode = #tpu.pipeline_mode<synchronous>, transform_indices = @transform_7, window_bounds = array<i64: 128, 128>}, {pipeline_mode = #tpu.pipeline_mode<synchronous>, transform_indices = @transform_8, window_bounds = array<i64: 128>}, {pipeline_mode = #tpu.pipeline_mode<synchronous>, transform_indices = @transform_9, window_bounds = array<i64: 128, 1024>}, {pipeline_mode = #tpu.pipeline_mode<synchronous>, transform_indices = @transform_10, window_bounds = array<i64: 128, 1024>}, {pipeline_mode = #tpu.pipeline_mode<synchronous>, transform_indices = @transform_11, window_bounds = array<i64: 1024, 128>}, {pipeline_mode = #tpu.pipeline_mode<synchronous>, transform_indices = @transform_12, window_bounds = array<i64: 128, 128>}, {pipeline_mode = #tpu.pipeline_mode<synchronous>, transform_indices = @transform_13, window_bounds = array<i64: 128, 128>}, {pipeline_mode = #tpu.pipeline_mode<synchronous>, transform_indices = @transform_14, window_bounds = array<i64: 128>}, {pipeline_mode = #tpu.pipeline_mode<synchronous>, transform_indices = @transform_15, window_bounds = array<i64: 128>}, {pipeline_mode = #tpu.pipeline_mode<synchronous>, transform_indices = @transform_16, window_bounds = array<i64: 128, 128>}, {pipeline_mode = #tpu.pipeline_mode<synchronous>, transform_indices = @transform_17, window_bounds = array<i64: 128>}, {pipeline_mode = #tpu.pipeline_mode<synchronous>, transform_indices = @transform_18, window_bounds = array<i64: 128, 128>}, {pipeline_mode = #tpu.pipeline_mode<synchronous>, transform_indices = @transform_19, window_bounds = array<i64: 128>}, {pipeline_mode = #tpu.pipeline_mode<synchronous>, transform_indices = @transform_20, window_bounds = array<i64: 128>}, {pipeline_mode = #tpu.pipeline_mode<synchronous>, transform_indices = @transform_21, window_bounds = array<i64: 128>}, {pipeline_mode = #tpu.pipeline_mode<synchronous>, transform_indices = @transform_22, window_bounds = array<i64: 128, 16>}, {transform_indices = @transform_23, window_bounds = array<i64: 400, 128>}, {transform_indices = @transform_24, window_bounds = array<i64: 400, 128>}]} {
    %get3A = arith.constant 0 : index
    %get3A_0 = arith.constant 0 : index
    %get3A_1 = vector.load %arg5[%get3A, %get3A_0] : memref<400x128xf32, #tpu.memory_space<vmem>>, vector<400x128xf32>
    %slice3A = vector.extract_strided_slice %get3A_1 {offsets = [0, 0], sizes = [400, 1], strides = [1, 1]} : vector<400x128xf32> to vector<400x1xf32>
    %rsqrt3A = math.rsqrt %slice3A : vector<400x1xf32>
    %get3A_2 = arith.constant 0 : index
    %get3A_3 = arith.constant 0 : index
    %get3A_4 = vector.load %arg3[%get3A_2, %get3A_3] : memref<400x128xf32, #tpu.memory_space<vmem>>, vector<400x128xf32>
    %mul3A = vector.broadcast %rsqrt3A : vector<400x1xf32> to vector<400x128xf32>
    %mul3A_5 = arith.mulf %get3A_4, %mul3A : vector<400x128xf32>
    %get3A_6 = arith.constant 0 : index
    %get3A_7 = arith.constant 0 : index
    %get3A_8 = vector.load %arg4[%get3A_6, %get3A_7] : memref<400x128xf32, #tpu.memory_space<vmem>>, vector<400x128xf32>
    %mul3A_9 = vector.broadcast %rsqrt3A : vector<400x1xf32> to vector<400x128xf32>
    %mul3A_10 = arith.mulf %get3A_8, %mul3A_9 : vector<400x128xf32>
    %get3A_11 = arith.constant 0 : index
    %get3A_12 = arith.constant 0 : index
    %get3A_13 = vector.load %arg6[%get3A_11, %get3A_12] : memref<128x128xf32, #tpu.memory_space<vmem>>, vector<128x128xf32>
    %dot_general3A = arith.constant dense<0.000000e+00> : vector<400x128xf32>
    %dot_general3A_14 = tpu.matmul %mul3A_10, %get3A_13, %dot_general3A {dimension_numbers = #tpu.dot_dimension_numbers<[1], [0], [0], [1], [0, 0, 1, 1], [], []>, transpose_lhs_hint = false} : vector<400x128xf32>, vector<128x128xf32>, vector<400x128xf32> -> vector<400x128xf32>
    %get3A_15 = arith.constant 0 : index
    %get3A_16 = vector.load %arg7[%get3A_15] : memref<128xf32, #tpu.memory_space<vmem>>, vector<128xf32>
    %broadcast_in_dim3A = vector.shape_cast %get3A_16 : vector<128xf32> to vector<1x128xf32>
    %add3A = vector.broadcast %broadcast_in_dim3A : vector<1x128xf32> to vector<400x128xf32>
    %add3A_17 = arith.addf %dot_general3A_14, %add3A : vector<400x128xf32>
    %get3A_18 = arith.constant 0 : index
    %get3A_19 = arith.constant 0 : index
    %get3A_20 = vector.load %arg8[%get3A_18, %get3A_19] : memref<128x128xf32, #tpu.memory_space<vmem>>, vector<128x128xf32>
    %dot_general3A_21 = arith.constant dense<0.000000e+00> : vector<400x128xf32>
    %dot_general3A_22 = tpu.matmul %mul3A_10, %get3A_20, %dot_general3A_21 {dimension_numbers = #tpu.dot_dimension_numbers<[1], [0], [0], [1], [0, 0, 1, 1], [], []>, transpose_lhs_hint = false} : vector<400x128xf32>, vector<128x128xf32>, vector<400x128xf32> -> vector<400x128xf32>
    %get3A_23 = arith.constant 0 : index
    %get3A_24 = vector.load %arg9[%get3A_23] : memref<128xf32, #tpu.memory_space<vmem>>, vector<128xf32>
    %broadcast_in_dim3A_25 = vector.shape_cast %get3A_24 : vector<128xf32> to vector<1x128xf32>
    %add3A_26 = vector.broadcast %broadcast_in_dim3A_25 : vector<1x128xf32> to vector<400x128xf32>
    %add3A_27 = arith.addf %dot_general3A_22, %add3A_26 : vector<400x128xf32>
    %get3A_28 = arith.constant 0 : index
    %get3A_29 = arith.constant 0 : index
    %get3A_30 = vector.load %arg10[%get3A_28, %get3A_29] : memref<128x1024xf32, #tpu.memory_space<vmem>>, vector<128x1024xf32>
    %dot_general3A_31 = arith.constant dense<0.000000e+00> : vector<400x1024xf32>
    %dot_general3A_32 = tpu.matmul %add3A_17, %get3A_30, %dot_general3A_31 {dimension_numbers = #tpu.dot_dimension_numbers<[1], [0], [0], [1], [0, 0, 1, 1], [], []>, transpose_lhs_hint = false} : vector<400x128xf32>, vector<128x1024xf32>, vector<400x1024xf32> -> vector<400x1024xf32>
    %get3A_33 = arith.constant 0 : index
    %get3A_34 = arith.constant 0 : index
    %get3A_35 = vector.load %arg11[%get3A_33, %get3A_34] : memref<128x1024xf32, #tpu.memory_space<vmem>>, vector<128x1024xf32>
    %dot_general3A_36 = arith.constant dense<0.000000e+00> : vector<400x1024xf32>
    %dot_general3A_37 = tpu.matmul %add3A_27, %get3A_35, %dot_general3A_36 {dimension_numbers = #tpu.dot_dimension_numbers<[1], [0], [0], [1], [0, 0, 1, 1], [], []>, transpose_lhs_hint = false} : vector<400x128xf32>, vector<128x1024xf32>, vector<400x1024xf32> -> vector<400x1024xf32>
    %mul3A_38 = arith.mulf %dot_general3A_32, %dot_general3A_37 : vector<400x1024xf32>
    %get3A_39 = arith.constant 0 : index
    %get3A_40 = arith.constant 0 : index
    %get3A_41 = vector.load %arg12[%get3A_39, %get3A_40] : memref<1024x128xf32, #tpu.memory_space<vmem>>, vector<1024x128xf32>
    %dot_general3A_42 = arith.constant dense<0.000000e+00> : vector<400x128xf32>
    %dot_general3A_43 = tpu.matmul %mul3A_38, %get3A_41, %dot_general3A_42 {dimension_numbers = #tpu.dot_dimension_numbers<[1], [0], [0], [1], [0, 0, 1, 1], [], []>, transpose_lhs_hint = false} : vector<400x1024xf32>, vector<1024x128xf32>, vector<400x128xf32> -> vector<400x128xf32>
    %get3A_44 = arith.constant 0 : index
    %get3A_45 = arith.constant 0 : index
    %get3A_46 = vector.load %arg13[%get3A_44, %get3A_45] : memref<128x128xf32, #tpu.memory_space<vmem>>, vector<128x128xf32>
    %dot_general3A_47 = arith.constant dense<0.000000e+00> : vector<400x128xf32>
    %dot_general3A_48 = tpu.matmul %dot_general3A_43, %get3A_46, %dot_general3A_47 {dimension_numbers = #tpu.dot_dimension_numbers<[1], [0], [0], [1], [0, 0, 1, 1], [], []>, transpose_lhs_hint = false} : vector<400x128xf32>, vector<128x128xf32>, vector<400x128xf32> -> vector<400x128xf32>
    %get3A_49 = arith.constant 0 : index
    %get3A_50 = arith.constant 0 : index
    %get3A_51 = vector.load %arg14[%get3A_49, %get3A_50] : memref<128x128xf32, #tpu.memory_space<vmem>>, vector<128x128xf32>
    %dot_general3A_52 = arith.constant dense<0.000000e+00> : vector<400x128xf32>
    %dot_general3A_53 = tpu.matmul %mul3A_10, %get3A_51, %dot_general3A_52 {dimension_numbers = #tpu.dot_dimension_numbers<[1], [0], [0], [1], [0, 0, 1, 1], [], []>, transpose_lhs_hint = false} : vector<400x128xf32>, vector<128x128xf32>, vector<400x128xf32> -> vector<400x128xf32>
    %add3A_54 = arith.addf %dot_general3A_48, %dot_general3A_53 : vector<400x128xf32>
    %get3A_55 = arith.constant 0 : index
    %get3A_56 = vector.load %arg15[%get3A_55] : memref<128xf32, #tpu.memory_space<vmem>>, vector<128xf32>
    %broadcast_in_dim3A_57 = vector.shape_cast %get3A_56 : vector<128xf32> to vector<1x128xf32>
    %add3A_58 = vector.broadcast %broadcast_in_dim3A_57 : vector<1x128xf32> to vector<400x128xf32>
    %add3A_59 = arith.addf %add3A_54, %add3A_58 : vector<400x128xf32>
    %mul3A_60 = arith.mulf %add3A_59, %add3A_59 : vector<400x128xf32>
    %get3A_61 = arith.constant 0 : index
    %get3A_62 = arith.constant 0 : index
    %get3A_63 = vector.load %arg23[%get3A_61, %get3A_62] : memref<128x16xf32, #tpu.memory_space<vmem>>, vector<128x16xf32>
    %dot_general3A_64 = arith.constant dense<0.000000e+00> : vector<400x16xf32>
    %dot_general3A_65 = tpu.matmul %mul3A_60, %get3A_63, %dot_general3A_64 {dimension_numbers = #tpu.dot_dimension_numbers<[1], [0], [0], [1], [0, 0, 1, 1], [], []>, transpose_lhs_hint = false} : vector<400x128xf32>, vector<128x16xf32>, vector<400x16xf32> -> vector<400x16xf32>
    %sqrt3A = math.sqrt %dot_general3A_65 : vector<400x16xf32>
    %reduce_sum3A = arith.constant dense<0.000000e+00> : vector<400xf32>
    %reduce_sum3A_66 = vector.multi_reduction <add>, %sqrt3A, %reduce_sum3A [1] : vector<400x16xf32> to vector<400xf32>
    %broadcast_in_dim3A_67 = vector.shape_cast %reduce_sum3A_66 : vector<400xf32> to vector<400x1xf32>
    %div3A = arith.constant 1.600000e+01 : f32
    %div3A_68 = vector.broadcast %div3A : f32 to vector<400x1xf32>
    %div3A_69 = arith.divf %broadcast_in_dim3A_67, %div3A_68 : vector<400x1xf32>
    %add3A_70 = arith.constant 9.99999997E-7 : f32
    %add3A_71 = vector.broadcast %add3A_70 : f32 to vector<400x1xf32>
    %add3A_72 = arith.addf %div3A_69, %add3A_71 : vector<400x1xf32>
    %get3A_73 = arith.constant 0 : index
    %get3A_74 = vector.load %arg16[%get3A_73] : memref<128xf32, #tpu.memory_space<vmem>>, vector<128xf32>
    %broadcast_in_dim3A_75 = vector.shape_cast %get3A_74 : vector<128xf32> to vector<1x128xf32>
    %mul3A_76 = vector.broadcast %broadcast_in_dim3A_75 : vector<1x128xf32> to vector<400x128xf32>
    %mul3A_77 = arith.mulf %mul3A_76, %add3A_59 : vector<400x128xf32>
    %div3A_78 = vector.broadcast %add3A_72 : vector<400x1xf32> to vector<400x128xf32>
    %div3A_79 = arith.divf %mul3A_77, %div3A_78 : vector<400x128xf32>
    %get3A_80 = arith.constant 0 : index
    %get3A_81 = arith.constant 0 : index
    %get3A_82 = vector.load %arg2[%get3A_80, %get3A_81] : memref<400x128xf32, #tpu.memory_space<vmem>>, vector<400x128xf32>
    %add3A_83 = arith.addf %div3A_79, %get3A_82 : vector<400x128xf32>
    %swap3A = arith.constant 0 : index
    %swap3A_84 = arith.constant 0 : index
    %swap3A_85 = vector.load %arg25[%swap3A, %swap3A_84] : memref<400x128xf32, #tpu.memory_space<vmem>>, vector<400x128xf32>
    tpu.vector_store %arg25[%swap3A, %swap3A_84], %add3A_83 {strides = array<i32>} : memref<400x128xf32, #tpu.memory_space<vmem>>, vector<400x128xf32>,
    %get3A_86 = arith.constant 0 : index
    %get3A_87 = arith.constant 0 : index
    %get3A_88 = vector.load %arg17[%get3A_86, %get3A_87] : memref<128x128xf32, #tpu.memory_space<vmem>>, vector<128x128xf32>
    %dot_general3A_89 = arith.constant dense<0.000000e+00> : vector<400x128xf32>
    %dot_general3A_90 = tpu.matmul %mul3A_5, %get3A_88, %dot_general3A_89 {dimension_numbers = #tpu.dot_dimension_numbers<[1], [0], [0], [1], [0, 0, 1, 1], [], []>, transpose_lhs_hint = false} : vector<400x128xf32>, vector<128x128xf32>, vector<400x128xf32> -> vector<400x128xf32>
    %get3A_91 = arith.constant 0 : index
    %get3A_92 = vector.load %arg18[%get3A_91] : memref<128xf32, #tpu.memory_space<vmem>>, vector<128xf32>
    %broadcast_in_dim3A_93 = vector.shape_cast %get3A_92 : vector<128xf32> to vector<1x128xf32>
    %add3A_94 = vector.broadcast %broadcast_in_dim3A_93 : vector<1x128xf32> to vector<400x128xf32>
    %add3A_95 = arith.addf %dot_general3A_90, %add3A_94 : vector<400x128xf32>
    %max3A = arith.constant 0.000000e+00 : f32
    %max3A_96 = vector.broadcast %max3A : f32 to vector<400x128xf32>
    %max3A_97 = arith.maximumf %add3A_95, %max3A_96 : vector<400x128xf32>
    %get3A_98 = arith.constant 0 : index
    %get3A_99 = arith.constant 0 : index
    %get3A_100 = vector.load %arg19[%get3A_98, %get3A_99] : memref<128x128xf32, #tpu.memory_space<vmem>>, vector<128x128xf32>
    %dot_general3A_101 = arith.constant dense<0.000000e+00> : vector<400x128xf32>
    %dot_general3A_102 = tpu.matmul %max3A_97, %get3A_100, %dot_general3A_101 {dimension_numbers = #tpu.dot_dimension_numbers<[1], [0], [0], [1], [0, 0, 1, 1], [], []>, transpose_lhs_hint = false} : vector<400x128xf32>, vector<128x128xf32>, vector<400x128xf32> -> vector<400x128xf32>
    %get3A_103 = arith.constant 0 : index
    %get3A_104 = vector.load %arg20[%get3A_103] : memref<128xf32, #tpu.memory_space<vmem>>, vector<128xf32>
    %broadcast_in_dim3A_105 = vector.shape_cast %get3A_104 : vector<128xf32> to vector<1x128xf32>
    %add3A_106 = vector.broadcast %broadcast_in_dim3A_105 : vector<1x128xf32> to vector<400x128xf32>
    %add3A_107 = arith.addf %dot_general3A_102, %add3A_106 : vector<400x128xf32>
    %reduce_sum3A_108 = arith.constant dense<0.000000e+00> : vector<400xf32>
    %reduce_sum3A_109 = vector.multi_reduction <add>, %add3A_107, %reduce_sum3A_108 [1] : vector<400x128xf32> to vector<400xf32>
    %broadcast_in_dim3A_110 = vector.shape_cast %reduce_sum3A_109 : vector<400xf32> to vector<400x1xf32>
    %div3A_111 = arith.constant 1.280000e+02 : f32
    %div3A_112 = vector.broadcast %div3A_111 : f32 to vector<400x1xf32>
    %div3A_113 = arith.divf %broadcast_in_dim3A_110, %div3A_112 : vector<400x1xf32>
    %sub3A = vector.broadcast %div3A_113 : vector<400x1xf32> to vector<400x128xf32>
    %sub3A_114 = arith.subf %add3A_107, %sub3A : vector<400x128xf32>
    %mul3A_115 = arith.mulf %sub3A_114, %sub3A_114 : vector<400x128xf32>
    %reduce_sum3A_116 = arith.constant dense<0.000000e+00> : vector<400xf32>
    %reduce_sum3A_117 = vector.multi_reduction <add>, %mul3A_115, %reduce_sum3A_116 [1] : vector<400x128xf32> to vector<400xf32>
    %broadcast_in_dim3A_118 = vector.shape_cast %reduce_sum3A_117 : vector<400xf32> to vector<400x1xf32>
    %div3A_119 = arith.constant 1.280000e+02 : f32
    %div3A_120 = vector.broadcast %div3A_119 : f32 to vector<400x1xf32>
    %div3A_121 = arith.divf %broadcast_in_dim3A_118, %div3A_120 : vector<400x1xf32>
    %add3A_122 = arith.constant 9.99999974E-6 : f32
    %add3A_123 = vector.broadcast %add3A_122 : f32 to vector<400x1xf32>
    %add3A_124 = arith.addf %div3A_121, %add3A_123 : vector<400x1xf32>
    %rsqrt3A_125 = math.rsqrt %add3A_124 : vector<400x1xf32>
    %mul3A_126 = vector.broadcast %rsqrt3A_125 : vector<400x1xf32> to vector<400x128xf32>
    %mul3A_127 = arith.mulf %sub3A_114, %mul3A_126 : vector<400x128xf32>
    %get3A_128 = arith.constant 0 : index
    %get3A_129 = vector.load %arg21[%get3A_128] : memref<128xf32, #tpu.memory_space<vmem>>, vector<128xf32>
    %broadcast_in_dim3A_130 = vector.shape_cast %get3A_129 : vector<128xf32> to vector<1x128xf32>
    %mul3A_131 = vector.broadcast %broadcast_in_dim3A_130 : vector<1x128xf32> to vector<400x128xf32>
    %mul3A_132 = arith.mulf %mul3A_127, %mul3A_131 : vector<400x128xf32>
    %get3A_133 = arith.constant 0 : index
    %get3A_134 = vector.load %arg22[%get3A_133] : memref<128xf32, #tpu.memory_space<vmem>>, vector<128xf32>
    %broadcast_in_dim3A_135 = vector.shape_cast %get3A_134 : vector<128xf32> to vector<1x128xf32>
    %add3A_136 = vector.broadcast %broadcast_in_dim3A_135 : vector<1x128xf32> to vector<400x128xf32>
    %add3A_137 = arith.addf %mul3A_132, %add3A_136 : vector<400x128xf32>
    %get3A_138 = arith.constant 0 : index
    %get3A_139 = arith.constant 0 : index
    %get3A_140 = vector.load %arg1[%get3A_138, %get3A_139] : memref<400x128xf32, #tpu.memory_space<vmem>>, vector<400x128xf32>
    %add3A_141 = arith.addf %add3A_137, %get3A_140 : vector<400x128xf32>
    %swap3A_142 = arith.constant 0 : index
    %swap3A_143 = arith.constant 0 : index
    %swap3A_144 = vector.load %arg24[%swap3A_142, %swap3A_143] : memref<400x128xf32, #tpu.memory_space<vmem>>, vector<400x128xf32>
    tpu.vector_store %arg24[%swap3A_142, %swap3A_143], %add3A_141 {strides = array<i32>} : memref<400x128xf32, #tpu.memory_space<vmem>>, vector<400x128xf32>,
    return
  }
  func.func @transform_0(%arg0: i32) -> (i32, i32) {
    %c0_i32 = arith.constant 0 : i32
    %c0_i32_0 = arith.constant 0 : i32
    return %arg0, %c0_i32 : i32, i32
  }
  func.func @transform_1(%arg0: i32) -> (i32, i32) {
    %c0_i32 = arith.constant 0 : i32
    %c0_i32_0 = arith.constant 0 : i32
    return %arg0, %c0_i32 : i32, i32
  }
  func.func @transform_2(%arg0: i32) -> (i32, i32) {
    %c0_i32 = arith.constant 0 : i32
    %c0_i32_0 = arith.constant 0 : i32
    return %arg0, %c0_i32 : i32, i32
  }
  func.func @transform_3(%arg0: i32) -> (i32, i32) {
    %c0_i32 = arith.constant 0 : i32
    %c0_i32_0 = arith.constant 0 : i32
    return %arg0, %c0_i32 : i32, i32
  }
  func.func @transform_4(%arg0: i32) -> (i32, i32) {
    %c0_i32 = arith.constant 0 : i32
    %c0_i32_0 = arith.constant 0 : i32
    return %arg0, %c0_i32 : i32, i32
  }
  func.func @transform_5(%arg0: i32) -> (i32, i32) {
    %c0_i32 = arith.constant 0 : i32
    %c0_i32_0 = arith.constant 0 : i32
    %c0_i32_1 = arith.constant 0 : i32
    return %c0_i32, %c0_i32_0 : i32, i32
  }
  func.func @transform_6(%arg0: i32) -> i32 {
    %c0_i32 = arith.constant 0 : i32
    %c0_i32_0 = arith.constant 0 : i32
    return %c0_i32 : i32
  }
  func.func @transform_7(%arg0: i32) -> (i32, i32) {
    %c0_i32 = arith.constant 0 : i32
    %c0_i32_0 = arith.constant 0 : i32
    %c0_i32_1 = arith.constant 0 : i32
    return %c0_i32, %c0_i32_0 : i32, i32
  }
  func.func @transform_8(%arg0: i32) -> i32 {
    %c0_i32 = arith.constant 0 : i32
    %c0_i32_0 = arith.constant 0 : i32
    return %c0_i32 : i32
  }
  func.func @transform_9(%arg0: i32) -> (i32, i32) {
    %c0_i32 = arith.constant 0 : i32
    %c0_i32_0 = arith.constant 0 : i32
    %c0_i32_1 = arith.constant 0 : i32
    return %c0_i32, %c0_i32_0 : i32, i32
  }
  func.func @transform_10(%arg0: i32) -> (i32, i32) {
    %c0_i32 = arith.constant 0 : i32
    %c0_i32_0 = arith.constant 0 : i32
    %c0_i32_1 = arith.constant 0 : i32
    return %c0_i32, %c0_i32_0 : i32, i32
  }
  func.func @transform_11(%arg0: i32) -> (i32, i32) {
    %c0_i32 = arith.constant 0 : i32
    %c0_i32_0 = arith.constant 0 : i32
    %c0_i32_1 = arith.constant 0 : i32
    return %c0_i32, %c0_i32_0 : i32, i32
  }
  func.func @transform_12(%arg0: i32) -> (i32, i32) {
    %c0_i32 = arith.constant 0 : i32
    %c0_i32_0 = arith.constant 0 : i32
    %c0_i32_1 = arith.constant 0 : i32
    return %c0_i32, %c0_i32_0 : i32, i32
  }
  func.func @transform_13(%arg0: i32) -> (i32, i32) {
    %c0_i32 = arith.constant 0 : i32
    %c0_i32_0 = arith.constant 0 : i32
    %c0_i32_1 = arith.constant 0 : i32
    return %c0_i32, %c0_i32_0 : i32, i32
  }
  func.func @transform_14(%arg0: i32) -> i32 {
    %c0_i32 = arith.constant 0 : i32
    %c0_i32_0 = arith.constant 0 : i32
    return %c0_i32 : i32
  }
  func.func @transform_15(%arg0: i32) -> i32 {
    %c0_i32 = arith.constant 0 : i32
    %c0_i32_0 = arith.constant 0 : i32
    return %c0_i32 : i32
  }
  func.func @transform_16(%arg0: i32) -> (i32, i32) {
    %c0_i32 = arith.constant 0 : i32
    %c0_i32_0 = arith.constant 0 : i32
    %c0_i32_1 = arith.constant 0 : i32
    return %c0_i32, %c0_i32_0 : i32, i32
  }
  func.func @transform_17(%arg0: i32) -> i32 {
    %c0_i32 = arith.constant 0 : i32
    %c0_i32_0 = arith.constant 0 : i32
    return %c0_i32 : i32
  }
  func.func @transform_18(%arg0: i32) -> (i32, i32) {
    %c0_i32 = arith.constant 0 : i32
    %c0_i32_0 = arith.constant 0 : i32
    %c0_i32_1 = arith.constant 0 : i32
    return %c0_i32, %c0_i32_0 : i32, i32
  }
  func.func @transform_19(%arg0: i32) -> i32 {
    %c0_i32 = arith.constant 0 : i32
    %c0_i32_0 = arith.constant 0 : i32
    return %c0_i32 : i32
  }
  func.func @transform_20(%arg0: i32) -> i32 {
    %c0_i32 = arith.constant 0 : i32
    %c0_i32_0 = arith.constant 0 : i32
    return %c0_i32 : i32
  }
  func.func @transform_21(%arg0: i32) -> i32 {
    %c0_i32 = arith.constant 0 : i32
    %c0_i32_0 = arith.constant 0 : i32
    return %c0_i32 : i32
  }
  func.func @transform_22(%arg0: i32) -> (i32, i32) {
    %c0_i32 = arith.constant 0 : i32
    %c0_i32_0 = arith.constant 0 : i32
    %c0_i32_1 = arith.constant 0 : i32
    return %c0_i32, %c0_i32_0 : i32, i32
  }
  func.func @transform_23(%arg0: i32) -> (i32, i32) {
    %c0_i32 = arith.constant 0 : i32
    %c0_i32_0 = arith.constant 0 : i32
    return %arg0, %c0_i32 : i32, i32
  }
  func.func @transform_24(%arg0: i32) -> (i32, i32) {
    %c0_i32 = arith.constant 0 : i32
    %c0_i32_0 = arith.constant 0 : i32
    return %arg0, %c0_i32 : i32, i32
  }
}

</mosaic_0001>

<sc_bundles>
// kernel: kernel.6.cloned.1.call-start
scs
__scs_entry_jumppad:
0x0: {  	(pc) =	sbr.rel $0x88, $3  }
0x1: {  	(tag) =	ssettag $0x0;
	lr =	simm.s32 $0x1  }
0x2: {  	[smem:$0x3F79] =	sst lr;
	_ =	strace $0xD0000000  }
0x3: {  	_ = 	snop  }
0x4: {  	_ = 	snop  }
0x5: {  	_ = 	snop  }
0x6: {  	_ = 	snop  }
0x7: {  	_ = 	snop  }
__scs_overlays_trampoline_lowered:
0x8: {  	[smem:$0x3F88] =	sst s0  }
0x9: {  	[smem:$0x3F89] =	sst s1  }
0xa: {  	[smem:$0x3F8A] =	sst s2  }
0xb: {  	[smem:$0x3F8B] =	sst s3  }
0xc: {  	[smem:$0x3F8C] =	sst s4  }
0xd: {  	[smem:$0x3F8D] =	sst s5  }
0xe: {  	[smem:$0x3F8E] =	sst s6  }
0xf: {  	[smem:$0x3F8F] =	sst s7  }
0x10: {  	[smem:$0x3F90] =	sst s8  }
0x11: {  	[smem:$0x3F91] =	sst s9;
	s0 =	simm.s32 @!p0 $0x0  }
0x12: {  	s1 =	sld [smem:$0x3F77];
	s0 =	simm.s32 @p0 $0x1  }
0x13: {  	[smem:$0x3F92] =	sst s0;
	s0 =	simm.s32 @!p1 $0x0  }
0x14: {  	s2 =	sld [smem:$0x3F76];
	s0 =	simm.s32 @p1 $0x1  }
0x15: {  	[smem:$0x3F93] =	sst s0;
	s0 =	simm.s32 @!p2 $0x0  }
0x16: {  	s3 =	sld [smem:$0x3FDB];
	s0 =	simm.s32 @p2 $0x1  }
0x17: {  	s4 =	simm.s32 $0x1BF5;
	[smem:$0x3F95] =	sst s0  }
0x18: {  	s0 =	sld [smem:$0x3F78];
	_ =	swait.ge [sflag:s4], $0x0  }
0x19: {  	s7 =	sld [smem:$0x3F79]  }
0x1a: {  	s8 =	sadd.s32 $0xFFFFE003, lr  }
0x1b: {  	s9 =	sadd.s32 $0xFFFFFEF7, lr;
	s5 =	simm.s32 $0xFFFFFFFF;
	p2 =	slt.u32 s8, $0xFFFFF086  }
0x1c: {  	p1 =	slt.u32 s9, $0xF7A;
	s5 =	simm.s32 @!p2 $0x0  }
0x1d: {  	s5 =	simm.s32 @p1 $0x1;
	p0 =	seq.s32 s7, s2  }
0x1e: {  	s7 =	smul.u32 @!p0 $0xF7A, s2;
	p2 =	seq.s32 @!p0 s5, $0x0  }
0x1f: {  	s9 =	smul.u32 $0xF7A, s1;
	s8 =	simm.s32 @!p0 $0x1BF5;
	p2 =	por !p2, p0  }
0x20: {  	[sflag:s8] =	ssyncset.s32 @!p0 $0xFFFFF086;
	s6 =	sadd.s32 @!p0 s3, s7;
	s7 =	simm.s32 @!p0 $0x108  }
0x21: {  	s3 =	sadd.s32 s3, s9;
	s6 =	sadd.s32 @!p0 $0x88, s6;
	s7 =	simm.s32 @p2 $0x1082  }
0x22: {  	[simem:s7], [sflag:s8] =	dma.local @!p0 [hbm:s6], $0xF7A  }
0x23: {  	s9 =	sor.u32 $0xD0000000, s2;
	s6 =	simm.s32 $0x108;
	_ =	swait.ge @!p0 [sflag:s8], $0x0  }
0x24: {  	s3 =	sadd.s32 $0x88, s3;
	s6 =	simm.s32 @!p1 $0x1082;
	[sflag:s4] =	ssyncset.s32 $0xFFFFF086  }
0x25: {  	[simem:s6], [sflag:s4] =	dma.local [hbm:s3], $0xF7A  }
0x26: {  	[smem:$0x3F79] =	sst s1;
	(tag) =	ssettag s2;
	_ =	strace s9  }
0x27: {  	s1 =	sld [smem:$0x3F89]  }
0x28: {  	s2 =	sld [smem:$0x3F8A]  }
0x29: {  	s4 =	sld [smem:$0x3F8C]  }
0x2a: {  	p0 =	seq.s32 s5, $0x0;
	s5 =	sld [smem:$0x3F8D]  }
0x2b: {  	s6 =	sld [smem:$0x3F8E]  }
0x2c: {  	s7 =	sld [smem:$0x3F8F]  }
0x2d: {  	s3 =	simm.s32 $0x108;
	s8 =	sld [smem:$0x3F90]  }
0x2e: {  	s3 =	simm.s32 @!p0 $0x1082;
	s9 =	sld [smem:$0x3F91]  }
0x2f: {  	lr =	sadd.s32 s0, s3;
	s0 =	sld [smem:$0x3F88]  }
0x30: {  	s3 =	sld [smem:$0x3F8B]  }
0x31: {  	[smem:$0x3F94] =	sst s10  }
0x32: {  	s10 =	sld [smem:$0x3F92];
	_ =	sdelay $0x3  }
0x33: {  	p0 =	seq.s32 s10, $0x1;
	s10 =	sld [smem:$0x3F94];
	_ =	sdelay $0x3  }
0x34: {  	[smem:$0x3F94] =	sst s10  }
0x35: {  	s10 =	sld [smem:$0x3F93];
	_ =	sdelay $0x3  }
0x36: {  	p1 =	seq.s32 s10, $0x1;
	s10 =	sld [smem:$0x3F94];
	_ =	sdelay $0x3  }
0x37: {  	[smem:$0x3F94] =	sst s10  }
0x38: {  	s10 =	sld [smem:$0x3F95]  }
0x39: {  	_ = 	snop;
	(pc) =	sbr.ind lr, $3  }
0x3a: {  	_ = 	snop  }
0x3b: {  	_ = 	snop  }
0x3c: {  	p2 =	seq.s32 s10, $0x1;
	s10 =	sld [smem:$0x3F94]  }
0x3d: {  	_ =	shalt  }
0x3e: {  	_ =	shalt  }
0x3f: {  	_ =	shalt  }
0x40: {  	_ =	shalt  }
0x41: {  	_ =	shalt  }
0x42: {  	_ =	shalt  }
0x43: {  	_ =	shalt  }
0x44: {  	_ =	shalt  }
0x45: {  	_ =	shalt  }
0x46: {  	_ =	shalt  }
0x47: {  	_ =	shalt  }
0x48: {  	_ =	shalt  }
0x49: {  	_ =	shalt  }
0x4a: {  	_ =	shalt  }
0x4b: {  	_ =	shalt  }
0x4c: {  	_ =	shalt  }
0x4d: {  	_ =	shalt  }
0x4e: {  	_ =	shalt  }
0x4f: {  	_ =	shalt  }
0x50: {  	_ =	shalt  }
0x51: {  	_ =	shalt  }
0x52: {  	_ =	shalt  }
0x53: {  	_ =	shalt  }
0x54: {  	_ =	shalt  }
0x55: {  	_ =	shalt  }
0x56: {  	_ =	shalt  }
0x57: {  	_ =	shalt  }
0x58: {  	_ =	shalt  }
0x59: {  	_ =	shalt  }
0x5a: {  	_ =	shalt  }
0x5b: {  	_ =	shalt  }
0x5c: {  	_ =	shalt  }
0x5d: {  	_ =	shalt  }
0x5e: {  	_ =	shalt  }
0x5f: {  	_ =	shalt  }
0x60: {  	_ =	shalt  }
0x61: {  	_ =	shalt  }
0x62: {  	_ =	shalt  }
0x63: {  	_ =	shalt  }
0x64: {  	_ =	shalt  }
0x65: {  	_ =	shalt  }
0x66: {  	_ =	shalt  }
0x67: {  	_ =	shalt  }
0x68: {  	_ =	shalt  }
0x69: {  	_ =	shalt  }
0x6a: {  	_ =	shalt  }
0x6b: {  	_ =	shalt  }
0x6c: {  	_ =	shalt  }
0x6d: {  	_ =	shalt  }
0x6e: {  	_ =	shalt  }
0x6f: {  	_ =	shalt  }
0x70: {  	_ =	shalt  }
0x71: {  	_ =	shalt  }
0x72: {  	_ =	shalt  }
0x73: {  	_ =	shalt  }
0x74: {  	_ =	shalt  }
0x75: {  	_ =	shalt  }
0x76: {  	_ =	shalt  }
0x77: {  	_ =	shalt  }
0x78: {  	_ =	shalt  }
0x79: {  	_ =	shalt  }
0x7a: {  	_ =	shalt  }
0x7b: {  	_ =	shalt  }
0x7c: {  	_ =	shalt  }
0x7d: {  	_ =	shalt  }
0x7e: {  	_ =	shalt  }
0x7f: {  	_ =	shalt  }
0x80: {  	_ =	shalt  }
0x81: {  	_ =	shalt  }
0x82: {  	_ =	shalt  }
0x83: {  	_ =	shalt  }
0x84: {  	_ =	shalt  }
0x85: {  	_ =	shalt  }
0x86: {  	_ =	shalt  }
0x87: {  	_ =	shalt  }
.Lfunc_end0:
.L_simem_size_0:
called_computation_lowered:
.L_overlay_start_0:
0x88: {  	s2 =	sld [smem:$0x3FD9]  }
0x89: {  	s3 =	sld [smem:$0x3FFE];
	_ =	sdelay $0x1  }
0x8a: {  	s1 =	srdreg.scid  }
0x8b: {  	s0 =	sand.u32 $0x1, s1  }
0x8c: {  	s14 =	sshll.u32 s0, $0xA;
	s2 =	sadd.s32 s3, s2  }
0x8d: {  	s2 =	sadd.s32 s2, s14  }
0x8e: {  	[smem:$0x3FA0] =	sst s2  }
0x8f: {  	_ = 	snop  }
0x90: {  	s2 =	sld [smem:$0x3FD0];
	_ =	sdelay $0x1  }
0x91: {  	s15 =	sld [smem:$0x3FC9]  }
0x92: {  	s5 =	simm.s32 $0xA;
	s6 =	simm.s32 $0x10;
	s4 =	sld [smem:$0x3FC7]  }
0x93: {  	[smem:s6], [sflag:s5] =	dma.local [hbm:s2], $0x1  }
0x94: {  	_ =	swait.eq [sflag:s5], $0x1  }
0x95: {  	[sflag:s5] =	ssyncset.done $0x0  }
0x96: {  	[sflag:s5] =	ssyncadd.s32 $0xFFFFFFFF  }
0x97: {  	s16 =	sld [smem:$0x10];
	(tm) =	ssettm $0x1  }
0x98: {  	s17 =	sld [smem:$0x3FFB];
	_ =	sdelay $0x3  }
0x99: {  	_ =	strace s17  }
0x9a: {  	s5 =	sld [smem:$0x3FFC];
	_ =	sdelay $0x3  }
0x9b: {  	_ =	strace s5  }
0x9c: {  	s5 =	sld [smem:$0x3FFD];
	_ =	sdelay $0x3  }
0x9d: {  	_ =	strace s5  }
0x9e: {  	_ =	strace $0x8FFFFFFF  }
0x9f: {  	s18 =	sld [smem:$0x3FDB];
	_ =	sdelay $0x1  }
0xa0: {  	s19 =	simm.s32 $_scs_section_size  }
0xa1: {  	s7 =	simm.s32 $_size__tile_overlayer_lowered;
	s8 =	simm.s32 $_tile_overlayer_lowered  }
0xa2: {  	s22 =	simm.s32 $0x1BFF;
	s21 =	sshll.u32 s8, $0x1;
	s5 =	sadd.s32 s19, s18  }
0xa3: {  	s9 =	simm.s32 $0x0;
	s20 =	sshll.u32 s7, $0x1;
	s7 =	sadd.s32 s21, s5  }
0xa4: {  	[timem:s9], [sflag:s22] =	dma.local [hbm:s7], s20  }
0xa5: {  	_ =	swait.ge [sflag:s22], s20  }
0xa6: {  	s6 =	ssub.s32 $0x0, s20;
	[sflag:s22] =	ssyncset.done $0x0  }
0xa7: {  	[sflag:s22] =	ssyncadd.s32 s6;
	_ =	sdelay $0x1  }
0xa8: {  	s23 =	simm.s32 $0x1B8B  }
0xa9: {  	_ =	swait.ge [sflag:s23], $0x1  }
0xaa: {  	[sflag:s23] =	ssyncset.done $0x0  }
0xab: {  	s25 =	simm.s32 $0x1B8E;
	s24 =	sld [smem:$0x3FFE];
	[sflag:s23] =	ssyncadd.s32 $0xFFFFFFFF  }
0xac: {  	s26 =	simm.s32 $execute0_lowered;
	[smem:$0x3FD2] =	sst s25  }
0xad: {  	s7 =	sshll.u32 s26, $0x1;
	_ =	strace $0x80000046;
	[dreg:$0x1] =	wrdreg $0xFFFFFFFF  }
0xae: {  	s28 =	simm.s32 $_size_execute0_lowered;
	s5 =	sadd.s32 s5, s7;
	[dreg:$0x0] =	wrdreg $0x0  }
0xaf: {  	s7 =	sshll.u32 s28, $0x1;
	[dreg:$0x2] =	wrdreg s5  }
0xb0: {  	[dreg:$0x3] =	wrdreg s7  }
0xb1: {  	[dreg:$0x4] =	wrdreg $0xC0  }
0xb2: {  	_ =	task [dreg:s9], $0x5FFFF  }
0xb3: {  	[dreg:$0x1] =	wrdreg $0xFFFFFFFF  }
0xb4: {  	[dreg:$0x0] =	wrdreg $0x60  }
0xb5: {  	[dreg:$0x2] =	wrdreg s15  }
0xb6: {  	[dreg:$0x3] =	wrdreg s16  }
0xb7: {  	[dreg:$0x4] =	wrdreg s4  }
0xb8: {  	[dreg:$0x5] =	wrdreg s24  }
0xb9: {  	[dreg:$0x6] =	wrdreg $0x9  }
0xba: {  	_ =	task.clear_ibuf [dreg:s9], $0x7FFFF;
	_ =	strace $0x90000046  }
0xbb: {  	s29 =	simm.s32 $0x9;
	_ =	strace $0x80000048  }
0xbc: {  	_ =	swait.ge [sflag:s29], $0x1  }
0xbd: {  	[sflag:s29] =	ssyncadd.s32 $0xFFFFFFFF  }
0xbe: {  	_ =	strace $0x90000048  }
0xbf: {  	_ =	sfence  }
0xc0: {  	s30 =	sld [smem:$0x0];
	_ =	sdelay $0x2  }
0xc1: {  	s31 =	sshll.u32 s1, $0xD;
	s1 =	sshrl.u32 s1, $0x2  }
0xc2: {  	s3 =	sand.u32 $0x4000, s31;
	s1 =	sadd.s32 s1, s30  }
0xc3: {  	s0 =	sor.u32 s3, s0;
	s1 =	sshll.u32 s1, $0x11  }
0xc4: {  	s0 =	sor.u32 s1, s0  }
0xc5: {  	s0 =	sadd.s32 $0x8F2B, s0  }
0xc6: {  	[sflag:s0] =	ssyncadd.remote.s32 $0x1  }
0xc7: {  	_ =	sfence.sel $0xFFFF  }
0xc8: {  	[dreg:$0x0] =	wrdreg $0xFFFFFFFF;
	(pc) =	sbr.abs _section_cstart, $3  }
0xc9: {  	[dreg:$0x1] =	wrdreg $0xFFFFFFFF  }
0xca: {  	_ =	task.clear_ibuf [dreg:s9], $0x2FFFF;
	_ =	strace $0x9FFFFFFF  }
0xcb: {  	(tm) =	ssettm $0x7FFFFFFF  }
tec
execute0_lowered:
.L_overlay_start_1:
0x0: {  	(tag) =	ssettag $0x1  }
0x1: {  	s1 =	rddreg [dreg:$0x0]  }
0x2: {  	s2 =	rddreg [dreg:$0x1]  }
0x3: {  	s3 =	rddreg [dreg:$0x2]  }
0x4: {  	s0 =	rddreg [dreg:$0x3]  }
0x5: {  	s4 =	srdreg.scid;
	s5 =	simm.s32 $0x0;
	s22 =	stileid.u32  }
0x6: {  	s29 =	simm.s32 $0xA180;
	s4 =	sand.u32 $0x1, s4;
	[smem:$0x7FF] =	sst s5  }
0x7: {  	s23 =	sadd.s32 $0x11E00, s0;
	s24 =	sadd.s32 $0x8000, s0;
	s28 =	smul.u32 $0x4E2, s22  }
0x8: {  	s8 =	sadd.s32 $0x25A00, s0;
	s9 =	sadd.s32 $0x507A00, s0;
	s20 =	smul.u32 $0x27100, s22  }
0x9: {  	s11 =	sadd.s32 $0x9E9A00, s0;
	s6 =	sshll.u32 s4, $0x4;
	s15 =	smul.u32 $0x4E20, s4  }
0xa: {  	s13 =	sadd.s32 $0xECBA00, s0;
	s18 =	smul.u32 $0x271000, s4;
	s6 =	sor.u32 s22, s6  }
0xb: {  	s0 =	sadd.s32 $0x1BC00, s0;
	s12 =	ssub.s32 $0x2, s4;
	s7 =	smul.u32 $0x7D, s6  }
0xc: {  	_ =	strace $0x80000047;
	s14 =	sshrl.u32 s12, $0x1;
	s10 =	smul.u32 $0x4E2, s6  }
0xd: {  	s6 =	smul.u32 $0x2710, s6;
	s12 =	ssub.s32 s12, s14;
	s17 =	sadd.s32 s15, s24  }
0xe: {  	s30 =	sadd.s32 s15, s23;
	s15 =	sadd.s32 s15, s0;
	s31 =	sadd.s32 s18, s8  }
0xf: {  	s26 =	sadd.s32 s18, s9;
	s19 =	sadd.s32 s28, s17;
	s21 =	sadd.s32 s28, s30  }
0x10: {  	s14 =	sadd.s32 s28, s15;
	s25 =	sadd.s32 s20, s31;
	s28 =	sadd.s32 s20, s26  }
0x11: {  	s31 =	sadd.s32 s18, s11;
	s26 =	smul.u32 $0x27100, s4;
	[dreg:$0xa] =	wrdreg s14  }
0x12: {  	s4 =	smul.u32 $0x7D0, s4;
	s16 =	sshrl.u32 s6, $0x3;
	[dreg:$0x5] =	wrdreg s25  }
0x13: {  	s6 =	sadd.s32 $0x26C0, s6;
	[dreg:$0x6] =	wrdreg s28;
	s17 =	sadd.s32 s20, s31  }
0x14: {  	s31 =	smul.u32 $0x2710, s22;
	s14 =	sadd.s32 s23, s10;
	[dreg:$0x7] =	wrdreg s17  }
0x15: {  	s10 =	sadd.s32 s24, s10;
	s30 =	sshll.u32 s6, $0x4;
	[dreg:$0xf] =	wrdreg s14  }
0x16: {  	s15 =	sadd.s32 $0xA, s16;
	[dreg:$0x10] =	wrdreg s10;
	s8 =	sadd.s32 s8, s30  }
0x17: {  	s6 =	sshrl.u32 s6, $0x3;
	s9 =	sadd.s32 s9, s30;
	[dreg:$0xb] =	wrdreg s8  }
0x18: {  	s10 =	simm.s32 $0xA300;
	s25 =	sadd.s32 s11, s30;
	[dreg:$0xc] =	wrdreg s9  }
0x19: {  	s28 =	sadd.s32 s13, s30;
	s30 =	sadd.s32 s18, s13;
	[dreg:$0xd] =	wrdreg s25  }
0x1a: {  	s18 =	smov.u32 s23;
	s16 =	sadd.s32 s23, s15;
	[dreg:$0xe] =	wrdreg s28  }
0x1b: {  	s17 =	sadd.s32 s24, s15;
	s6 =	sadd.s32 s0, s6;
	[dreg:$0x11] =	wrdreg s16  }
0x1c: {  	s11 =	simm.s32 $0x11B80;
	s9 =	sadd.s32 s20, s30;
	[dreg:$0x12] =	wrdreg s17  }
0x1d: {  	s8 =	sadd.s32 s31, s26;
	[dreg:$0x13] =	wrdreg s6;
	s20 =	smax.u32 s12, $0x1  }
0x1e: {  	s17 =	sadd.s32 $0x7C, s7;
	s25 =	smul.u32 $0x7D, s22;
	[dreg:$0x14] =	wrdreg s20  }
0x1f: {  	s26 =	sadd.s32 $0x14, s19;
	s19 =	smov.u32 s24;
	[dreg:$0x8] =	wrdreg s9  }
0x20: {  	s28 =	sadd.s32 $0x14, s21;
	s31 =	simm.s32 $0x14480;
	[dreg:$0x15] =	wrdreg s26  }
0x21: {  	s24 =	simm.s32 $0xD;
	s23 =	sadd.s32 $0x50, s8;
	[dreg:$0x16] =	wrdreg s28  }
0x22: {  	[dreg:$0x9] =	wrdreg s31;
	s26 =	simm.s32 $0x50;
	s6 =	sshrl.u32 s23, $0x3  }
0x23: {  	s9 =	simm.s32 $0xA280;
	s30 =	sadd.s32 s25, s4;
	s0 =	sadd.s32 s6, s0  }
0x24: {  	s25 =	simm.s32 $0x80;
	[dreg:$0x17] =	wrdreg s0;
	s0 =	sadd.s32 $0x3, s30  }
0x25: {  	s4 =	simm.s32 $0xA100;
	s6 =	simm.s32 $0x0;
	[dreg:$0x18] =	wrdreg s0  }
.LBB2_1:
0x26: {  	[dreg:$0x19] =	wrdreg s6  }
0x27: {  	s7 =	rddreg [dreg:$0xf]  }
0x28: {  	[tilespmem:s5], [sflag:$0xD] =	stream.linear.gather [hbm4b:s7+s5], $0x50, $0x38;
	[tilespmem:$0x14500] =	vst v63  }
0x29: {  	_ =	swait.ge [sflag:s24], $0x50  }
0x2a: {  	[sflag:s24] =	ssyncset.done $0x0  }
0x2b: {  	s8 =	rddreg [dreg:$0x10];
	[sflag:s24] =	ssyncadd.s32 $0xFFFFFFB0  }
0x2c: {  	[tilespmem:s25], [sflag:$0xD] =	stream.linear.gather [hbm4b:s8+s5], $0x50, $0x38;
	[tilespmem:$0x14500] =	vst v63  }
0x2d: {  	_ =	swait.ge [sflag:s24], $0x50  }
0x2e: {  	[sflag:s24] =	ssyncset.done $0x0  }
0x2f: {  	s28 =	simm.s32 $0x100;
	[sflag:s24] =	ssyncadd.s32 $0xFFFFFFB0  }
0x30: {  	[tilespmem:s28], [sflag:$0x1] =	stream.indirect.gather [hbm4b:s1+s26], $0x80, s5, s26, $0xb8;
	[tilespmem:$0x14500] =	vst v63  }
0x31: {  	s8 =	simm.s32 $0x2900  }
0x32: {  	[tilespmem:s8], [sflag:$0x2] =	stream.indirect.gather [hbm4b:s1+s26], $0x80, s25, s26, $0xb8;
	[tilespmem:$0x14500] =	vst v63  }
0x33: {  	s20 =	simm.s32 $0x5100  }
0x34: {  	[tilespmem:s20], [sflag:$0x3] =	stream.indirect.gather [hbm4b:s2+s26], $0x80, s5, s26, $0xb8;
	[tilespmem:$0x14500] =	vst v63  }
0x35: {  	s0 =	simm.s32 $0x7900  }
0x36: {  	[tilespmem:s0], [sflag:$0x4] =	stream.indirect.gather [hbm4b:s2+s26], $0x80, s25, s26, $0xb8;
	[tilespmem:$0x14500] =	vst v63  }
0x37: {  	_ = 	snop  }
0x38: {  	[tilespmem:s4], [sflag:$0x5] =	stream.indirect.gather [hbm4b:s3+s26], $0x1, s5, s26, $0xb8;
	[tilespmem:$0x14500] =	vst v63  }
0x39: {  	_ = 	snop  }
0x3a: {  	[tilespmem:s29], [sflag:$0x6] =	stream.indirect.gather [hbm4b:s3+s26], $0x1, s25, s26, $0xb8;
	[tilespmem:$0x14500] =	vst v63  }
0x3b: {  	s12 =	rddreg [dreg:$0x11]  }
0x3c: {  	[tilespmem:s9], [sflag:$0xD] =	stream.linear.gather [hbm4b:s12+s5], $0x50, $0x38;
	[tilespmem:$0x14500] =	vst v63  }
0x3d: {  	_ =	swait.ge [sflag:s24], $0x50  }
0x3e: {  	[sflag:s24] =	ssyncset.done $0x0  }
0x3f: {  	s13 =	rddreg [dreg:$0x12];
	[sflag:s24] =	ssyncadd.s32 $0xFFFFFFB0  }
0x40: {  	[tilespmem:s10], [sflag:$0xD] =	stream.linear.gather [hbm4b:s13+s5], $0x50, $0x38;
	[tilespmem:$0x14500] =	vst v63  }
0x41: {  	_ =	swait.ge [sflag:s24], $0x50  }
0x42: {  	[sflag:s24] =	ssyncset.done $0x0  }
0x43: {  	s15 =	simm.s32 $0xA380;
	[sflag:s24] =	ssyncadd.s32 $0xFFFFFFB0  }
0x44: {  	[tilespmem:s15], [sflag:$0x7] =	stream.indirect.gather [hbm4b:s1+s26], $0x80, s9, s26, $0xb8;
	[tilespmem:$0x14500] =	vst v63  }
0x45: {  	s16 =	simm.s32 $0xCB80  }
0x46: {  	[tilespmem:s16], [sflag:$0x8] =	stream.indirect.gather [hbm4b:s1+s26], $0x80, s10, s26, $0xb8;
	[tilespmem:$0x14500] =	vst v63  }
0x47: {  	s6 =	simm.s32 $0xF380  }
0x48: {  	[tilespmem:s6], [sflag:$0x9] =	stream.indirect.gather [hbm4b:s2+s26], $0x80, s9, s26, $0xb8;
	[tilespmem:$0x14500] =	vst v63  }
0x49: {  	_ = 	snop  }
0x4a: {  	[tilespmem:s11], [sflag:$0xA] =	stream.indirect.gather [hbm4b:s2+s26], $0x80, s10, s26, $0xb8;
	[tilespmem:$0x14500] =	vst v63  }
0x4b: {  	s14 =	simm.s32 $0x14380  }
0x4c: {  	[tilespmem:s14], [sflag:$0xB] =	stream.indirect.gather [hbm4b:s3+s26], $0x1, s9, s26, $0xb8;
	[tilespmem:$0x14500] =	vst v63  }
0x4d: {  	s21 =	simm.s32 $0x14400;
	s22 =	simm.s32 $0x1  }
0x4e: {  	[tilespmem:s21], [sflag:$0xC] =	stream.indirect.gather [hbm4b:s3+s26], $0x1, s10, s26, $0xb8;
	[tilespmem:$0x14500] =	vst v63  }
0x4f: {  	_ =	swait.ge [sflag:s22], $0x2800  }
0x50: {  	[sflag:s22] =	ssyncset.done $0x0  }
0x51: {  	s23 =	simm.s32 $0x2;
	[sflag:s22] =	ssyncadd.s32 $0xFFFFD800  }
0x52: {  	_ =	swait.ge [sflag:s23], $0x2800  }
0x53: {  	[sflag:s23] =	ssyncset.done $0x0  }
0x54: {  	s11 =	simm.s32 $0x3;
	[sflag:s23] =	ssyncadd.s32 $0xFFFFD800  }
0x55: {  	_ =	swait.ge [sflag:s11], $0x2800  }
0x56: {  	[sflag:s11] =	ssyncset.done $0x0  }
0x57: {  	s12 =	simm.s32 $0x4;
	[sflag:s11] =	ssyncadd.s32 $0xFFFFD800  }
0x58: {  	_ =	swait.ge [sflag:s12], $0x2800  }
0x59: {  	[sflag:s12] =	ssyncset.done $0x0  }
0x5a: {  	s13 =	simm.s32 $0x5;
	[sflag:s12] =	ssyncadd.s32 $0xFFFFD800  }
0x5b: {  	_ =	swait.ge [sflag:s13], $0x50  }
0x5c: {  	[sflag:s13] =	ssyncset.done $0x0  }
0x5d: {  	s14 =	simm.s32 $0x6;
	[sflag:s13] =	ssyncadd.s32 $0xFFFFFFB0  }
0x5e: {  	_ =	swait.ge [sflag:s14], $0x50  }
0x5f: {  	[sflag:s14] =	ssyncset.done $0x0  }
0x60: {  	[sflag:s14] =	ssyncadd.s32 $0xFFFFFFB0  }
0x61: {  	v0 =	vld [tilespmem:$0xA1A0]  }
0x62: {  	v1 =	vld [tilespmem:$0xA1C0]  }
0x63: {  	v2 =	vld [tilespmem:$0xA1B0]  }
0x64: {  	v3 =	vld [tilespmem:$0xA130]  }
0x65: {  	v4 =	vld [tilespmem:$0xA100]  }
0x66: {  	v5 =	vld [tilespmem:$0xA120]  }
0x67: {  	v6 =	vld [tilespmem:$0xA140]  }
0x68: {  	v7 =	vld [tilespmem:$0xA190]  }
0x69: {  	v8 =	vld [tilespmem:$0xA110]  }
0x6a: {  	v9 =	vld [tilespmem:$0xA180]  }
0x6b: {  	v2 =	vsub.f32 v3, v2  }
0x6c: {  	v0 =	vsub.f32 v5, v0  }
0x6d: {  	v1 =	vsub.f32 v6, v1;
	[tilespmem:$0xA230] =	vst v2  }
0x6e: {  	v49 =	vsub.f32 v8, v7;
	[tilespmem:$0xA220] =	vst v0  }
0x6f: {  	v50 =	vsub.f32 v4, v9;
	[tilespmem:$0xA240] =	vst v1  }
0x70: {  	s21 =	rddreg [dreg:$0x5];
	[tilespmem:$0xA210] =	vst v49  }
0x71: {  	s7 =	sadd.s32 $0x0, s21;
	[tilespmem:$0xA200] =	vst v50  }
0x72: {  	[hbm4b:s7+s5] =	stream.linear.scatter [tilespmem:s28], [sflag:$0xD], $0x2800, $0x38;
	[tilespmem:$0x14500] =	vst v63  }
0x73: {  	_ =	swait.ge [sflag:s24], $0x2800  }
0x74: {  	s22 =	rddreg [dreg:$0x6];
	[sflag:s24] =	ssyncset.done $0x0  }
0x75: {  	[sflag:s24] =	ssyncadd.s32 $0xFFFFD800;
	s11 =	sadd.s32 $0x0, s22  }
0x76: {  	[hbm4b:s11+s5] =	stream.linear.scatter [tilespmem:s8], [sflag:$0xD], $0x2800, $0x38;
	[tilespmem:$0x14500] =	vst v63  }
0x77: {  	_ =	swait.ge [sflag:s24], $0x2800  }
0x78: {  	s12 =	rddreg [dreg:$0x7];
	[sflag:s24] =	ssyncset.done $0x0  }
0x79: {  	[sflag:s24] =	ssyncadd.s32 $0xFFFFD800;
	s13 =	sadd.s32 $0x0, s12  }
0x7a: {  	[hbm4b:s13+s5] =	stream.linear.scatter [tilespmem:s20], [sflag:$0xD], $0x2800, $0x38;
	[tilespmem:$0x14500] =	vst v63  }
0x7b: {  	_ =	swait.ge [sflag:s24], $0x2800  }
0x7c: {  	s23 =	rddreg [dreg:$0x8];
	[sflag:s24] =	ssyncset.done $0x0  }
0x7d: {  	[sflag:s24] =	ssyncadd.s32 $0xFFFFD800;
	s12 =	sadd.s32 $0x0, s23  }
0x7e: {  	[hbm4b:s12+s5] =	stream.linear.scatter [tilespmem:s0], [sflag:$0xD], $0x2800, $0x38;
	[tilespmem:$0x14500] =	vst v63  }
0x7f: {  	_ =	swait.ge [sflag:s24], $0x2800  }
0x80: {  	[sflag:s24] =	ssyncset.done $0x0  }
0x81: {  	s21 =	simm.s32 $0xA200;
	s14 =	rddreg [dreg:$0xa];
	[sflag:s24] =	ssyncadd.s32 $0xFFFFD800  }
0x82: {  	[hbm4b:s14+s5] =	stream.linear.scatter [tilespmem:s21], [sflag:$0xD], $0x50, $0x38;
	[tilespmem:$0x14500] =	vst v63  }
0x83: {  	_ =	swait.ge [sflag:s24], $0x50  }
0x84: {  	[sflag:s24] =	ssyncset.done $0x0  }
0x85: {  	s23 =	rddreg [dreg:$0x16];
	[sflag:s24] =	ssyncadd.s32 $0xFFFFFFB0  }
0x86: {  	[tilespmem:s5], [sflag:$0xD] =	stream.linear.gather [hbm4b:s23+s5], $0x50, $0x38;
	[tilespmem:$0x14500] =	vst v63  }
0x87: {  	_ =	swait.ge [sflag:s24], $0x50  }
0x88: {  	[sflag:s24] =	ssyncset.done $0x0  }
0x89: {  	s22 =	rddreg [dreg:$0x15];
	[sflag:s24] =	ssyncadd.s32 $0xFFFFFFB0  }
0x8a: {  	[tilespmem:s25], [sflag:$0xD] =	stream.linear.gather [hbm4b:s22+s5], $0x50, $0x38;
	[tilespmem:$0x14500] =	vst v63  }
0x8b: {  	_ =	swait.ge [sflag:s24], $0x50  }
0x8c: {  	[sflag:s24] =	ssyncset.done $0x0  }
0x8d: {  	[sflag:s24] =	ssyncadd.s32 $0xFFFFFFB0  }
0x8e: {  	[tilespmem:s28], [sflag:$0x1] =	stream.indirect.gather [hbm4b:s1+s26], $0x80, s5, s26, $0xb8;
	[tilespmem:$0x14500] =	vst v63  }
0x8f: {  	_ = 	snop  }
0x90: {  	[tilespmem:s8], [sflag:$0x2] =	stream.indirect.gather [hbm4b:s1+s26], $0x80, s25, s26, $0xb8;
	[tilespmem:$0x14500] =	vst v63  }
0x91: {  	_ = 	snop  }
0x92: {  	[tilespmem:s20], [sflag:$0x3] =	stream.indirect.gather [hbm4b:s2+s26], $0x80, s5, s26, $0xb8;
	[tilespmem:$0x14500] =	vst v63  }
0x93: {  	_ = 	snop  }
0x94: {  	[tilespmem:s0], [sflag:$0x4] =	stream.indirect.gather [hbm4b:s2+s26], $0x80, s25, s26, $0xb8;
	[tilespmem:$0x14500] =	vst v63  }
0x95: {  	_ = 	snop  }
0x96: {  	[tilespmem:s4], [sflag:$0x5] =	stream.indirect.gather [hbm4b:s3+s26], $0x1, s5, s26, $0xb8;
	[tilespmem:$0x14500] =	vst v63  }
0x97: {  	s4 =	simm.s32 $0x7  }
0x98: {  	[tilespmem:s29], [sflag:$0x6] =	stream.indirect.gather [hbm4b:s3+s26], $0x1, s25, s26, $0xb8;
	[tilespmem:$0x14500] =	vst v63  }
0x99: {  	_ =	swait.ge [sflag:s4], $0x2800  }
0x9a: {  	[sflag:s4] =	ssyncset.done $0x0  }
0x9b: {  	s8 =	simm.s32 $0x8;
	[sflag:s4] =	ssyncadd.s32 $0xFFFFD800  }
0x9c: {  	_ =	swait.ge [sflag:s8], $0x2800  }
0x9d: {  	[sflag:s8] =	ssyncset.done $0x0  }
0x9e: {  	s20 =	simm.s32 $0x9;
	[sflag:s8] =	ssyncadd.s32 $0xFFFFD800  }
0x9f: {  	_ =	swait.ge [sflag:s20], $0x2800  }
0xa0: {  	[sflag:s20] =	ssyncset.done $0x0  }
0xa1: {  	s21 =	simm.s32 $0xA;
	[sflag:s20] =	ssyncadd.s32 $0xFFFFD800  }
0xa2: {  	_ =	swait.ge [sflag:s21], $0x2800  }
0xa3: {  	[sflag:s21] =	ssyncset.done $0x0  }
0xa4: {  	s4 =	simm.s32 $0xB;
	[sflag:s21] =	ssyncadd.s32 $0xFFFFD800  }
0xa5: {  	_ =	swait.ge [sflag:s4], $0x50  }
0xa6: {  	[sflag:s4] =	ssyncset.done $0x0  }
0xa7: {  	s8 =	simm.s32 $0xC;
	[sflag:s4] =	ssyncadd.s32 $0xFFFFFFB0  }
0xa8: {  	_ =	swait.ge [sflag:s8], $0x50  }
0xa9: {  	[sflag:s8] =	ssyncset.done $0x0  }
0xaa: {  	[sflag:s8] =	ssyncadd.s32 $0xFFFFFFB0  }
0xab: {  	v51 =	vld [tilespmem:$0x14440]  }
0xac: {  	v52 =	vld [tilespmem:$0x14400]  }
0xad: {  	v53 =	vld [tilespmem:$0x143A0]  }
0xae: {  	v54 =	vld [tilespmem:$0x14420]  }
0xaf: {  	v55 =	vld [tilespmem:$0x143B0]  }
0xb0: {  	v56 =	vld [tilespmem:$0x14430]  }
0xb1: {  	v57 =	vld [tilespmem:$0x143C0]  }
0xb2: {  	v58 =	vld [tilespmem:$0x14410]  }
0xb3: {  	v59 =	vld [tilespmem:$0x14390]  }
0xb4: {  	v60 =	vld [tilespmem:$0x14380]  }
0xb5: {  	v2 =	vsub.f32 v53, v54  }
0xb6: {  	v61 =	vsub.f32 v55, v56  }
0xb7: {  	v0 =	vsub.f32 v57, v51;
	[tilespmem:$0x144A0] =	vst v2  }
0xb8: {  	v62 =	vsub.f32 v59, v58;
	[tilespmem:$0x144B0] =	vst v61  }
0xb9: {  	v63 =	vsub.f32 v60, v52;
	[tilespmem:$0x144C0] =	vst v0  }
0xba: {  	[tilespmem:$0x14490] =	vst v62  }
0xbb: {  	s7 =	sadd.s32 $0x500, s7;
	[tilespmem:$0x14480] =	vst v63  }
0xbc: {  	[hbm4b:s7+s5] =	stream.linear.scatter [tilespmem:s15], [sflag:$0xD], $0x2800, $0x38;
	[tilespmem:$0x14500] =	vst v63  }
0xbd: {  	_ =	swait.ge [sflag:s24], $0x2800  }
0xbe: {  	[sflag:s24] =	ssyncset.done $0x0  }
0xbf: {  	s20 =	sadd.s32 $0x500, s11;
	[sflag:s24] =	ssyncadd.s32 $0xFFFFD800  }
0xc0: {  	[hbm4b:s20+s5] =	stream.linear.scatter [tilespmem:s16], [sflag:$0xD], $0x2800, $0x38;
	[tilespmem:$0x14500] =	vst v63  }
0xc1: {  	_ =	swait.ge [sflag:s24], $0x2800  }
0xc2: {  	[sflag:s24] =	ssyncset.done $0x0  }
0xc3: {  	s21 =	sadd.s32 $0x500, s13;
	[sflag:s24] =	ssyncadd.s32 $0xFFFFD800  }
0xc4: {  	[hbm4b:s21+s5] =	stream.linear.scatter [tilespmem:s6], [sflag:$0xD], $0x2800, $0x38;
	[tilespmem:$0x14500] =	vst v63  }
0xc5: {  	s31 =	sadd.s32 $0x14, s14;
	_ =	swait.ge [sflag:s24], $0x2800  }
0xc6: {  	s30 =	sadd.s32 $0x14, s23;
	s29 =	simm.s32 $0xA00;
	s7 =	rddreg [dreg:$0x18]  }
0xc7: {  	s11 =	sadd.s32 $0x14, s22;
	[sflag:s24] =	ssyncset.done $0x0;
	s28 =	rddreg [dreg:$0x17]  }
.LBB2_2:
0xc8: {  	s13 =	sadd.s32 $0x500, s12;
	[sflag:s24] =	ssyncadd.s32 $0xFFFFD800;
	s0 =	simm.s32 $0x11B80  }
0xc9: {  	[hbm4b:s13+s5] =	stream.linear.scatter [tilespmem:s0], [sflag:$0xD], $0x2800, $0x38;
	[tilespmem:$0x14500] =	vst v63  }
0xca: {  	_ =	swait.ge [sflag:s24], $0x2800  }
0xcb: {  	p1 =	slt.s32 s7, s17;
	s14 =	smov.u32 s17;
	[sflag:s24] =	ssyncset.done $0x0  }
0xcc: {  	s14 =	smov.u32 @p1 s7;
	s16 =	rddreg [dreg:$0x9];
	[sflag:s24] =	ssyncadd.s32 $0xFFFFD800  }
0xcd: {  	[hbm4b:s28+s5] =	stream.linear.scatter [tilespmem:s16], [sflag:$0xD], $0x50, $0x38;
	[tilespmem:$0x14500] =	vst v63  }
0xce: {  	s14 =	smul.u32 $0xA, s14;
	_ =	swait.ge [sflag:s24], $0x50  }
0xcf: {  	[sflag:s24] =	ssyncset.done $0x0  }
0xd0: {  	s20 =	sadd.s32 s18, s14;
	[sflag:s24] =	ssyncadd.s32 $0xFFFFFFB0  }
0xd1: {  	[tilespmem:s9], [sflag:$0xD] =	stream.linear.gather [hbm4b:s20+s5], $0x50, $0x38;
	[tilespmem:$0x14500] =	vst v63  }
0xd2: {  	_ =	swait.ge [sflag:s24], $0x50  }
0xd3: {  	[sflag:s24] =	ssyncset.done $0x0  }
0xd4: {  	s21 =	sadd.s32 s19, s14;
	[sflag:s24] =	ssyncadd.s32 $0xFFFFFFB0  }
0xd5: {  	[tilespmem:s10], [sflag:$0xD] =	stream.linear.gather [hbm4b:s21+s5], $0x50, $0x38;
	[tilespmem:$0x14500] =	vst v63  }
0xd6: {  	_ =	swait.ge [sflag:s24], $0x50  }
0xd7: {  	[sflag:s24] =	ssyncset.done $0x0  }
0xd8: {  	s15 =	simm.s32 $0xA380;
	[sflag:s24] =	ssyncadd.s32 $0xFFFFFFB0  }
0xd9: {  	[tilespmem:s15], [sflag:$0x7] =	stream.indirect.gather [hbm4b:s1+s26], $0x80, s9, s26, $0xb8;
	[tilespmem:$0x14500] =	vst v63  }
0xda: {  	s21 =	simm.s32 $0xCB80  }
0xdb: {  	[tilespmem:s21], [sflag:$0x8] =	stream.indirect.gather [hbm4b:s1+s26], $0x80, s10, s26, $0xb8;
	[tilespmem:$0x14500] =	vst v63  }
0xdc: {  	s6 =	simm.s32 $0xF380  }
0xdd: {  	[tilespmem:s6], [sflag:$0x9] =	stream.indirect.gather [hbm4b:s2+s26], $0x80, s9, s26, $0xb8;
	[tilespmem:$0x14500] =	vst v63  }
0xde: {  	_ = 	snop  }
0xdf: {  	[tilespmem:s0], [sflag:$0xA] =	stream.indirect.gather [hbm4b:s2+s26], $0x80, s10, s26, $0xb8;
	[tilespmem:$0x14500] =	vst v63  }
0xe0: {  	s22 =	simm.s32 $0x14380  }
0xe1: {  	[tilespmem:s22], [sflag:$0xB] =	stream.indirect.gather [hbm4b:s3+s26], $0x1, s9, s26, $0xb8;
	[tilespmem:$0x14500] =	vst v63  }
0xe2: {  	s23 =	simm.s32 $0x14400;
	s4 =	simm.s32 $0x1  }
0xe3: {  	[tilespmem:s23], [sflag:$0xC] =	stream.indirect.gather [hbm4b:s3+s26], $0x1, s10, s26, $0xb8;
	[tilespmem:$0x14500] =	vst v63  }
0xe4: {  	_ =	swait.ge [sflag:s4], $0x2800  }
0xe5: {  	[sflag:s4] =	ssyncset.done $0x0  }
0xe6: {  	s8 =	simm.s32 $0x2;
	[sflag:s4] =	ssyncadd.s32 $0xFFFFD800  }
0xe7: {  	_ =	swait.ge [sflag:s8], $0x2800  }
0xe8: {  	[sflag:s8] =	ssyncset.done $0x0  }
0xe9: {  	s13 =	simm.s32 $0x3;
	[sflag:s8] =	ssyncadd.s32 $0xFFFFD800  }
0xea: {  	_ =	swait.ge [sflag:s13], $0x2800  }
0xeb: {  	[sflag:s13] =	ssyncset.done $0x0  }
0xec: {  	s14 =	simm.s32 $0x4;
	[sflag:s13] =	ssyncadd.s32 $0xFFFFD800  }
0xed: {  	_ =	swait.ge [sflag:s14], $0x2800  }
0xee: {  	[sflag:s14] =	ssyncset.done $0x0  }
0xef: {  	s16 =	simm.s32 $0x5;
	[sflag:s14] =	ssyncadd.s32 $0xFFFFD800  }
0xf0: {  	_ =	swait.ge [sflag:s16], $0x50  }
0xf1: {  	[sflag:s16] =	ssyncset.done $0x0  }
0xf2: {  	s20 =	simm.s32 $0x6;
	[sflag:s16] =	ssyncadd.s32 $0xFFFFFFB0  }
0xf3: {  	_ =	swait.ge [sflag:s20], $0x50  }
0xf4: {  	[sflag:s20] =	ssyncset.done $0x0  }
0xf5: {  	[sflag:s20] =	ssyncadd.s32 $0xFFFFFFB0  }
0xf6: {  	v0 =	vld [tilespmem:$0xA1A0]  }
0xf7: {  	v1 =	vld [tilespmem:$0xA1C0]  }
0xf8: {  	v2 =	vld [tilespmem:$0xA1B0]  }
0xf9: {  	v3 =	vld [tilespmem:$0xA130]  }
0xfa: {  	v4 =	vld [tilespmem:$0xA100]  }
0xfb: {  	v5 =	vld [tilespmem:$0xA120]  }
0xfc: {  	v6 =	vld [tilespmem:$0xA140]  }
0xfd: {  	v7 =	vld [tilespmem:$0xA190]  }
0xfe: {  	v8 =	vld [tilespmem:$0xA110]  }
0xff: {  	v48 =	vld [tilespmem:$0xA180]  }
0x100: {  	v2 =	vsub.f32 v3, v2  }
0x101: {  	v0 =	vsub.f32 v5, v0  }
0x102: {  	v1 =	vsub.f32 v6, v1;
	[tilespmem:$0xA230] =	vst v2  }
0x103: {  	v49 =	vsub.f32 v8, v7;
	[tilespmem:$0xA220] =	vst v0  }
0x104: {  	v50 =	vsub.f32 v4, v48;
	[tilespmem:$0xA240] =	vst v1  }
0x105: {  	s12 =	smov.u32 s29;
	s22 =	rddreg [dreg:$0x5];
	[tilespmem:$0xA210] =	vst v49  }
0x106: {  	s8 =	simm.s32 $0x100;
	s13 =	sadd.s32 s12, s22;
	[tilespmem:$0xA200] =	vst v50  }
0x107: {  	[hbm4b:s13+s5] =	stream.linear.scatter [tilespmem:s8], [sflag:$0xD], $0x2800, $0x38;
	[tilespmem:$0x14500] =	vst v63  }
0x108: {  	_ =	swait.ge [sflag:s24], $0x2800  }
0x109: {  	s23 =	rddreg [dreg:$0x6];
	[sflag:s24] =	ssyncset.done $0x0  }
0x10a: {  	s20 =	simm.s32 $0x2900;
	[sflag:s24] =	ssyncadd.s32 $0xFFFFD800;
	s14 =	sadd.s32 s12, s23  }
0x10b: {  	[hbm4b:s14+s5] =	stream.linear.scatter [tilespmem:s20], [sflag:$0xD], $0x2800, $0x38;
	[tilespmem:$0x14500] =	vst v63  }
0x10c: {  	_ =	swait.ge [sflag:s24], $0x2800  }
0x10d: {  	s22 =	smov.u32 s18;
	s0 =	rddreg [dreg:$0x7];
	[sflag:s24] =	ssyncset.done $0x0  }
0x10e: {  	[sflag:s24] =	ssyncadd.s32 $0xFFFFD800;
	s18 =	sadd.s32 s12, s0;
	s0 =	simm.s32 $0x5100  }
0x10f: {  	[hbm4b:s18+s5] =	stream.linear.scatter [tilespmem:s0], [sflag:$0xD], $0x2800, $0x38;
	[tilespmem:$0x14500] =	vst v63  }
0x110: {  	_ =	swait.ge [sflag:s24], $0x2800  }
0x111: {  	s4 =	rddreg [dreg:$0x8];
	[sflag:s24] =	ssyncset.done $0x0  }
0x112: {  	[sflag:s24] =	ssyncadd.s32 $0xFFFFD800;
	s12 =	sadd.s32 s12, s4;
	s4 =	simm.s32 $0x7900  }
0x113: {  	[hbm4b:s12+s5] =	stream.linear.scatter [tilespmem:s4], [sflag:$0xD], $0x2800, $0x38;
	[tilespmem:$0x14500] =	vst v63  }
0x114: {  	_ =	swait.ge [sflag:s24], $0x2800  }
0x115: {  	[sflag:s24] =	ssyncset.done $0x0  }
0x116: {  	s16 =	simm.s32 $0xA200;
	[sflag:s24] =	ssyncadd.s32 $0xFFFFD800  }
0x117: {  	[hbm4b:s31+s5] =	stream.linear.scatter [tilespmem:s16], [sflag:$0xD], $0x50, $0x38;
	[tilespmem:$0x14500] =	vst v63  }
0x118: {  	_ =	swait.ge [sflag:s24], $0x50  }
0x119: {  	[sflag:s24] =	ssyncset.done $0x0  }
0x11a: {  	[sflag:s24] =	ssyncadd.s32 $0xFFFFFFB0  }
0x11b: {  	[tilespmem:s5], [sflag:$0xD] =	stream.linear.gather [hbm4b:s30+s5], $0x50, $0x38;
	[tilespmem:$0x14500] =	vst v63  }
0x11c: {  	_ =	swait.ge [sflag:s24], $0x50  }
0x11d: {  	[sflag:s24] =	ssyncset.done $0x0  }
0x11e: {  	[sflag:s24] =	ssyncadd.s32 $0xFFFFFFB0  }
0x11f: {  	[tilespmem:s25], [sflag:$0xD] =	stream.linear.gather [hbm4b:s11+s5], $0x50, $0x38;
	[tilespmem:$0x14500] =	vst v63  }
0x120: {  	_ =	swait.ge [sflag:s24], $0x50  }
0x121: {  	[sflag:s24] =	ssyncset.done $0x0  }
0x122: {  	[sflag:s24] =	ssyncadd.s32 $0xFFFFFFB0  }
0x123: {  	[tilespmem:s8], [sflag:$0x1] =	stream.indirect.gather [hbm4b:s1+s26], $0x80, s5, s26, $0xb8;
	[tilespmem:$0x14500] =	vst v63  }
0x124: {  	_ = 	snop  }
0x125: {  	[tilespmem:s20], [sflag:$0x2] =	stream.indirect.gather [hbm4b:s1+s26], $0x80, s25, s26, $0xb8;
	[tilespmem:$0x14500] =	vst v63  }
0x126: {  	_ = 	snop  }
0x127: {  	[tilespmem:s0], [sflag:$0x3] =	stream.indirect.gather [hbm4b:s2+s26], $0x80, s5, s26, $0xb8;
	[tilespmem:$0x14500] =	vst v63  }
0x128: {  	_ = 	snop  }
0x129: {  	[tilespmem:s4], [sflag:$0x4] =	stream.indirect.gather [hbm4b:s2+s26], $0x80, s25, s26, $0xb8;
	[tilespmem:$0x14500] =	vst v63  }
0x12a: {  	s4 =	simm.s32 $0xA100  }
0x12b: {  	[tilespmem:s4], [sflag:$0x5] =	stream.indirect.gather [hbm4b:s3+s26], $0x1, s5, s26, $0xb8;
	[tilespmem:$0x14500] =	vst v63  }
0x12c: {  	s16 =	simm.s32 $0xA180  }
0x12d: {  	[tilespmem:s16], [sflag:$0x6] =	stream.indirect.gather [hbm4b:s3+s26], $0x1, s25, s26, $0xb8;
	[tilespmem:$0x14500] =	vst v63  }
0x12e: {  	s16 =	simm.s32 $0x7  }
0x12f: {  	_ =	swait.ge [sflag:s16], $0x2800  }
0x130: {  	[sflag:s16] =	ssyncset.done $0x0  }
0x131: {  	[sflag:s16] =	ssyncadd.s32 $0xFFFFD800;
	s16 =	simm.s32 $0x8  }
0x132: {  	_ =	swait.ge [sflag:s16], $0x2800  }
0x133: {  	[sflag:s16] =	ssyncset.done $0x0  }
0x134: {  	[sflag:s16] =	ssyncadd.s32 $0xFFFFD800;
	s16 =	simm.s32 $0x9  }
0x135: {  	_ =	swait.ge [sflag:s16], $0x2800  }
0x136: {  	[sflag:s16] =	ssyncset.done $0x0  }
0x137: {  	[sflag:s16] =	ssyncadd.s32 $0xFFFFD800;
	s16 =	simm.s32 $0xA  }
0x138: {  	_ =	swait.ge [sflag:s16], $0x2800  }
0x139: {  	[sflag:s16] =	ssyncset.done $0x0  }
0x13a: {  	[sflag:s16] =	ssyncadd.s32 $0xFFFFD800;
	s16 =	simm.s32 $0xB  }
0x13b: {  	_ =	swait.ge [sflag:s16], $0x50  }
0x13c: {  	[sflag:s16] =	ssyncset.done $0x0  }
0x13d: {  	[sflag:s16] =	ssyncadd.s32 $0xFFFFFFB0;
	s16 =	simm.s32 $0xC  }
0x13e: {  	_ =	swait.ge [sflag:s16], $0x50  }
0x13f: {  	[sflag:s16] =	ssyncset.done $0x0  }
0x140: {  	[sflag:s16] =	ssyncadd.s32 $0xFFFFFFB0  }
0x141: {  	v51 =	vld [tilespmem:$0x14440]  }
0x142: {  	v52 =	vld [tilespmem:$0x14400]  }
0x143: {  	v53 =	vld [tilespmem:$0x143A0]  }
0x144: {  	v54 =	vld [tilespmem:$0x14420]  }
0x145: {  	v55 =	vld [tilespmem:$0x143B0]  }
0x146: {  	v56 =	vld [tilespmem:$0x14430]  }
0x147: {  	v57 =	vld [tilespmem:$0x143C0]  }
0x148: {  	v58 =	vld [tilespmem:$0x14410]  }
0x149: {  	v59 =	vld [tilespmem:$0x14390]  }
0x14a: {  	v60 =	vld [tilespmem:$0x14380]  }
0x14b: {  	v2 =	vsub.f32 v53, v54  }
0x14c: {  	v61 =	vsub.f32 v55, v56  }
0x14d: {  	v0 =	vsub.f32 v57, v51;
	[tilespmem:$0x144A0] =	vst v2  }
0x14e: {  	v62 =	vsub.f32 v59, v58;
	[tilespmem:$0x144B0] =	vst v61  }
0x14f: {  	v63 =	vsub.f32 v60, v52;
	[tilespmem:$0x144C0] =	vst v0  }
0x150: {  	p0 =	sne.s32 s29, $0x26200;
	s29 =	sadd.s32 $0xA00, s29;
	[tilespmem:$0x14490] =	vst v62  }
0x151: {  	s7 =	sadd.s32 $0x2, s7;
	s13 =	sadd.s32 $0x500, s13;
	s23 =	smov.u32 s19;
	[tilespmem:$0x14480] =	vst v63  }
0x152: {  	[hbm4b:s13+s5] =	stream.linear.scatter [tilespmem:s15], [sflag:$0xD], $0x2800, $0x38;
	[tilespmem:$0x14500] =	vst v63  }
0x153: {  	s28 =	sadd.s32 $0x14, s28;
	s19 =	smov.u32 s23;
	_ =	swait.ge [sflag:s24], $0x2800  }
0x154: {  	s23 =	simm.s32 $0x100;
	s31 =	sadd.s32 $0x14, s31;
	[sflag:s24] =	ssyncset.done $0x0  }
0x155: {  	s30 =	sadd.s32 $0x14, s30;
	s15 =	sadd.s32 $0x500, s14;
	[sflag:s24] =	ssyncadd.s32 $0xFFFFD800  }
0x156: {  	[hbm4b:s15+s5] =	stream.linear.scatter [tilespmem:s21], [sflag:$0xD], $0x2800, $0x38;
	[tilespmem:$0x14500] =	vst v63  }
0x157: {  	s11 =	sadd.s32 $0x14, s11;
	s8 =	simm.s32 $0x2900;
	_ =	swait.ge [sflag:s24], $0x2800  }
.Ltmp0:
0x158: {  	s20 =	simm.s32 $0x5100;
	[sflag:s24] =	ssyncset.done $0x0;
	(pc) =	sbr.rel @p0 .LBB2_2-.Ltmp0, $4  }
0x159: {  	s0 =	simm.s32 $0x7900;
	s21 =	sadd.s32 $0x500, s18;
	[sflag:s24] =	ssyncadd.s32 $0xFFFFD800  }
0x15a: {  	[hbm4b:s21+s5] =	stream.linear.scatter [tilespmem:s6], [sflag:$0xD], $0x2800, $0x38;
	[tilespmem:$0x14500] =	vst v63  }
0x15b: {  	s16 =	simm.s32 $0xA380;
	s14 =	simm.s32 $0xCB80;
	_ =	swait.ge [sflag:s24], $0x2800  }
0x15c: {  	s18 =	smov.u32 s22;
	s15 =	simm.s32 $0xF380;
	[sflag:s24] =	ssyncset.done $0x0  }
0x15d: {  	s11 =	sadd.s32 $0x500, s12;
	[sflag:s24] =	ssyncadd.s32 $0xFFFFD800;
	s6 =	simm.s32 $0x11B80  }
0x15e: {  	[hbm4b:s11+s5] =	stream.linear.scatter [tilespmem:s6], [sflag:$0xD], $0x2800, $0x38;
	[tilespmem:$0x14500] =	vst v63  }
0x15f: {  	_ =	swait.ge [sflag:s24], $0x2800  }
0x160: {  	p0 =	slt.s32 s7, s17;
	s11 =	smov.u32 s17;
	[sflag:s24] =	ssyncset.done $0x0  }
0x161: {  	s11 =	smov.u32 @p0 s7;
	s12 =	rddreg [dreg:$0x9];
	[sflag:s24] =	ssyncadd.s32 $0xFFFFD800  }
0x162: {  	[hbm4b:s28+s5] =	stream.linear.scatter [tilespmem:s12], [sflag:$0xD], $0x50, $0x38;
	[tilespmem:$0x14500] =	vst v63  }
0x163: {  	s7 =	smul.u32 $0xA, s11;
	_ =	swait.ge [sflag:s24], $0x50  }
0x164: {  	[sflag:s24] =	ssyncset.done $0x0  }
0x165: {  	s11 =	sadd.s32 s18, s7;
	[sflag:s24] =	ssyncadd.s32 $0xFFFFFFB0  }
0x166: {  	[tilespmem:s9], [sflag:$0xD] =	stream.linear.gather [hbm4b:s11+s5], $0x50, $0x38;
	[tilespmem:$0x14500] =	vst v63  }
0x167: {  	_ =	swait.ge [sflag:s24], $0x50  }
0x168: {  	[sflag:s24] =	ssyncset.done $0x0  }
0x169: {  	s7 =	sadd.s32 s19, s7;
	[sflag:s24] =	ssyncadd.s32 $0xFFFFFFB0  }
0x16a: {  	[tilespmem:s10], [sflag:$0xD] =	stream.linear.gather [hbm4b:s7+s5], $0x50, $0x38;
	[tilespmem:$0x14500] =	vst v63  }
0x16b: {  	_ =	swait.ge [sflag:s24], $0x50  }
0x16c: {  	[sflag:s24] =	ssyncset.done $0x0  }
0x16d: {  	[sflag:s24] =	ssyncadd.s32 $0xFFFFFFB0  }
0x16e: {  	[tilespmem:s16], [sflag:$0x7] =	stream.indirect.gather [hbm4b:s1+s26], $0x80, s9, s26, $0xb8;
	[tilespmem:$0x14500] =	vst v63  }
0x16f: {  	_ = 	snop  }
0x170: {  	[tilespmem:s14], [sflag:$0x8] =	stream.indirect.gather [hbm4b:s1+s26], $0x80, s10, s26, $0xb8;
	[tilespmem:$0x14500] =	vst v63  }
0x171: {  	_ = 	snop  }
0x172: {  	[tilespmem:s15], [sflag:$0x9] =	stream.indirect.gather [hbm4b:s2+s26], $0x80, s9, s26, $0xb8;
	[tilespmem:$0x14500] =	vst v63  }
0x173: {  	_ = 	snop  }
0x174: {  	[tilespmem:s6], [sflag:$0xA] =	stream.indirect.gather [hbm4b:s2+s26], $0x80, s10, s26, $0xb8;
	[tilespmem:$0x14500] =	vst v63  }
0x175: {  	s13 =	simm.s32 $0x14380  }
0x176: {  	[tilespmem:s13], [sflag:$0xB] =	stream.indirect.gather [hbm4b:s3+s26], $0x1, s9, s26, $0xb8;
	[tilespmem:$0x14500] =	vst v63  }
0x177: {  	s14 =	simm.s32 $0x14400;
	s15 =	simm.s32 $0x1  }
0x178: {  	[tilespmem:s14], [sflag:$0xC] =	stream.indirect.gather [hbm4b:s3+s26], $0x1, s10, s26, $0xb8;
	[tilespmem:$0x14500] =	vst v63  }
0x179: {  	_ =	swait.ge [sflag:s15], $0x2800  }
0x17a: {  	[sflag:s15] =	ssyncset.done $0x0  }
0x17b: {  	s16 =	simm.s32 $0x2;
	[sflag:s15] =	ssyncadd.s32 $0xFFFFD800  }
0x17c: {  	_ =	swait.ge [sflag:s16], $0x2800  }
0x17d: {  	[sflag:s16] =	ssyncset.done $0x0  }
0x17e: {  	s21 =	simm.s32 $0x3;
	[sflag:s16] =	ssyncadd.s32 $0xFFFFD800  }
0x17f: {  	_ =	swait.ge [sflag:s21], $0x2800  }
0x180: {  	[sflag:s21] =	ssyncset.done $0x0  }
0x181: {  	s22 =	simm.s32 $0x4;
	[sflag:s21] =	ssyncadd.s32 $0xFFFFD800  }
0x182: {  	_ =	swait.ge [sflag:s22], $0x2800  }
0x183: {  	[sflag:s22] =	ssyncset.done $0x0  }
0x184: {  	s28 =	simm.s32 $0x5;
	[sflag:s22] =	ssyncadd.s32 $0xFFFFD800  }
0x185: {  	_ =	swait.ge [sflag:s28], $0x50  }
0x186: {  	[sflag:s28] =	ssyncset.done $0x0  }
0x187: {  	s30 =	simm.s32 $0x6;
	[sflag:s28] =	ssyncadd.s32 $0xFFFFFFB0  }
0x188: {  	_ =	swait.ge [sflag:s30], $0x50  }
0x189: {  	[sflag:s30] =	ssyncset.done $0x0  }
0x18a: {  	[sflag:s30] =	ssyncadd.s32 $0xFFFFFFB0  }
0x18b: {  	v0 =	vld [tilespmem:$0xA100]  }
0x18c: {  	v1 =	vld [tilespmem:$0xA180]  }
0x18d: {  	v2 =	vld [tilespmem:$0xA110]  }
0x18e: {  	v3 =	vld [tilespmem:$0xA190]  }
0x18f: {  	v4 =	vld [tilespmem:$0xA120]  }
0x190: {  	v5 =	vld [tilespmem:$0xA1A0]  }
0x191: {  	v6 =	vld [tilespmem:$0xA130]  }
0x192: {  	v7 =	vld [tilespmem:$0xA1B0]  }
0x193: {  	v8 =	vld [tilespmem:$0xA140]  }
0x194: {  	v9 =	vld [tilespmem:$0xA1C0]  }
0x195: {  	v0 =	vsub.f32 v0, v1  }
0x196: {  	v60 =	vsub.f32 v2, v3  }
0x197: {  	v61 =	vsub.f32 v4, v5;
	[tilespmem:$0xA200] =	vst v0  }
0x198: {  	v62 =	vsub.f32 v6, v7;
	[tilespmem:$0xA210] =	vst v60  }
0x199: {  	v63 =	vsub.f32 v8, v9;
	[tilespmem:$0xA220] =	vst v61  }
0x19a: {  	[tilespmem:$0xA230] =	vst v62  }
0x19b: {  	s31 =	rddreg [dreg:$0xb];
	[tilespmem:$0xA240] =	vst v63  }
0x19c: {  	[hbm4b:s31+s5] =	stream.linear.scatter [tilespmem:s23], [sflag:$0xD], $0x2800, $0x38;
	[tilespmem:$0x14500] =	vst v63  }
0x19d: {  	_ =	swait.ge [sflag:s24], $0x2800  }
0x19e: {  	[sflag:s24] =	ssyncset.done $0x0  }
0x19f: {  	s6 =	rddreg [dreg:$0xc];
	[sflag:s24] =	ssyncadd.s32 $0xFFFFD800  }
0x1a0: {  	[hbm4b:s6+s5] =	stream.linear.scatter [tilespmem:s8], [sflag:$0xD], $0x2800, $0x38;
	[tilespmem:$0x14500] =	vst v63  }
0x1a1: {  	_ =	swait.ge [sflag:s24], $0x2800  }
0x1a2: {  	[sflag:s24] =	ssyncset.done $0x0  }
0x1a3: {  	s12 =	rddreg [dreg:$0xd];
	[sflag:s24] =	ssyncadd.s32 $0xFFFFD800  }
0x1a4: {  	[hbm4b:s12+s5] =	stream.linear.scatter [tilespmem:s20], [sflag:$0xD], $0x2800, $0x38;
	[tilespmem:$0x14500] =	vst v63  }
0x1a5: {  	_ =	swait.ge [sflag:s24], $0x2800  }
0x1a6: {  	[sflag:s24] =	ssyncset.done $0x0  }
0x1a7: {  	s13 =	rddreg [dreg:$0xe];
	[sflag:s24] =	ssyncadd.s32 $0xFFFFD800  }
0x1a8: {  	[hbm4b:s13+s5] =	stream.linear.scatter [tilespmem:s0], [sflag:$0xD], $0x2800, $0x38;
	[tilespmem:$0x14500] =	vst v63  }
0x1a9: {  	_ =	swait.ge [sflag:s24], $0x2800  }
0x1aa: {  	[sflag:s24] =	ssyncset.done $0x0  }
0x1ab: {  	s15 =	simm.s32 $0xA200;
	s14 =	rddreg [dreg:$0x13];
	[sflag:s24] =	ssyncadd.s32 $0xFFFFD800  }
0x1ac: {  	[hbm4b:s14+s5] =	stream.linear.scatter [tilespmem:s15], [sflag:$0xD], $0x50, $0x38;
	[tilespmem:$0x14500] =	vst v63  }
0x1ad: {  	_ =	swait.ge [sflag:s24], $0x50  }
0x1ae: {  	[sflag:s24] =	ssyncset.done $0x0  }
0x1af: {  	s16 =	simm.s32 $0x7;
	[sflag:s24] =	ssyncadd.s32 $0xFFFFFFB0  }
0x1b0: {  	_ =	swait.ge [sflag:s16], $0x2800  }
0x1b1: {  	[sflag:s16] =	ssyncset.done $0x0  }
0x1b2: {  	s20 =	simm.s32 $0x8;
	[sflag:s16] =	ssyncadd.s32 $0xFFFFD800  }
0x1b3: {  	_ =	swait.ge [sflag:s20], $0x2800  }
0x1b4: {  	[sflag:s20] =	ssyncset.done $0x0  }
0x1b5: {  	s21 =	simm.s32 $0x9;
	[sflag:s20] =	ssyncadd.s32 $0xFFFFD800  }
0x1b6: {  	_ =	swait.ge [sflag:s21], $0x2800  }
0x1b7: {  	[sflag:s21] =	ssyncset.done $0x0  }
0x1b8: {  	s22 =	simm.s32 $0xA;
	[sflag:s21] =	ssyncadd.s32 $0xFFFFD800  }
0x1b9: {  	_ =	swait.ge [sflag:s22], $0x2800  }
0x1ba: {  	[sflag:s22] =	ssyncset.done $0x0  }
0x1bb: {  	s23 =	simm.s32 $0xB;
	[sflag:s22] =	ssyncadd.s32 $0xFFFFD800  }
0x1bc: {  	_ =	swait.ge [sflag:s23], $0x50  }
0x1bd: {  	[sflag:s23] =	ssyncset.done $0x0  }
0x1be: {  	s28 =	simm.s32 $0xC;
	[sflag:s23] =	ssyncadd.s32 $0xFFFFFFB0  }
0x1bf: {  	_ =	swait.ge [sflag:s28], $0x50  }
0x1c0: {  	s30 =	rddreg [dreg:$0x19]  }
0x1c1: {  	s31 =	rddreg [dreg:$0x14];
	s6 =	sadd.s32 $0x1, s30  }
0x1c2: {  	p0 =	sne.s32 s6, s31  }
.Ltmp1:
0x1c3: {  	_ = 	snop;
	(pc) =	sbr.rel @p0 .LBB2_1-.Ltmp1, $3  }
0x1c4: {  	_ =	sdelay $0x1  }
0x1c5: {  	[sflag:s28] =	ssyncset.done $0x0  }
0x1c6: {  	s29 =	simm.s32 $0xA180;
	s11 =	simm.s32 $0x11B80;
	[sflag:s28] =	ssyncadd.s32 $0xFFFFFFB0  }
0x1c7: {  	_ =	sfence.sel $0x180000  }
0x1c8: {  	[bflag:$0x0] =	sbarrier.arrive $0xFFFF  }
0x1c9: {  	_ =	strace $0x90000047  }
0x1ca: {  	s0 =	stileid.u32;
	[bflag:$0x2] =	sbarrier.arrive $0xFFFF  }
0x1cb: {  	p0 =	sne.s32 s0, $0x0;
	s0 =	rddreg [dreg:$0x4]  }
0x1cc: {  	s0 =	sadd.s32 @!p0 $0x100000, s0  }
0x1cd: {  	[sflag:s0] =	ssyncadd.tile.s32 @!p0 $0x1;
	_ =	shalt  }
.Lfunc_end2:
_tile_overlayer_lowered:
.L_overlay_start_2:
0x1ce: {  	(tag) =	ssettag $0x2  }
0x1cf: {  	s0 =	rddreg [dreg:$0x0];
	s2 =	stileid.u32  }
0x1d0: {  	s1 =	rddreg [dreg:$0x1];
	p0 =	sne.s32 s2, $0x0  }
0x1d1: {  	s3 =	rddreg [dreg:$0x2];
	[bflag:$0x3] =	sbarrier.arrive $0xFFFF;
	s2 =	simm.s32 @!p0 $0x1C0D  }
0x1d2: {  	[timem:s3], [sflag:s2] =	dma.local @!p0 [hbm:s0], s1  }
0x1d3: {  	s0 =	simm.s32 @!p0 $0xD  }
0x1d4: {  	_ =	swait.ge @!p0 [sflag:s0], s1  }
0x1d5: {  	s1 =	ssub.s32 @!p0 $0x0, s1;
	[sflag:s0] =	ssyncset.done @!p0 $0x0  }
0x1d6: {  	[sflag:s0] =	ssyncadd.s32 @!p0 s1  }
0x1d7: {  	[bflag:$0x3] =	sbarrier.arrive $0xFFFF  }
0x1d8: {  	_ =	shalt  }

// kernel: kernel.9.cloned.1.call-start
scs
__scs_entry_jumppad:
0x0: {  	(pc) =	sbr.rel $0x88, $3  }
0x1: {  	(tag) =	ssettag $0x0;
	lr =	simm.s32 $0x1  }
0x2: {  	[smem:$0x3F79] =	sst lr;
	_ =	strace $0xD0000000  }
0x3: {  	_ = 	snop  }
0x4: {  	_ = 	snop  }
0x5: {  	_ = 	snop  }
0x6: {  	_ = 	snop  }
0x7: {  	_ = 	snop  }
__scs_overlays_trampoline_lowered:
0x8: {  	[smem:$0x3F88] =	sst s0  }
0x9: {  	[smem:$0x3F89] =	sst s1  }
0xa: {  	[smem:$0x3F8A] =	sst s2  }
0xb: {  	[smem:$0x3F8B] =	sst s3  }
0xc: {  	[smem:$0x3F8C] =	sst s4  }
0xd: {  	[smem:$0x3F8D] =	sst s5  }
0xe: {  	[smem:$0x3F8E] =	sst s6  }
0xf: {  	[smem:$0x3F8F] =	sst s7  }
0x10: {  	[smem:$0x3F90] =	sst s8  }
0x11: {  	[smem:$0x3F91] =	sst s9;
	s0 =	simm.s32 @!p0 $0x0  }
0x12: {  	s1 =	sld [smem:$0x3F77];
	s0 =	simm.s32 @p0 $0x1  }
0x13: {  	[smem:$0x3F92] =	sst s0;
	s0 =	simm.s32 @!p1 $0x0  }
0x14: {  	s2 =	sld [smem:$0x3F76];
	s0 =	simm.s32 @p1 $0x1  }
0x15: {  	[smem:$0x3F93] =	sst s0;
	s0 =	simm.s32 @!p2 $0x0  }
0x16: {  	s3 =	sld [smem:$0x3FDB];
	s0 =	simm.s32 @p2 $0x1  }
0x17: {  	s4 =	simm.s32 $0x1BF5;
	[smem:$0x3F95] =	sst s0  }
0x18: {  	s0 =	sld [smem:$0x3F78];
	_ =	swait.ge [sflag:s4], $0x0  }
0x19: {  	s7 =	sld [smem:$0x3F79]  }
0x1a: {  	s8 =	sadd.s32 $0xFFFFE003, lr  }
0x1b: {  	s9 =	sadd.s32 $0xFFFFFEF7, lr;
	s5 =	simm.s32 $0xFFFFFFFF;
	p2 =	slt.u32 s8, $0xFFFFF086  }
0x1c: {  	p1 =	slt.u32 s9, $0xF7A;
	s5 =	simm.s32 @!p2 $0x0  }
0x1d: {  	s5 =	simm.s32 @p1 $0x1;
	p0 =	seq.s32 s7, s2  }
0x1e: {  	s7 =	smul.u32 @!p0 $0xF7A, s2;
	p2 =	seq.s32 @!p0 s5, $0x0  }
0x1f: {  	s9 =	smul.u32 $0xF7A, s1;
	s8 =	simm.s32 @!p0 $0x1BF5;
	p2 =	por !p2, p0  }
0x20: {  	[sflag:s8] =	ssyncset.s32 @!p0 $0xFFFFF086;
	s6 =	sadd.s32 @!p0 s3, s7;
	s7 =	simm.s32 @!p0 $0x108  }
0x21: {  	s3 =	sadd.s32 s3, s9;
	s6 =	sadd.s32 @!p0 $0x88, s6;
	s7 =	simm.s32 @p2 $0x1082  }
0x22: {  	[simem:s7], [sflag:s8] =	dma.local @!p0 [hbm:s6], $0xF7A  }
0x23: {  	s9 =	sor.u32 $0xD0000000, s2;
	s6 =	simm.s32 $0x108;
	_ =	swait.ge @!p0 [sflag:s8], $0x0  }
0x24: {  	s3 =	sadd.s32 $0x88, s3;
	s6 =	simm.s32 @!p1 $0x1082;
	[sflag:s4] =	ssyncset.s32 $0xFFFFF086  }
0x25: {  	[simem:s6], [sflag:s4] =	dma.local [hbm:s3], $0xF7A  }
0x26: {  	[smem:$0x3F79] =	sst s1;
	(tag) =	ssettag s2;
	_ =	strace s9  }
0x27: {  	s1 =	sld [smem:$0x3F89]  }
0x28: {  	s2 =	sld [smem:$0x3F8A]  }
0x29: {  	s4 =	sld [smem:$0x3F8C]  }
0x2a: {  	p0 =	seq.s32 s5, $0x0;
	s5 =	sld [smem:$0x3F8D]  }
0x2b: {  	s6 =	sld [smem:$0x3F8E]  }
0x2c: {  	s7 =	sld [smem:$0x3F8F]  }
0x2d: {  	s3 =	simm.s32 $0x108;
	s8 =	sld [smem:$0x3F90]  }
0x2e: {  	s3 =	simm.s32 @!p0 $0x1082;
	s9 =	sld [smem:$0x3F91]  }
0x2f: {  	lr =	sadd.s32 s0, s3;
	s0 =	sld [smem:$0x3F88]  }
0x30: {  	s3 =	sld [smem:$0x3F8B]  }
0x31: {  	[smem:$0x3F94] =	sst s10  }
0x32: {  	s10 =	sld [smem:$0x3F92];
	_ =	sdelay $0x3  }
0x33: {  	p0 =	seq.s32 s10, $0x1;
	s10 =	sld [smem:$0x3F94];
	_ =	sdelay $0x3  }
0x34: {  	[smem:$0x3F94] =	sst s10  }
0x35: {  	s10 =	sld [smem:$0x3F93];
	_ =	sdelay $0x3  }
0x36: {  	p1 =	seq.s32 s10, $0x1;
	s10 =	sld [smem:$0x3F94];
	_ =	sdelay $0x3  }
0x37: {  	[smem:$0x3F94] =	sst s10  }
0x38: {  	s10 =	sld [smem:$0x3F95]  }
0x39: {  	_ = 	snop;
	(pc) =	sbr.ind lr, $3  }
0x3a: {  	_ = 	snop  }
0x3b: {  	_ = 	snop  }
0x3c: {  	p2 =	seq.s32 s10, $0x1;
	s10 =	sld [smem:$0x3F94]  }
0x3d: {  	_ =	shalt  }
0x3e: {  	_ =	shalt  }
0x3f: {  	_ =	shalt  }
0x40: {  	_ =	shalt  }
0x41: {  	_ =	shalt  }
0x42: {  	_ =	shalt  }
0x43: {  	_ =	shalt  }
0x44: {  	_ =	shalt  }
0x45: {  	_ =	shalt  }
0x46: {  	_ =	shalt  }
0x47: {  	_ =	shalt  }
0x48: {  	_ =	shalt  }
0x49: {  	_ =	shalt  }
0x4a: {  	_ =	shalt  }
0x4b: {  	_ =	shalt  }
0x4c: {  	_ =	shalt  }
0x4d: {  	_ =	shalt  }
0x4e: {  	_ =	shalt  }
0x4f: {  	_ =	shalt  }
0x50: {  	_ =	shalt  }
0x51: {  	_ =	shalt  }
0x52: {  	_ =	shalt  }
0x53: {  	_ =	shalt  }
0x54: {  	_ =	shalt  }
0x55: {  	_ =	shalt  }
0x56: {  	_ =	shalt  }
0x57: {  	_ =	shalt  }
0x58: {  	_ =	shalt  }
0x59: {  	_ =	shalt  }
0x5a: {  	_ =	shalt  }
0x5b: {  	_ =	shalt  }
0x5c: {  	_ =	shalt  }
0x5d: {  	_ =	shalt  }
0x5e: {  	_ =	shalt  }
0x5f: {  	_ =	shalt  }
0x60: {  	_ =	shalt  }
0x61: {  	_ =	shalt  }
0x62: {  	_ =	shalt  }
0x63: {  	_ =	shalt  }
0x64: {  	_ =	shalt  }
0x65: {  	_ =	shalt  }
0x66: {  	_ =	shalt  }
0x67: {  	_ =	shalt  }
0x68: {  	_ =	shalt  }
0x69: {  	_ =	shalt  }
0x6a: {  	_ =	shalt  }
0x6b: {  	_ =	shalt  }
0x6c: {  	_ =	shalt  }
0x6d: {  	_ =	shalt  }
0x6e: {  	_ =	shalt  }
0x6f: {  	_ =	shalt  }
0x70: {  	_ =	shalt  }
0x71: {  	_ =	shalt  }
0x72: {  	_ =	shalt  }
0x73: {  	_ =	shalt  }
0x74: {  	_ =	shalt  }
0x75: {  	_ =	shalt  }
0x76: {  	_ =	shalt  }
0x77: {  	_ =	shalt  }
0x78: {  	_ =	shalt  }
0x79: {  	_ =	shalt  }
0x7a: {  	_ =	shalt  }
0x7b: {  	_ =	shalt  }
0x7c: {  	_ =	shalt  }
0x7d: {  	_ =	shalt  }
0x7e: {  	_ =	shalt  }
0x7f: {  	_ =	shalt  }
0x80: {  	_ =	shalt  }
0x81: {  	_ =	shalt  }
0x82: {  	_ =	shalt  }
0x83: {  	_ =	shalt  }
0x84: {  	_ =	shalt  }
0x85: {  	_ =	shalt  }
0x86: {  	_ =	shalt  }
0x87: {  	_ =	shalt  }
.Lfunc_end0:
.L_simem_size_0:
called_computation.1_lowered:
.L_overlay_start_0:
0x88: {  	s2 =	sld [smem:$0x3FD9]  }
0x89: {  	s3 =	sld [smem:$0x3FFE];
	_ =	sdelay $0x1  }
0x8a: {  	s1 =	srdreg.scid  }
0x8b: {  	s0 =	sand.u32 $0x1, s1  }
0x8c: {  	s14 =	sshll.u32 s0, $0xA;
	s2 =	sadd.s32 s3, s2  }
0x8d: {  	s2 =	sadd.s32 s2, s14  }
0x8e: {  	[smem:$0x3FA0] =	sst s2  }
0x8f: {  	_ = 	snop  }
0x90: {  	s2 =	sld [smem:$0x3FD0];
	_ =	sdelay $0x2  }
0x91: {  	s15 =	simm.s32 $0xA;
	s4 =	simm.s32 $0x10  }
0x92: {  	[smem:s4], [sflag:s15] =	dma.local [hbm:s2], $0x1  }
0x93: {  	_ =	swait.eq [sflag:s15], $0x1  }
0x94: {  	[sflag:s15] =	ssyncset.done $0x0  }
0x95: {  	[sflag:s15] =	ssyncadd.s32 $0xFFFFFFFF  }
0x96: {  	s16 =	sld [smem:$0x11];
	(tm) =	ssettm $0x1  }
0x97: {  	s17 =	sld [smem:$0x3FFB];
	_ =	sdelay $0x3  }
0x98: {  	_ =	strace s17  }
0x99: {  	s3 =	sld [smem:$0x3FFC];
	_ =	sdelay $0x3  }
0x9a: {  	_ =	strace s3  }
0x9b: {  	s3 =	sld [smem:$0x3FFD];
	_ =	sdelay $0x3  }
0x9c: {  	_ =	strace s3  }
0x9d: {  	_ =	strace $0x8FFFFFFF  }
0x9e: {  	s18 =	sld [smem:$0x3FDB];
	_ =	sdelay $0x1  }
0x9f: {  	s19 =	simm.s32 $_scs_section_size  }
0xa0: {  	s5 =	simm.s32 $_size__tile_overlayer_lowered;
	s6 =	simm.s32 $_tile_overlayer_lowered  }
0xa1: {  	s22 =	simm.s32 $0x1BFF;
	s21 =	sshll.u32 s6, $0x1;
	s3 =	sadd.s32 s19, s18  }
0xa2: {  	s7 =	simm.s32 $0x0;
	s20 =	sshll.u32 s5, $0x1;
	s5 =	sadd.s32 s21, s3  }
0xa3: {  	[timem:s7], [sflag:s22] =	dma.local [hbm:s5], s20  }
0xa4: {  	_ =	swait.ge [sflag:s22], s20  }
0xa5: {  	s4 =	ssub.s32 $0x0, s20;
	[sflag:s22] =	ssyncset.done $0x0  }
0xa6: {  	[sflag:s22] =	ssyncadd.s32 s4;
	_ =	sdelay $0x1  }
0xa7: {  	s23 =	simm.s32 $0x1B8B  }
0xa8: {  	_ =	swait.ge [sflag:s23], $0x1  }
0xa9: {  	[sflag:s23] =	ssyncset.done $0x0  }
0xaa: {  	s25 =	simm.s32 $0x1B8E;
	s24 =	sld [smem:$0x3FFE];
	[sflag:s23] =	ssyncadd.s32 $0xFFFFFFFF  }
0xab: {  	s26 =	simm.s32 $execute0_lowered;
	[smem:$0x3FD2] =	sst s25  }
0xac: {  	s5 =	sshll.u32 s26, $0x1;
	_ =	strace $0x80000049;
	[dreg:$0x1] =	wrdreg $0xFFFFFFFF  }
0xad: {  	s28 =	simm.s32 $_size_execute0_lowered;
	s3 =	sadd.s32 s3, s5;
	[dreg:$0x0] =	wrdreg $0x0  }
0xae: {  	s5 =	sshll.u32 s28, $0x1;
	[dreg:$0x2] =	wrdreg s3  }
0xaf: {  	[dreg:$0x3] =	wrdreg s5  }
0xb0: {  	[dreg:$0x4] =	wrdreg $0xC0  }
0xb1: {  	_ =	task [dreg:s7], $0x5FFFF  }
0xb2: {  	[dreg:$0x1] =	wrdreg $0xFFFFFFFF  }
0xb3: {  	[dreg:$0x0] =	wrdreg $0x60  }
0xb4: {  	[dreg:$0x2] =	wrdreg s24  }
0xb5: {  	[dreg:$0x3] =	wrdreg s16  }
0xb6: {  	[dreg:$0x4] =	wrdreg $0xD0800  }
0xb7: {  	[dreg:$0x5] =	wrdreg $0x124800  }
0xb8: {  	[dreg:$0x6] =	wrdreg $0x178800  }
0xb9: {  	[dreg:$0x7] =	wrdreg $0x9  }
0xba: {  	_ =	task.clear_ibuf [dreg:s7], $0x8FFFF;
	_ =	strace $0x90000049  }
0xbb: {  	s29 =	simm.s32 $0x9;
	_ =	strace $0x8000004B  }
0xbc: {  	_ =	swait.ge [sflag:s29], $0x1  }
0xbd: {  	[sflag:s29] =	ssyncadd.s32 $0xFFFFFFFF  }
0xbe: {  	_ =	strace $0x9000004B  }
0xbf: {  	_ =	sfence  }
0xc0: {  	s30 =	sld [smem:$0x0];
	_ =	sdelay $0x2  }
0xc1: {  	s31 =	sshll.u32 s1, $0xD;
	s1 =	sshrl.u32 s1, $0x2  }
0xc2: {  	s3 =	sand.u32 $0x4000, s31;
	s1 =	sadd.s32 s1, s30  }
0xc3: {  	s0 =	sor.u32 s3, s0;
	s1 =	sshll.u32 s1, $0x11  }
0xc4: {  	s0 =	sor.u32 s1, s0  }
0xc5: {  	s0 =	sadd.s32 $0x8F2B, s0  }
0xc6: {  	[sflag:s0] =	ssyncadd.remote.s32 $0x1  }
0xc7: {  	_ =	sfence.sel $0xFFFF  }
0xc8: {  	[dreg:$0x0] =	wrdreg $0xFFFFFFFF;
	(pc) =	sbr.abs _section_cstart, $3  }
0xc9: {  	[dreg:$0x1] =	wrdreg $0xFFFFFFFF  }
0xca: {  	_ =	task.clear_ibuf [dreg:s7], $0x2FFFF;
	_ =	strace $0x9FFFFFFF  }
0xcb: {  	(tm) =	ssettm $0x7FFFFFFF  }
tec
execute0_lowered:
.L_overlay_start_1:
0x0: {  	(tag) =	ssettag $0x1  }
0x1: {  	s0 =	rddreg [dreg:$0x0]  }
0x2: {  	s1 =	rddreg [dreg:$0x1]  }
0x3: {  	s2 =	rddreg [dreg:$0x2];
	s18 =	stileid.u32  }
0x4: {  	s3 =	rddreg [dreg:$0x3];
	s6 =	smul.u32 $0x4E200, s18  }
0x5: {  	s4 =	rddreg [dreg:$0x4];
	s11 =	smul.u32 $0xA0, s18  }
0x6: {  	s5 =	simm.s32 $0x0;
	s7 =	srdreg.scid;
	s17 =	smul.u32 $0x5400, s18  }
0x7: {  	[smem:$0x7FF] =	sst s5;
	s7 =	sand.u32 $0x1, s7;
	s20 =	smul.u32 $0x4E20, s18  }
0x8: {  	s9 =	sadd.s32 $0x8E00, s0;
	s12 =	sadd.s32 $0x30E00, s0;
	s18 =	smul.u32 $0x5000, s18  }
0x9: {  	s13 =	sadd.s32 $0x58E00, s0;
	_ =	strace $0x8000004A;
	s8 =	smul.u32 $0xA00, s7  }
0xa: {  	s14 =	ssub.s32 $0x2, s7;
	s16 =	smul.u32 $0x4E200, s7;
	s7 =	sor.u32 $0x2, s7  }
0xb: {  	s10 =	sadd.s32 s6, s0;
	s6 =	sadd.s32 $0x8600, s0;
	s15 =	sshrl.u32 s14, $0x1  }
0xc: {  	s7 =	smul.u32 $0xA00, s7;
	s0 =	sadd.s32 $0x8000, s0;
	s29 =	sadd.s32 s18, s2  }
0xd: {  	s30 =	sadd.s32 s18, s3;
	s8 =	sadd.s32 s11, s8;
	s14 =	ssub.s32 s14, s15  }
0xe: {  	[dreg:$0x12] =	wrdreg s0;
	s15 =	sadd.s32 s17, s2;
	s8 =	sshll.u32 s8, $0x4  }
0xf: {  	s31 =	sadd.s32 s18, s4;
	[dreg:$0x13] =	wrdreg s15;
	s24 =	sadd.s32 s9, s8  }
0x10: {  	s7 =	sadd.s32 s11, s7;
	s25 =	sadd.s32 s12, s8;
	[dreg:$0x6] =	wrdreg s24  }
0x11: {  	s26 =	sadd.s32 s13, s8;
	s8 =	sadd.s32 $0x800, s8;
	[dreg:$0x7] =	wrdreg s25  }
0x12: {  	s11 =	sadd.s32 s20, s16;
	[dreg:$0x8] =	wrdreg s26;
	s19 =	sadd.s32 s9, s8  }
0x13: {  	s16 =	sadd.s32 $0x4000, s17;
	s21 =	sadd.s32 s12, s8;
	[dreg:$0x9] =	wrdreg s19  }
0x14: {  	s7 =	sshll.u32 s7, $0x4;
	s8 =	sadd.s32 s13, s8;
	[dreg:$0xa] =	wrdreg s21  }
0x15: {  	s20 =	sadd.s32 $0x4000, s18;
	s22 =	sadd.s32 s9, s7;
	[dreg:$0xb] =	wrdreg s8  }
0x16: {  	s15 =	simm.s32 $0x80;
	s24 =	sadd.s32 s12, s7;
	[dreg:$0xc] =	wrdreg s22  }
0x17: {  	s23 =	sadd.s32 $0x800, s7;
	s7 =	sadd.s32 s13, s7;
	[dreg:$0xd] =	wrdreg s24  }
0x18: {  	s28 =	sadd.s32 s16, s4;
	s0 =	sadd.s32 s20, s2;
	[dreg:$0xe] =	wrdreg s7  }
0x19: {  	s25 =	sadd.s32 s9, s23;
	s26 =	sadd.s32 s12, s23;
	s9 =	sadd.s32 s13, s23  }
0x1a: {  	s12 =	sadd.s32 $0x9C400, s11;
	s13 =	sshrl.u32 s11, $0x3;
	s23 =	sadd.s32 s17, s3  }
0x1b: {  	s24 =	sadd.s32 s17, s4;
	s8 =	sadd.s32 $0x13ADE00, s10;
	s22 =	smax.u32 s14, $0x1  }
0x1c: {  	s10 =	sadd.s32 $0x188FE00, s10;
	s11 =	simm.s32 $0x2880;
	[dreg:$0xf] =	wrdreg s25  }
0x1d: {  	s14 =	simm.s32 $0x9080;
	s17 =	simm.s32 $0x0;
	[dreg:$0x10] =	wrdreg s26  }
0x1e: {  	[dreg:$0x11] =	wrdreg s9;
	s7 =	sshrl.u32 s12, $0x3;
	s19 =	sadd.s32 s13, s1  }
0x1f: {  	s25 =	sadd.s32 s16, s2;
	s26 =	sadd.s32 s16, s3;
	[dreg:$0x14] =	wrdreg s22  }
0x20: {  	s12 =	simm.s32 $0x1;
	s13 =	simm.s32 $0x5080;
	s16 =	simm.s32 $0x50  }
0x21: {  	s21 =	sadd.s32 s7, s1;
	s1 =	sadd.s32 s20, s3;
	s7 =	sadd.s32 s20, s4  }
.LBB2_1:
0x22: {  	s9 =	rddreg [dreg:$0x12]  }
0x23: {  	[tilespmem:s11], [sflag:$0x1] =	stream.linear.gather [hbm4b:s9+s5], $0x2800, $0x38;
	[tilespmem:$0x1CC80] =	vst v63  }
0x24: {  	_ =	swait.ge [sflag:s12], $0x2800  }
0x25: {  	[sflag:s12] =	ssyncset.done $0x0  }
0x26: {  	[sflag:s12] =	ssyncadd.s32 $0xFFFFD800  }
0x27: {  	[tilespmem:s13], [sflag:$0x1] =	stream.linear.gather [hbm4b:s6+s5], $0x4000, $0x38;
	[tilespmem:$0x1CC80] =	vst v63  }
0x28: {  	_ =	swait.ge [sflag:s12], $0x4000  }
0x29: {  	[sflag:s12] =	ssyncset.done $0x0  }
0x2a: {  	[sflag:s12] =	ssyncadd.s32 $0xFFFFC000  }
0x2b: {  	[tilespmem:s14], [sflag:$0x1] =	stream.linear.gather [hbm4b:s6+s5], $0x4000, $0x38;
	[tilespmem:$0x1CC80] =	vst v63  }
0x2c: {  	_ =	swait.ge [sflag:s12], $0x4000  }
0x2d: {  	[sflag:s12] =	ssyncset.done $0x0  }
0x2e: {  	s20 =	rddreg [dreg:$0x13];
	[sflag:s12] =	ssyncadd.s32 $0xFFFFC000  }
0x2f: {  	[spmem:s20] =	stream.linear.scatter [tilespmem:s13], [sflag:$0x1], $0x4000, $0x38;
	[tilespmem:$0x1CC80] =	vst v63  }
0x30: {  	_ =	swait.ge [sflag:s12], $0x4000  }
0x31: {  	[sflag:s12] =	ssyncset.done $0x0  }
0x32: {  	[sflag:s12] =	ssyncadd.s32 $0xFFFFC000  }
0x33: {  	[spmem:s23] =	stream.linear.scatter [tilespmem:s13], [sflag:$0x1], $0x4000, $0x38;
	[tilespmem:$0x1CC80] =	vst v63  }
0x34: {  	_ =	swait.ge [sflag:s12], $0x4000  }
0x35: {  	[sflag:s12] =	ssyncset.done $0x0  }
0x36: {  	[sflag:s12] =	ssyncadd.s32 $0xFFFFC000  }
0x37: {  	[spmem:s24] =	stream.linear.scatter [tilespmem:s14], [sflag:$0x1], $0x4000, $0x38;
	[tilespmem:$0x1CC80] =	vst v63  }
0x38: {  	_ =	swait.ge [sflag:s12], $0x4000  }
0x39: {  	[sflag:s12] =	ssyncset.done $0x0  }
0x3a: {  	[sflag:s12] =	ssyncadd.s32 $0xFFFFC000  }
0x3b: {  	[spmem:s25] =	stream.linear.scatter [tilespmem:s13], [sflag:$0x1], $0x1400, $0x38;
	[tilespmem:$0x1CC80] =	vst v63  }
0x3c: {  	_ =	swait.ge [sflag:s12], $0x1400  }
0x3d: {  	[sflag:s12] =	ssyncset.done $0x0  }
0x3e: {  	[sflag:s12] =	ssyncadd.s32 $0xFFFFEC00  }
0x3f: {  	[spmem:s26] =	stream.linear.scatter [tilespmem:s13], [sflag:$0x1], $0x1400, $0x38;
	[tilespmem:$0x1CC80] =	vst v63  }
0x40: {  	_ =	swait.ge [sflag:s12], $0x1400  }
0x41: {  	[sflag:s12] =	ssyncset.done $0x0  }
0x42: {  	[sflag:s12] =	ssyncadd.s32 $0xFFFFEC00  }
0x43: {  	[spmem:s28] =	stream.linear.scatter [tilespmem:s14], [sflag:$0x1], $0x1400, $0x38;
	[tilespmem:$0x1CC80] =	vst v63  }
0x44: {  	_ =	swait.ge [sflag:s12], $0x1400  }
0x45: {  	[sflag:s12] =	ssyncset.done $0x0  }
0x46: {  	[sflag:s12] =	ssyncadd.s32 $0xFFFFEC00  }
0x47: {  	[bflag:$0x0] =	sbarrier.arrive $0xFFFF  }
0x48: {  	[tilespmem:s5], [sflag:$0x1] =	stream.linear.gather [hbm4b:s19+s5], $0x50, $0x38;
	[tilespmem:$0x1CC80] =	vst v63  }
0x49: {  	_ =	swait.ge [sflag:s12], $0x50  }
0x4a: {  	[sflag:s12] =	ssyncset.done $0x0  }
0x4b: {  	s18 =	sadd.s32 $0x0, s8;
	[sflag:s12] =	ssyncadd.s32 $0xFFFFFFB0  }
0x4c: {  	[tilespmem:s15], [sflag:$0x1] =	stream.linear.gather [hbm4b:s18+s5], $0x2800, $0x38;
	[tilespmem:$0x1CC80] =	vst v63  }
0x4d: {  	_ =	swait.ge [sflag:s12], $0x2800  }
0x4e: {  	[sflag:s12] =	ssyncset.done $0x0  }
0x4f: {  	[sflag:s12] =	ssyncadd.s32 $0xFFFFD800  }
0x50: {  	[spmem:s2] =	stream.indirect.scatter.add.f32 [tilespmem:s15], [sflag:$0x1], $0x80, s5, s16, $0xb8;
	[tilespmem:$0x1CC80] =	vst v63  }
0x51: {  	_ =	swait.ge [sflag:s12], $0x2800  }
0x52: {  	[sflag:s12] =	ssyncset.done $0x0  }
0x53: {  	s22 =	sadd.s32 $0x0, s10;
	[sflag:s12] =	ssyncadd.s32 $0xFFFFD800  }
0x54: {  	[tilespmem:s15], [sflag:$0x1] =	stream.linear.gather [hbm4b:s22+s5], $0x2800, $0x38;
	[tilespmem:$0x1CC80] =	vst v63  }
0x55: {  	_ =	swait.ge [sflag:s12], $0x2800  }
0x56: {  	[sflag:s12] =	ssyncset.done $0x0  }
0x57: {  	[sflag:s12] =	ssyncadd.s32 $0xFFFFD800  }
0x58: {  	[spmem:s3] =	stream.indirect.scatter.add.f32 [tilespmem:s15], [sflag:$0x1], $0x80, s5, s16, $0xb8;
	[tilespmem:$0x1CC80] =	vst v63  }
0x59: {  	_ =	swait.ge [sflag:s12], $0x2800  }
0x5a: {  	[sflag:s12] =	ssyncset.done $0x0  }
0x5b: {  	[sflag:s12] =	ssyncadd.s32 $0xFFFFD800  }
0x5c: {  	[spmem:s4] =	stream.indirect.scatter.add.f32 [tilespmem:s11], [sflag:$0x1], $0x80, s5, s16, $0xb8;
	[tilespmem:$0x1CC80] =	vst v63  }
0x5d: {  	_ =	swait.ge [sflag:s12], $0x2800  }
0x5e: {  	s20 =	smov.u32 s19;
	s18 =	simm.s32 $0x500;
	[sflag:s12] =	ssyncset.done $0x0  }
.LBB2_2:
0x5f: {  	p0 =	sne.s32 s18, $0x4DD00;
	[sflag:s12] =	ssyncadd.s32 $0xFFFFD800;
	s20 =	sadd.s32 $0xA, s20  }
0x60: {  	[tilespmem:s5], [sflag:$0x1] =	stream.linear.gather [hbm4b:s20+s5], $0x50, $0x38;
	[tilespmem:$0x1CC80] =	vst v63  }
0x61: {  	s9 =	smov.u32 s18;
	s18 =	sadd.s32 $0x500, s18;
	_ =	swait.ge [sflag:s12], $0x50  }
0x62: {  	[sflag:s12] =	ssyncset.done $0x0  }
0x63: {  	s22 =	sadd.s32 s9, s8;
	[sflag:s12] =	ssyncadd.s32 $0xFFFFFFB0  }
0x64: {  	[tilespmem:s15], [sflag:$0x1] =	stream.linear.gather [hbm4b:s22+s5], $0x2800, $0x38;
	[tilespmem:$0x1CC80] =	vst v63  }
0x65: {  	_ =	swait.ge [sflag:s12], $0x2800  }
0x66: {  	[sflag:s12] =	ssyncset.done $0x0  }
0x67: {  	[sflag:s12] =	ssyncadd.s32 $0xFFFFD800  }
0x68: {  	[spmem:s2] =	stream.indirect.scatter.add.f32 [tilespmem:s15], [sflag:$0x1], $0x80, s5, s16, $0xb8;
	[tilespmem:$0x1CC80] =	vst v63  }
0x69: {  	_ =	swait.ge [sflag:s12], $0x2800  }
0x6a: {  	[sflag:s12] =	ssyncset.done $0x0  }
0x6b: {  	s9 =	sadd.s32 s9, s10;
	[sflag:s12] =	ssyncadd.s32 $0xFFFFD800  }
0x6c: {  	[tilespmem:s15], [sflag:$0x1] =	stream.linear.gather [hbm4b:s9+s5], $0x2800, $0x38;
	[tilespmem:$0x1CC80] =	vst v63  }
0x6d: {  	_ =	swait.ge [sflag:s12], $0x2800  }
0x6e: {  	[sflag:s12] =	ssyncset.done $0x0  }
0x6f: {  	[sflag:s12] =	ssyncadd.s32 $0xFFFFD800  }
0x70: {  	[spmem:s3] =	stream.indirect.scatter.add.f32 [tilespmem:s15], [sflag:$0x1], $0x80, s5, s16, $0xb8;
	[tilespmem:$0x1CC80] =	vst v63  }
0x71: {  	_ =	swait.ge [sflag:s12], $0x2800  }
.Ltmp0:
0x72: {  	[sflag:s12] =	ssyncset.done $0x0;
	(pc) =	sbr.rel @p0 .LBB2_2-.Ltmp0, $4  }
0x73: {  	[sflag:s12] =	ssyncadd.s32 $0xFFFFD800  }
0x74: {  	[spmem:s4] =	stream.indirect.scatter.add.f32 [tilespmem:s11], [sflag:$0x1], $0x80, s5, s16, $0xb8;
	[tilespmem:$0x1CC80] =	vst v63  }
0x75: {  	_ =	swait.ge [sflag:s12], $0x2800  }
0x76: {  	[sflag:s12] =	ssyncset.done $0x0  }
0x77: {  	[sflag:s12] =	ssyncadd.s32 $0xFFFFD800  }
0x78: {  	[bflag:$0x0] =	sbarrier.arrive $0xFFFF  }
0x79: {  	[tilespmem:s13], [sflag:$0x1] =	stream.linear.gather [spmem:s29], $0x4000, $0x38;
	[tilespmem:$0x1CC80] =	vst v63  }
0x7a: {  	_ =	swait.ge [sflag:s12], $0x4000  }
0x7b: {  	[sflag:s12] =	ssyncset.done $0x0  }
0x7c: {  	s9 =	simm.s32 $0x0;
	s18 =	rddreg [dreg:$0x6];
	[sflag:s12] =	ssyncadd.s32 $0xFFFFC000  }
0x7d: {  	[hbm4b:s18+s9] =	stream.linear.scatter [tilespmem:s13], [sflag:$0x1], $0x4000, $0x38;
	[tilespmem:$0x1CC80] =	vst v63  }
0x7e: {  	_ =	swait.ge [sflag:s12], $0x4000  }
0x7f: {  	[sflag:s12] =	ssyncset.done $0x0  }
0x80: {  	[sflag:s12] =	ssyncadd.s32 $0xFFFFC000  }
0x81: {  	[tilespmem:s13], [sflag:$0x1] =	stream.linear.gather [spmem:s30], $0x4000, $0x38;
	[tilespmem:$0x1CC80] =	vst v63  }
0x82: {  	_ =	swait.ge [sflag:s12], $0x4000  }
0x83: {  	[sflag:s12] =	ssyncset.done $0x0  }
0x84: {  	s22 =	rddreg [dreg:$0x7];
	[sflag:s12] =	ssyncadd.s32 $0xFFFFC000  }
0x85: {  	[hbm4b:s22+s9] =	stream.linear.scatter [tilespmem:s13], [sflag:$0x1], $0x4000, $0x38;
	[tilespmem:$0x1CC80] =	vst v63  }
0x86: {  	_ =	swait.ge [sflag:s12], $0x4000  }
0x87: {  	[sflag:s12] =	ssyncset.done $0x0  }
0x88: {  	[sflag:s12] =	ssyncadd.s32 $0xFFFFC000  }
0x89: {  	[tilespmem:s14], [sflag:$0x1] =	stream.linear.gather [spmem:s31], $0x4000, $0x38;
	[tilespmem:$0x1CC80] =	vst v63  }
0x8a: {  	_ =	swait.ge [sflag:s12], $0x4000  }
0x8b: {  	[sflag:s12] =	ssyncset.done $0x0  }
0x8c: {  	s20 =	rddreg [dreg:$0x8];
	[sflag:s12] =	ssyncadd.s32 $0xFFFFC000  }
0x8d: {  	[hbm4b:s20+s9] =	stream.linear.scatter [tilespmem:s14], [sflag:$0x1], $0x4000, $0x38;
	[tilespmem:$0x1CC80] =	vst v63  }
0x8e: {  	_ =	swait.ge [sflag:s12], $0x4000  }
0x8f: {  	[sflag:s12] =	ssyncset.done $0x0  }
0x90: {  	[sflag:s12] =	ssyncadd.s32 $0xFFFFC000  }
0x91: {  	[tilespmem:s13], [sflag:$0x1] =	stream.linear.gather [spmem:s0], $0x1000, $0x38;
	[tilespmem:$0x1CC80] =	vst v63  }
0x92: {  	_ =	swait.ge [sflag:s12], $0x1000  }
0x93: {  	[sflag:s12] =	ssyncset.done $0x0  }
0x94: {  	s22 =	rddreg [dreg:$0x9];
	[sflag:s12] =	ssyncadd.s32 $0xFFFFF000  }
0x95: {  	[hbm4b:s22+s9] =	stream.linear.scatter [tilespmem:s13], [sflag:$0x1], $0x1000, $0x38;
	[tilespmem:$0x1CC80] =	vst v63  }
0x96: {  	_ =	swait.ge [sflag:s12], $0x1000  }
0x97: {  	[sflag:s12] =	ssyncset.done $0x0  }
0x98: {  	[sflag:s12] =	ssyncadd.s32 $0xFFFFF000  }
0x99: {  	[tilespmem:s13], [sflag:$0x1] =	stream.linear.gather [spmem:s1], $0x1000, $0x38;
	[tilespmem:$0x1CC80] =	vst v63  }
0x9a: {  	_ =	swait.ge [sflag:s12], $0x1000  }
0x9b: {  	[sflag:s12] =	ssyncset.done $0x0  }
0x9c: {  	s20 =	rddreg [dreg:$0xa];
	[sflag:s12] =	ssyncadd.s32 $0xFFFFF000  }
0x9d: {  	[hbm4b:s20+s9] =	stream.linear.scatter [tilespmem:s13], [sflag:$0x1], $0x1000, $0x38;
	[tilespmem:$0x1CC80] =	vst v63  }
0x9e: {  	_ =	swait.ge [sflag:s12], $0x1000  }
0x9f: {  	[sflag:s12] =	ssyncset.done $0x0  }
0xa0: {  	[sflag:s12] =	ssyncadd.s32 $0xFFFFF000  }
0xa1: {  	[tilespmem:s14], [sflag:$0x1] =	stream.linear.gather [spmem:s7], $0x1000, $0x38;
	[tilespmem:$0x1CC80] =	vst v63  }
0xa2: {  	_ =	swait.ge [sflag:s12], $0x1000  }
0xa3: {  	[sflag:s12] =	ssyncset.done $0x0  }
0xa4: {  	s22 =	rddreg [dreg:$0xb];
	[sflag:s12] =	ssyncadd.s32 $0xFFFFF000  }
0xa5: {  	[hbm4b:s22+s9] =	stream.linear.scatter [tilespmem:s14], [sflag:$0x1], $0x1000, $0x38;
	[tilespmem:$0x1CC80] =	vst v63  }
0xa6: {  	_ =	swait.ge [sflag:s12], $0x1000  }
0xa7: {  	[sflag:s12] =	ssyncset.done $0x0  }
0xa8: {  	[sflag:s12] =	ssyncadd.s32 $0xFFFFF000  }
0xa9: {  	[bflag:$0x0] =	sbarrier.arrive $0xFFFF  }
0xaa: {  	[tilespmem:s13], [sflag:$0x1] =	stream.linear.gather [hbm4b:s6+s9], $0x4000, $0x38;
	[tilespmem:$0x1CC80] =	vst v63  }
0xab: {  	_ =	swait.ge [sflag:s12], $0x4000  }
0xac: {  	[sflag:s12] =	ssyncset.done $0x0  }
0xad: {  	[sflag:s12] =	ssyncadd.s32 $0xFFFFC000  }
0xae: {  	[tilespmem:s14], [sflag:$0x1] =	stream.linear.gather [hbm4b:s6+s9], $0x4000, $0x38;
	[tilespmem:$0x1CC80] =	vst v63  }
0xaf: {  	_ =	swait.ge [sflag:s12], $0x4000  }
0xb0: {  	[sflag:s12] =	ssyncset.done $0x0  }
0xb1: {  	s18 =	rddreg [dreg:$0x13];
	[sflag:s12] =	ssyncadd.s32 $0xFFFFC000  }
0xb2: {  	[spmem:s18] =	stream.linear.scatter [tilespmem:s13], [sflag:$0x1], $0x4000, $0x38;
	[tilespmem:$0x1CC80] =	vst v63  }
0xb3: {  	_ =	swait.ge [sflag:s12], $0x4000  }
0xb4: {  	[sflag:s12] =	ssyncset.done $0x0  }
0xb5: {  	[sflag:s12] =	ssyncadd.s32 $0xFFFFC000  }
0xb6: {  	[spmem:s23] =	stream.linear.scatter [tilespmem:s13], [sflag:$0x1], $0x4000, $0x38;
	[tilespmem:$0x1CC80] =	vst v63  }
0xb7: {  	_ =	swait.ge [sflag:s12], $0x4000  }
0xb8: {  	[sflag:s12] =	ssyncset.done $0x0  }
0xb9: {  	[sflag:s12] =	ssyncadd.s32 $0xFFFFC000  }
0xba: {  	[spmem:s24] =	stream.linear.scatter [tilespmem:s14], [sflag:$0x1], $0x4000, $0x38;
	[tilespmem:$0x1CC80] =	vst v63  }
0xbb: {  	_ =	swait.ge [sflag:s12], $0x4000  }
0xbc: {  	[sflag:s12] =	ssyncset.done $0x0  }
0xbd: {  	[sflag:s12] =	ssyncadd.s32 $0xFFFFC000  }
0xbe: {  	[spmem:s25] =	stream.linear.scatter [tilespmem:s13], [sflag:$0x1], $0x1400, $0x38;
	[tilespmem:$0x1CC80] =	vst v63  }
0xbf: {  	_ =	swait.ge [sflag:s12], $0x1400  }
0xc0: {  	[sflag:s12] =	ssyncset.done $0x0  }
0xc1: {  	[sflag:s12] =	ssyncadd.s32 $0xFFFFEC00  }
0xc2: {  	[spmem:s26] =	stream.linear.scatter [tilespmem:s13], [sflag:$0x1], $0x1400, $0x38;
	[tilespmem:$0x1CC80] =	vst v63  }
0xc3: {  	_ =	swait.ge [sflag:s12], $0x1400  }
0xc4: {  	[sflag:s12] =	ssyncset.done $0x0  }
0xc5: {  	[sflag:s12] =	ssyncadd.s32 $0xFFFFEC00  }
0xc6: {  	[spmem:s28] =	stream.linear.scatter [tilespmem:s14], [sflag:$0x1], $0x1400, $0x38;
	[tilespmem:$0x1CC80] =	vst v63  }
0xc7: {  	_ =	swait.ge [sflag:s12], $0x1400  }
0xc8: {  	[sflag:s12] =	ssyncset.done $0x0  }
0xc9: {  	[sflag:s12] =	ssyncadd.s32 $0xFFFFEC00  }
0xca: {  	[bflag:$0x0] =	sbarrier.arrive $0xFFFF  }
0xcb: {  	[tilespmem:s5], [sflag:$0x1] =	stream.linear.gather [hbm4b:s21+s5], $0x50, $0x38;
	[tilespmem:$0x1CC80] =	vst v63  }
0xcc: {  	_ =	swait.ge [sflag:s12], $0x50  }
0xcd: {  	[sflag:s12] =	ssyncset.done $0x0  }
0xce: {  	s20 =	sadd.s32 $0x0, s8;
	[sflag:s12] =	ssyncadd.s32 $0xFFFFFFB0  }
0xcf: {  	[tilespmem:s15], [sflag:$0x1] =	stream.linear.gather [hbm4b:s20+s5], $0x2800, $0x38;
	[tilespmem:$0x1CC80] =	vst v63  }
0xd0: {  	_ =	swait.ge [sflag:s12], $0x2800  }
0xd1: {  	[sflag:s12] =	ssyncset.done $0x0  }
0xd2: {  	[sflag:s12] =	ssyncadd.s32 $0xFFFFD800  }
0xd3: {  	[spmem:s2] =	stream.indirect.scatter.add.f32 [tilespmem:s15], [sflag:$0x1], $0x80, s5, s16, $0xb8;
	[tilespmem:$0x1CC80] =	vst v63  }
0xd4: {  	_ =	swait.ge [sflag:s12], $0x2800  }
0xd5: {  	[sflag:s12] =	ssyncset.done $0x0  }
0xd6: {  	s22 =	sadd.s32 $0x0, s10;
	[sflag:s12] =	ssyncadd.s32 $0xFFFFD800  }
0xd7: {  	[tilespmem:s15], [sflag:$0x1] =	stream.linear.gather [hbm4b:s22+s5], $0x2800, $0x38;
	[tilespmem:$0x1CC80] =	vst v63  }
0xd8: {  	_ =	swait.ge [sflag:s12], $0x2800  }
0xd9: {  	[sflag:s12] =	ssyncset.done $0x0  }
0xda: {  	[sflag:s12] =	ssyncadd.s32 $0xFFFFD800  }
0xdb: {  	[spmem:s3] =	stream.indirect.scatter.add.f32 [tilespmem:s15], [sflag:$0x1], $0x80, s5, s16, $0xb8;
	[tilespmem:$0x1CC80] =	vst v63  }
0xdc: {  	_ =	swait.ge [sflag:s12], $0x2800  }
0xdd: {  	[sflag:s12] =	ssyncset.done $0x0  }
0xde: {  	[sflag:s12] =	ssyncadd.s32 $0xFFFFD800  }
0xdf: {  	[spmem:s4] =	stream.indirect.scatter.add.f32 [tilespmem:s11], [sflag:$0x1], $0x80, s5, s16, $0xb8;
	[tilespmem:$0x1CC80] =	vst v63  }
0xe0: {  	_ =	swait.ge [sflag:s12], $0x2800  }
0xe1: {  	s18 =	simm.s32 $0x500;
	s20 =	smov.u32 s21;
	[sflag:s12] =	ssyncset.done $0x0  }
.LBB2_4:
0xe2: {  	p0 =	sne.s32 s18, $0x4DD00;
	[sflag:s12] =	ssyncadd.s32 $0xFFFFD800;
	s20 =	sadd.s32 $0xA, s20  }
0xe3: {  	[tilespmem:s5], [sflag:$0x1] =	stream.linear.gather [hbm4b:s20+s5], $0x50, $0x38;
	[tilespmem:$0x1CC80] =	vst v63  }
0xe4: {  	s9 =	smov.u32 s18;
	s18 =	sadd.s32 $0x500, s18;
	_ =	swait.ge [sflag:s12], $0x50  }
0xe5: {  	[sflag:s12] =	ssyncset.done $0x0  }
0xe6: {  	s22 =	sadd.s32 s9, s8;
	[sflag:s12] =	ssyncadd.s32 $0xFFFFFFB0  }
0xe7: {  	[tilespmem:s15], [sflag:$0x1] =	stream.linear.gather [hbm4b:s22+s5], $0x2800, $0x38;
	[tilespmem:$0x1CC80] =	vst v63  }
0xe8: {  	_ =	swait.ge [sflag:s12], $0x2800  }
0xe9: {  	[sflag:s12] =	ssyncset.done $0x0  }
0xea: {  	[sflag:s12] =	ssyncadd.s32 $0xFFFFD800  }
0xeb: {  	[spmem:s2] =	stream.indirect.scatter.add.f32 [tilespmem:s15], [sflag:$0x1], $0x80, s5, s16, $0xb8;
	[tilespmem:$0x1CC80] =	vst v63  }
0xec: {  	_ =	swait.ge [sflag:s12], $0x2800  }
0xed: {  	[sflag:s12] =	ssyncset.done $0x0  }
0xee: {  	s9 =	sadd.s32 s9, s10;
	[sflag:s12] =	ssyncadd.s32 $0xFFFFD800  }
0xef: {  	[tilespmem:s15], [sflag:$0x1] =	stream.linear.gather [hbm4b:s9+s5], $0x2800, $0x38;
	[tilespmem:$0x1CC80] =	vst v63  }
0xf0: {  	_ =	swait.ge [sflag:s12], $0x2800  }
0xf1: {  	[sflag:s12] =	ssyncset.done $0x0  }
0xf2: {  	[sflag:s12] =	ssyncadd.s32 $0xFFFFD800  }
0xf3: {  	[spmem:s3] =	stream.indirect.scatter.add.f32 [tilespmem:s15], [sflag:$0x1], $0x80, s5, s16, $0xb8;
	[tilespmem:$0x1CC80] =	vst v63  }
0xf4: {  	_ =	swait.ge [sflag:s12], $0x2800  }
.Ltmp1:
0xf5: {  	[sflag:s12] =	ssyncset.done $0x0;
	(pc) =	sbr.rel @p0 .LBB2_4-.Ltmp1, $4  }
0xf6: {  	[sflag:s12] =	ssyncadd.s32 $0xFFFFD800  }
0xf7: {  	[spmem:s4] =	stream.indirect.scatter.add.f32 [tilespmem:s11], [sflag:$0x1], $0x80, s5, s16, $0xb8;
	[tilespmem:$0x1CC80] =	vst v63  }
0xf8: {  	_ =	swait.ge [sflag:s12], $0x2800  }
0xf9: {  	[sflag:s12] =	ssyncset.done $0x0  }
0xfa: {  	[sflag:s12] =	ssyncadd.s32 $0xFFFFD800  }
0xfb: {  	[bflag:$0x0] =	sbarrier.arrive $0xFFFF  }
0xfc: {  	[tilespmem:s13], [sflag:$0x1] =	stream.linear.gather [spmem:s29], $0x4000, $0x38;
	[tilespmem:$0x1CC80] =	vst v63  }
0xfd: {  	_ =	swait.ge [sflag:s12], $0x4000  }
0xfe: {  	[sflag:s12] =	ssyncset.done $0x0  }
0xff: {  	s9 =	rddreg [dreg:$0xc];
	[sflag:s12] =	ssyncadd.s32 $0xFFFFC000  }
0x100: {  	[hbm4b:s9+s5] =	stream.linear.scatter [tilespmem:s13], [sflag:$0x1], $0x4000, $0x38;
	[tilespmem:$0x1CC80] =	vst v63  }
0x101: {  	_ =	swait.ge [sflag:s12], $0x4000  }
0x102: {  	[sflag:s12] =	ssyncset.done $0x0  }
0x103: {  	[sflag:s12] =	ssyncadd.s32 $0xFFFFC000  }
0x104: {  	[tilespmem:s13], [sflag:$0x1] =	stream.linear.gather [spmem:s30], $0x4000, $0x38;
	[tilespmem:$0x1CC80] =	vst v63  }
0x105: {  	_ =	swait.ge [sflag:s12], $0x4000  }
0x106: {  	[sflag:s12] =	ssyncset.done $0x0  }
0x107: {  	s18 =	rddreg [dreg:$0xd];
	[sflag:s12] =	ssyncadd.s32 $0xFFFFC000  }
0x108: {  	[hbm4b:s18+s5] =	stream.linear.scatter [tilespmem:s13], [sflag:$0x1], $0x4000, $0x38;
	[tilespmem:$0x1CC80] =	vst v63  }
0x109: {  	_ =	swait.ge [sflag:s12], $0x4000  }
0x10a: {  	[sflag:s12] =	ssyncset.done $0x0  }
0x10b: {  	[sflag:s12] =	ssyncadd.s32 $0xFFFFC000  }
0x10c: {  	[tilespmem:s14], [sflag:$0x1] =	stream.linear.gather [spmem:s31], $0x4000, $0x38;
	[tilespmem:$0x1CC80] =	vst v63  }
0x10d: {  	_ =	swait.ge [sflag:s12], $0x4000  }
0x10e: {  	[sflag:s12] =	ssyncset.done $0x0  }
0x10f: {  	s20 =	rddreg [dreg:$0xe];
	[sflag:s12] =	ssyncadd.s32 $0xFFFFC000  }
0x110: {  	[hbm4b:s20+s5] =	stream.linear.scatter [tilespmem:s14], [sflag:$0x1], $0x4000, $0x38;
	[tilespmem:$0x1CC80] =	vst v63  }
0x111: {  	_ =	swait.ge [sflag:s12], $0x4000  }
0x112: {  	[sflag:s12] =	ssyncset.done $0x0  }
0x113: {  	[sflag:s12] =	ssyncadd.s32 $0xFFFFC000  }
0x114: {  	[tilespmem:s13], [sflag:$0x1] =	stream.linear.gather [spmem:s0], $0x1000, $0x38;
	[tilespmem:$0x1CC80] =	vst v63  }
0x115: {  	_ =	swait.ge [sflag:s12], $0x1000  }
0x116: {  	[sflag:s12] =	ssyncset.done $0x0  }
0x117: {  	s22 =	rddreg [dreg:$0xf];
	[sflag:s12] =	ssyncadd.s32 $0xFFFFF000  }
0x118: {  	[hbm4b:s22+s5] =	stream.linear.scatter [tilespmem:s13], [sflag:$0x1], $0x1000, $0x38;
	[tilespmem:$0x1CC80] =	vst v63  }
0x119: {  	_ =	swait.ge [sflag:s12], $0x1000  }
0x11a: {  	[sflag:s12] =	ssyncset.done $0x0  }
0x11b: {  	[sflag:s12] =	ssyncadd.s32 $0xFFFFF000  }
0x11c: {  	[tilespmem:s13], [sflag:$0x1] =	stream.linear.gather [spmem:s1], $0x1000, $0x38;
	[tilespmem:$0x1CC80] =	vst v63  }
0x11d: {  	_ =	swait.ge [sflag:s12], $0x1000  }
0x11e: {  	[sflag:s12] =	ssyncset.done $0x0  }
0x11f: {  	s18 =	rddreg [dreg:$0x10];
	[sflag:s12] =	ssyncadd.s32 $0xFFFFF000  }
0x120: {  	[hbm4b:s18+s5] =	stream.linear.scatter [tilespmem:s13], [sflag:$0x1], $0x1000, $0x38;
	[tilespmem:$0x1CC80] =	vst v63  }
0x121: {  	_ =	swait.ge [sflag:s12], $0x1000  }
0x122: {  	[sflag:s12] =	ssyncset.done $0x0  }
0x123: {  	[sflag:s12] =	ssyncadd.s32 $0xFFFFF000  }
0x124: {  	[tilespmem:s14], [sflag:$0x1] =	stream.linear.gather [spmem:s7], $0x1000, $0x38;
	[tilespmem:$0x1CC80] =	vst v63  }
0x125: {  	_ =	swait.ge [sflag:s12], $0x1000  }
0x126: {  	[sflag:s12] =	ssyncset.done $0x0  }
0x127: {  	s20 =	rddreg [dreg:$0x11];
	[sflag:s12] =	ssyncadd.s32 $0xFFFFF000  }
0x128: {  	[hbm4b:s20+s5] =	stream.linear.scatter [tilespmem:s14], [sflag:$0x1], $0x1000, $0x38;
	[tilespmem:$0x1CC80] =	vst v63  }
0x129: {  	_ =	swait.ge [sflag:s12], $0x1000  }
0x12a: {  	s17 =	sadd.s32 $0x1, s17;
	s22 =	rddreg [dreg:$0x14]  }
0x12b: {  	p0 =	sne.s32 s17, s22  }
.Ltmp2:
0x12c: {  	_ = 	snop;
	(pc) =	sbr.rel @p0 .LBB2_1-.Ltmp2, $3  }
0x12d: {  	[sflag:s12] =	ssyncset.done $0x0  }
0x12e: {  	[sflag:s12] =	ssyncadd.s32 $0xFFFFF000  }
0x12f: {  	[bflag:$0x0] =	sbarrier.arrive $0xFFFF;
	_ =	sdelay $0x1  }
0x130: {  	_ =	sfence.sel $0x180000  }
0x131: {  	[bflag:$0x0] =	sbarrier.arrive $0xFFFF  }
0x132: {  	_ =	strace $0x9000004A  }
0x133: {  	s0 =	stileid.u32;
	[bflag:$0x2] =	sbarrier.arrive $0xFFFF  }
0x134: {  	p0 =	sne.s32 s0, $0x0;
	s0 =	rddreg [dreg:$0x5]  }
0x135: {  	s0 =	sadd.s32 @!p0 $0x100000, s0  }
0x136: {  	[sflag:s0] =	ssyncadd.tile.s32 @!p0 $0x1;
	_ =	shalt  }
.Lfunc_end2:
_tile_overlayer_lowered:
.L_overlay_start_2:
0x137: {  	(tag) =	ssettag $0x2  }
0x138: {  	s0 =	rddreg [dreg:$0x0];
	s2 =	stileid.u32  }
0x139: {  	s1 =	rddreg [dreg:$0x1];
	p0 =	sne.s32 s2, $0x0  }
0x13a: {  	s3 =	rddreg [dreg:$0x2];
	[bflag:$0x3] =	sbarrier.arrive $0xFFFF;
	s2 =	simm.s32 @!p0 $0x1C01  }
0x13b: {  	[timem:s3], [sflag:s2] =	dma.local @!p0 [hbm:s0], s1  }
0x13c: {  	s0 =	simm.s32 @!p0 $0x1  }
0x13d: {  	_ =	swait.ge @!p0 [sflag:s0], s1  }
0x13e: {  	s1 =	ssub.s32 @!p0 $0x0, s1;
	[sflag:s0] =	ssyncset.done @!p0 $0x0  }
0x13f: {  	[sflag:s0] =	ssyncadd.s32 @!p0 s1  }
0x140: {  	[bflag:$0x3] =	sbarrier.arrive $0xFFFF  }
0x141: {  	_ =	shalt  }

</sc_bundles>
